<compile_context>
chip_gen: v7x
topology: tpu7x:2x2x1
jax: 0.10.2.dev20260603
libtpu: 0.0.44.dev20260713+nightly
codegen_flags: <defaults>
</compile_context>

<pallas_src>
import functools

import jax
import jax.numpy as jnp
from jax import lax
from jax.experimental import pallas as pl
from jax.experimental.pallas import tpu as pltpu
from jax.experimental.pallas import tpu_sc as plsc

_B, _H, _W, _C = 16, 16, 16, 768
_N = 4096
_ROWS = _B * _N
_NW = 32
_RPW = _ROWS // _NW
_CH = 32
_NCH = _RPW // _CH

_mesh = plsc.VectorSubcoreMesh(core_axis_name="c", subcore_axis_name="s")


@functools.partial(
    pl.kernel,
    mesh=_mesh,
    out_type=jax.ShapeDtypeStruct((_ROWS, _C), jnp.float32),
    compiler_params=pltpu.CompilerParams(
        needs_layout_passes=False,
        skip_device_barrier=True,
        disable_bounds_checks=True,
        disable_semaphore_checks=True,
    ),
    scratch_types=[
        pltpu.VMEM((32, 128), jnp.int32),
        pltpu.VMEM((_RPW,), jnp.int32),
        pltpu.VMEM((_CH, _C), jnp.float32),
        pltpu.VMEM((_CH, _C), jnp.float32),
        pltpu.VMEM((_CH, _C), jnp.float32),
        pltpu.VMEM((_CH, _C), jnp.float32),
        pltpu.SemaphoreType.DMA,
        pltpu.SemaphoreType.DMA,
        pltpu.SemaphoreType.DMA,
        pltpu.SemaphoreType.DMA,
        pltpu.SemaphoreType.DMA,
        pltpu.SemaphoreType.DMA,
        pltpu.SemaphoreType.DMA,
        pltpu.SemaphoreType.DMA,
    ],
)
def _sc_gather(fmap_hbm, idx_hbm, out_hbm, raw_v, rid_v, buf0, buf1, buf2,
               buf3, gsem0, gsem1, gsem2, gsem3, ssem0, ssem1, ssem2, ssem3):
    table_hbm = fmap_hbm.reshape(_B * _H * _W, _C)
    wid = lax.axis_index("s") * 2 + lax.axis_index("c")
    base_row = wid * _RPW
    bval = (wid // 2) * (_H * _W)

    pltpu.sync_copy(idx_hbm.at[pl.ds(wid * 32, 32), :], raw_v)

    def transform(k, carry):
        r = 2 * (k // 8)
        col = (k % 8) * 16
        i = raw_v[r, pl.ds(col, 16)]
        j = raw_v[r + 1, pl.ds(col, 16)]
        rid_v[pl.ds(k * 16, 16)] = (i >> 5) * _W + (j >> 5) + bval
        return carry

    lax.fori_loop(0, _RPW // 16, transform, 0)

    bufs = (buf0, buf1, buf2, buf3)
    gsems = (gsem0, gsem1, gsem2, gsem3)
    ssems = (ssem0, ssem1, ssem2, ssem3)

    def start_gather(c):
        return pltpu.async_copy(
            table_hbm.at[rid_v.at[pl.ds(c * _CH, _CH)]], bufs[c % 4],
            gsems[c % 4],
        )

    def start_store(c):
        return pltpu.async_copy(
            bufs[c % 4], out_hbm.at[pl.ds(base_row + c * _CH, _CH)],
            ssems[c % 4],
        )

    g = [None] * 4
    s = [None] * 4
    for c in range(_NCH):
        p = c % 4
        if s[p] is not None:
            s[p].wait()
        g[p] = start_gather(c)
        if c >= 1:
            q = (c - 1) % 4
            g[q].wait()
            s[q] = start_store(c - 1)
    q = (_NCH - 1) % 4
    g[q].wait()
    s[q] = start_store(_NCH - 1)
    for d in s:
        d.wait()


def kernel(fmap, idx):
    idx_planar = (
        idx.astype(jnp.int32)
        .reshape(_B, _N // 128, 128, 2)
        .transpose(0, 1, 3, 2)
        .reshape(_B * (_N // 128) * 2, 128)
    )
    out = _sc_gather(fmap, idx_planar)
    return out.reshape(_B, _N, _C)

# --- scband reference (transcript-rebuilt; emitter-appended) ---
"""Pipeline reference for scband-fmap-index-layer-52312701665631 (READ-ONLY COPY).

The authoritative reference and input builder live on the scoring server;
editing this copy changes nothing except your own understanding.
"""

import jax, jax.numpy as jnp
import numpy as np

B, H, W, C = 16, 16, 16, 768
N = 4096
IMG = 512

def setup_inputs(seed: int = 0) -> dict:
    key = jax.random.key(seed)
    k1, k2 = jax.random.split(key)
    fmap = jax.random.normal(k1, (B, H, W, C), dtype=jnp.float32)
    idx = jax.random.randint(k2, (B, N, 2), 0, IMG, dtype=jnp.int64)
    return {"fmap": fmap, "idx": idx}

def reference(fmap, idx):
    # transform: pixel coords -> stride-32 feature-map coords
    coords = idx // 32  # [B, N, 2]
    b = idx.shape[0]
    r = jnp.arange(b, dtype=coords.dtype).reshape(b, 1, 1)
    r = jnp.broadcast_to(r, (b, idx.shape[1], 1))  # tile over middle dims
    full = jnp.concatenate([r, coords], axis=-1)  # [B, N, 3]
    # tf.gather_nd(fmap, full): index first 3 dims of fmap
    out = fmap[full[..., 0], full[..., 1], full[..., 2]]  # [B, N, C]
    return out

if __name__ == "__main__":
    import jax
    _d = setup_inputs()
    print(jax.jit(kernel)(*tuple(_d.values())))

</pallas_src>

<mosaic_0001>
#map = affine_map<(d0, d1) -> (0, 0, 0, 0)>
#map1 = affine_map<(d0, d1) -> (0, 0)>
module attributes {stable_mosaic.version = 14 : i64} {
  func.func @_sc_gather(%arg0: i32, %arg1: i32, %arg2: memref<16x16x16x768xf32, #tpu.memory_space<hbm>>, %arg3: memref<1024x128xi32, #tpu.memory_space<hbm>>, %arg4: memref<65536x768xf32, #tpu.memory_space<hbm>>, %arg5: memref<32x128xi32, #tpu.memory_space<vmem>>, %arg6: memref<2048xi32, #tpu.memory_space<vmem>>, %arg7: memref<32x768xf32, #tpu.memory_space<vmem>>, %arg8: memref<32x768xf32, #tpu.memory_space<vmem>>, %arg9: memref<32x768xf32, #tpu.memory_space<vmem>>, %arg10: memref<32x768xf32, #tpu.memory_space<vmem>>, %arg11: memref<!tpu.dma_semaphore, #tpu.memory_space<semaphore_mem>>, %arg12: memref<!tpu.dma_semaphore, #tpu.memory_space<semaphore_mem>>, %arg13: memref<!tpu.dma_semaphore, #tpu.memory_space<semaphore_mem>>, %arg14: memref<!tpu.dma_semaphore, #tpu.memory_space<semaphore_mem>>, %arg15: memref<!tpu.dma_semaphore, #tpu.memory_space<semaphore_mem>>, %arg16: memref<!tpu.dma_semaphore, #tpu.memory_space<semaphore_mem>>, %arg17: memref<!tpu.dma_semaphore, #tpu.memory_space<semaphore_mem>>, %arg18: memref<!tpu.dma_semaphore, #tpu.memory_space<semaphore_mem>>) attributes {dimension_semantics = [#tpu.dimension_semantics<core_parallel>, #tpu.dimension_semantics<subcore_parallel>], iteration_bounds = array<i64: 2, 16>, scalar_prefetch = 0 : i64, scratch_operands = 14 : i64, tpu.core_type = #tpu.core_type<sc_vector_subcore>, window_params = [{transform_indices = #map}, {transform_indices = #map1}, {transform_indices = #map1}]} {
    %mul3A = arith.constant 2 : i32
    %mul3A_0 = arith.muli %arg1, %mul3A : i32
    %add3A = arith.addi %mul3A_0, %arg0 : i32
    %mul3A_1 = arith.constant 2048 : i32
    %mul3A_2 = arith.muli %add3A, %mul3A_1 : i32
    %jit3A = arith.constant 2 : i32
    %div3A = arith.divsi %add3A, %jit3A : i32
    %sign3A = arith.constant 0 : i32
    %sign3A_3 = arith.cmpi sgt, %add3A, %sign3A : i32
    %sign3A_4 = arith.extui %sign3A_3 : i1 to i32
    %sign3A_5 = arith.constant 0 : i32
    %sign3A_6 = arith.cmpi slt, %add3A, %sign3A_5 : i32
    %sign3A_7 = arith.extui %sign3A_6 : i1 to i32
    %sign3A_8 = arith.subi %sign3A_4, %sign3A_7 : i32
    %sign3A_9 = arith.constant 0 : i32
    %sign3A_10 = arith.cmpi sgt, %jit3A, %sign3A_9 : i32
    %sign3A_11 = arith.extui %sign3A_10 : i1 to i32
    %sign3A_12 = arith.constant 0 : i32
    %sign3A_13 = arith.cmpi slt, %jit3A, %sign3A_12 : i32
    %sign3A_14 = arith.extui %sign3A_13 : i1 to i32
    %sign3A_15 = arith.subi %sign3A_11, %sign3A_14 : i32
    %ne3A = arith.cmpi ne, %sign3A_8, %sign3A_15 : i32
    %rem3A = arith.remsi %add3A, %jit3A : i32
    %ne3A_16 = arith.constant 0 : i32
    %ne3A_17 = arith.cmpi ne, %rem3A, %ne3A_16 : i32
    %and3A = arith.andi %ne3A, %ne3A_17 : i1
    %sub3A = arith.constant 1 : i32
    %sub3A_18 = arith.subi %div3A, %sub3A : i32
    %select_n3A = arith.select %and3A, %sub3A_18, %div3A : i32
    %mul3A_19 = arith.constant 256 : i32
    %mul3A_20 = arith.muli %select_n3A, %mul3A_19 : i32
    %mul3A_21 = arith.constant 32 : i32
    %mul3A_22 = arith.muli %add3A, %mul3A_21 : i32
    "tpu.region"() ({
      %run_scoped3A = tpu.sem_alloc : memref<!tpu.dma_semaphore, #tpu.memory_space<semaphore_mem>>
      %dma_start3A_1434 = arith.constant 0 : i32
      %dma_start3A_1435 = tpu.memref_slice %arg3[%mul3A_22, %dma_start3A_1434] : memref<1024x128xi32, #tpu.memory_space<hbm>> -> memref<32x128xi32, #tpu.memory_space<hbm>>
      %dma_start3A_1436 = arith.constant 0 : i32
      %dma_start3A_1437 = tpu.memref_slice %arg3[%mul3A_22, %dma_start3A_1436] : memref<1024x128xi32, #tpu.memory_space<hbm>> -> memref<32x128xi32, #tpu.memory_space<hbm>>
      tpu.enqueue_dma source(%dma_start3A_1437 : memref<32x128xi32, #tpu.memory_space<hbm>>) target(%arg5 : memref<32x128xi32, #tpu.memory_space<vmem>>) target_semaphore(%run_scoped3A : memref<!tpu.dma_semaphore, #tpu.memory_space<semaphore_mem>>)
      %dma_wait3A_1438 = arith.constant 0 : i32
      %dma_wait3A_1439 = tpu.memref_slice %arg3[%mul3A_22, %dma_wait3A_1438] : memref<1024x128xi32, #tpu.memory_space<hbm>> -> memref<32x128xi32, #tpu.memory_space<hbm>>
      %dma_wait3A_1440 = arith.constant 0 : i32
      %dma_wait3A_1441 = tpu.memref_slice %arg3[%mul3A_22, %dma_wait3A_1440] : memref<1024x128xi32, #tpu.memory_space<hbm>> -> memref<32x128xi32, #tpu.memory_space<hbm>>
      tpu.wait_dma2 semaphore(%run_scoped3A : memref<!tpu.dma_semaphore, #tpu.memory_space<semaphore_mem>>) src(%dma_wait3A_1441 : memref<32x128xi32, #tpu.memory_space<hbm>>) dst(%arg5 : memref<32x128xi32, #tpu.memory_space<vmem>>)
      tpu.yield
    }) : () -> ()
    %scan3A = arith.constant 0 : i32
    %scan3A_23 = arith.constant 0 : i32
    %scan3A_24 = arith.constant 128 : i32
    %scan3A_25 = arith.addi %scan3A_23, %scan3A_24 : i32
    %scan3A_26 = arith.constant 1 : i32
    scf.for %scan3A_1434 = %scan3A_23 to %scan3A_25 step %scan3A_26  : i32 {
      %jit3A_1435 = arith.constant 8 : i32
      %div3A_1436 = arith.divsi %scan3A_1434, %jit3A_1435 : i32
      %sign3A_1437 = arith.constant 0 : i32
      %sign3A_1438 = arith.cmpi sgt, %scan3A_1434, %sign3A_1437 : i32
      %sign3A_1439 = arith.extui %sign3A_1438 : i1 to i32
      %sign3A_1440 = arith.constant 0 : i32
      %sign3A_1441 = arith.cmpi slt, %scan3A_1434, %sign3A_1440 : i32
      %sign3A_1442 = arith.extui %sign3A_1441 : i1 to i32
      %sign3A_1443 = arith.subi %sign3A_1439, %sign3A_1442 : i32
      %sign3A_1444 = arith.constant 0 : i32
      %sign3A_1445 = arith.cmpi sgt, %jit3A_1435, %sign3A_1444 : i32
      %sign3A_1446 = arith.extui %sign3A_1445 : i1 to i32
      %sign3A_1447 = arith.constant 0 : i32
      %sign3A_1448 = arith.cmpi slt, %jit3A_1435, %sign3A_1447 : i32
      %sign3A_1449 = arith.extui %sign3A_1448 : i1 to i32
      %sign3A_1450 = arith.subi %sign3A_1446, %sign3A_1449 : i32
      %ne3A_1451 = arith.cmpi ne, %sign3A_1443, %sign3A_1450 : i32
      %rem3A_1452 = arith.remsi %scan3A_1434, %jit3A_1435 : i32
      %ne3A_1453 = arith.constant 0 : i32
      %ne3A_1454 = arith.cmpi ne, %rem3A_1452, %ne3A_1453 : i32
      %and3A_1455 = arith.andi %ne3A_1451, %ne3A_1454 : i1
      %sub3A_1456 = arith.constant 1 : i32
      %sub3A_1457 = arith.subi %div3A_1436, %sub3A_1456 : i32
      %select_n3A_1458 = arith.select %and3A_1455, %sub3A_1457, %div3A_1436 : i32
      %mul3A_1459 = arith.constant 2 : i32
      %mul3A_1460 = arith.muli %mul3A_1459, %select_n3A_1458 : i32
      %jit3A_1461 = arith.constant 8 : i32
      %eq3A = arith.constant 0 : i32
      %eq3A_1462 = arith.cmpi eq, %jit3A_1461, %eq3A : i32
      %jit3A_1463 = arith.constant 1 : i32
      %select_n3A_1464 = arith.select %eq3A_1462, %jit3A_1463, %jit3A_1461 : i32
      %rem3A_1465 = arith.remsi %scan3A_1434, %select_n3A_1464 : i32
      %ne3A_1466 = arith.constant 0 : i32
      %ne3A_1467 = arith.cmpi ne, %rem3A_1465, %ne3A_1466 : i32
      %lt3A = arith.constant 0 : i32
      %lt3A_1468 = arith.cmpi slt, %rem3A_1465, %lt3A : i32
      %lt3A_1469 = arith.constant 0 : i32
      %lt3A_1470 = arith.cmpi slt, %select_n3A_1464, %lt3A_1469 : i32
      %ne3A_1471 = arith.xori %lt3A_1468, %lt3A_1470 : i1
      %and3A_1472 = arith.andi %ne3A_1471, %ne3A_1467 : i1
      %add3A_1473 = arith.addi %rem3A_1465, %select_n3A_1464 : i32
      %select_n3A_1474 = arith.select %and3A_1472, %add3A_1473, %rem3A_1465 : i32
      %mul3A_1475 = arith.constant 16 : i32
      %mul3A_1476 = arith.muli %select_n3A_1474, %mul3A_1475 : i32
      %get3A = arith.index_cast %mul3A_1460 : i32 to index
      %get3A_1477 = arith.index_cast %mul3A_1476 : i32 to index
      %get3A_1478 = tpu.vector_load %arg5[%get3A, %get3A_1477] {strides = array<i32>} : memref<32x128xi32, #tpu.memory_space<vmem>>, vector<16xi32>,
      %add3A_1479 = arith.constant 1 : i32
      %add3A_1480 = arith.addi %mul3A_1460, %add3A_1479 : i32
      %get3A_1481 = arith.index_cast %add3A_1480 : i32 to index
      %get3A_1482 = arith.index_cast %mul3A_1476 : i32 to index
      %get3A_1483 = tpu.vector_load %arg5[%get3A_1481, %get3A_1482] {strides = array<i32>} : memref<32x128xi32, #tpu.memory_space<vmem>>, vector<16xi32>,
      %shift_right_arithmetic3A = arith.constant 5 : i32
      %shift_right_arithmetic3A_1484 = vector.broadcast %shift_right_arithmetic3A : i32 to vector<16xi32>
      %shift_right_arithmetic3A_1485 = arith.shrsi %get3A_1478, %shift_right_arithmetic3A_1484 : vector<16xi32>
      %mul3A_1486 = arith.constant 16 : i32
      %mul3A_1487 = vector.broadcast %mul3A_1486 : i32 to vector<16xi32>
      %mul3A_1488 = arith.muli %shift_right_arithmetic3A_1485, %mul3A_1487 : vector<16xi32>
      %shift_right_arithmetic3A_1489 = arith.constant 5 : i32
      %shift_right_arithmetic3A_1490 = vector.broadcast %shift_right_arithmetic3A_1489 : i32 to vector<16xi32>
      %shift_right_arithmetic3A_1491 = arith.shrsi %get3A_1483, %shift_right_arithmetic3A_1490 : vector<16xi32>
      %add3A_1492 = arith.addi %mul3A_1488, %shift_right_arithmetic3A_1491 : vector<16xi32>
      %add3A_1493 = vector.broadcast %mul3A_20 : i32 to vector<16xi32>
      %add3A_1494 = arith.addi %add3A_1492, %add3A_1493 : vector<16xi32>
      %mul3A_1495 = arith.constant 16 : i32
      %mul3A_1496 = arith.muli %scan3A_1434, %mul3A_1495 : i32
      %swap3A = arith.index_cast %mul3A_1496 : i32 to index
      %swap3A_1497 = tpu.vector_load %arg6[%swap3A] {strides = array<i32>} : memref<2048xi32, #tpu.memory_space<vmem>>, vector<16xi32>,
      tpu.vector_store %arg6[%swap3A], %add3A_1494 {strides = array<i32>} : memref<2048xi32, #tpu.memory_space<vmem>>, vector<16xi32>,
    }
    %scan3A_27 = arith.constant 128 : i32
    %dma_start3A = arith.constant 0 : i32
    %dma_start3A_28 = tpu.memref_slice %arg6[%dma_start3A] : memref<2048xi32, #tpu.memory_space<vmem>> -> memref<32xi32, #tpu.memory_space<vmem>>
    %dma_start3A_29 = tpu.memref_reshape %arg2 : memref<16x16x16x768xf32, #tpu.memory_space<hbm>> -> memref<4096x768xf32, #tpu.memory_space<hbm>>
    %dma_start3A_30 = arith.constant 0 : i32
    %dma_start3A_31 = arith.constant 0 : i32
    %dma_start3A_32 = tpu.memref_slice %dma_start3A_29[%dma_start3A_30, %dma_start3A_31] : memref<4096x768xf32, #tpu.memory_space<hbm>> -> memref<4096x768xf32, #tpu.memory_space<hbm>>
    tpu.enqueue_indirect_dma source(%dma_start3A_32 : memref<4096x768xf32, #tpu.memory_space<hbm>>) target(%arg7 : memref<32x768xf32, #tpu.memory_space<vmem>>) offsets(%dma_start3A_28 : memref<32xi32, #tpu.memory_space<vmem>>) semaphore(%arg11 : memref<!tpu.dma_semaphore, #tpu.memory_space<semaphore_mem>>)
    %dma_start3A_33 = arith.constant 32 : i32
    %dma_start3A_34 = tpu.memref_slice %arg6[%dma_start3A_33] : memref<2048xi32, #tpu.memory_space<vmem>> -> memref<32xi32, #tpu.memory_space<vmem>>
    %dma_start3A_35 = tpu.memref_reshape %arg2 : memref<16x16x16x768xf32, #tpu.memory_space<hbm>> -> memref<4096x768xf32, #tpu.memory_space<hbm>>
    %dma_start3A_36 = arith.constant 0 : i32
    %dma_start3A_37 = arith.constant 0 : i32
    %dma_start3A_38 = tpu.memref_slice %dma_start3A_35[%dma_start3A_36, %dma_start3A_37] : memref<4096x768xf32, #tpu.memory_space<hbm>> -> memref<4096x768xf32, #tpu.memory_space<hbm>>
    tpu.enqueue_indirect_dma source(%dma_start3A_38 : memref<4096x768xf32, #tpu.memory_space<hbm>>) target(%arg8 : memref<32x768xf32, #tpu.memory_space<vmem>>) offsets(%dma_start3A_34 : memref<32xi32, #tpu.memory_space<vmem>>) semaphore(%arg12 : memref<!tpu.dma_semaphore, #tpu.memory_space<semaphore_mem>>)
    %dma_wait3A = arith.constant 0 : i32
    %dma_wait3A_39 = tpu.memref_slice %arg6[%dma_wait3A] : memref<2048xi32, #tpu.memory_space<vmem>> -> memref<32xi32, #tpu.memory_space<vmem>>
    %dma_wait3A_40 = tpu.memref_reshape %arg2 : memref<16x16x16x768xf32, #tpu.memory_space<hbm>> -> memref<4096x768xf32, #tpu.memory_space<hbm>>
    %dma_wait3A_41 = arith.constant 0 : i32
    %dma_wait3A_42 = arith.constant 0 : i32
    %dma_wait3A_43 = tpu.memref_slice %dma_wait3A_40[%dma_wait3A_41, %dma_wait3A_42] : memref<4096x768xf32, #tpu.memory_space<hbm>> -> memref<4096x768xf32, #tpu.memory_space<hbm>>
    tpu.wait_indirect_dma semaphore(%arg11 : memref<!tpu.dma_semaphore, #tpu.memory_space<semaphore_mem>>) src(%dma_wait3A_43 : memref<4096x768xf32, #tpu.memory_space<hbm>>) dst(%arg7 : memref<32x768xf32, #tpu.memory_space<vmem>>)
    %add3A_44 = arith.constant 0 : i32
    %add3A_45 = arith.addi %mul3A_2, %add3A_44 : i32
    %dma_start3A_46 = arith.constant 0 : i32
    %dma_start3A_47 = tpu.memref_slice %arg4[%add3A_45, %dma_start3A_46] : memref<65536x768xf32, #tpu.memory_space<hbm>> -> memref<32x768xf32, #tpu.memory_space<hbm>>
    %dma_start3A_48 = arith.constant 0 : i32
    %dma_start3A_49 = tpu.memref_slice %arg4[%add3A_45, %dma_start3A_48] : memref<65536x768xf32, #tpu.memory_space<hbm>> -> memref<32x768xf32, #tpu.memory_space<hbm>>
    tpu.enqueue_dma source(%arg7 : memref<32x768xf32, #tpu.memory_space<vmem>>) target(%dma_start3A_49 : memref<32x768xf32, #tpu.memory_space<hbm>>) target_semaphore(%arg15 : memref<!tpu.dma_semaphore, #tpu.memory_space<semaphore_mem>>)
    %dma_start3A_50 = arith.constant 64 : i32
    %dma_start3A_51 = tpu.memref_slice %arg6[%dma_start3A_50] : memref<2048xi32, #tpu.memory_space<vmem>> -> memref<32xi32, #tpu.memory_space<vmem>>
    %dma_start3A_52 = tpu.memref_reshape %arg2 : memref<16x16x16x768xf32, #tpu.memory_space<hbm>> -> memref<4096x768xf32, #tpu.memory_space<hbm>>
    %dma_start3A_53 = arith.constant 0 : i32
    %dma_start3A_54 = arith.constant 0 : i32
    %dma_start3A_55 = tpu.memref_slice %dma_start3A_52[%dma_start3A_53, %dma_start3A_54] : memref<4096x768xf32, #tpu.memory_space<hbm>> -> memref<4096x768xf32, #tpu.memory_space<hbm>>
    tpu.enqueue_indirect_dma source(%dma_start3A_55 : memref<4096x768xf32, #tpu.memory_space<hbm>>) target(%arg9 : memref<32x768xf32, #tpu.memory_space<vmem>>) offsets(%dma_start3A_51 : memref<32xi32, #tpu.memory_space<vmem>>) semaphore(%arg13 : memref<!tpu.dma_semaphore, #tpu.memory_space<semaphore_mem>>)
    %dma_wait3A_56 = arith.constant 32 : i32
    %dma_wait3A_57 = tpu.memref_slice %arg6[%dma_wait3A_56] : memref<2048xi32, #tpu.memory_space<vmem>> -> memref<32xi32, #tpu.memory_space<vmem>>
    %dma_wait3A_58 = tpu.memref_reshape %arg2 : memref<16x16x16x768xf32, #tpu.memory_space<hbm>> -> memref<4096x768xf32, #tpu.memory_space<hbm>>
    %dma_wait3A_59 = arith.constant 0 : i32
    %dma_wait3A_60 = arith.constant 0 : i32
    %dma_wait3A_61 = tpu.memref_slice %dma_wait3A_58[%dma_wait3A_59, %dma_wait3A_60] : memref<4096x768xf32, #tpu.memory_space<hbm>> -> memref<4096x768xf32, #tpu.memory_space<hbm>>
    tpu.wait_indirect_dma semaphore(%arg12 : memref<!tpu.dma_semaphore, #tpu.memory_space<semaphore_mem>>) src(%dma_wait3A_61 : memref<4096x768xf32, #tpu.memory_space<hbm>>) dst(%arg8 : memref<32x768xf32, #tpu.memory_space<vmem>>)
    %add3A_62 = arith.constant 32 : i32
    %add3A_63 = arith.addi %mul3A_2, %add3A_62 : i32
    %dma_start3A_64 = arith.constant 0 : i32
    %dma_start3A_65 = tpu.memref_slice %arg4[%add3A_63, %dma_start3A_64] : memref<65536x768xf32, #tpu.memory_space<hbm>> -> memref<32x768xf32, #tpu.memory_space<hbm>>
    %dma_start3A_66 = arith.constant 0 : i32
    %dma_start3A_67 = tpu.memref_slice %arg4[%add3A_63, %dma_start3A_66] : memref<65536x768xf32, #tpu.memory_space<hbm>> -> memref<32x768xf32, #tpu.memory_space<hbm>>
    tpu.enqueue_dma source(%arg8 : memref<32x768xf32, #tpu.memory_space<vmem>>) target(%dma_start3A_67 : memref<32x768xf32, #tpu.memory_space<hbm>>) target_semaphore(%arg16 : memref<!tpu.dma_semaphore, #tpu.memory_space<semaphore_mem>>)
    %dma_start3A_68 = arith.constant 96 : i32
    %dma_start3A_69 = tpu.memref_slice %arg6[%dma_start3A_68] : memref<2048xi32, #tpu.memory_space<vmem>> -> memref<32xi32, #tpu.memory_space<vmem>>
    %dma_start3A_70 = tpu.memref_reshape %arg2 : memref<16x16x16x768xf32, #tpu.memory_space<hbm>> -> memref<4096x768xf32, #tpu.memory_space<hbm>>
    %dma_start3A_71 = arith.constant 0 : i32
    %dma_start3A_72 = arith.constant 0 : i32
    %dma_start3A_73 = tpu.memref_slice %dma_start3A_70[%dma_start3A_71, %dma_start3A_72] : memref<4096x768xf32, #tpu.memory_space<hbm>> -> memref<4096x768xf32, #tpu.memory_space<hbm>>
    tpu.enqueue_indirect_dma source(%dma_start3A_73 : memref<4096x768xf32, #tpu.memory_space<hbm>>) target(%arg10 : memref<32x768xf32, #tpu.memory_space<vmem>>) offsets(%dma_start3A_69 : memref<32xi32, #tpu.memory_space<vmem>>) semaphore(%arg14 : memref<!tpu.dma_semaphore, #tpu.memory_space<semaphore_mem>>)
    %dma_wait3A_74 = arith.constant 64 : i32
    %dma_wait3A_75 = tpu.memref_slice %arg6[%dma_wait3A_74] : memref<2048xi32, #tpu.memory_space<vmem>> -> memref<32xi32, #tpu.memory_space<vmem>>
    %dma_wait3A_76 = tpu.memref_reshape %arg2 : memref<16x16x16x768xf32, #tpu.memory_space<hbm>> -> memref<4096x768xf32, #tpu.memory_space<hbm>>
    %dma_wait3A_77 = arith.constant 0 : i32
    %dma_wait3A_78 = arith.constant 0 : i32
    %dma_wait3A_79 = tpu.memref_slice %dma_wait3A_76[%dma_wait3A_77, %dma_wait3A_78] : memref<4096x768xf32, #tpu.memory_space<hbm>> -> memref<4096x768xf32, #tpu.memory_space<hbm>>
    tpu.wait_indirect_dma semaphore(%arg13 : memref<!tpu.dma_semaphore, #tpu.memory_space<semaphore_mem>>) src(%dma_wait3A_79 : memref<4096x768xf32, #tpu.memory_space<hbm>>) dst(%arg9 : memref<32x768xf32, #tpu.memory_space<vmem>>)
    %add3A_80 = arith.constant 64 : i32
    %add3A_81 = arith.addi %mul3A_2, %add3A_80 : i32
    %dma_start3A_82 = arith.constant 0 : i32
    %dma_start3A_83 = tpu.memref_slice %arg4[%add3A_81, %dma_start3A_82] : memref<65536x768xf32, #tpu.memory_space<hbm>> -> memref<32x768xf32, #tpu.memory_space<hbm>>
    %dma_start3A_84 = arith.constant 0 : i32
    %dma_start3A_85 = tpu.memref_slice %arg4[%add3A_81, %dma_start3A_84] : memref<65536x768xf32, #tpu.memory_space<hbm>> -> memref<32x768xf32, #tpu.memory_space<hbm>>
    tpu.enqueue_dma source(%arg9 : memref<32x768xf32, #tpu.memory_space<vmem>>) target(%dma_start3A_85 : memref<32x768xf32, #tpu.memory_space<hbm>>) target_semaphore(%arg17 : memref<!tpu.dma_semaphore, #tpu.memory_space<semaphore_mem>>)
    %dma_wait3A_86 = arith.constant 0 : i32
    %dma_wait3A_87 = tpu.memref_slice %arg4[%add3A_45, %dma_wait3A_86] : memref<65536x768xf32, #tpu.memory_space<hbm>> -> memref<32x768xf32, #tpu.memory_space<hbm>>
    %dma_wait3A_88 = arith.constant 0 : i32
    %dma_wait3A_89 = tpu.memref_slice %arg4[%add3A_45, %dma_wait3A_88] : memref<65536x768xf32, #tpu.memory_space<hbm>> -> memref<32x768xf32, #tpu.memory_space<hbm>>
    tpu.wait_dma2 semaphore(%arg15 : memref<!tpu.dma_semaphore, #tpu.memory_space<semaphore_mem>>) src(%arg7 : memref<32x768xf32, #tpu.memory_space<vmem>>) dst(%dma_wait3A_89 : memref<32x768xf32, #tpu.memory_space<hbm>>)
    %dma_start3A_90 = arith.constant 128 : i32
    %dma_start3A_91 = tpu.memref_slice %arg6[%dma_start3A_90] : memref<2048xi32, #tpu.memory_space<vmem>> -> memref<32xi32, #tpu.memory_space<vmem>>
    %dma_start3A_92 = tpu.memref_reshape %arg2 : memref<16x16x16x768xf32, #tpu.memory_space<hbm>> -> memref<4096x768xf32, #tpu.memory_space<hbm>>
    %dma_start3A_93 = arith.constant 0 : i32
    %dma_start3A_94 = arith.constant 0 : i32
    %dma_start3A_95 = tpu.memref_slice %dma_start3A_92[%dma_start3A_93, %dma_start3A_94] : memref<4096x768xf32, #tpu.memory_space<hbm>> -> memref<4096x768xf32, #tpu.memory_space<hbm>>
    tpu.enqueue_indirect_dma source(%dma_start3A_95 : memref<4096x768xf32, #tpu.memory_space<hbm>>) target(%arg7 : memref<32x768xf32, #tpu.memory_space<vmem>>) offsets(%dma_start3A_91 : memref<32xi32, #tpu.memory_space<vmem>>) semaphore(%arg11 : memref<!tpu.dma_semaphore, #tpu.memory_space<semaphore_mem>>)
    %dma_wait3A_96 = arith.constant 96 : i32
    %dma_wait3A_97 = tpu.memref_slice %arg6[%dma_wait3A_96] : memref<2048xi32, #tpu.memory_space<vmem>> -> memref<32xi32, #tpu.memory_space<vmem>>
    %dma_wait3A_98 = tpu.memref_reshape %arg2 : memref<16x16x16x768xf32, #tpu.memory_space<hbm>> -> memref<4096x768xf32, #tpu.memory_space<hbm>>
    %dma_wait3A_99 = arith.constant 0 : i32
    %dma_wait3A_100 = arith.constant 0 : i32
    %dma_wait3A_101 = tpu.memref_slice %dma_wait3A_98[%dma_wait3A_99, %dma_wait3A_100] : memref<4096x768xf32, #tpu.memory_space<hbm>> -> memref<4096x768xf32, #tpu.memory_space<hbm>>
    tpu.wait_indirect_dma semaphore(%arg14 : memref<!tpu.dma_semaphore, #tpu.memory_space<semaphore_mem>>) src(%dma_wait3A_101 : memref<4096x768xf32, #tpu.memory_space<hbm>>) dst(%arg10 : memref<32x768xf32, #tpu.memory_space<vmem>>)
    %add3A_102 = arith.constant 96 : i32
    %add3A_103 = arith.addi %mul3A_2, %add3A_102 : i32
    %dma_start3A_104 = arith.constant 0 : i32
    %dma_start3A_105 = tpu.memref_slice %arg4[%add3A_103, %dma_start3A_104] : memref<65536x768xf32, #tpu.memory_space<hbm>> -> memref<32x768xf32, #tpu.memory_space<hbm>>
    %dma_start3A_106 = arith.constant 0 : i32
    %dma_start3A_107 = tpu.memref_slice %arg4[%add3A_103, %dma_start3A_106] : memref<65536x768xf32, #tpu.memory_space<hbm>> -> memref<32x768xf32, #tpu.memory_space<hbm>>
    tpu.enqueue_dma source(%arg10 : memref<32x768xf32, #tpu.memory_space<vmem>>) target(%dma_start3A_107 : memref<32x768xf32, #tpu.memory_space<hbm>>) target_semaphore(%arg18 : memref<!tpu.dma_semaphore, #tpu.memory_space<semaphore_mem>>)
    %dma_wait3A_108 = arith.constant 0 : i32
    %dma_wait3A_109 = tpu.memref_slice %arg4[%add3A_63, %dma_wait3A_108] : memref<65536x768xf32, #tpu.memory_space<hbm>> -> memref<32x768xf32, #tpu.memory_space<hbm>>
    %dma_wait3A_110 = arith.constant 0 : i32
    %dma_wait3A_111 = tpu.memref_slice %arg4[%add3A_63, %dma_wait3A_110] : memref<65536x768xf32, #tpu.memory_space<hbm>> -> memref<32x768xf32, #tpu.memory_space<hbm>>
    tpu.wait_dma2 semaphore(%arg16 : memref<!tpu.dma_semaphore, #tpu.memory_space<semaphore_mem>>) src(%arg8 : memref<32x768xf32, #tpu.memory_space<vmem>>) dst(%dma_wait3A_111 : memref<32x768xf32, #tpu.memory_space<hbm>>)
    %dma_start3A_112 = arith.constant 160 : i32
    %dma_start3A_113 = tpu.memref_slice %arg6[%dma_start3A_112] : memref<2048xi32, #tpu.memory_space<vmem>> -> memref<32xi32, #tpu.memory_space<vmem>>
    %dma_start3A_114 = tpu.memref_reshape %arg2 : memref<16x16x16x768xf32, #tpu.memory_space<hbm>> -> memref<4096x768xf32, #tpu.memory_space<hbm>>
    %dma_start3A_115 = arith.constant 0 : i32
    %dma_start3A_116 = arith.constant 0 : i32
    %dma_start3A_117 = tpu.memref_slice %dma_start3A_114[%dma_start3A_115, %dma_start3A_116] : memref<4096x768xf32, #tpu.memory_space<hbm>> -> memref<4096x768xf32, #tpu.memory_space<hbm>>
    tpu.enqueue_indirect_dma source(%dma_start3A_117 : memref<4096x768xf32, #tpu.memory_space<hbm>>) target(%arg8 : memref<32x768xf32, #tpu.memory_space<vmem>>) offsets(%dma_start3A_113 : memref<32xi32, #tpu.memory_space<vmem>>) semaphore(%arg12 : memref<!tpu.dma_semaphore, #tpu.memory_space<semaphore_mem>>)
    %dma_wait3A_118 = arith.constant 128 : i32
    %dma_wait3A_119 = tpu.memref_slice %arg6[%dma_wait3A_118] : memref<2048xi32, #tpu.memory_space<vmem>> -> memref<32xi32, #tpu.memory_space<vmem>>
    %dma_wait3A_120 = tpu.memref_reshape %arg2 : memref<16x16x16x768xf32, #tpu.memory_space<hbm>> -> memref<4096x768xf32, #tpu.memory_space<hbm>>
    %dma_wait3A_121 = arith.constant 0 : i32
    %dma_wait3A_122 = arith.constant 0 : i32
    %dma_wait3A_123 = tpu.memref_slice %dma_wait3A_120[%dma_wait3A_121, %dma_wait3A_122] : memref<4096x768xf32, #tpu.memory_space<hbm>> -> memref<4096x768xf32, #tpu.memory_space<hbm>>
    tpu.wait_indirect_dma semaphore(%arg11 : memref<!tpu.dma_semaphore, #tpu.memory_space<semaphore_mem>>) src(%dma_wait3A_123 : memref<4096x768xf32, #tpu.memory_space<hbm>>) dst(%arg7 : memref<32x768xf32, #tpu.memory_space<vmem>>)
    %add3A_124 = arith.constant 128 : i32
    %add3A_125 = arith.addi %mul3A_2, %add3A_124 : i32
    %dma_start3A_126 = arith.constant 0 : i32
    %dma_start3A_127 = tpu.memref_slice %arg4[%add3A_125, %dma_start3A_126] : memref<65536x768xf32, #tpu.memory_space<hbm>> -> memref<32x768xf32, #tpu.memory_space<hbm>>
    %dma_start3A_128 = arith.constant 0 : i32
    %dma_start3A_129 = tpu.memref_slice %arg4[%add3A_125, %dma_start3A_128] : memref<65536x768xf32, #tpu.memory_space<hbm>> -> memref<32x768xf32, #tpu.memory_space<hbm>>
    tpu.enqueue_dma source(%arg7 : memref<32x768xf32, #tpu.memory_space<vmem>>) target(%dma_start3A_129 : memref<32x768xf32, #tpu.memory_space<hbm>>) target_semaphore(%arg15 : memref<!tpu.dma_semaphore, #tpu.memory_space<semaphore_mem>>)
    %dma_wait3A_130 = arith.constant 0 : i32
    %dma_wait3A_131 = tpu.memref_slice %arg4[%add3A_81, %dma_wait3A_130] : memref<65536x768xf32, #tpu.memory_space<hbm>> -> memref<32x768xf32, #tpu.memory_space<hbm>>
    %dma_wait3A_132 = arith.constant 0 : i32
    %dma_wait3A_133 = tpu.memref_slice %arg4[%add3A_81, %dma_wait3A_132] : memref<65536x768xf32, #tpu.memory_space<hbm>> -> memref<32x768xf32, #tpu.memory_space<hbm>>
    tpu.wait_dma2 semaphore(%arg17 : memref<!tpu.dma_semaphore, #tpu.memory_space<semaphore_mem>>) src(%arg9 : memref<32x768xf32, #tpu.memory_space<vmem>>) dst(%dma_wait3A_133 : memref<32x768xf32, #tpu.memory_space<hbm>>)
    %dma_start3A_134 = arith.constant 192 : i32
    %dma_start3A_135 = tpu.memref_slice %arg6[%dma_start3A_134] : memref<2048xi32, #tpu.memory_space<vmem>> -> memref<32xi32, #tpu.memory_space<vmem>>
    %dma_start3A_136 = tpu.memref_reshape %arg2 : memref<16x16x16x768xf32, #tpu.memory_space<hbm>> -> memref<4096x768xf32, #tpu.memory_space<hbm>>
    %dma_start3A_137 = arith.constant 0 : i32
    %dma_start3A_138 = arith.constant 0 : i32
    %dma_start3A_139 = tpu.memref_slice %dma_start3A_136[%dma_start3A_137, %dma_start3A_138] : memref<4096x768xf32, #tpu.memory_space<hbm>> -> memref<4096x768xf32, #tpu.memory_space<hbm>>
    tpu.enqueue_indirect_dma source(%dma_start3A_139 : memref<4096x768xf32, #tpu.memory_space<hbm>>) target(%arg9 : memref<32x768xf32, #tpu.memory_space<vmem>>) offsets(%dma_start3A_135 : memref<32xi32, #tpu.memory_space<vmem>>) semaphore(%arg13 : memref<!tpu.dma_semaphore, #tpu.memory_space<semaphore_mem>>)
    %dma_wait3A_140 = arith.constant 160 : i32
    %dma_wait3A_141 = tpu.memref_slice %arg6[%dma_wait3A_140] : memref<2048xi32, #tpu.memory_space<vmem>> -> memref<32xi32, #tpu.memory_space<vmem>>
    %dma_wait3A_142 = tpu.memref_reshape %arg2 : memref<16x16x16x768xf32, #tpu.memory_space<hbm>> -> memref<4096x768xf32, #tpu.memory_space<hbm>>
    %dma_wait3A_143 = arith.constant 0 : i32
    %dma_wait3A_144 = arith.constant 0 : i32
    %dma_wait3A_145 = tpu.memref_slice %dma_wait3A_142[%dma_wait3A_143, %dma_wait3A_144] : memref<4096x768xf32, #tpu.memory_space<hbm>> -> memref<4096x768xf32, #tpu.memory_space<hbm>>
    tpu.wait_indirect_dma semaphore(%arg12 : memref<!tpu.dma_semaphore, #tpu.memory_space<semaphore_mem>>) src(%dma_wait3A_145 : memref<4096x768xf32, #tpu.memory_space<hbm>>) dst(%arg8 : memref<32x768xf32, #tpu.memory_space<vmem>>)
    %add3A_146 = arith.constant 160 : i32
    %add3A_147 = arith.addi %mul3A_2, %add3A_146 : i32
    %dma_start3A_148 = arith.constant 0 : i32
    %dma_start3A_149 = tpu.memref_slice %arg4[%add3A_147, %dma_start3A_148] : memref<65536x768xf32, #tpu.memory_space<hbm>> -> memref<32x768xf32, #tpu.memory_space<hbm>>
    %dma_start3A_150 = arith.constant 0 : i32
    %dma_start3A_151 = tpu.memref_slice %arg4[%add3A_147, %dma_start3A_150] : memref<65536x768xf32, #tpu.memory_space<hbm>> -> memref<32x768xf32, #tpu.memory_space<hbm>>
    tpu.enqueue_dma source(%arg8 : memref<32x768xf32, #tpu.memory_space<vmem>>) target(%dma_start3A_151 : memref<32x768xf32, #tpu.memory_space<hbm>>) target_semaphore(%arg16 : memref<!tpu.dma_semaphore, #tpu.memory_space<semaphore_mem>>)
    %dma_wait3A_152 = arith.constant 0 : i32
    %dma_wait3A_153 = tpu.memref_slice %arg4[%add3A_103, %dma_wait3A_152] : memref<65536x768xf32, #tpu.memory_space<hbm>> -> memref<32x768xf32, #tpu.memory_space<hbm>>
    %dma_wait3A_154 = arith.constant 0 : i32
    %dma_wait3A_155 = tpu.memref_slice %arg4[%add3A_103, %dma_wait3A_154] : memref<65536x768xf32, #tpu.memory_space<hbm>> -> memref<32x768xf32, #tpu.memory_space<hbm>>
    tpu.wait_dma2 semaphore(%arg18 : memref<!tpu.dma_semaphore, #tpu.memory_space<semaphore_mem>>) src(%arg10 : memref<32x768xf32, #tpu.memory_space<vmem>>) dst(%dma_wait3A_155 : memref<32x768xf32, #tpu.memory_space<hbm>>)
    %dma_start3A_156 = arith.constant 224 : i32
    %dma_start3A_157 = tpu.memref_slice %arg6[%dma_start3A_156] : memref<2048xi32, #tpu.memory_space<vmem>> -> memref<32xi32, #tpu.memory_space<vmem>>
    %dma_start3A_158 = tpu.memref_reshape %arg2 : memref<16x16x16x768xf32, #tpu.memory_space<hbm>> -> memref<4096x768xf32, #tpu.memory_space<hbm>>
    %dma_start3A_159 = arith.constant 0 : i32
    %dma_start3A_160 = arith.constant 0 : i32
    %dma_start3A_161 = tpu.memref_slice %dma_start3A_158[%dma_start3A_159, %dma_start3A_160] : memref<4096x768xf32, #tpu.memory_space<hbm>> -> memref<4096x768xf32, #tpu.memory_space<hbm>>
    tpu.enqueue_indirect_dma source(%dma_start3A_161 : memref<4096x768xf32, #tpu.memory_space<hbm>>) target(%arg10 : memref<32x768xf32, #tpu.memory_space<vmem>>) offsets(%dma_start3A_157 : memref<32xi32, #tpu.memory_space<vmem>>) semaphore(%arg14 : memref<!tpu.dma_semaphore, #tpu.memory_space<semaphore_mem>>)
    %dma_wait3A_162 = arith.constant 192 : i32
    %dma_wait3A_163 = tpu.memref_slice %arg6[%dma_wait3A_162] : memref<2048xi32, #tpu.memory_space<vmem>> -> memref<32xi32, #tpu.memory_space<vmem>>
    %dma_wait3A_164 = tpu.memref_reshape %arg2 : memref<16x16x16x768xf32, #tpu.memory_space<hbm>> -> memref<4096x768xf32, #tpu.memory_space<hbm>>
    %dma_wait3A_165 = arith.constant 0 : i32
    %dma_wait3A_166 = arith.constant 0 : i32
    %dma_wait3A_167 = tpu.memref_slice %dma_wait3A_164[%dma_wait3A_165, %dma_wait3A_166] : memref<4096x768xf32, #tpu.memory_space<hbm>> -> memref<4096x768xf32, #tpu.memory_space<hbm>>
    tpu.wait_indirect_dma semaphore(%arg13 : memref<!tpu.dma_semaphore, #tpu.memory_space<semaphore_mem>>) src(%dma_wait3A_167 : memref<4096x768xf32, #tpu.memory_space<hbm>>) dst(%arg9 : memref<32x768xf32, #tpu.memory_space<vmem>>)
    %add3A_168 = arith.constant 192 : i32
    %add3A_169 = arith.addi %mul3A_2, %add3A_168 : i32
    %dma_start3A_170 = arith.constant 0 : i32
    %dma_start3A_171 = tpu.memref_slice %arg4[%add3A_169, %dma_start3A_170] : memref<65536x768xf32, #tpu.memory_space<hbm>> -> memref<32x768xf32, #tpu.memory_space<hbm>>
    %dma_start3A_172 = arith.constant 0 : i32
    %dma_start3A_173 = tpu.memref_slice %arg4[%add3A_169, %dma_start3A_172] : memref<65536x768xf32, #tpu.memory_space<hbm>> -> memref<32x768xf32, #tpu.memory_space<hbm>>
    tpu.enqueue_dma source(%arg9 : memref<32x768xf32, #tpu.memory_space<vmem>>) target(%dma_start3A_173 : memref<32x768xf32, #tpu.memory_space<hbm>>) target_semaphore(%arg17 : memref<!tpu.dma_semaphore, #tpu.memory_space<semaphore_mem>>)
    %dma_wait3A_174 = arith.constant 0 : i32
    %dma_wait3A_175 = tpu.memref_slice %arg4[%add3A_125, %dma_wait3A_174] : memref<65536x768xf32, #tpu.memory_space<hbm>> -> memref<32x768xf32, #tpu.memory_space<hbm>>
    %dma_wait3A_176 = arith.constant 0 : i32
    %dma_wait3A_177 = tpu.memref_slice %arg4[%add3A_125, %dma_wait3A_176] : memref<65536x768xf32, #tpu.memory_space<hbm>> -> memref<32x768xf32, #tpu.memory_space<hbm>>
    tpu.wait_dma2 semaphore(%arg15 : memref<!tpu.dma_semaphore, #tpu.memory_space<semaphore_mem>>) src(%arg7 : memref<32x768xf32, #tpu.memory_space<vmem>>) dst(%dma_wait3A_177 : memref<32x768xf32, #tpu.memory_space<hbm>>)
    %dma_start3A_178 = arith.constant 256 : i32
    %dma_start3A_179 = tpu.memref_slice %arg6[%dma_start3A_178] : memref<2048xi32, #tpu.memory_space<vmem>> -> memref<32xi32, #tpu.memory_space<vmem>>
    %dma_start3A_180 = tpu.memref_reshape %arg2 : memref<16x16x16x768xf32, #tpu.memory_space<hbm>> -> memref<4096x768xf32, #tpu.memory_space<hbm>>
    %dma_start3A_181 = arith.constant 0 : i32
    %dma_start3A_182 = arith.constant 0 : i32
    %dma_start3A_183 = tpu.memref_slice %dma_start3A_180[%dma_start3A_181, %dma_start3A_182] : memref<4096x768xf32, #tpu.memory_space<hbm>> -> memref<4096x768xf32, #tpu.memory_space<hbm>>
    tpu.enqueue_indirect_dma source(%dma_start3A_183 : memref<4096x768xf32, #tpu.memory_space<hbm>>) target(%arg7 : memref<32x768xf32, #tpu.memory_space<vmem>>) offsets(%dma_start3A_179 : memref<32xi32, #tpu.memory_space<vmem>>) semaphore(%arg11 : memref<!tpu.dma_semaphore, #tpu.memory_space<semaphore_mem>>)
    %dma_wait3A_184 = arith.constant 224 : i32
    %dma_wait3A_185 = tpu.memref_slice %arg6[%dma_wait3A_184] : memref<2048xi32, #tpu.memory_space<vmem>> -> memref<32xi32, #tpu.memory_space<vmem>>
    %dma_wait3A_186 = tpu.memref_reshape %arg2 : memref<16x16x16x768xf32, #tpu.memory_space<hbm>> -> memref<4096x768xf32, #tpu.memory_space<hbm>>
    %dma_wait3A_187 = arith.constant 0 : i32
    %dma_wait3A_188 = arith.constant 0 : i32
    %dma_wait3A_189 = tpu.memref_slice %dma_wait3A_186[%dma_wait3A_187, %dma_wait3A_188] : memref<4096x768xf32, #tpu.memory_space<hbm>> -> memref<4096x768xf32, #tpu.memory_space<hbm>>
    tpu.wait_indirect_dma semaphore(%arg14 : memref<!tpu.dma_semaphore, #tpu.memory_space<semaphore_mem>>) src(%dma_wait3A_189 : memref<4096x768xf32, #tpu.memory_space<hbm>>) dst(%arg10 : memref<32x768xf32, #tpu.memory_space<vmem>>)
    %add3A_190 = arith.constant 224 : i32
    %add3A_191 = arith.addi %mul3A_2, %add3A_190 : i32
    %dma_start3A_192 = arith.constant 0 : i32
    %dma_start3A_193 = tpu.memref_slice %arg4[%add3A_191, %dma_start3A_192] : memref<65536x768xf32, #tpu.memory_space<hbm>> -> memref<32x768xf32, #tpu.memory_space<hbm>>
    %dma_start3A_194 = arith.constant 0 : i32
    %dma_start3A_195 = tpu.memref_slice %arg4[%add3A_191, %dma_start3A_194] : memref<65536x768xf32, #tpu.memory_space<hbm>> -> memref<32x768xf32, #tpu.memory_space<hbm>>
    tpu.enqueue_dma source(%arg10 : memref<32x768xf32, #tpu.memory_space<vmem>>) target(%dma_start3A_195 : memref<32x768xf32, #tpu.memory_space<hbm>>) target_semaphore(%arg18 : memref<!tpu.dma_semaphore, #tpu.memory_space<semaphore_mem>>)
    %dma_wait3A_196 = arith.constant 0 : i32
    %dma_wait3A_197 = tpu.memref_slice %arg4[%add3A_147, %dma_wait3A_196] : memref<65536x768xf32, #tpu.memory_space<hbm>> -> memref<32x768xf32, #tpu.memory_space<hbm>>
    %dma_wait3A_198 = arith.constant 0 : i32
    %dma_wait3A_199 = tpu.memref_slice %arg4[%add3A_147, %dma_wait3A_198] : memref<65536x768xf32, #tpu.memory_space<hbm>> -> memref<32x768xf32, #tpu.memory_space<hbm>>
    tpu.wait_dma2 semaphore(%arg16 : memref<!tpu.dma_semaphore, #tpu.memory_space<semaphore_mem>>) src(%arg8 : memref<32x768xf32, #tpu.memory_space<vmem>>) dst(%dma_wait3A_199 : memref<32x768xf32, #tpu.memory_space<hbm>>)
    %dma_start3A_200 = arith.constant 288 : i32
    %dma_start3A_201 = tpu.memref_slice %arg6[%dma_start3A_200] : memref<2048xi32, #tpu.memory_space<vmem>> -> memref<32xi32, #tpu.memory_space<vmem>>
    %dma_start3A_202 = tpu.memref_reshape %arg2 : memref<16x16x16x768xf32, #tpu.memory_space<hbm>> -> memref<4096x768xf32, #tpu.memory_space<hbm>>
    %dma_start3A_203 = arith.constant 0 : i32
    %dma_start3A_204 = arith.constant 0 : i32
    %dma_start3A_205 = tpu.memref_slice %dma_start3A_202[%dma_start3A_203, %dma_start3A_204] : memref<4096x768xf32, #tpu.memory_space<hbm>> -> memref<4096x768xf32, #tpu.memory_space<hbm>>
    tpu.enqueue_indirect_dma source(%dma_start3A_205 : memref<4096x768xf32, #tpu.memory_space<hbm>>) target(%arg8 : memref<32x768xf32, #tpu.memory_space<vmem>>) offsets(%dma_start3A_201 : memref<32xi32, #tpu.memory_space<vmem>>) semaphore(%arg12 : memref<!tpu.dma_semaphore, #tpu.memory_space<semaphore_mem>>)
    %dma_wait3A_206 = arith.constant 256 : i32
    %dma_wait3A_207 = tpu.memref_slice %arg6[%dma_wait3A_206] : memref<2048xi32, #tpu.memory_space<vmem>> -> memref<32xi32, #tpu.memory_space<vmem>>
    %dma_wait3A_208 = tpu.memref_reshape %arg2 : memref<16x16x16x768xf32, #tpu.memory_space<hbm>> -> memref<4096x768xf32, #tpu.memory_space<hbm>>
    %dma_wait3A_209 = arith.constant 0 : i32
    %dma_wait3A_210 = arith.constant 0 : i32
    %dma_wait3A_211 = tpu.memref_slice %dma_wait3A_208[%dma_wait3A_209, %dma_wait3A_210] : memref<4096x768xf32, #tpu.memory_space<hbm>> -> memref<4096x768xf32, #tpu.memory_space<hbm>>
    tpu.wait_indirect_dma semaphore(%arg11 : memref<!tpu.dma_semaphore, #tpu.memory_space<semaphore_mem>>) src(%dma_wait3A_211 : memref<4096x768xf32, #tpu.memory_space<hbm>>) dst(%arg7 : memref<32x768xf32, #tpu.memory_space<vmem>>)
    %add3A_212 = arith.constant 256 : i32
    %add3A_213 = arith.addi %mul3A_2, %add3A_212 : i32
    %dma_start3A_214 = arith.constant 0 : i32
    %dma_start3A_215 = tpu.memref_slice %arg4[%add3A_213, %dma_start3A_214] : memref<65536x768xf32, #tpu.memory_space<hbm>> -> memref<32x768xf32, #tpu.memory_space<hbm>>
    %dma_start3A_216 = arith.constant 0 : i32
    %dma_start3A_217 = tpu.memref_slice %arg4[%add3A_213, %dma_start3A_216] : memref<65536x768xf32, #tpu.memory_space<hbm>> -> memref<32x768xf32, #tpu.memory_space<hbm>>
    tpu.enqueue_dma source(%arg7 : memref<32x768xf32, #tpu.memory_space<vmem>>) target(%dma_start3A_217 : memref<32x768xf32, #tpu.memory_space<hbm>>) target_semaphore(%arg15 : memref<!tpu.dma_semaphore, #tpu.memory_space<semaphore_mem>>)
    %dma_wait3A_218 = arith.constant 0 : i32
    %dma_wait3A_219 = tpu.memref_slice %arg4[%add3A_169, %dma_wait3A_218] : memref<65536x768xf32, #tpu.memory_space<hbm>> -> memref<32x768xf32, #tpu.memory_space<hbm>>
    %dma_wait3A_220 = arith.constant 0 : i32
    %dma_wait3A_221 = tpu.memref_slice %arg4[%add3A_169, %dma_wait3A_220] : memref<65536x768xf32, #tpu.memory_space<hbm>> -> memref<32x768xf32, #tpu.memory_space<hbm>>
    tpu.wait_dma2 semaphore(%arg17 : memref<!tpu.dma_semaphore, #tpu.memory_space<semaphore_mem>>) src(%arg9 : memref<32x768xf32, #tpu.memory_space<vmem>>) dst(%dma_wait3A_221 : memref<32x768xf32, #tpu.memory_space<hbm>>)
    %dma_start3A_222 = arith.constant 320 : i32
    %dma_start3A_223 = tpu.memref_slice %arg6[%dma_start3A_222] : memref<2048xi32, #tpu.memory_space<vmem>> -> memref<32xi32, #tpu.memory_space<vmem>>
    %dma_start3A_224 = tpu.memref_reshape %arg2 : memref<16x16x16x768xf32, #tpu.memory_space<hbm>> -> memref<4096x768xf32, #tpu.memory_space<hbm>>
    %dma_start3A_225 = arith.constant 0 : i32
    %dma_start3A_226 = arith.constant 0 : i32
    %dma_start3A_227 = tpu.memref_slice %dma_start3A_224[%dma_start3A_225, %dma_start3A_226] : memref<4096x768xf32, #tpu.memory_space<hbm>> -> memref<4096x768xf32, #tpu.memory_space<hbm>>
    tpu.enqueue_indirect_dma source(%dma_start3A_227 : memref<4096x768xf32, #tpu.memory_space<hbm>>) target(%arg9 : memref<32x768xf32, #tpu.memory_space<vmem>>) offsets(%dma_start3A_223 : memref<32xi32, #tpu.memory_space<vmem>>) semaphore(%arg13 : memref<!tpu.dma_semaphore, #tpu.memory_space<semaphore_mem>>)
    %dma_wait3A_228 = arith.constant 288 : i32
    %dma_wait3A_229 = tpu.memref_slice %arg6[%dma_wait3A_228] : memref<2048xi32, #tpu.memory_space<vmem>> -> memref<32xi32, #tpu.memory_space<vmem>>
    %dma_wait3A_230 = tpu.memref_reshape %arg2 : memref<16x16x16x768xf32, #tpu.memory_space<hbm>> -> memref<4096x768xf32, #tpu.memory_space<hbm>>
    %dma_wait3A_231 = arith.constant 0 : i32
    %dma_wait3A_232 = arith.constant 0 : i32
    %dma_wait3A_233 = tpu.memref_slice %dma_wait3A_230[%dma_wait3A_231, %dma_wait3A_232] : memref<4096x768xf32, #tpu.memory_space<hbm>> -> memref<4096x768xf32, #tpu.memory_space<hbm>>
    tpu.wait_indirect_dma semaphore(%arg12 : memref<!tpu.dma_semaphore, #tpu.memory_space<semaphore_mem>>) src(%dma_wait3A_233 : memref<4096x768xf32, #tpu.memory_space<hbm>>) dst(%arg8 : memref<32x768xf32, #tpu.memory_space<vmem>>)
    %add3A_234 = arith.constant 288 : i32
    %add3A_235 = arith.addi %mul3A_2, %add3A_234 : i32
    %dma_start3A_236 = arith.constant 0 : i32
    %dma_start3A_237 = tpu.memref_slice %arg4[%add3A_235, %dma_start3A_236] : memref<65536x768xf32, #tpu.memory_space<hbm>> -> memref<32x768xf32, #tpu.memory_space<hbm>>
    %dma_start3A_238 = arith.constant 0 : i32
    %dma_start3A_239 = tpu.memref_slice %arg4[%add3A_235, %dma_start3A_238] : memref<65536x768xf32, #tpu.memory_space<hbm>> -> memref<32x768xf32, #tpu.memory_space<hbm>>
    tpu.enqueue_dma source(%arg8 : memref<32x768xf32, #tpu.memory_space<vmem>>) target(%dma_start3A_239 : memref<32x768xf32, #tpu.memory_space<hbm>>) target_semaphore(%arg16 : memref<!tpu.dma_semaphore, #tpu.memory_space<semaphore_mem>>)
    %dma_wait3A_240 = arith.constant 0 : i32
    %dma_wait3A_241 = tpu.memref_slice %arg4[%add3A_191, %dma_wait3A_240] : memref<65536x768xf32, #tpu.memory_space<hbm>> -> memref<32x768xf32, #tpu.memory_space<hbm>>
    %dma_wait3A_242 = arith.constant 0 : i32
    %dma_wait3A_243 = tpu.memref_slice %arg4[%add3A_191, %dma_wait3A_242] : memref<65536x768xf32, #tpu.memory_space<hbm>> -> memref<32x768xf32, #tpu.memory_space<hbm>>
    tpu.wait_dma2 semaphore(%arg18 : memref<!tpu.dma_semaphore, #tpu.memory_space<semaphore_mem>>) src(%arg10 : memref<32x768xf32, #tpu.memory_space<vmem>>) dst(%dma_wait3A_243 : memref<32x768xf32, #tpu.memory_space<hbm>>)
    %dma_start3A_244 = arith.constant 352 : i32
    %dma_start3A_245 = tpu.memref_slice %arg6[%dma_start3A_244] : memref<2048xi32, #tpu.memory_space<vmem>> -> memref<32xi32, #tpu.memory_space<vmem>>
    %dma_start3A_246 = tpu.memref_reshape %arg2 : memref<16x16x16x768xf32, #tpu.memory_space<hbm>> -> memref<4096x768xf32, #tpu.memory_space<hbm>>
    %dma_start3A_247 = arith.constant 0 : i32
    %dma_start3A_248 = arith.constant 0 : i32
    %dma_start3A_249 = tpu.memref_slice %dma_start3A_246[%dma_start3A_247, %dma_start3A_248] : memref<4096x768xf32, #tpu.memory_space<hbm>> -> memref<4096x768xf32, #tpu.memory_space<hbm>>
    tpu.enqueue_indirect_dma source(%dma_start3A_249 : memref<4096x768xf32, #tpu.memory_space<hbm>>) target(%arg10 : memref<32x768xf32, #tpu.memory_space<vmem>>) offsets(%dma_start3A_245 : memref<32xi32, #tpu.memory_space<vmem>>) semaphore(%arg14 : memref<!tpu.dma_semaphore, #tpu.memory_space<semaphore_mem>>)
    %dma_wait3A_250 = arith.constant 320 : i32
    %dma_wait3A_251 = tpu.memref_slice %arg6[%dma_wait3A_250] : memref<2048xi32, #tpu.memory_space<vmem>> -> memref<32xi32, #tpu.memory_space<vmem>>
    %dma_wait3A_252 = tpu.memref_reshape %arg2 : memref<16x16x16x768xf32, #tpu.memory_space<hbm>> -> memref<4096x768xf32, #tpu.memory_space<hbm>>
    %dma_wait3A_253 = arith.constant 0 : i32
    %dma_wait3A_254 = arith.constant 0 : i32
    %dma_wait3A_255 = tpu.memref_slice %dma_wait3A_252[%dma_wait3A_253, %dma_wait3A_254] : memref<4096x768xf32, #tpu.memory_space<hbm>> -> memref<4096x768xf32, #tpu.memory_space<hbm>>
    tpu.wait_indirect_dma semaphore(%arg13 : memref<!tpu.dma_semaphore, #tpu.memory_space<semaphore_mem>>) src(%dma_wait3A_255 : memref<4096x768xf32, #tpu.memory_space<hbm>>) dst(%arg9 : memref<32x768xf32, #tpu.memory_space<vmem>>)
    %add3A_256 = arith.constant 320 : i32
    %add3A_257 = arith.addi %mul3A_2, %add3A_256 : i32
    %dma_start3A_258 = arith.constant 0 : i32
    %dma_start3A_259 = tpu.memref_slice %arg4[%add3A_257, %dma_start3A_258] : memref<65536x768xf32, #tpu.memory_space<hbm>> -> memref<32x768xf32, #tpu.memory_space<hbm>>
    %dma_start3A_260 = arith.constant 0 : i32
    %dma_start3A_261 = tpu.memref_slice %arg4[%add3A_257, %dma_start3A_260] : memref<65536x768xf32, #tpu.memory_space<hbm>> -> memref<32x768xf32, #tpu.memory_space<hbm>>
    tpu.enqueue_dma source(%arg9 : memref<32x768xf32, #tpu.memory_space<vmem>>) target(%dma_start3A_261 : memref<32x768xf32, #tpu.memory_space<hbm>>) target_semaphore(%arg17 : memref<!tpu.dma_semaphore, #tpu.memory_space<semaphore_mem>>)
    %dma_wait3A_262 = arith.constant 0 : i32
    %dma_wait3A_263 = tpu.memref_slice %arg4[%add3A_213, %dma_wait3A_262] : memref<65536x768xf32, #tpu.memory_space<hbm>> -> memref<32x768xf32, #tpu.memory_space<hbm>>
    %dma_wait3A_264 = arith.constant 0 : i32
    %dma_wait3A_265 = tpu.memref_slice %arg4[%add3A_213, %dma_wait3A_264] : memref<65536x768xf32, #tpu.memory_space<hbm>> -> memref<32x768xf32, #tpu.memory_space<hbm>>
    tpu.wait_dma2 semaphore(%arg15 : memref<!tpu.dma_semaphore, #tpu.memory_space<semaphore_mem>>) src(%arg7 : memref<32x768xf32, #tpu.memory_space<vmem>>) dst(%dma_wait3A_265 : memref<32x768xf32, #tpu.memory_space<hbm>>)
    %dma_start3A_266 = arith.constant 384 : i32
    %dma_start3A_267 = tpu.memref_slice %arg6[%dma_start3A_266] : memref<2048xi32, #tpu.memory_space<vmem>> -> memref<32xi32, #tpu.memory_space<vmem>>
    %dma_start3A_268 = tpu.memref_reshape %arg2 : memref<16x16x16x768xf32, #tpu.memory_space<hbm>> -> memref<4096x768xf32, #tpu.memory_space<hbm>>
    %dma_start3A_269 = arith.constant 0 : i32
    %dma_start3A_270 = arith.constant 0 : i32
    %dma_start3A_271 = tpu.memref_slice %dma_start3A_268[%dma_start3A_269, %dma_start3A_270] : memref<4096x768xf32, #tpu.memory_space<hbm>> -> memref<4096x768xf32, #tpu.memory_space<hbm>>
    tpu.enqueue_indirect_dma source(%dma_start3A_271 : memref<4096x768xf32, #tpu.memory_space<hbm>>) target(%arg7 : memref<32x768xf32, #tpu.memory_space<vmem>>) offsets(%dma_start3A_267 : memref<32xi32, #tpu.memory_space<vmem>>) semaphore(%arg11 : memref<!tpu.dma_semaphore, #tpu.memory_space<semaphore_mem>>)
    %dma_wait3A_272 = arith.constant 352 : i32
    %dma_wait3A_273 = tpu.memref_slice %arg6[%dma_wait3A_272] : memref<2048xi32, #tpu.memory_space<vmem>> -> memref<32xi32, #tpu.memory_space<vmem>>
    %dma_wait3A_274 = tpu.memref_reshape %arg2 : memref<16x16x16x768xf32, #tpu.memory_space<hbm>> -> memref<4096x768xf32, #tpu.memory_space<hbm>>
    %dma_wait3A_275 = arith.constant 0 : i32
    %dma_wait3A_276 = arith.constant 0 : i32
    %dma_wait3A_277 = tpu.memref_slice %dma_wait3A_274[%dma_wait3A_275, %dma_wait3A_276] : memref<4096x768xf32, #tpu.memory_space<hbm>> -> memref<4096x768xf32, #tpu.memory_space<hbm>>
    tpu.wait_indirect_dma semaphore(%arg14 : memref<!tpu.dma_semaphore, #tpu.memory_space<semaphore_mem>>) src(%dma_wait3A_277 : memref<4096x768xf32, #tpu.memory_space<hbm>>) dst(%arg10 : memref<32x768xf32, #tpu.memory_space<vmem>>)
    %add3A_278 = arith.constant 352 : i32
    %add3A_279 = arith.addi %mul3A_2, %add3A_278 : i32
    %dma_start3A_280 = arith.constant 0 : i32
    %dma_start3A_281 = tpu.memref_slice %arg4[%add3A_279, %dma_start3A_280] : memref<65536x768xf32, #tpu.memory_space<hbm>> -> memref<32x768xf32, #tpu.memory_space<hbm>>
    %dma_start3A_282 = arith.constant 0 : i32
    %dma_start3A_283 = tpu.memref_slice %arg4[%add3A_279, %dma_start3A_282] : memref<65536x768xf32, #tpu.memory_space<hbm>> -> memref<32x768xf32, #tpu.memory_space<hbm>>
    tpu.enqueue_dma source(%arg10 : memref<32x768xf32, #tpu.memory_space<vmem>>) target(%dma_start3A_283 : memref<32x768xf32, #tpu.memory_space<hbm>>) target_semaphore(%arg18 : memref<!tpu.dma_semaphore, #tpu.memory_space<semaphore_mem>>)
    %dma_wait3A_284 = arith.constant 0 : i32
    %dma_wait3A_285 = tpu.memref_slice %arg4[%add3A_235, %dma_wait3A_284] : memref<65536x768xf32, #tpu.memory_space<hbm>> -> memref<32x768xf32, #tpu.memory_space<hbm>>
    %dma_wait3A_286 = arith.constant 0 : i32
    %dma_wait3A_287 = tpu.memref_slice %arg4[%add3A_235, %dma_wait3A_286] : memref<65536x768xf32, #tpu.memory_space<hbm>> -> memref<32x768xf32, #tpu.memory_space<hbm>>
    tpu.wait_dma2 semaphore(%arg16 : memref<!tpu.dma_semaphore, #tpu.memory_space<semaphore_mem>>) src(%arg8 : memref<32x768xf32, #tpu.memory_space<vmem>>) dst(%dma_wait3A_287 : memref<32x768xf32, #tpu.memory_space<hbm>>)
    %dma_start3A_288 = arith.constant 416 : i32
    %dma_start3A_289 = tpu.memref_slice %arg6[%dma_start3A_288] : memref<2048xi32, #tpu.memory_space<vmem>> -> memref<32xi32, #tpu.memory_space<vmem>>
    %dma_start3A_290 = tpu.memref_reshape %arg2 : memref<16x16x16x768xf32, #tpu.memory_space<hbm>> -> memref<4096x768xf32, #tpu.memory_space<hbm>>
    %dma_start3A_291 = arith.constant 0 : i32
    %dma_start3A_292 = arith.constant 0 : i32
    %dma_start3A_293 = tpu.memref_slice %dma_start3A_290[%dma_start3A_291, %dma_start3A_292] : memref<4096x768xf32, #tpu.memory_space<hbm>> -> memref<4096x768xf32, #tpu.memory_space<hbm>>
    tpu.enqueue_indirect_dma source(%dma_start3A_293 : memref<4096x768xf32, #tpu.memory_space<hbm>>) target(%arg8 : memref<32x768xf32, #tpu.memory_space<vmem>>) offsets(%dma_start3A_289 : memref<32xi32, #tpu.memory_space<vmem>>) semaphore(%arg12 : memref<!tpu.dma_semaphore, #tpu.memory_space<semaphore_mem>>)
    %dma_wait3A_294 = arith.constant 384 : i32
    %dma_wait3A_295 = tpu.memref_slice %arg6[%dma_wait3A_294] : memref<2048xi32, #tpu.memory_space<vmem>> -> memref<32xi32, #tpu.memory_space<vmem>>
    %dma_wait3A_296 = tpu.memref_reshape %arg2 : memref<16x16x16x768xf32, #tpu.memory_space<hbm>> -> memref<4096x768xf32, #tpu.memory_space<hbm>>
    %dma_wait3A_297 = arith.constant 0 : i32
    %dma_wait3A_298 = arith.constant 0 : i32
    %dma_wait3A_299 = tpu.memref_slice %dma_wait3A_296[%dma_wait3A_297, %dma_wait3A_298] : memref<4096x768xf32, #tpu.memory_space<hbm>> -> memref<4096x768xf32, #tpu.memory_space<hbm>>
    tpu.wait_indirect_dma semaphore(%arg11 : memref<!tpu.dma_semaphore, #tpu.memory_space<semaphore_mem>>) src(%dma_wait3A_299 : memref<4096x768xf32, #tpu.memory_space<hbm>>) dst(%arg7 : memref<32x768xf32, #tpu.memory_space<vmem>>)
    %add3A_300 = arith.constant 384 : i32
    %add3A_301 = arith.addi %mul3A_2, %add3A_300 : i32
    %dma_start3A_302 = arith.constant 0 : i32
    %dma_start3A_303 = tpu.memref_slice %arg4[%add3A_301, %dma_start3A_302] : memref<65536x768xf32, #tpu.memory_space<hbm>> -> memref<32x768xf32, #tpu.memory_space<hbm>>
    %dma_start3A_304 = arith.constant 0 : i32
    %dma_start3A_305 = tpu.memref_slice %arg4[%add3A_301, %dma_start3A_304] : memref<65536x768xf32, #tpu.memory_space<hbm>> -> memref<32x768xf32, #tpu.memory_space<hbm>>
    tpu.enqueue_dma source(%arg7 : memref<32x768xf32, #tpu.memory_space<vmem>>) target(%dma_start3A_305 : memref<32x768xf32, #tpu.memory_space<hbm>>) target_semaphore(%arg15 : memref<!tpu.dma_semaphore, #tpu.memory_space<semaphore_mem>>)
    %dma_wait3A_306 = arith.constant 0 : i32
    %dma_wait3A_307 = tpu.memref_slice %arg4[%add3A_257, %dma_wait3A_306] : memref<65536x768xf32, #tpu.memory_space<hbm>> -> memref<32x768xf32, #tpu.memory_space<hbm>>
    %dma_wait3A_308 = arith.constant 0 : i32
    %dma_wait3A_309 = tpu.memref_slice %arg4[%add3A_257, %dma_wait3A_308] : memref<65536x768xf32, #tpu.memory_space<hbm>> -> memref<32x768xf32, #tpu.memory_space<hbm>>
    tpu.wait_dma2 semaphore(%arg17 : memref<!tpu.dma_semaphore, #tpu.memory_space<semaphore_mem>>) src(%arg9 : memref<32x768xf32, #tpu.memory_space<vmem>>) dst(%dma_wait3A_309 : memref<32x768xf32, #tpu.memory_space<hbm>>)
    %dma_start3A_310 = arith.constant 448 : i32
    %dma_start3A_311 = tpu.memref_slice %arg6[%dma_start3A_310] : memref<2048xi32, #tpu.memory_space<vmem>> -> memref<32xi32, #tpu.memory_space<vmem>>
    %dma_start3A_312 = tpu.memref_reshape %arg2 : memref<16x16x16x768xf32, #tpu.memory_space<hbm>> -> memref<4096x768xf32, #tpu.memory_space<hbm>>
    %dma_start3A_313 = arith.constant 0 : i32
    %dma_start3A_314 = arith.constant 0 : i32
    %dma_start3A_315 = tpu.memref_slice %dma_start3A_312[%dma_start3A_313, %dma_start3A_314] : memref<4096x768xf32, #tpu.memory_space<hbm>> -> memref<4096x768xf32, #tpu.memory_space<hbm>>
    tpu.enqueue_indirect_dma source(%dma_start3A_315 : memref<4096x768xf32, #tpu.memory_space<hbm>>) target(%arg9 : memref<32x768xf32, #tpu.memory_space<vmem>>) offsets(%dma_start3A_311 : memref<32xi32, #tpu.memory_space<vmem>>) semaphore(%arg13 : memref<!tpu.dma_semaphore, #tpu.memory_space<semaphore_mem>>)
    %dma_wait3A_316 = arith.constant 416 : i32
    %dma_wait3A_317 = tpu.memref_slice %arg6[%dma_wait3A_316] : memref<2048xi32, #tpu.memory_space<vmem>> -> memref<32xi32, #tpu.memory_space<vmem>>
    %dma_wait3A_318 = tpu.memref_reshape %arg2 : memref<16x16x16x768xf32, #tpu.memory_space<hbm>> -> memref<4096x768xf32, #tpu.memory_space<hbm>>
    %dma_wait3A_319 = arith.constant 0 : i32
    %dma_wait3A_320 = arith.constant 0 : i32
    %dma_wait3A_321 = tpu.memref_slice %dma_wait3A_318[%dma_wait3A_319, %dma_wait3A_320] : memref<4096x768xf32, #tpu.memory_space<hbm>> -> memref<4096x768xf32, #tpu.memory_space<hbm>>
    tpu.wait_indirect_dma semaphore(%arg12 : memref<!tpu.dma_semaphore, #tpu.memory_space<semaphore_mem>>) src(%dma_wait3A_321 : memref<4096x768xf32, #tpu.memory_space<hbm>>) dst(%arg8 : memref<32x768xf32, #tpu.memory_space<vmem>>)
    %add3A_322 = arith.constant 416 : i32
    %add3A_323 = arith.addi %mul3A_2, %add3A_322 : i32
    %dma_start3A_324 = arith.constant 0 : i32
    %dma_start3A_325 = tpu.memref_slice %arg4[%add3A_323, %dma_start3A_324] : memref<65536x768xf32, #tpu.memory_space<hbm>> -> memref<32x768xf32, #tpu.memory_space<hbm>>
    %dma_start3A_326 = arith.constant 0 : i32
    %dma_start3A_327 = tpu.memref_slice %arg4[%add3A_323, %dma_start3A_326] : memref<65536x768xf32, #tpu.memory_space<hbm>> -> memref<32x768xf32, #tpu.memory_space<hbm>>
    tpu.enqueue_dma source(%arg8 : memref<32x768xf32, #tpu.memory_space<vmem>>) target(%dma_start3A_327 : memref<32x768xf32, #tpu.memory_space<hbm>>) target_semaphore(%arg16 : memref<!tpu.dma_semaphore, #tpu.memory_space<semaphore_mem>>)
    %dma_wait3A_328 = arith.constant 0 : i32
    %dma_wait3A_329 = tpu.memref_slice %arg4[%add3A_279, %dma_wait3A_328] : memref<65536x768xf32, #tpu.memory_space<hbm>> -> memref<32x768xf32, #tpu.memory_space<hbm>>
    %dma_wait3A_330 = arith.constant 0 : i32
    %dma_wait3A_331 = tpu.memref_slice %arg4[%add3A_279, %dma_wait3A_330] : memref<65536x768xf32, #tpu.memory_space<hbm>> -> memref<32x768xf32, #tpu.memory_space<hbm>>
    tpu.wait_dma2 semaphore(%arg18 : memref<!tpu.dma_semaphore, #tpu.memory_space<semaphore_mem>>) src(%arg10 : memref<32x768xf32, #tpu.memory_space<vmem>>) dst(%dma_wait3A_331 : memref<32x768xf32, #tpu.memory_space<hbm>>)
    %dma_start3A_332 = arith.constant 480 : i32
    %dma_start3A_333 = tpu.memref_slice %arg6[%dma_start3A_332] : memref<2048xi32, #tpu.memory_space<vmem>> -> memref<32xi32, #tpu.memory_space<vmem>>
    %dma_start3A_334 = tpu.memref_reshape %arg2 : memref<16x16x16x768xf32, #tpu.memory_space<hbm>> -> memref<4096x768xf32, #tpu.memory_space<hbm>>
    %dma_start3A_335 = arith.constant 0 : i32
    %dma_start3A_336 = arith.constant 0 : i32
    %dma_start3A_337 = tpu.memref_slice %dma_start3A_334[%dma_start3A_335, %dma_start3A_336] : memref<4096x768xf32, #tpu.memory_space<hbm>> -> memref<4096x768xf32, #tpu.memory_space<hbm>>
    tpu.enqueue_indirect_dma source(%dma_start3A_337 : memref<4096x768xf32, #tpu.memory_space<hbm>>) target(%arg10 : memref<32x768xf32, #tpu.memory_space<vmem>>) offsets(%dma_start3A_333 : memref<32xi32, #tpu.memory_space<vmem>>) semaphore(%arg14 : memref<!tpu.dma_semaphore, #tpu.memory_space<semaphore_mem>>)
    %dma_wait3A_338 = arith.constant 448 : i32
    %dma_wait3A_339 = tpu.memref_slice %arg6[%dma_wait3A_338] : memref<2048xi32, #tpu.memory_space<vmem>> -> memref<32xi32, #tpu.memory_space<vmem>>
    %dma_wait3A_340 = tpu.memref_reshape %arg2 : memref<16x16x16x768xf32, #tpu.memory_space<hbm>> -> memref<4096x768xf32, #tpu.memory_space<hbm>>
    %dma_wait3A_341 = arith.constant 0 : i32
    %dma_wait3A_342 = arith.constant 0 : i32
    %dma_wait3A_343 = tpu.memref_slice %dma_wait3A_340[%dma_wait3A_341, %dma_wait3A_342] : memref<4096x768xf32, #tpu.memory_space<hbm>> -> memref<4096x768xf32, #tpu.memory_space<hbm>>
    tpu.wait_indirect_dma semaphore(%arg13 : memref<!tpu.dma_semaphore, #tpu.memory_space<semaphore_mem>>) src(%dma_wait3A_343 : memref<4096x768xf32, #tpu.memory_space<hbm>>) dst(%arg9 : memref<32x768xf32, #tpu.memory_space<vmem>>)
    %add3A_344 = arith.constant 448 : i32
    %add3A_345 = arith.addi %mul3A_2, %add3A_344 : i32
    %dma_start3A_346 = arith.constant 0 : i32
    %dma_start3A_347 = tpu.memref_slice %arg4[%add3A_345, %dma_start3A_346] : memref<65536x768xf32, #tpu.memory_space<hbm>> -> memref<32x768xf32, #tpu.memory_space<hbm>>
    %dma_start3A_348 = arith.constant 0 : i32
    %dma_start3A_349 = tpu.memref_slice %arg4[%add3A_345, %dma_start3A_348] : memref<65536x768xf32, #tpu.memory_space<hbm>> -> memref<32x768xf32, #tpu.memory_space<hbm>>
    tpu.enqueue_dma source(%arg9 : memref<32x768xf32, #tpu.memory_space<vmem>>) target(%dma_start3A_349 : memref<32x768xf32, #tpu.memory_space<hbm>>) target_semaphore(%arg17 : memref<!tpu.dma_semaphore, #tpu.memory_space<semaphore_mem>>)
    %dma_wait3A_350 = arith.constant 0 : i32
    %dma_wait3A_351 = tpu.memref_slice %arg4[%add3A_301, %dma_wait3A_350] : memref<65536x768xf32, #tpu.memory_space<hbm>> -> memref<32x768xf32, #tpu.memory_space<hbm>>
    %dma_wait3A_352 = arith.constant 0 : i32
    %dma_wait3A_353 = tpu.memref_slice %arg4[%add3A_301, %dma_wait3A_352] : memref<65536x768xf32, #tpu.memory_space<hbm>> -> memref<32x768xf32, #tpu.memory_space<hbm>>
    tpu.wait_dma2 semaphore(%arg15 : memref<!tpu.dma_semaphore, #tpu.memory_space<semaphore_mem>>) src(%arg7 : memref<32x768xf32, #tpu.memory_space<vmem>>) dst(%dma_wait3A_353 : memref<32x768xf32, #tpu.memory_space<hbm>>)
    %dma_start3A_354 = arith.constant 512 : i32
    %dma_start3A_355 = tpu.memref_slice %arg6[%dma_start3A_354] : memref<2048xi32, #tpu.memory_space<vmem>> -> memref<32xi32, #tpu.memory_space<vmem>>
    %dma_start3A_356 = tpu.memref_reshape %arg2 : memref<16x16x16x768xf32, #tpu.memory_space<hbm>> -> memref<4096x768xf32, #tpu.memory_space<hbm>>
    %dma_start3A_357 = arith.constant 0 : i32
    %dma_start3A_358 = arith.constant 0 : i32
    %dma_start3A_359 = tpu.memref_slice %dma_start3A_356[%dma_start3A_357, %dma_start3A_358] : memref<4096x768xf32, #tpu.memory_space<hbm>> -> memref<4096x768xf32, #tpu.memory_space<hbm>>
    tpu.enqueue_indirect_dma source(%dma_start3A_359 : memref<4096x768xf32, #tpu.memory_space<hbm>>) target(%arg7 : memref<32x768xf32, #tpu.memory_space<vmem>>) offsets(%dma_start3A_355 : memref<32xi32, #tpu.memory_space<vmem>>) semaphore(%arg11 : memref<!tpu.dma_semaphore, #tpu.memory_space<semaphore_mem>>)
    %dma_wait3A_360 = arith.constant 480 : i32
    %dma_wait3A_361 = tpu.memref_slice %arg6[%dma_wait3A_360] : memref<2048xi32, #tpu.memory_space<vmem>> -> memref<32xi32, #tpu.memory_space<vmem>>
    %dma_wait3A_362 = tpu.memref_reshape %arg2 : memref<16x16x16x768xf32, #tpu.memory_space<hbm>> -> memref<4096x768xf32, #tpu.memory_space<hbm>>
    %dma_wait3A_363 = arith.constant 0 : i32
    %dma_wait3A_364 = arith.constant 0 : i32
    %dma_wait3A_365 = tpu.memref_slice %dma_wait3A_362[%dma_wait3A_363, %dma_wait3A_364] : memref<4096x768xf32, #tpu.memory_space<hbm>> -> memref<4096x768xf32, #tpu.memory_space<hbm>>
    tpu.wait_indirect_dma semaphore(%arg14 : memref<!tpu.dma_semaphore, #tpu.memory_space<semaphore_mem>>) src(%dma_wait3A_365 : memref<4096x768xf32, #tpu.memory_space<hbm>>) dst(%arg10 : memref<32x768xf32, #tpu.memory_space<vmem>>)
    %add3A_366 = arith.constant 480 : i32
    %add3A_367 = arith.addi %mul3A_2, %add3A_366 : i32
    %dma_start3A_368 = arith.constant 0 : i32
    %dma_start3A_369 = tpu.memref_slice %arg4[%add3A_367, %dma_start3A_368] : memref<65536x768xf32, #tpu.memory_space<hbm>> -> memref<32x768xf32, #tpu.memory_space<hbm>>
    %dma_start3A_370 = arith.constant 0 : i32
    %dma_start3A_371 = tpu.memref_slice %arg4[%add3A_367, %dma_start3A_370] : memref<65536x768xf32, #tpu.memory_space<hbm>> -> memref<32x768xf32, #tpu.memory_space<hbm>>
    tpu.enqueue_dma source(%arg10 : memref<32x768xf32, #tpu.memory_space<vmem>>) target(%dma_start3A_371 : memref<32x768xf32, #tpu.memory_space<hbm>>) target_semaphore(%arg18 : memref<!tpu.dma_semaphore, #tpu.memory_space<semaphore_mem>>)
    %dma_wait3A_372 = arith.constant 0 : i32
    %dma_wait3A_373 = tpu.memref_slice %arg4[%add3A_323, %dma_wait3A_372] : memref<65536x768xf32, #tpu.memory_space<hbm>> -> memref<32x768xf32, #tpu.memory_space<hbm>>
    %dma_wait3A_374 = arith.constant 0 : i32
    %dma_wait3A_375 = tpu.memref_slice %arg4[%add3A_323, %dma_wait3A_374] : memref<65536x768xf32, #tpu.memory_space<hbm>> -> memref<32x768xf32, #tpu.memory_space<hbm>>
    tpu.wait_dma2 semaphore(%arg16 : memref<!tpu.dma_semaphore, #tpu.memory_space<semaphore_mem>>) src(%arg8 : memref<32x768xf32, #tpu.memory_space<vmem>>) dst(%dma_wait3A_375 : memref<32x768xf32, #tpu.memory_space<hbm>>)
    %dma_start3A_376 = arith.constant 544 : i32
    %dma_start3A_377 = tpu.memref_slice %arg6[%dma_start3A_376] : memref<2048xi32, #tpu.memory_space<vmem>> -> memref<32xi32, #tpu.memory_space<vmem>>
    %dma_start3A_378 = tpu.memref_reshape %arg2 : memref<16x16x16x768xf32, #tpu.memory_space<hbm>> -> memref<4096x768xf32, #tpu.memory_space<hbm>>
    %dma_start3A_379 = arith.constant 0 : i32
    %dma_start3A_380 = arith.constant 0 : i32
    %dma_start3A_381 = tpu.memref_slice %dma_start3A_378[%dma_start3A_379, %dma_start3A_380] : memref<4096x768xf32, #tpu.memory_space<hbm>> -> memref<4096x768xf32, #tpu.memory_space<hbm>>
    tpu.enqueue_indirect_dma source(%dma_start3A_381 : memref<4096x768xf32, #tpu.memory_space<hbm>>) target(%arg8 : memref<32x768xf32, #tpu.memory_space<vmem>>) offsets(%dma_start3A_377 : memref<32xi32, #tpu.memory_space<vmem>>) semaphore(%arg12 : memref<!tpu.dma_semaphore, #tpu.memory_space<semaphore_mem>>)
    %dma_wait3A_382 = arith.constant 512 : i32
    %dma_wait3A_383 = tpu.memref_slice %arg6[%dma_wait3A_382] : memref<2048xi32, #tpu.memory_space<vmem>> -> memref<32xi32, #tpu.memory_space<vmem>>
    %dma_wait3A_384 = tpu.memref_reshape %arg2 : memref<16x16x16x768xf32, #tpu.memory_space<hbm>> -> memref<4096x768xf32, #tpu.memory_space<hbm>>
    %dma_wait3A_385 = arith.constant 0 : i32
    %dma_wait3A_386 = arith.constant 0 : i32
    %dma_wait3A_387 = tpu.memref_slice %dma_wait3A_384[%dma_wait3A_385, %dma_wait3A_386] : memref<4096x768xf32, #tpu.memory_space<hbm>> -> memref<4096x768xf32, #tpu.memory_space<hbm>>
    tpu.wait_indirect_dma semaphore(%arg11 : memref<!tpu.dma_semaphore, #tpu.memory_space<semaphore_mem>>) src(%dma_wait3A_387 : memref<4096x768xf32, #tpu.memory_space<hbm>>) dst(%arg7 : memref<32x768xf32, #tpu.memory_space<vmem>>)
    %add3A_388 = arith.constant 512 : i32
    %add3A_389 = arith.addi %mul3A_2, %add3A_388 : i32
    %dma_start3A_390 = arith.constant 0 : i32
    %dma_start3A_391 = tpu.memref_slice %arg4[%add3A_389, %dma_start3A_390] : memref<65536x768xf32, #tpu.memory_space<hbm>> -> memref<32x768xf32, #tpu.memory_space<hbm>>
    %dma_start3A_392 = arith.constant 0 : i32
    %dma_start3A_393 = tpu.memref_slice %arg4[%add3A_389, %dma_start3A_392] : memref<65536x768xf32, #tpu.memory_space<hbm>> -> memref<32x768xf32, #tpu.memory_space<hbm>>
    tpu.enqueue_dma source(%arg7 : memref<32x768xf32, #tpu.memory_space<vmem>>) target(%dma_start3A_393 : memref<32x768xf32, #tpu.memory_space<hbm>>) target_semaphore(%arg15 : memref<!tpu.dma_semaphore, #tpu.memory_space<semaphore_mem>>)
    %dma_wait3A_394 = arith.constant 0 : i32
    %dma_wait3A_395 = tpu.memref_slice %arg4[%add3A_345, %dma_wait3A_394] : memref<65536x768xf32, #tpu.memory_space<hbm>> -> memref<32x768xf32, #tpu.memory_space<hbm>>
    %dma_wait3A_396 = arith.constant 0 : i32
    %dma_wait3A_397 = tpu.memref_slice %arg4[%add3A_345, %dma_wait3A_396] : memref<65536x768xf32, #tpu.memory_space<hbm>> -> memref<32x768xf32, #tpu.memory_space<hbm>>
    tpu.wait_dma2 semaphore(%arg17 : memref<!tpu.dma_semaphore, #tpu.memory_space<semaphore_mem>>) src(%arg9 : memref<32x768xf32, #tpu.memory_space<vmem>>) dst(%dma_wait3A_397 : memref<32x768xf32, #tpu.memory_space<hbm>>)
    %dma_start3A_398 = arith.constant 576 : i32
    %dma_start3A_399 = tpu.memref_slice %arg6[%dma_start3A_398] : memref<2048xi32, #tpu.memory_space<vmem>> -> memref<32xi32, #tpu.memory_space<vmem>>
    %dma_start3A_400 = tpu.memref_reshape %arg2 : memref<16x16x16x768xf32, #tpu.memory_space<hbm>> -> memref<4096x768xf32, #tpu.memory_space<hbm>>
    %dma_start3A_401 = arith.constant 0 : i32
    %dma_start3A_402 = arith.constant 0 : i32
    %dma_start3A_403 = tpu.memref_slice %dma_start3A_400[%dma_start3A_401, %dma_start3A_402] : memref<4096x768xf32, #tpu.memory_space<hbm>> -> memref<4096x768xf32, #tpu.memory_space<hbm>>
    tpu.enqueue_indirect_dma source(%dma_start3A_403 : memref<4096x768xf32, #tpu.memory_space<hbm>>) target(%arg9 : memref<32x768xf32, #tpu.memory_space<vmem>>) offsets(%dma_start3A_399 : memref<32xi32, #tpu.memory_space<vmem>>) semaphore(%arg13 : memref<!tpu.dma_semaphore, #tpu.memory_space<semaphore_mem>>)
    %dma_wait3A_404 = arith.constant 544 : i32
    %dma_wait3A_405 = tpu.memref_slice %arg6[%dma_wait3A_404] : memref<2048xi32, #tpu.memory_space<vmem>> -> memref<32xi32, #tpu.memory_space<vmem>>
    %dma_wait3A_406 = tpu.memref_reshape %arg2 : memref<16x16x16x768xf32, #tpu.memory_space<hbm>> -> memref<4096x768xf32, #tpu.memory_space<hbm>>
    %dma_wait3A_407 = arith.constant 0 : i32
    %dma_wait3A_408 = arith.constant 0 : i32
    %dma_wait3A_409 = tpu.memref_slice %dma_wait3A_406[%dma_wait3A_407, %dma_wait3A_408] : memref<4096x768xf32, #tpu.memory_space<hbm>> -> memref<4096x768xf32, #tpu.memory_space<hbm>>
    tpu.wait_indirect_dma semaphore(%arg12 : memref<!tpu.dma_semaphore, #tpu.memory_space<semaphore_mem>>) src(%dma_wait3A_409 : memref<4096x768xf32, #tpu.memory_space<hbm>>) dst(%arg8 : memref<32x768xf32, #tpu.memory_space<vmem>>)
    %add3A_410 = arith.constant 544 : i32
    %add3A_411 = arith.addi %mul3A_2, %add3A_410 : i32
    %dma_start3A_412 = arith.constant 0 : i32
    %dma_start3A_413 = tpu.memref_slice %arg4[%add3A_411, %dma_start3A_412] : memref<65536x768xf32, #tpu.memory_space<hbm>> -> memref<32x768xf32, #tpu.memory_space<hbm>>
    %dma_start3A_414 = arith.constant 0 : i32
    %dma_start3A_415 = tpu.memref_slice %arg4[%add3A_411, %dma_start3A_414] : memref<65536x768xf32, #tpu.memory_space<hbm>> -> memref<32x768xf32, #tpu.memory_space<hbm>>
    tpu.enqueue_dma source(%arg8 : memref<32x768xf32, #tpu.memory_space<vmem>>) target(%dma_start3A_415 : memref<32x768xf32, #tpu.memory_space<hbm>>) target_semaphore(%arg16 : memref<!tpu.dma_semaphore, #tpu.memory_space<semaphore_mem>>)
    %dma_wait3A_416 = arith.constant 0 : i32
    %dma_wait3A_417 = tpu.memref_slice %arg4[%add3A_367, %dma_wait3A_416] : memref<65536x768xf32, #tpu.memory_space<hbm>> -> memref<32x768xf32, #tpu.memory_space<hbm>>
    %dma_wait3A_418 = arith.constant 0 : i32
    %dma_wait3A_419 = tpu.memref_slice %arg4[%add3A_367, %dma_wait3A_418] : memref<65536x768xf32, #tpu.memory_space<hbm>> -> memref<32x768xf32, #tpu.memory_space<hbm>>
    tpu.wait_dma2 semaphore(%arg18 : memref<!tpu.dma_semaphore, #tpu.memory_space<semaphore_mem>>) src(%arg10 : memref<32x768xf32, #tpu.memory_space<vmem>>) dst(%dma_wait3A_419 : memref<32x768xf32, #tpu.memory_space<hbm>>)
    %dma_start3A_420 = arith.constant 608 : i32
    %dma_start3A_421 = tpu.memref_slice %arg6[%dma_start3A_420] : memref<2048xi32, #tpu.memory_space<vmem>> -> memref<32xi32, #tpu.memory_space<vmem>>
    %dma_start3A_422 = tpu.memref_reshape %arg2 : memref<16x16x16x768xf32, #tpu.memory_space<hbm>> -> memref<4096x768xf32, #tpu.memory_space<hbm>>
    %dma_start3A_423 = arith.constant 0 : i32
    %dma_start3A_424 = arith.constant 0 : i32
    %dma_start3A_425 = tpu.memref_slice %dma_start3A_422[%dma_start3A_423, %dma_start3A_424] : memref<4096x768xf32, #tpu.memory_space<hbm>> -> memref<4096x768xf32, #tpu.memory_space<hbm>>
    tpu.enqueue_indirect_dma source(%dma_start3A_425 : memref<4096x768xf32, #tpu.memory_space<hbm>>) target(%arg10 : memref<32x768xf32, #tpu.memory_space<vmem>>) offsets(%dma_start3A_421 : memref<32xi32, #tpu.memory_space<vmem>>) semaphore(%arg14 : memref<!tpu.dma_semaphore, #tpu.memory_space<semaphore_mem>>)
    %dma_wait3A_426 = arith.constant 576 : i32
    %dma_wait3A_427 = tpu.memref_slice %arg6[%dma_wait3A_426] : memref<2048xi32, #tpu.memory_space<vmem>> -> memref<32xi32, #tpu.memory_space<vmem>>
    %dma_wait3A_428 = tpu.memref_reshape %arg2 : memref<16x16x16x768xf32, #tpu.memory_space<hbm>> -> memref<4096x768xf32, #tpu.memory_space<hbm>>
    %dma_wait3A_429 = arith.constant 0 : i32
    %dma_wait3A_430 = arith.constant 0 : i32
    %dma_wait3A_431 = tpu.memref_slice %dma_wait3A_428[%dma_wait3A_429, %dma_wait3A_430] : memref<4096x768xf32, #tpu.memory_space<hbm>> -> memref<4096x768xf32, #tpu.memory_space<hbm>>
    tpu.wait_indirect_dma semaphore(%arg13 : memref<!tpu.dma_semaphore, #tpu.memory_space<semaphore_mem>>) src(%dma_wait3A_431 : memref<4096x768xf32, #tpu.memory_space<hbm>>) dst(%arg9 : memref<32x768xf32, #tpu.memory_space<vmem>>)
    %add3A_432 = arith.constant 576 : i32
    %add3A_433 = arith.addi %mul3A_2, %add3A_432 : i32
    %dma_start3A_434 = arith.constant 0 : i32
    %dma_start3A_435 = tpu.memref_slice %arg4[%add3A_433, %dma_start3A_434] : memref<65536x768xf32, #tpu.memory_space<hbm>> -> memref<32x768xf32, #tpu.memory_space<hbm>>
    %dma_start3A_436 = arith.constant 0 : i32
    %dma_start3A_437 = tpu.memref_slice %arg4[%add3A_433, %dma_start3A_436] : memref<65536x768xf32, #tpu.memory_space<hbm>> -> memref<32x768xf32, #tpu.memory_space<hbm>>
    tpu.enqueue_dma source(%arg9 : memref<32x768xf32, #tpu.memory_space<vmem>>) target(%dma_start3A_437 : memref<32x768xf32, #tpu.memory_space<hbm>>) target_semaphore(%arg17 : memref<!tpu.dma_semaphore, #tpu.memory_space<semaphore_mem>>)
    %dma_wait3A_438 = arith.constant 0 : i32
    %dma_wait3A_439 = tpu.memref_slice %arg4[%add3A_389, %dma_wait3A_438] : memref<65536x768xf32, #tpu.memory_space<hbm>> -> memref<32x768xf32, #tpu.memory_space<hbm>>
    %dma_wait3A_440 = arith.constant 0 : i32
    %dma_wait3A_441 = tpu.memref_slice %arg4[%add3A_389, %dma_wait3A_440] : memref<65536x768xf32, #tpu.memory_space<hbm>> -> memref<32x768xf32, #tpu.memory_space<hbm>>
    tpu.wait_dma2 semaphore(%arg15 : memref<!tpu.dma_semaphore, #tpu.memory_space<semaphore_mem>>) src(%arg7 : memref<32x768xf32, #tpu.memory_space<vmem>>) dst(%dma_wait3A_441 : memref<32x768xf32, #tpu.memory_space<hbm>>)
    %dma_start3A_442 = arith.constant 640 : i32
    %dma_start3A_443 = tpu.memref_slice %arg6[%dma_start3A_442] : memref<2048xi32, #tpu.memory_space<vmem>> -> memref<32xi32, #tpu.memory_space<vmem>>
    %dma_start3A_444 = tpu.memref_reshape %arg2 : memref<16x16x16x768xf32, #tpu.memory_space<hbm>> -> memref<4096x768xf32, #tpu.memory_space<hbm>>
    %dma_start3A_445 = arith.constant 0 : i32
    %dma_start3A_446 = arith.constant 0 : i32
    %dma_start3A_447 = tpu.memref_slice %dma_start3A_444[%dma_start3A_445, %dma_start3A_446] : memref<4096x768xf32, #tpu.memory_space<hbm>> -> memref<4096x768xf32, #tpu.memory_space<hbm>>
    tpu.enqueue_indirect_dma source(%dma_start3A_447 : memref<4096x768xf32, #tpu.memory_space<hbm>>) target(%arg7 : memref<32x768xf32, #tpu.memory_space<vmem>>) offsets(%dma_start3A_443 : memref<32xi32, #tpu.memory_space<vmem>>) semaphore(%arg11 : memref<!tpu.dma_semaphore, #tpu.memory_space<semaphore_mem>>)
    %dma_wait3A_448 = arith.constant 608 : i32
    %dma_wait3A_449 = tpu.memref_slice %arg6[%dma_wait3A_448] : memref<2048xi32, #tpu.memory_space<vmem>> -> memref<32xi32, #tpu.memory_space<vmem>>
    %dma_wait3A_450 = tpu.memref_reshape %arg2 : memref<16x16x16x768xf32, #tpu.memory_space<hbm>> -> memref<4096x768xf32, #tpu.memory_space<hbm>>
    %dma_wait3A_451 = arith.constant 0 : i32
    %dma_wait3A_452 = arith.constant 0 : i32
    %dma_wait3A_453 = tpu.memref_slice %dma_wait3A_450[%dma_wait3A_451, %dma_wait3A_452] : memref<4096x768xf32, #tpu.memory_space<hbm>> -> memref<4096x768xf32, #tpu.memory_space<hbm>>
    tpu.wait_indirect_dma semaphore(%arg14 : memref<!tpu.dma_semaphore, #tpu.memory_space<semaphore_mem>>) src(%dma_wait3A_453 : memref<4096x768xf32, #tpu.memory_space<hbm>>) dst(%arg10 : memref<32x768xf32, #tpu.memory_space<vmem>>)
    %add3A_454 = arith.constant 608 : i32
    %add3A_455 = arith.addi %mul3A_2, %add3A_454 : i32
    %dma_start3A_456 = arith.constant 0 : i32
    %dma_start3A_457 = tpu.memref_slice %arg4[%add3A_455, %dma_start3A_456] : memref<65536x768xf32, #tpu.memory_space<hbm>> -> memref<32x768xf32, #tpu.memory_space<hbm>>
    %dma_start3A_458 = arith.constant 0 : i32
    %dma_start3A_459 = tpu.memref_slice %arg4[%add3A_455, %dma_start3A_458] : memref<65536x768xf32, #tpu.memory_space<hbm>> -> memref<32x768xf32, #tpu.memory_space<hbm>>
    tpu.enqueue_dma source(%arg10 : memref<32x768xf32, #tpu.memory_space<vmem>>) target(%dma_start3A_459 : memref<32x768xf32, #tpu.memory_space<hbm>>) target_semaphore(%arg18 : memref<!tpu.dma_semaphore, #tpu.memory_space<semaphore_mem>>)
    %dma_wait3A_460 = arith.constant 0 : i32
    %dma_wait3A_461 = tpu.memref_slice %arg4[%add3A_411, %dma_wait3A_460] : memref<65536x768xf32, #tpu.memory_space<hbm>> -> memref<32x768xf32, #tpu.memory_space<hbm>>
    %dma_wait3A_462 = arith.constant 0 : i32
    %dma_wait3A_463 = tpu.memref_slice %arg4[%add3A_411, %dma_wait3A_462] : memref<65536x768xf32, #tpu.memory_space<hbm>> -> memref<32x768xf32, #tpu.memory_space<hbm>>
    tpu.wait_dma2 semaphore(%arg16 : memref<!tpu.dma_semaphore, #tpu.memory_space<semaphore_mem>>) src(%arg8 : memref<32x768xf32, #tpu.memory_space<vmem>>) dst(%dma_wait3A_463 : memref<32x768xf32, #tpu.memory_space<hbm>>)
    %dma_start3A_464 = arith.constant 672 : i32
    %dma_start3A_465 = tpu.memref_slice %arg6[%dma_start3A_464] : memref<2048xi32, #tpu.memory_space<vmem>> -> memref<32xi32, #tpu.memory_space<vmem>>
    %dma_start3A_466 = tpu.memref_reshape %arg2 : memref<16x16x16x768xf32, #tpu.memory_space<hbm>> -> memref<4096x768xf32, #tpu.memory_space<hbm>>
    %dma_start3A_467 = arith.constant 0 : i32
    %dma_start3A_468 = arith.constant 0 : i32
    %dma_start3A_469 = tpu.memref_slice %dma_start3A_466[%dma_start3A_467, %dma_start3A_468] : memref<4096x768xf32, #tpu.memory_space<hbm>> -> memref<4096x768xf32, #tpu.memory_space<hbm>>
    tpu.enqueue_indirect_dma source(%dma_start3A_469 : memref<4096x768xf32, #tpu.memory_space<hbm>>) target(%arg8 : memref<32x768xf32, #tpu.memory_space<vmem>>) offsets(%dma_start3A_465 : memref<32xi32, #tpu.memory_space<vmem>>) semaphore(%arg12 : memref<!tpu.dma_semaphore, #tpu.memory_space<semaphore_mem>>)
    %dma_wait3A_470 = arith.constant 640 : i32
    %dma_wait3A_471 = tpu.memref_slice %arg6[%dma_wait3A_470] : memref<2048xi32, #tpu.memory_space<vmem>> -> memref<32xi32, #tpu.memory_space<vmem>>
    %dma_wait3A_472 = tpu.memref_reshape %arg2 : memref<16x16x16x768xf32, #tpu.memory_space<hbm>> -> memref<4096x768xf32, #tpu.memory_space<hbm>>
    %dma_wait3A_473 = arith.constant 0 : i32
    %dma_wait3A_474 = arith.constant 0 : i32
    %dma_wait3A_475 = tpu.memref_slice %dma_wait3A_472[%dma_wait3A_473, %dma_wait3A_474] : memref<4096x768xf32, #tpu.memory_space<hbm>> -> memref<4096x768xf32, #tpu.memory_space<hbm>>
    tpu.wait_indirect_dma semaphore(%arg11 : memref<!tpu.dma_semaphore, #tpu.memory_space<semaphore_mem>>) src(%dma_wait3A_475 : memref<4096x768xf32, #tpu.memory_space<hbm>>) dst(%arg7 : memref<32x768xf32, #tpu.memory_space<vmem>>)
    %add3A_476 = arith.constant 640 : i32
    %add3A_477 = arith.addi %mul3A_2, %add3A_476 : i32
    %dma_start3A_478 = arith.constant 0 : i32
    %dma_start3A_479 = tpu.memref_slice %arg4[%add3A_477, %dma_start3A_478] : memref<65536x768xf32, #tpu.memory_space<hbm>> -> memref<32x768xf32, #tpu.memory_space<hbm>>
    %dma_start3A_480 = arith.constant 0 : i32
    %dma_start3A_481 = tpu.memref_slice %arg4[%add3A_477, %dma_start3A_480] : memref<65536x768xf32, #tpu.memory_space<hbm>> -> memref<32x768xf32, #tpu.memory_space<hbm>>
    tpu.enqueue_dma source(%arg7 : memref<32x768xf32, #tpu.memory_space<vmem>>) target(%dma_start3A_481 : memref<32x768xf32, #tpu.memory_space<hbm>>) target_semaphore(%arg15 : memref<!tpu.dma_semaphore, #tpu.memory_space<semaphore_mem>>)
    %dma_wait3A_482 = arith.constant 0 : i32
    %dma_wait3A_483 = tpu.memref_slice %arg4[%add3A_433, %dma_wait3A_482] : memref<65536x768xf32, #tpu.memory_space<hbm>> -> memref<32x768xf32, #tpu.memory_space<hbm>>
    %dma_wait3A_484 = arith.constant 0 : i32
    %dma_wait3A_485 = tpu.memref_slice %arg4[%add3A_433, %dma_wait3A_484] : memref<65536x768xf32, #tpu.memory_space<hbm>> -> memref<32x768xf32, #tpu.memory_space<hbm>>
    tpu.wait_dma2 semaphore(%arg17 : memref<!tpu.dma_semaphore, #tpu.memory_space<semaphore_mem>>) src(%arg9 : memref<32x768xf32, #tpu.memory_space<vmem>>) dst(%dma_wait3A_485 : memref<32x768xf32, #tpu.memory_space<hbm>>)
    %dma_start3A_486 = arith.constant 704 : i32
    %dma_start3A_487 = tpu.memref_slice %arg6[%dma_start3A_486] : memref<2048xi32, #tpu.memory_space<vmem>> -> memref<32xi32, #tpu.memory_space<vmem>>
    %dma_start3A_488 = tpu.memref_reshape %arg2 : memref<16x16x16x768xf32, #tpu.memory_space<hbm>> -> memref<4096x768xf32, #tpu.memory_space<hbm>>
    %dma_start3A_489 = arith.constant 0 : i32
    %dma_start3A_490 = arith.constant 0 : i32
    %dma_start3A_491 = tpu.memref_slice %dma_start3A_488[%dma_start3A_489, %dma_start3A_490] : memref<4096x768xf32, #tpu.memory_space<hbm>> -> memref<4096x768xf32, #tpu.memory_space<hbm>>
    tpu.enqueue_indirect_dma source(%dma_start3A_491 : memref<4096x768xf32, #tpu.memory_space<hbm>>) target(%arg9 : memref<32x768xf32, #tpu.memory_space<vmem>>) offsets(%dma_start3A_487 : memref<32xi32, #tpu.memory_space<vmem>>) semaphore(%arg13 : memref<!tpu.dma_semaphore, #tpu.memory_space<semaphore_mem>>)
    %dma_wait3A_492 = arith.constant 672 : i32
    %dma_wait3A_493 = tpu.memref_slice %arg6[%dma_wait3A_492] : memref<2048xi32, #tpu.memory_space<vmem>> -> memref<32xi32, #tpu.memory_space<vmem>>
    %dma_wait3A_494 = tpu.memref_reshape %arg2 : memref<16x16x16x768xf32, #tpu.memory_space<hbm>> -> memref<4096x768xf32, #tpu.memory_space<hbm>>
    %dma_wait3A_495 = arith.constant 0 : i32
    %dma_wait3A_496 = arith.constant 0 : i32
    %dma_wait3A_497 = tpu.memref_slice %dma_wait3A_494[%dma_wait3A_495, %dma_wait3A_496] : memref<4096x768xf32, #tpu.memory_space<hbm>> -> memref<4096x768xf32, #tpu.memory_space<hbm>>
    tpu.wait_indirect_dma semaphore(%arg12 : memref<!tpu.dma_semaphore, #tpu.memory_space<semaphore_mem>>) src(%dma_wait3A_497 : memref<4096x768xf32, #tpu.memory_space<hbm>>) dst(%arg8 : memref<32x768xf32, #tpu.memory_space<vmem>>)
    %add3A_498 = arith.constant 672 : i32
    %add3A_499 = arith.addi %mul3A_2, %add3A_498 : i32
    %dma_start3A_500 = arith.constant 0 : i32
    %dma_start3A_501 = tpu.memref_slice %arg4[%add3A_499, %dma_start3A_500] : memref<65536x768xf32, #tpu.memory_space<hbm>> -> memref<32x768xf32, #tpu.memory_space<hbm>>
    %dma_start3A_502 = arith.constant 0 : i32
    %dma_start3A_503 = tpu.memref_slice %arg4[%add3A_499, %dma_start3A_502] : memref<65536x768xf32, #tpu.memory_space<hbm>> -> memref<32x768xf32, #tpu.memory_space<hbm>>
    tpu.enqueue_dma source(%arg8 : memref<32x768xf32, #tpu.memory_space<vmem>>) target(%dma_start3A_503 : memref<32x768xf32, #tpu.memory_space<hbm>>) target_semaphore(%arg16 : memref<!tpu.dma_semaphore, #tpu.memory_space<semaphore_mem>>)
    %dma_wait3A_504 = arith.constant 0 : i32
    %dma_wait3A_505 = tpu.memref_slice %arg4[%add3A_455, %dma_wait3A_504] : memref<65536x768xf32, #tpu.memory_space<hbm>> -> memref<32x768xf32, #tpu.memory_space<hbm>>
    %dma_wait3A_506 = arith.constant 0 : i32
    %dma_wait3A_507 = tpu.memref_slice %arg4[%add3A_455, %dma_wait3A_506] : memref<65536x768xf32, #tpu.memory_space<hbm>> -> memref<32x768xf32, #tpu.memory_space<hbm>>
    tpu.wait_dma2 semaphore(%arg18 : memref<!tpu.dma_semaphore, #tpu.memory_space<semaphore_mem>>) src(%arg10 : memref<32x768xf32, #tpu.memory_space<vmem>>) dst(%dma_wait3A_507 : memref<32x768xf32, #tpu.memory_space<hbm>>)
    %dma_start3A_508 = arith.constant 736 : i32
    %dma_start3A_509 = tpu.memref_slice %arg6[%dma_start3A_508] : memref<2048xi32, #tpu.memory_space<vmem>> -> memref<32xi32, #tpu.memory_space<vmem>>
    %dma_start3A_510 = tpu.memref_reshape %arg2 : memref<16x16x16x768xf32, #tpu.memory_space<hbm>> -> memref<4096x768xf32, #tpu.memory_space<hbm>>
    %dma_start3A_511 = arith.constant 0 : i32
    %dma_start3A_512 = arith.constant 0 : i32
    %dma_start3A_513 = tpu.memref_slice %dma_start3A_510[%dma_start3A_511, %dma_start3A_512] : memref<4096x768xf32, #tpu.memory_space<hbm>> -> memref<4096x768xf32, #tpu.memory_space<hbm>>
    tpu.enqueue_indirect_dma source(%dma_start3A_513 : memref<4096x768xf32, #tpu.memory_space<hbm>>) target(%arg10 : memref<32x768xf32, #tpu.memory_space<vmem>>) offsets(%dma_start3A_509 : memref<32xi32, #tpu.memory_space<vmem>>) semaphore(%arg14 : memref<!tpu.dma_semaphore, #tpu.memory_space<semaphore_mem>>)
    %dma_wait3A_514 = arith.constant 704 : i32
    %dma_wait3A_515 = tpu.memref_slice %arg6[%dma_wait3A_514] : memref<2048xi32, #tpu.memory_space<vmem>> -> memref<32xi32, #tpu.memory_space<vmem>>
    %dma_wait3A_516 = tpu.memref_reshape %arg2 : memref<16x16x16x768xf32, #tpu.memory_space<hbm>> -> memref<4096x768xf32, #tpu.memory_space<hbm>>
    %dma_wait3A_517 = arith.constant 0 : i32
    %dma_wait3A_518 = arith.constant 0 : i32
    %dma_wait3A_519 = tpu.memref_slice %dma_wait3A_516[%dma_wait3A_517, %dma_wait3A_518] : memref<4096x768xf32, #tpu.memory_space<hbm>> -> memref<4096x768xf32, #tpu.memory_space<hbm>>
    tpu.wait_indirect_dma semaphore(%arg13 : memref<!tpu.dma_semaphore, #tpu.memory_space<semaphore_mem>>) src(%dma_wait3A_519 : memref<4096x768xf32, #tpu.memory_space<hbm>>) dst(%arg9 : memref<32x768xf32, #tpu.memory_space<vmem>>)
    %add3A_520 = arith.constant 704 : i32
    %add3A_521 = arith.addi %mul3A_2, %add3A_520 : i32
    %dma_start3A_522 = arith.constant 0 : i32
    %dma_start3A_523 = tpu.memref_slice %arg4[%add3A_521, %dma_start3A_522] : memref<65536x768xf32, #tpu.memory_space<hbm>> -> memref<32x768xf32, #tpu.memory_space<hbm>>
    %dma_start3A_524 = arith.constant 0 : i32
    %dma_start3A_525 = tpu.memref_slice %arg4[%add3A_521, %dma_start3A_524] : memref<65536x768xf32, #tpu.memory_space<hbm>> -> memref<32x768xf32, #tpu.memory_space<hbm>>
    tpu.enqueue_dma source(%arg9 : memref<32x768xf32, #tpu.memory_space<vmem>>) target(%dma_start3A_525 : memref<32x768xf32, #tpu.memory_space<hbm>>) target_semaphore(%arg17 : memref<!tpu.dma_semaphore, #tpu.memory_space<semaphore_mem>>)
    %dma_wait3A_526 = arith.constant 0 : i32
    %dma_wait3A_527 = tpu.memref_slice %arg4[%add3A_477, %dma_wait3A_526] : memref<65536x768xf32, #tpu.memory_space<hbm>> -> memref<32x768xf32, #tpu.memory_space<hbm>>
    %dma_wait3A_528 = arith.constant 0 : i32
    %dma_wait3A_529 = tpu.memref_slice %arg4[%add3A_477, %dma_wait3A_528] : memref<65536x768xf32, #tpu.memory_space<hbm>> -> memref<32x768xf32, #tpu.memory_space<hbm>>
    tpu.wait_dma2 semaphore(%arg15 : memref<!tpu.dma_semaphore, #tpu.memory_space<semaphore_mem>>) src(%arg7 : memref<32x768xf32, #tpu.memory_space<vmem>>) dst(%dma_wait3A_529 : memref<32x768xf32, #tpu.memory_space<hbm>>)
    %dma_start3A_530 = arith.constant 768 : i32
    %dma_start3A_531 = tpu.memref_slice %arg6[%dma_start3A_530] : memref<2048xi32, #tpu.memory_space<vmem>> -> memref<32xi32, #tpu.memory_space<vmem>>
    %dma_start3A_532 = tpu.memref_reshape %arg2 : memref<16x16x16x768xf32, #tpu.memory_space<hbm>> -> memref<4096x768xf32, #tpu.memory_space<hbm>>
    %dma_start3A_533 = arith.constant 0 : i32
    %dma_start3A_534 = arith.constant 0 : i32
    %dma_start3A_535 = tpu.memref_slice %dma_start3A_532[%dma_start3A_533, %dma_start3A_534] : memref<4096x768xf32, #tpu.memory_space<hbm>> -> memref<4096x768xf32, #tpu.memory_space<hbm>>
    tpu.enqueue_indirect_dma source(%dma_start3A_535 : memref<4096x768xf32, #tpu.memory_space<hbm>>) target(%arg7 : memref<32x768xf32, #tpu.memory_space<vmem>>) offsets(%dma_start3A_531 : memref<32xi32, #tpu.memory_space<vmem>>) semaphore(%arg11 : memref<!tpu.dma_semaphore, #tpu.memory_space<semaphore_mem>>)
    %dma_wait3A_536 = arith.constant 736 : i32
    %dma_wait3A_537 = tpu.memref_slice %arg6[%dma_wait3A_536] : memref<2048xi32, #tpu.memory_space<vmem>> -> memref<32xi32, #tpu.memory_space<vmem>>
    %dma_wait3A_538 = tpu.memref_reshape %arg2 : memref<16x16x16x768xf32, #tpu.memory_space<hbm>> -> memref<4096x768xf32, #tpu.memory_space<hbm>>
    %dma_wait3A_539 = arith.constant 0 : i32
    %dma_wait3A_540 = arith.constant 0 : i32
    %dma_wait3A_541 = tpu.memref_slice %dma_wait3A_538[%dma_wait3A_539, %dma_wait3A_540] : memref<4096x768xf32, #tpu.memory_space<hbm>> -> memref<4096x768xf32, #tpu.memory_space<hbm>>
    tpu.wait_indirect_dma semaphore(%arg14 : memref<!tpu.dma_semaphore, #tpu.memory_space<semaphore_mem>>) src(%dma_wait3A_541 : memref<4096x768xf32, #tpu.memory_space<hbm>>) dst(%arg10 : memref<32x768xf32, #tpu.memory_space<vmem>>)
    %add3A_542 = arith.constant 736 : i32
    %add3A_543 = arith.addi %mul3A_2, %add3A_542 : i32
    %dma_start3A_544 = arith.constant 0 : i32
    %dma_start3A_545 = tpu.memref_slice %arg4[%add3A_543, %dma_start3A_544] : memref<65536x768xf32, #tpu.memory_space<hbm>> -> memref<32x768xf32, #tpu.memory_space<hbm>>
    %dma_start3A_546 = arith.constant 0 : i32
    %dma_start3A_547 = tpu.memref_slice %arg4[%add3A_543, %dma_start3A_546] : memref<65536x768xf32, #tpu.memory_space<hbm>> -> memref<32x768xf32, #tpu.memory_space<hbm>>
    tpu.enqueue_dma source(%arg10 : memref<32x768xf32, #tpu.memory_space<vmem>>) target(%dma_start3A_547 : memref<32x768xf32, #tpu.memory_space<hbm>>) target_semaphore(%arg18 : memref<!tpu.dma_semaphore, #tpu.memory_space<semaphore_mem>>)
    %dma_wait3A_548 = arith.constant 0 : i32
    %dma_wait3A_549 = tpu.memref_slice %arg4[%add3A_499, %dma_wait3A_548] : memref<65536x768xf32, #tpu.memory_space<hbm>> -> memref<32x768xf32, #tpu.memory_space<hbm>>
    %dma_wait3A_550 = arith.constant 0 : i32
    %dma_wait3A_551 = tpu.memref_slice %arg4[%add3A_499, %dma_wait3A_550] : memref<65536x768xf32, #tpu.memory_space<hbm>> -> memref<32x768xf32, #tpu.memory_space<hbm>>
    tpu.wait_dma2 semaphore(%arg16 : memref<!tpu.dma_semaphore, #tpu.memory_space<semaphore_mem>>) src(%arg8 : memref<32x768xf32, #tpu.memory_space<vmem>>) dst(%dma_wait3A_551 : memref<32x768xf32, #tpu.memory_space<hbm>>)
    %dma_start3A_552 = arith.constant 800 : i32
    %dma_start3A_553 = tpu.memref_slice %arg6[%dma_start3A_552] : memref<2048xi32, #tpu.memory_space<vmem>> -> memref<32xi32, #tpu.memory_space<vmem>>
    %dma_start3A_554 = tpu.memref_reshape %arg2 : memref<16x16x16x768xf32, #tpu.memory_space<hbm>> -> memref<4096x768xf32, #tpu.memory_space<hbm>>
    %dma_start3A_555 = arith.constant 0 : i32
    %dma_start3A_556 = arith.constant 0 : i32
    %dma_start3A_557 = tpu.memref_slice %dma_start3A_554[%dma_start3A_555, %dma_start3A_556] : memref<4096x768xf32, #tpu.memory_space<hbm>> -> memref<4096x768xf32, #tpu.memory_space<hbm>>
    tpu.enqueue_indirect_dma source(%dma_start3A_557 : memref<4096x768xf32, #tpu.memory_space<hbm>>) target(%arg8 : memref<32x768xf32, #tpu.memory_space<vmem>>) offsets(%dma_start3A_553 : memref<32xi32, #tpu.memory_space<vmem>>) semaphore(%arg12 : memref<!tpu.dma_semaphore, #tpu.memory_space<semaphore_mem>>)
    %dma_wait3A_558 = arith.constant 768 : i32
    %dma_wait3A_559 = tpu.memref_slice %arg6[%dma_wait3A_558] : memref<2048xi32, #tpu.memory_space<vmem>> -> memref<32xi32, #tpu.memory_space<vmem>>
    %dma_wait3A_560 = tpu.memref_reshape %arg2 : memref<16x16x16x768xf32, #tpu.memory_space<hbm>> -> memref<4096x768xf32, #tpu.memory_space<hbm>>
    %dma_wait3A_561 = arith.constant 0 : i32
    %dma_wait3A_562 = arith.constant 0 : i32
    %dma_wait3A_563 = tpu.memref_slice %dma_wait3A_560[%dma_wait3A_561, %dma_wait3A_562] : memref<4096x768xf32, #tpu.memory_space<hbm>> -> memref<4096x768xf32, #tpu.memory_space<hbm>>
    tpu.wait_indirect_dma semaphore(%arg11 : memref<!tpu.dma_semaphore, #tpu.memory_space<semaphore_mem>>) src(%dma_wait3A_563 : memref<4096x768xf32, #tpu.memory_space<hbm>>) dst(%arg7 : memref<32x768xf32, #tpu.memory_space<vmem>>)
    %add3A_564 = arith.constant 768 : i32
    %add3A_565 = arith.addi %mul3A_2, %add3A_564 : i32
    %dma_start3A_566 = arith.constant 0 : i32
    %dma_start3A_567 = tpu.memref_slice %arg4[%add3A_565, %dma_start3A_566] : memref<65536x768xf32, #tpu.memory_space<hbm>> -> memref<32x768xf32, #tpu.memory_space<hbm>>
    %dma_start3A_568 = arith.constant 0 : i32
    %dma_start3A_569 = tpu.memref_slice %arg4[%add3A_565, %dma_start3A_568] : memref<65536x768xf32, #tpu.memory_space<hbm>> -> memref<32x768xf32, #tpu.memory_space<hbm>>
    tpu.enqueue_dma source(%arg7 : memref<32x768xf32, #tpu.memory_space<vmem>>) target(%dma_start3A_569 : memref<32x768xf32, #tpu.memory_space<hbm>>) target_semaphore(%arg15 : memref<!tpu.dma_semaphore, #tpu.memory_space<semaphore_mem>>)
    %dma_wait3A_570 = arith.constant 0 : i32
    %dma_wait3A_571 = tpu.memref_slice %arg4[%add3A_521, %dma_wait3A_570] : memref<65536x768xf32, #tpu.memory_space<hbm>> -> memref<32x768xf32, #tpu.memory_space<hbm>>
    %dma_wait3A_572 = arith.constant 0 : i32
    %dma_wait3A_573 = tpu.memref_slice %arg4[%add3A_521, %dma_wait3A_572] : memref<65536x768xf32, #tpu.memory_space<hbm>> -> memref<32x768xf32, #tpu.memory_space<hbm>>
    tpu.wait_dma2 semaphore(%arg17 : memref<!tpu.dma_semaphore, #tpu.memory_space<semaphore_mem>>) src(%arg9 : memref<32x768xf32, #tpu.memory_space<vmem>>) dst(%dma_wait3A_573 : memref<32x768xf32, #tpu.memory_space<hbm>>)
    %dma_start3A_574 = arith.constant 832 : i32
    %dma_start3A_575 = tpu.memref_slice %arg6[%dma_start3A_574] : memref<2048xi32, #tpu.memory_space<vmem>> -> memref<32xi32, #tpu.memory_space<vmem>>
    %dma_start3A_576 = tpu.memref_reshape %arg2 : memref<16x16x16x768xf32, #tpu.memory_space<hbm>> -> memref<4096x768xf32, #tpu.memory_space<hbm>>
    %dma_start3A_577 = arith.constant 0 : i32
    %dma_start3A_578 = arith.constant 0 : i32
    %dma_start3A_579 = tpu.memref_slice %dma_start3A_576[%dma_start3A_577, %dma_start3A_578] : memref<4096x768xf32, #tpu.memory_space<hbm>> -> memref<4096x768xf32, #tpu.memory_space<hbm>>
    tpu.enqueue_indirect_dma source(%dma_start3A_579 : memref<4096x768xf32, #tpu.memory_space<hbm>>) target(%arg9 : memref<32x768xf32, #tpu.memory_space<vmem>>) offsets(%dma_start3A_575 : memref<32xi32, #tpu.memory_space<vmem>>) semaphore(%arg13 : memref<!tpu.dma_semaphore, #tpu.memory_space<semaphore_mem>>)
    %dma_wait3A_580 = arith.constant 800 : i32
    %dma_wait3A_581 = tpu.memref_slice %arg6[%dma_wait3A_580] : memref<2048xi32, #tpu.memory_space<vmem>> -> memref<32xi32, #tpu.memory_space<vmem>>
    %dma_wait3A_582 = tpu.memref_reshape %arg2 : memref<16x16x16x768xf32, #tpu.memory_space<hbm>> -> memref<4096x768xf32, #tpu.memory_space<hbm>>
    %dma_wait3A_583 = arith.constant 0 : i32
    %dma_wait3A_584 = arith.constant 0 : i32
    %dma_wait3A_585 = tpu.memref_slice %dma_wait3A_582[%dma_wait3A_583, %dma_wait3A_584] : memref<4096x768xf32, #tpu.memory_space<hbm>> -> memref<4096x768xf32, #tpu.memory_space<hbm>>
    tpu.wait_indirect_dma semaphore(%arg12 : memref<!tpu.dma_semaphore, #tpu.memory_space<semaphore_mem>>) src(%dma_wait3A_585 : memref<4096x768xf32, #tpu.memory_space<hbm>>) dst(%arg8 : memref<32x768xf32, #tpu.memory_space<vmem>>)
    %add3A_586 = arith.constant 800 : i32
    %add3A_587 = arith.addi %mul3A_2, %add3A_586 : i32
    %dma_start3A_588 = arith.constant 0 : i32
    %dma_start3A_589 = tpu.memref_slice %arg4[%add3A_587, %dma_start3A_588] : memref<65536x768xf32, #tpu.memory_space<hbm>> -> memref<32x768xf32, #tpu.memory_space<hbm>>
    %dma_start3A_590 = arith.constant 0 : i32
    %dma_start3A_591 = tpu.memref_slice %arg4[%add3A_587, %dma_start3A_590] : memref<65536x768xf32, #tpu.memory_space<hbm>> -> memref<32x768xf32, #tpu.memory_space<hbm>>
    tpu.enqueue_dma source(%arg8 : memref<32x768xf32, #tpu.memory_space<vmem>>) target(%dma_start3A_591 : memref<32x768xf32, #tpu.memory_space<hbm>>) target_semaphore(%arg16 : memref<!tpu.dma_semaphore, #tpu.memory_space<semaphore_mem>>)
    %dma_wait3A_592 = arith.constant 0 : i32
    %dma_wait3A_593 = tpu.memref_slice %arg4[%add3A_543, %dma_wait3A_592] : memref<65536x768xf32, #tpu.memory_space<hbm>> -> memref<32x768xf32, #tpu.memory_space<hbm>>
    %dma_wait3A_594 = arith.constant 0 : i32
    %dma_wait3A_595 = tpu.memref_slice %arg4[%add3A_543, %dma_wait3A_594] : memref<65536x768xf32, #tpu.memory_space<hbm>> -> memref<32x768xf32, #tpu.memory_space<hbm>>
    tpu.wait_dma2 semaphore(%arg18 : memref<!tpu.dma_semaphore, #tpu.memory_space<semaphore_mem>>) src(%arg10 : memref<32x768xf32, #tpu.memory_space<vmem>>) dst(%dma_wait3A_595 : memref<32x768xf32, #tpu.memory_space<hbm>>)
    %dma_start3A_596 = arith.constant 864 : i32
    %dma_start3A_597 = tpu.memref_slice %arg6[%dma_start3A_596] : memref<2048xi32, #tpu.memory_space<vmem>> -> memref<32xi32, #tpu.memory_space<vmem>>
    %dma_start3A_598 = tpu.memref_reshape %arg2 : memref<16x16x16x768xf32, #tpu.memory_space<hbm>> -> memref<4096x768xf32, #tpu.memory_space<hbm>>
    %dma_start3A_599 = arith.constant 0 : i32
    %dma_start3A_600 = arith.constant 0 : i32
    %dma_start3A_601 = tpu.memref_slice %dma_start3A_598[%dma_start3A_599, %dma_start3A_600] : memref<4096x768xf32, #tpu.memory_space<hbm>> -> memref<4096x768xf32, #tpu.memory_space<hbm>>
    tpu.enqueue_indirect_dma source(%dma_start3A_601 : memref<4096x768xf32, #tpu.memory_space<hbm>>) target(%arg10 : memref<32x768xf32, #tpu.memory_space<vmem>>) offsets(%dma_start3A_597 : memref<32xi32, #tpu.memory_space<vmem>>) semaphore(%arg14 : memref<!tpu.dma_semaphore, #tpu.memory_space<semaphore_mem>>)
    %dma_wait3A_602 = arith.constant 832 : i32
    %dma_wait3A_603 = tpu.memref_slice %arg6[%dma_wait3A_602] : memref<2048xi32, #tpu.memory_space<vmem>> -> memref<32xi32, #tpu.memory_space<vmem>>
    %dma_wait3A_604 = tpu.memref_reshape %arg2 : memref<16x16x16x768xf32, #tpu.memory_space<hbm>> -> memref<4096x768xf32, #tpu.memory_space<hbm>>
    %dma_wait3A_605 = arith.constant 0 : i32
    %dma_wait3A_606 = arith.constant 0 : i32
    %dma_wait3A_607 = tpu.memref_slice %dma_wait3A_604[%dma_wait3A_605, %dma_wait3A_606] : memref<4096x768xf32, #tpu.memory_space<hbm>> -> memref<4096x768xf32, #tpu.memory_space<hbm>>
    tpu.wait_indirect_dma semaphore(%arg13 : memref<!tpu.dma_semaphore, #tpu.memory_space<semaphore_mem>>) src(%dma_wait3A_607 : memref<4096x768xf32, #tpu.memory_space<hbm>>) dst(%arg9 : memref<32x768xf32, #tpu.memory_space<vmem>>)
    %add3A_608 = arith.constant 832 : i32
    %add3A_609 = arith.addi %mul3A_2, %add3A_608 : i32
    %dma_start3A_610 = arith.constant 0 : i32
    %dma_start3A_611 = tpu.memref_slice %arg4[%add3A_609, %dma_start3A_610] : memref<65536x768xf32, #tpu.memory_space<hbm>> -> memref<32x768xf32, #tpu.memory_space<hbm>>
    %dma_start3A_612 = arith.constant 0 : i32
    %dma_start3A_613 = tpu.memref_slice %arg4[%add3A_609, %dma_start3A_612] : memref<65536x768xf32, #tpu.memory_space<hbm>> -> memref<32x768xf32, #tpu.memory_space<hbm>>
    tpu.enqueue_dma source(%arg9 : memref<32x768xf32, #tpu.memory_space<vmem>>) target(%dma_start3A_613 : memref<32x768xf32, #tpu.memory_space<hbm>>) target_semaphore(%arg17 : memref<!tpu.dma_semaphore, #tpu.memory_space<semaphore_mem>>)
    %dma_wait3A_614 = arith.constant 0 : i32
    %dma_wait3A_615 = tpu.memref_slice %arg4[%add3A_565, %dma_wait3A_614] : memref<65536x768xf32, #tpu.memory_space<hbm>> -> memref<32x768xf32, #tpu.memory_space<hbm>>
    %dma_wait3A_616 = arith.constant 0 : i32
    %dma_wait3A_617 = tpu.memref_slice %arg4[%add3A_565, %dma_wait3A_616] : memref<65536x768xf32, #tpu.memory_space<hbm>> -> memref<32x768xf32, #tpu.memory_space<hbm>>
    tpu.wait_dma2 semaphore(%arg15 : memref<!tpu.dma_semaphore, #tpu.memory_space<semaphore_mem>>) src(%arg7 : memref<32x768xf32, #tpu.memory_space<vmem>>) dst(%dma_wait3A_617 : memref<32x768xf32, #tpu.memory_space<hbm>>)
    %dma_start3A_618 = arith.constant 896 : i32
    %dma_start3A_619 = tpu.memref_slice %arg6[%dma_start3A_618] : memref<2048xi32, #tpu.memory_space<vmem>> -> memref<32xi32, #tpu.memory_space<vmem>>
    %dma_start3A_620 = tpu.memref_reshape %arg2 : memref<16x16x16x768xf32, #tpu.memory_space<hbm>> -> memref<4096x768xf32, #tpu.memory_space<hbm>>
    %dma_start3A_621 = arith.constant 0 : i32
    %dma_start3A_622 = arith.constant 0 : i32
    %dma_start3A_623 = tpu.memref_slice %dma_start3A_620[%dma_start3A_621, %dma_start3A_622] : memref<4096x768xf32, #tpu.memory_space<hbm>> -> memref<4096x768xf32, #tpu.memory_space<hbm>>
    tpu.enqueue_indirect_dma source(%dma_start3A_623 : memref<4096x768xf32, #tpu.memory_space<hbm>>) target(%arg7 : memref<32x768xf32, #tpu.memory_space<vmem>>) offsets(%dma_start3A_619 : memref<32xi32, #tpu.memory_space<vmem>>) semaphore(%arg11 : memref<!tpu.dma_semaphore, #tpu.memory_space<semaphore_mem>>)
    %dma_wait3A_624 = arith.constant 864 : i32
    %dma_wait3A_625 = tpu.memref_slice %arg6[%dma_wait3A_624] : memref<2048xi32, #tpu.memory_space<vmem>> -> memref<32xi32, #tpu.memory_space<vmem>>
    %dma_wait3A_626 = tpu.memref_reshape %arg2 : memref<16x16x16x768xf32, #tpu.memory_space<hbm>> -> memref<4096x768xf32, #tpu.memory_space<hbm>>
    %dma_wait3A_627 = arith.constant 0 : i32
    %dma_wait3A_628 = arith.constant 0 : i32
    %dma_wait3A_629 = tpu.memref_slice %dma_wait3A_626[%dma_wait3A_627, %dma_wait3A_628] : memref<4096x768xf32, #tpu.memory_space<hbm>> -> memref<4096x768xf32, #tpu.memory_space<hbm>>
    tpu.wait_indirect_dma semaphore(%arg14 : memref<!tpu.dma_semaphore, #tpu.memory_space<semaphore_mem>>) src(%dma_wait3A_629 : memref<4096x768xf32, #tpu.memory_space<hbm>>) dst(%arg10 : memref<32x768xf32, #tpu.memory_space<vmem>>)
    %add3A_630 = arith.constant 864 : i32
    %add3A_631 = arith.addi %mul3A_2, %add3A_630 : i32
    %dma_start3A_632 = arith.constant 0 : i32
    %dma_start3A_633 = tpu.memref_slice %arg4[%add3A_631, %dma_start3A_632] : memref<65536x768xf32, #tpu.memory_space<hbm>> -> memref<32x768xf32, #tpu.memory_space<hbm>>
    %dma_start3A_634 = arith.constant 0 : i32
    %dma_start3A_635 = tpu.memref_slice %arg4[%add3A_631, %dma_start3A_634] : memref<65536x768xf32, #tpu.memory_space<hbm>> -> memref<32x768xf32, #tpu.memory_space<hbm>>
    tpu.enqueue_dma source(%arg10 : memref<32x768xf32, #tpu.memory_space<vmem>>) target(%dma_start3A_635 : memref<32x768xf32, #tpu.memory_space<hbm>>) target_semaphore(%arg18 : memref<!tpu.dma_semaphore, #tpu.memory_space<semaphore_mem>>)
    %dma_wait3A_636 = arith.constant 0 : i32
    %dma_wait3A_637 = tpu.memref_slice %arg4[%add3A_587, %dma_wait3A_636] : memref<65536x768xf32, #tpu.memory_space<hbm>> -> memref<32x768xf32, #tpu.memory_space<hbm>>
    %dma_wait3A_638 = arith.constant 0 : i32
    %dma_wait3A_639 = tpu.memref_slice %arg4[%add3A_587, %dma_wait3A_638] : memref<65536x768xf32, #tpu.memory_space<hbm>> -> memref<32x768xf32, #tpu.memory_space<hbm>>
    tpu.wait_dma2 semaphore(%arg16 : memref<!tpu.dma_semaphore, #tpu.memory_space<semaphore_mem>>) src(%arg8 : memref<32x768xf32, #tpu.memory_space<vmem>>) dst(%dma_wait3A_639 : memref<32x768xf32, #tpu.memory_space<hbm>>)
    %dma_start3A_640 = arith.constant 928 : i32
    %dma_start3A_641 = tpu.memref_slice %arg6[%dma_start3A_640] : memref<2048xi32, #tpu.memory_space<vmem>> -> memref<32xi32, #tpu.memory_space<vmem>>
    %dma_start3A_642 = tpu.memref_reshape %arg2 : memref<16x16x16x768xf32, #tpu.memory_space<hbm>> -> memref<4096x768xf32, #tpu.memory_space<hbm>>
    %dma_start3A_643 = arith.constant 0 : i32
    %dma_start3A_644 = arith.constant 0 : i32
    %dma_start3A_645 = tpu.memref_slice %dma_start3A_642[%dma_start3A_643, %dma_start3A_644] : memref<4096x768xf32, #tpu.memory_space<hbm>> -> memref<4096x768xf32, #tpu.memory_space<hbm>>
    tpu.enqueue_indirect_dma source(%dma_start3A_645 : memref<4096x768xf32, #tpu.memory_space<hbm>>) target(%arg8 : memref<32x768xf32, #tpu.memory_space<vmem>>) offsets(%dma_start3A_641 : memref<32xi32, #tpu.memory_space<vmem>>) semaphore(%arg12 : memref<!tpu.dma_semaphore, #tpu.memory_space<semaphore_mem>>)
    %dma_wait3A_646 = arith.constant 896 : i32
    %dma_wait3A_647 = tpu.memref_slice %arg6[%dma_wait3A_646] : memref<2048xi32, #tpu.memory_space<vmem>> -> memref<32xi32, #tpu.memory_space<vmem>>
    %dma_wait3A_648 = tpu.memref_reshape %arg2 : memref<16x16x16x768xf32, #tpu.memory_space<hbm>> -> memref<4096x768xf32, #tpu.memory_space<hbm>>
    %dma_wait3A_649 = arith.constant 0 : i32
    %dma_wait3A_650 = arith.constant 0 : i32
    %dma_wait3A_651 = tpu.memref_slice %dma_wait3A_648[%dma_wait3A_649, %dma_wait3A_650] : memref<4096x768xf32, #tpu.memory_space<hbm>> -> memref<4096x768xf32, #tpu.memory_space<hbm>>
    tpu.wait_indirect_dma semaphore(%arg11 : memref<!tpu.dma_semaphore, #tpu.memory_space<semaphore_mem>>) src(%dma_wait3A_651 : memref<4096x768xf32, #tpu.memory_space<hbm>>) dst(%arg7 : memref<32x768xf32, #tpu.memory_space<vmem>>)
    %add3A_652 = arith.constant 896 : i32
    %add3A_653 = arith.addi %mul3A_2, %add3A_652 : i32
    %dma_start3A_654 = arith.constant 0 : i32
    %dma_start3A_655 = tpu.memref_slice %arg4[%add3A_653, %dma_start3A_654] : memref<65536x768xf32, #tpu.memory_space<hbm>> -> memref<32x768xf32, #tpu.memory_space<hbm>>
    %dma_start3A_656 = arith.constant 0 : i32
    %dma_start3A_657 = tpu.memref_slice %arg4[%add3A_653, %dma_start3A_656] : memref<65536x768xf32, #tpu.memory_space<hbm>> -> memref<32x768xf32, #tpu.memory_space<hbm>>
    tpu.enqueue_dma source(%arg7 : memref<32x768xf32, #tpu.memory_space<vmem>>) target(%dma_start3A_657 : memref<32x768xf32, #tpu.memory_space<hbm>>) target_semaphore(%arg15 : memref<!tpu.dma_semaphore, #tpu.memory_space<semaphore_mem>>)
    %dma_wait3A_658 = arith.constant 0 : i32
    %dma_wait3A_659 = tpu.memref_slice %arg4[%add3A_609, %dma_wait3A_658] : memref<65536x768xf32, #tpu.memory_space<hbm>> -> memref<32x768xf32, #tpu.memory_space<hbm>>
    %dma_wait3A_660 = arith.constant 0 : i32
    %dma_wait3A_661 = tpu.memref_slice %arg4[%add3A_609, %dma_wait3A_660] : memref<65536x768xf32, #tpu.memory_space<hbm>> -> memref<32x768xf32, #tpu.memory_space<hbm>>
    tpu.wait_dma2 semaphore(%arg17 : memref<!tpu.dma_semaphore, #tpu.memory_space<semaphore_mem>>) src(%arg9 : memref<32x768xf32, #tpu.memory_space<vmem>>) dst(%dma_wait3A_661 : memref<32x768xf32, #tpu.memory_space<hbm>>)
    %dma_start3A_662 = arith.constant 960 : i32
    %dma_start3A_663 = tpu.memref_slice %arg6[%dma_start3A_662] : memref<2048xi32, #tpu.memory_space<vmem>> -> memref<32xi32, #tpu.memory_space<vmem>>
    %dma_start3A_664 = tpu.memref_reshape %arg2 : memref<16x16x16x768xf32, #tpu.memory_space<hbm>> -> memref<4096x768xf32, #tpu.memory_space<hbm>>
    %dma_start3A_665 = arith.constant 0 : i32
    %dma_start3A_666 = arith.constant 0 : i32
    %dma_start3A_667 = tpu.memref_slice %dma_start3A_664[%dma_start3A_665, %dma_start3A_666] : memref<4096x768xf32, #tpu.memory_space<hbm>> -> memref<4096x768xf32, #tpu.memory_space<hbm>>
    tpu.enqueue_indirect_dma source(%dma_start3A_667 : memref<4096x768xf32, #tpu.memory_space<hbm>>) target(%arg9 : memref<32x768xf32, #tpu.memory_space<vmem>>) offsets(%dma_start3A_663 : memref<32xi32, #tpu.memory_space<vmem>>) semaphore(%arg13 : memref<!tpu.dma_semaphore, #tpu.memory_space<semaphore_mem>>)
    %dma_wait3A_668 = arith.constant 928 : i32
    %dma_wait3A_669 = tpu.memref_slice %arg6[%dma_wait3A_668] : memref<2048xi32, #tpu.memory_space<vmem>> -> memref<32xi32, #tpu.memory_space<vmem>>
    %dma_wait3A_670 = tpu.memref_reshape %arg2 : memref<16x16x16x768xf32, #tpu.memory_space<hbm>> -> memref<4096x768xf32, #tpu.memory_space<hbm>>
    %dma_wait3A_671 = arith.constant 0 : i32
    %dma_wait3A_672 = arith.constant 0 : i32
    %dma_wait3A_673 = tpu.memref_slice %dma_wait3A_670[%dma_wait3A_671, %dma_wait3A_672] : memref<4096x768xf32, #tpu.memory_space<hbm>> -> memref<4096x768xf32, #tpu.memory_space<hbm>>
    tpu.wait_indirect_dma semaphore(%arg12 : memref<!tpu.dma_semaphore, #tpu.memory_space<semaphore_mem>>) src(%dma_wait3A_673 : memref<4096x768xf32, #tpu.memory_space<hbm>>) dst(%arg8 : memref<32x768xf32, #tpu.memory_space<vmem>>)
    %add3A_674 = arith.constant 928 : i32
    %add3A_675 = arith.addi %mul3A_2, %add3A_674 : i32
    %dma_start3A_676 = arith.constant 0 : i32
    %dma_start3A_677 = tpu.memref_slice %arg4[%add3A_675, %dma_start3A_676] : memref<65536x768xf32, #tpu.memory_space<hbm>> -> memref<32x768xf32, #tpu.memory_space<hbm>>
    %dma_start3A_678 = arith.constant 0 : i32
    %dma_start3A_679 = tpu.memref_slice %arg4[%add3A_675, %dma_start3A_678] : memref<65536x768xf32, #tpu.memory_space<hbm>> -> memref<32x768xf32, #tpu.memory_space<hbm>>
    tpu.enqueue_dma source(%arg8 : memref<32x768xf32, #tpu.memory_space<vmem>>) target(%dma_start3A_679 : memref<32x768xf32, #tpu.memory_space<hbm>>) target_semaphore(%arg16 : memref<!tpu.dma_semaphore, #tpu.memory_space<semaphore_mem>>)
    %dma_wait3A_680 = arith.constant 0 : i32
    %dma_wait3A_681 = tpu.memref_slice %arg4[%add3A_631, %dma_wait3A_680] : memref<65536x768xf32, #tpu.memory_space<hbm>> -> memref<32x768xf32, #tpu.memory_space<hbm>>
    %dma_wait3A_682 = arith.constant 0 : i32
    %dma_wait3A_683 = tpu.memref_slice %arg4[%add3A_631, %dma_wait3A_682] : memref<65536x768xf32, #tpu.memory_space<hbm>> -> memref<32x768xf32, #tpu.memory_space<hbm>>
    tpu.wait_dma2 semaphore(%arg18 : memref<!tpu.dma_semaphore, #tpu.memory_space<semaphore_mem>>) src(%arg10 : memref<32x768xf32, #tpu.memory_space<vmem>>) dst(%dma_wait3A_683 : memref<32x768xf32, #tpu.memory_space<hbm>>)
    %dma_start3A_684 = arith.constant 992 : i32
    %dma_start3A_685 = tpu.memref_slice %arg6[%dma_start3A_684] : memref<2048xi32, #tpu.memory_space<vmem>> -> memref<32xi32, #tpu.memory_space<vmem>>
    %dma_start3A_686 = tpu.memref_reshape %arg2 : memref<16x16x16x768xf32, #tpu.memory_space<hbm>> -> memref<4096x768xf32, #tpu.memory_space<hbm>>
    %dma_start3A_687 = arith.constant 0 : i32
    %dma_start3A_688 = arith.constant 0 : i32
    %dma_start3A_689 = tpu.memref_slice %dma_start3A_686[%dma_start3A_687, %dma_start3A_688] : memref<4096x768xf32, #tpu.memory_space<hbm>> -> memref<4096x768xf32, #tpu.memory_space<hbm>>
    tpu.enqueue_indirect_dma source(%dma_start3A_689 : memref<4096x768xf32, #tpu.memory_space<hbm>>) target(%arg10 : memref<32x768xf32, #tpu.memory_space<vmem>>) offsets(%dma_start3A_685 : memref<32xi32, #tpu.memory_space<vmem>>) semaphore(%arg14 : memref<!tpu.dma_semaphore, #tpu.memory_space<semaphore_mem>>)
    %dma_wait3A_690 = arith.constant 960 : i32
    %dma_wait3A_691 = tpu.memref_slice %arg6[%dma_wait3A_690] : memref<2048xi32, #tpu.memory_space<vmem>> -> memref<32xi32, #tpu.memory_space<vmem>>
    %dma_wait3A_692 = tpu.memref_reshape %arg2 : memref<16x16x16x768xf32, #tpu.memory_space<hbm>> -> memref<4096x768xf32, #tpu.memory_space<hbm>>
    %dma_wait3A_693 = arith.constant 0 : i32
    %dma_wait3A_694 = arith.constant 0 : i32
    %dma_wait3A_695 = tpu.memref_slice %dma_wait3A_692[%dma_wait3A_693, %dma_wait3A_694] : memref<4096x768xf32, #tpu.memory_space<hbm>> -> memref<4096x768xf32, #tpu.memory_space<hbm>>
    tpu.wait_indirect_dma semaphore(%arg13 : memref<!tpu.dma_semaphore, #tpu.memory_space<semaphore_mem>>) src(%dma_wait3A_695 : memref<4096x768xf32, #tpu.memory_space<hbm>>) dst(%arg9 : memref<32x768xf32, #tpu.memory_space<vmem>>)
    %add3A_696 = arith.constant 960 : i32
    %add3A_697 = arith.addi %mul3A_2, %add3A_696 : i32
    %dma_start3A_698 = arith.constant 0 : i32
    %dma_start3A_699 = tpu.memref_slice %arg4[%add3A_697, %dma_start3A_698] : memref<65536x768xf32, #tpu.memory_space<hbm>> -> memref<32x768xf32, #tpu.memory_space<hbm>>
    %dma_start3A_700 = arith.constant 0 : i32
    %dma_start3A_701 = tpu.memref_slice %arg4[%add3A_697, %dma_start3A_700] : memref<65536x768xf32, #tpu.memory_space<hbm>> -> memref<32x768xf32, #tpu.memory_space<hbm>>
    tpu.enqueue_dma source(%arg9 : memref<32x768xf32, #tpu.memory_space<vmem>>) target(%dma_start3A_701 : memref<32x768xf32, #tpu.memory_space<hbm>>) target_semaphore(%arg17 : memref<!tpu.dma_semaphore, #tpu.memory_space<semaphore_mem>>)
    %dma_wait3A_702 = arith.constant 0 : i32
    %dma_wait3A_703 = tpu.memref_slice %arg4[%add3A_653, %dma_wait3A_702] : memref<65536x768xf32, #tpu.memory_space<hbm>> -> memref<32x768xf32, #tpu.memory_space<hbm>>
    %dma_wait3A_704 = arith.constant 0 : i32
    %dma_wait3A_705 = tpu.memref_slice %arg4[%add3A_653, %dma_wait3A_704] : memref<65536x768xf32, #tpu.memory_space<hbm>> -> memref<32x768xf32, #tpu.memory_space<hbm>>
    tpu.wait_dma2 semaphore(%arg15 : memref<!tpu.dma_semaphore, #tpu.memory_space<semaphore_mem>>) src(%arg7 : memref<32x768xf32, #tpu.memory_space<vmem>>) dst(%dma_wait3A_705 : memref<32x768xf32, #tpu.memory_space<hbm>>)
    %dma_start3A_706 = arith.constant 1024 : i32
    %dma_start3A_707 = tpu.memref_slice %arg6[%dma_start3A_706] : memref<2048xi32, #tpu.memory_space<vmem>> -> memref<32xi32, #tpu.memory_space<vmem>>
    %dma_start3A_708 = tpu.memref_reshape %arg2 : memref<16x16x16x768xf32, #tpu.memory_space<hbm>> -> memref<4096x768xf32, #tpu.memory_space<hbm>>
    %dma_start3A_709 = arith.constant 0 : i32
    %dma_start3A_710 = arith.constant 0 : i32
    %dma_start3A_711 = tpu.memref_slice %dma_start3A_708[%dma_start3A_709, %dma_start3A_710] : memref<4096x768xf32, #tpu.memory_space<hbm>> -> memref<4096x768xf32, #tpu.memory_space<hbm>>
    tpu.enqueue_indirect_dma source(%dma_start3A_711 : memref<4096x768xf32, #tpu.memory_space<hbm>>) target(%arg7 : memref<32x768xf32, #tpu.memory_space<vmem>>) offsets(%dma_start3A_707 : memref<32xi32, #tpu.memory_space<vmem>>) semaphore(%arg11 : memref<!tpu.dma_semaphore, #tpu.memory_space<semaphore_mem>>)
    %dma_wait3A_712 = arith.constant 992 : i32
    %dma_wait3A_713 = tpu.memref_slice %arg6[%dma_wait3A_712] : memref<2048xi32, #tpu.memory_space<vmem>> -> memref<32xi32, #tpu.memory_space<vmem>>
    %dma_wait3A_714 = tpu.memref_reshape %arg2 : memref<16x16x16x768xf32, #tpu.memory_space<hbm>> -> memref<4096x768xf32, #tpu.memory_space<hbm>>
    %dma_wait3A_715 = arith.constant 0 : i32
    %dma_wait3A_716 = arith.constant 0 : i32
    %dma_wait3A_717 = tpu.memref_slice %dma_wait3A_714[%dma_wait3A_715, %dma_wait3A_716] : memref<4096x768xf32, #tpu.memory_space<hbm>> -> memref<4096x768xf32, #tpu.memory_space<hbm>>
    tpu.wait_indirect_dma semaphore(%arg14 : memref<!tpu.dma_semaphore, #tpu.memory_space<semaphore_mem>>) src(%dma_wait3A_717 : memref<4096x768xf32, #tpu.memory_space<hbm>>) dst(%arg10 : memref<32x768xf32, #tpu.memory_space<vmem>>)
    %add3A_718 = arith.constant 992 : i32
    %add3A_719 = arith.addi %mul3A_2, %add3A_718 : i32
    %dma_start3A_720 = arith.constant 0 : i32
    %dma_start3A_721 = tpu.memref_slice %arg4[%add3A_719, %dma_start3A_720] : memref<65536x768xf32, #tpu.memory_space<hbm>> -> memref<32x768xf32, #tpu.memory_space<hbm>>
    %dma_start3A_722 = arith.constant 0 : i32
    %dma_start3A_723 = tpu.memref_slice %arg4[%add3A_719, %dma_start3A_722] : memref<65536x768xf32, #tpu.memory_space<hbm>> -> memref<32x768xf32, #tpu.memory_space<hbm>>
    tpu.enqueue_dma source(%arg10 : memref<32x768xf32, #tpu.memory_space<vmem>>) target(%dma_start3A_723 : memref<32x768xf32, #tpu.memory_space<hbm>>) target_semaphore(%arg18 : memref<!tpu.dma_semaphore, #tpu.memory_space<semaphore_mem>>)
    %dma_wait3A_724 = arith.constant 0 : i32
    %dma_wait3A_725 = tpu.memref_slice %arg4[%add3A_675, %dma_wait3A_724] : memref<65536x768xf32, #tpu.memory_space<hbm>> -> memref<32x768xf32, #tpu.memory_space<hbm>>
    %dma_wait3A_726 = arith.constant 0 : i32
    %dma_wait3A_727 = tpu.memref_slice %arg4[%add3A_675, %dma_wait3A_726] : memref<65536x768xf32, #tpu.memory_space<hbm>> -> memref<32x768xf32, #tpu.memory_space<hbm>>
    tpu.wait_dma2 semaphore(%arg16 : memref<!tpu.dma_semaphore, #tpu.memory_space<semaphore_mem>>) src(%arg8 : memref<32x768xf32, #tpu.memory_space<vmem>>) dst(%dma_wait3A_727 : memref<32x768xf32, #tpu.memory_space<hbm>>)
    %dma_start3A_728 = arith.constant 1056 : i32
    %dma_start3A_729 = tpu.memref_slice %arg6[%dma_start3A_728] : memref<2048xi32, #tpu.memory_space<vmem>> -> memref<32xi32, #tpu.memory_space<vmem>>
    %dma_start3A_730 = tpu.memref_reshape %arg2 : memref<16x16x16x768xf32, #tpu.memory_space<hbm>> -> memref<4096x768xf32, #tpu.memory_space<hbm>>
    %dma_start3A_731 = arith.constant 0 : i32
    %dma_start3A_732 = arith.constant 0 : i32
    %dma_start3A_733 = tpu.memref_slice %dma_start3A_730[%dma_start3A_731, %dma_start3A_732] : memref<4096x768xf32, #tpu.memory_space<hbm>> -> memref<4096x768xf32, #tpu.memory_space<hbm>>
    tpu.enqueue_indirect_dma source(%dma_start3A_733 : memref<4096x768xf32, #tpu.memory_space<hbm>>) target(%arg8 : memref<32x768xf32, #tpu.memory_space<vmem>>) offsets(%dma_start3A_729 : memref<32xi32, #tpu.memory_space<vmem>>) semaphore(%arg12 : memref<!tpu.dma_semaphore, #tpu.memory_space<semaphore_mem>>)
    %dma_wait3A_734 = arith.constant 1024 : i32
    %dma_wait3A_735 = tpu.memref_slice %arg6[%dma_wait3A_734] : memref<2048xi32, #tpu.memory_space<vmem>> -> memref<32xi32, #tpu.memory_space<vmem>>
    %dma_wait3A_736 = tpu.memref_reshape %arg2 : memref<16x16x16x768xf32, #tpu.memory_space<hbm>> -> memref<4096x768xf32, #tpu.memory_space<hbm>>
    %dma_wait3A_737 = arith.constant 0 : i32
    %dma_wait3A_738 = arith.constant 0 : i32
    %dma_wait3A_739 = tpu.memref_slice %dma_wait3A_736[%dma_wait3A_737, %dma_wait3A_738] : memref<4096x768xf32, #tpu.memory_space<hbm>> -> memref<4096x768xf32, #tpu.memory_space<hbm>>
    tpu.wait_indirect_dma semaphore(%arg11 : memref<!tpu.dma_semaphore, #tpu.memory_space<semaphore_mem>>) src(%dma_wait3A_739 : memref<4096x768xf32, #tpu.memory_space<hbm>>) dst(%arg7 : memref<32x768xf32, #tpu.memory_space<vmem>>)
    %add3A_740 = arith.constant 1024 : i32
    %add3A_741 = arith.addi %mul3A_2, %add3A_740 : i32
    %dma_start3A_742 = arith.constant 0 : i32
    %dma_start3A_743 = tpu.memref_slice %arg4[%add3A_741, %dma_start3A_742] : memref<65536x768xf32, #tpu.memory_space<hbm>> -> memref<32x768xf32, #tpu.memory_space<hbm>>
    %dma_start3A_744 = arith.constant 0 : i32
    %dma_start3A_745 = tpu.memref_slice %arg4[%add3A_741, %dma_start3A_744] : memref<65536x768xf32, #tpu.memory_space<hbm>> -> memref<32x768xf32, #tpu.memory_space<hbm>>
    tpu.enqueue_dma source(%arg7 : memref<32x768xf32, #tpu.memory_space<vmem>>) target(%dma_start3A_745 : memref<32x768xf32, #tpu.memory_space<hbm>>) target_semaphore(%arg15 : memref<!tpu.dma_semaphore, #tpu.memory_space<semaphore_mem>>)
    %dma_wait3A_746 = arith.constant 0 : i32
    %dma_wait3A_747 = tpu.memref_slice %arg4[%add3A_697, %dma_wait3A_746] : memref<65536x768xf32, #tpu.memory_space<hbm>> -> memref<32x768xf32, #tpu.memory_space<hbm>>
    %dma_wait3A_748 = arith.constant 0 : i32
    %dma_wait3A_749 = tpu.memref_slice %arg4[%add3A_697, %dma_wait3A_748] : memref<65536x768xf32, #tpu.memory_space<hbm>> -> memref<32x768xf32, #tpu.memory_space<hbm>>
    tpu.wait_dma2 semaphore(%arg17 : memref<!tpu.dma_semaphore, #tpu.memory_space<semaphore_mem>>) src(%arg9 : memref<32x768xf32, #tpu.memory_space<vmem>>) dst(%dma_wait3A_749 : memref<32x768xf32, #tpu.memory_space<hbm>>)
    %dma_start3A_750 = arith.constant 1088 : i32
    %dma_start3A_751 = tpu.memref_slice %arg6[%dma_start3A_750] : memref<2048xi32, #tpu.memory_space<vmem>> -> memref<32xi32, #tpu.memory_space<vmem>>
    %dma_start3A_752 = tpu.memref_reshape %arg2 : memref<16x16x16x768xf32, #tpu.memory_space<hbm>> -> memref<4096x768xf32, #tpu.memory_space<hbm>>
    %dma_start3A_753 = arith.constant 0 : i32
    %dma_start3A_754 = arith.constant 0 : i32
    %dma_start3A_755 = tpu.memref_slice %dma_start3A_752[%dma_start3A_753, %dma_start3A_754] : memref<4096x768xf32, #tpu.memory_space<hbm>> -> memref<4096x768xf32, #tpu.memory_space<hbm>>
    tpu.enqueue_indirect_dma source(%dma_start3A_755 : memref<4096x768xf32, #tpu.memory_space<hbm>>) target(%arg9 : memref<32x768xf32, #tpu.memory_space<vmem>>) offsets(%dma_start3A_751 : memref<32xi32, #tpu.memory_space<vmem>>) semaphore(%arg13 : memref<!tpu.dma_semaphore, #tpu.memory_space<semaphore_mem>>)
    %dma_wait3A_756 = arith.constant 1056 : i32
    %dma_wait3A_757 = tpu.memref_slice %arg6[%dma_wait3A_756] : memref<2048xi32, #tpu.memory_space<vmem>> -> memref<32xi32, #tpu.memory_space<vmem>>
    %dma_wait3A_758 = tpu.memref_reshape %arg2 : memref<16x16x16x768xf32, #tpu.memory_space<hbm>> -> memref<4096x768xf32, #tpu.memory_space<hbm>>
    %dma_wait3A_759 = arith.constant 0 : i32
    %dma_wait3A_760 = arith.constant 0 : i32
    %dma_wait3A_761 = tpu.memref_slice %dma_wait3A_758[%dma_wait3A_759, %dma_wait3A_760] : memref<4096x768xf32, #tpu.memory_space<hbm>> -> memref<4096x768xf32, #tpu.memory_space<hbm>>
    tpu.wait_indirect_dma semaphore(%arg12 : memref<!tpu.dma_semaphore, #tpu.memory_space<semaphore_mem>>) src(%dma_wait3A_761 : memref<4096x768xf32, #tpu.memory_space<hbm>>) dst(%arg8 : memref<32x768xf32, #tpu.memory_space<vmem>>)
    %add3A_762 = arith.constant 1056 : i32
    %add3A_763 = arith.addi %mul3A_2, %add3A_762 : i32
    %dma_start3A_764 = arith.constant 0 : i32
    %dma_start3A_765 = tpu.memref_slice %arg4[%add3A_763, %dma_start3A_764] : memref<65536x768xf32, #tpu.memory_space<hbm>> -> memref<32x768xf32, #tpu.memory_space<hbm>>
    %dma_start3A_766 = arith.constant 0 : i32
    %dma_start3A_767 = tpu.memref_slice %arg4[%add3A_763, %dma_start3A_766] : memref<65536x768xf32, #tpu.memory_space<hbm>> -> memref<32x768xf32, #tpu.memory_space<hbm>>
    tpu.enqueue_dma source(%arg8 : memref<32x768xf32, #tpu.memory_space<vmem>>) target(%dma_start3A_767 : memref<32x768xf32, #tpu.memory_space<hbm>>) target_semaphore(%arg16 : memref<!tpu.dma_semaphore, #tpu.memory_space<semaphore_mem>>)
    %dma_wait3A_768 = arith.constant 0 : i32
    %dma_wait3A_769 = tpu.memref_slice %arg4[%add3A_719, %dma_wait3A_768] : memref<65536x768xf32, #tpu.memory_space<hbm>> -> memref<32x768xf32, #tpu.memory_space<hbm>>
    %dma_wait3A_770 = arith.constant 0 : i32
    %dma_wait3A_771 = tpu.memref_slice %arg4[%add3A_719, %dma_wait3A_770] : memref<65536x768xf32, #tpu.memory_space<hbm>> -> memref<32x768xf32, #tpu.memory_space<hbm>>
    tpu.wait_dma2 semaphore(%arg18 : memref<!tpu.dma_semaphore, #tpu.memory_space<semaphore_mem>>) src(%arg10 : memref<32x768xf32, #tpu.memory_space<vmem>>) dst(%dma_wait3A_771 : memref<32x768xf32, #tpu.memory_space<hbm>>)
    %dma_start3A_772 = arith.constant 1120 : i32
    %dma_start3A_773 = tpu.memref_slice %arg6[%dma_start3A_772] : memref<2048xi32, #tpu.memory_space<vmem>> -> memref<32xi32, #tpu.memory_space<vmem>>
    %dma_start3A_774 = tpu.memref_reshape %arg2 : memref<16x16x16x768xf32, #tpu.memory_space<hbm>> -> memref<4096x768xf32, #tpu.memory_space<hbm>>
    %dma_start3A_775 = arith.constant 0 : i32
    %dma_start3A_776 = arith.constant 0 : i32
    %dma_start3A_777 = tpu.memref_slice %dma_start3A_774[%dma_start3A_775, %dma_start3A_776] : memref<4096x768xf32, #tpu.memory_space<hbm>> -> memref<4096x768xf32, #tpu.memory_space<hbm>>
    tpu.enqueue_indirect_dma source(%dma_start3A_777 : memref<4096x768xf32, #tpu.memory_space<hbm>>) target(%arg10 : memref<32x768xf32, #tpu.memory_space<vmem>>) offsets(%dma_start3A_773 : memref<32xi32, #tpu.memory_space<vmem>>) semaphore(%arg14 : memref<!tpu.dma_semaphore, #tpu.memory_space<semaphore_mem>>)
    %dma_wait3A_778 = arith.constant 1088 : i32
    %dma_wait3A_779 = tpu.memref_slice %arg6[%dma_wait3A_778] : memref<2048xi32, #tpu.memory_space<vmem>> -> memref<32xi32, #tpu.memory_space<vmem>>
    %dma_wait3A_780 = tpu.memref_reshape %arg2 : memref<16x16x16x768xf32, #tpu.memory_space<hbm>> -> memref<4096x768xf32, #tpu.memory_space<hbm>>
    %dma_wait3A_781 = arith.constant 0 : i32
    %dma_wait3A_782 = arith.constant 0 : i32
    %dma_wait3A_783 = tpu.memref_slice %dma_wait3A_780[%dma_wait3A_781, %dma_wait3A_782] : memref<4096x768xf32, #tpu.memory_space<hbm>> -> memref<4096x768xf32, #tpu.memory_space<hbm>>
    tpu.wait_indirect_dma semaphore(%arg13 : memref<!tpu.dma_semaphore, #tpu.memory_space<semaphore_mem>>) src(%dma_wait3A_783 : memref<4096x768xf32, #tpu.memory_space<hbm>>) dst(%arg9 : memref<32x768xf32, #tpu.memory_space<vmem>>)
    %add3A_784 = arith.constant 1088 : i32
    %add3A_785 = arith.addi %mul3A_2, %add3A_784 : i32
    %dma_start3A_786 = arith.constant 0 : i32
    %dma_start3A_787 = tpu.memref_slice %arg4[%add3A_785, %dma_start3A_786] : memref<65536x768xf32, #tpu.memory_space<hbm>> -> memref<32x768xf32, #tpu.memory_space<hbm>>
    %dma_start3A_788 = arith.constant 0 : i32
    %dma_start3A_789 = tpu.memref_slice %arg4[%add3A_785, %dma_start3A_788] : memref<65536x768xf32, #tpu.memory_space<hbm>> -> memref<32x768xf32, #tpu.memory_space<hbm>>
    tpu.enqueue_dma source(%arg9 : memref<32x768xf32, #tpu.memory_space<vmem>>) target(%dma_start3A_789 : memref<32x768xf32, #tpu.memory_space<hbm>>) target_semaphore(%arg17 : memref<!tpu.dma_semaphore, #tpu.memory_space<semaphore_mem>>)
    %dma_wait3A_790 = arith.constant 0 : i32
    %dma_wait3A_791 = tpu.memref_slice %arg4[%add3A_741, %dma_wait3A_790] : memref<65536x768xf32, #tpu.memory_space<hbm>> -> memref<32x768xf32, #tpu.memory_space<hbm>>
    %dma_wait3A_792 = arith.constant 0 : i32
    %dma_wait3A_793 = tpu.memref_slice %arg4[%add3A_741, %dma_wait3A_792] : memref<65536x768xf32, #tpu.memory_space<hbm>> -> memref<32x768xf32, #tpu.memory_space<hbm>>
    tpu.wait_dma2 semaphore(%arg15 : memref<!tpu.dma_semaphore, #tpu.memory_space<semaphore_mem>>) src(%arg7 : memref<32x768xf32, #tpu.memory_space<vmem>>) dst(%dma_wait3A_793 : memref<32x768xf32, #tpu.memory_space<hbm>>)
    %dma_start3A_794 = arith.constant 1152 : i32
    %dma_start3A_795 = tpu.memref_slice %arg6[%dma_start3A_794] : memref<2048xi32, #tpu.memory_space<vmem>> -> memref<32xi32, #tpu.memory_space<vmem>>
    %dma_start3A_796 = tpu.memref_reshape %arg2 : memref<16x16x16x768xf32, #tpu.memory_space<hbm>> -> memref<4096x768xf32, #tpu.memory_space<hbm>>
    %dma_start3A_797 = arith.constant 0 : i32
    %dma_start3A_798 = arith.constant 0 : i32
    %dma_start3A_799 = tpu.memref_slice %dma_start3A_796[%dma_start3A_797, %dma_start3A_798] : memref<4096x768xf32, #tpu.memory_space<hbm>> -> memref<4096x768xf32, #tpu.memory_space<hbm>>
    tpu.enqueue_indirect_dma source(%dma_start3A_799 : memref<4096x768xf32, #tpu.memory_space<hbm>>) target(%arg7 : memref<32x768xf32, #tpu.memory_space<vmem>>) offsets(%dma_start3A_795 : memref<32xi32, #tpu.memory_space<vmem>>) semaphore(%arg11 : memref<!tpu.dma_semaphore, #tpu.memory_space<semaphore_mem>>)
    %dma_wait3A_800 = arith.constant 1120 : i32
    %dma_wait3A_801 = tpu.memref_slice %arg6[%dma_wait3A_800] : memref<2048xi32, #tpu.memory_space<vmem>> -> memref<32xi32, #tpu.memory_space<vmem>>
    %dma_wait3A_802 = tpu.memref_reshape %arg2 : memref<16x16x16x768xf32, #tpu.memory_space<hbm>> -> memref<4096x768xf32, #tpu.memory_space<hbm>>
    %dma_wait3A_803 = arith.constant 0 : i32
    %dma_wait3A_804 = arith.constant 0 : i32
    %dma_wait3A_805 = tpu.memref_slice %dma_wait3A_802[%dma_wait3A_803, %dma_wait3A_804] : memref<4096x768xf32, #tpu.memory_space<hbm>> -> memref<4096x768xf32, #tpu.memory_space<hbm>>
    tpu.wait_indirect_dma semaphore(%arg14 : memref<!tpu.dma_semaphore, #tpu.memory_space<semaphore_mem>>) src(%dma_wait3A_805 : memref<4096x768xf32, #tpu.memory_space<hbm>>) dst(%arg10 : memref<32x768xf32, #tpu.memory_space<vmem>>)
    %add3A_806 = arith.constant 1120 : i32
    %add3A_807 = arith.addi %mul3A_2, %add3A_806 : i32
    %dma_start3A_808 = arith.constant 0 : i32
    %dma_start3A_809 = tpu.memref_slice %arg4[%add3A_807, %dma_start3A_808] : memref<65536x768xf32, #tpu.memory_space<hbm>> -> memref<32x768xf32, #tpu.memory_space<hbm>>
    %dma_start3A_810 = arith.constant 0 : i32
    %dma_start3A_811 = tpu.memref_slice %arg4[%add3A_807, %dma_start3A_810] : memref<65536x768xf32, #tpu.memory_space<hbm>> -> memref<32x768xf32, #tpu.memory_space<hbm>>
    tpu.enqueue_dma source(%arg10 : memref<32x768xf32, #tpu.memory_space<vmem>>) target(%dma_start3A_811 : memref<32x768xf32, #tpu.memory_space<hbm>>) target_semaphore(%arg18 : memref<!tpu.dma_semaphore, #tpu.memory_space<semaphore_mem>>)
    %dma_wait3A_812 = arith.constant 0 : i32
    %dma_wait3A_813 = tpu.memref_slice %arg4[%add3A_763, %dma_wait3A_812] : memref<65536x768xf32, #tpu.memory_space<hbm>> -> memref<32x768xf32, #tpu.memory_space<hbm>>
    %dma_wait3A_814 = arith.constant 0 : i32
    %dma_wait3A_815 = tpu.memref_slice %arg4[%add3A_763, %dma_wait3A_814] : memref<65536x768xf32, #tpu.memory_space<hbm>> -> memref<32x768xf32, #tpu.memory_space<hbm>>
    tpu.wait_dma2 semaphore(%arg16 : memref<!tpu.dma_semaphore, #tpu.memory_space<semaphore_mem>>) src(%arg8 : memref<32x768xf32, #tpu.memory_space<vmem>>) dst(%dma_wait3A_815 : memref<32x768xf32, #tpu.memory_space<hbm>>)
    %dma_start3A_816 = arith.constant 1184 : i32
    %dma_start3A_817 = tpu.memref_slice %arg6[%dma_start3A_816] : memref<2048xi32, #tpu.memory_space<vmem>> -> memref<32xi32, #tpu.memory_space<vmem>>
    %dma_start3A_818 = tpu.memref_reshape %arg2 : memref<16x16x16x768xf32, #tpu.memory_space<hbm>> -> memref<4096x768xf32, #tpu.memory_space<hbm>>
    %dma_start3A_819 = arith.constant 0 : i32
    %dma_start3A_820 = arith.constant 0 : i32
    %dma_start3A_821 = tpu.memref_slice %dma_start3A_818[%dma_start3A_819, %dma_start3A_820] : memref<4096x768xf32, #tpu.memory_space<hbm>> -> memref<4096x768xf32, #tpu.memory_space<hbm>>
    tpu.enqueue_indirect_dma source(%dma_start3A_821 : memref<4096x768xf32, #tpu.memory_space<hbm>>) target(%arg8 : memref<32x768xf32, #tpu.memory_space<vmem>>) offsets(%dma_start3A_817 : memref<32xi32, #tpu.memory_space<vmem>>) semaphore(%arg12 : memref<!tpu.dma_semaphore, #tpu.memory_space<semaphore_mem>>)
    %dma_wait3A_822 = arith.constant 1152 : i32
    %dma_wait3A_823 = tpu.memref_slice %arg6[%dma_wait3A_822] : memref<2048xi32, #tpu.memory_space<vmem>> -> memref<32xi32, #tpu.memory_space<vmem>>
    %dma_wait3A_824 = tpu.memref_reshape %arg2 : memref<16x16x16x768xf32, #tpu.memory_space<hbm>> -> memref<4096x768xf32, #tpu.memory_space<hbm>>
    %dma_wait3A_825 = arith.constant 0 : i32
    %dma_wait3A_826 = arith.constant 0 : i32
    %dma_wait3A_827 = tpu.memref_slice %dma_wait3A_824[%dma_wait3A_825, %dma_wait3A_826] : memref<4096x768xf32, #tpu.memory_space<hbm>> -> memref<4096x768xf32, #tpu.memory_space<hbm>>
    tpu.wait_indirect_dma semaphore(%arg11 : memref<!tpu.dma_semaphore, #tpu.memory_space<semaphore_mem>>) src(%dma_wait3A_827 : memref<4096x768xf32, #tpu.memory_space<hbm>>) dst(%arg7 : memref<32x768xf32, #tpu.memory_space<vmem>>)
    %add3A_828 = arith.constant 1152 : i32
    %add3A_829 = arith.addi %mul3A_2, %add3A_828 : i32
    %dma_start3A_830 = arith.constant 0 : i32
    %dma_start3A_831 = tpu.memref_slice %arg4[%add3A_829, %dma_start3A_830] : memref<65536x768xf32, #tpu.memory_space<hbm>> -> memref<32x768xf32, #tpu.memory_space<hbm>>
    %dma_start3A_832 = arith.constant 0 : i32
    %dma_start3A_833 = tpu.memref_slice %arg4[%add3A_829, %dma_start3A_832] : memref<65536x768xf32, #tpu.memory_space<hbm>> -> memref<32x768xf32, #tpu.memory_space<hbm>>
    tpu.enqueue_dma source(%arg7 : memref<32x768xf32, #tpu.memory_space<vmem>>) target(%dma_start3A_833 : memref<32x768xf32, #tpu.memory_space<hbm>>) target_semaphore(%arg15 : memref<!tpu.dma_semaphore, #tpu.memory_space<semaphore_mem>>)
    %dma_wait3A_834 = arith.constant 0 : i32
    %dma_wait3A_835 = tpu.memref_slice %arg4[%add3A_785, %dma_wait3A_834] : memref<65536x768xf32, #tpu.memory_space<hbm>> -> memref<32x768xf32, #tpu.memory_space<hbm>>
    %dma_wait3A_836 = arith.constant 0 : i32
    %dma_wait3A_837 = tpu.memref_slice %arg4[%add3A_785, %dma_wait3A_836] : memref<65536x768xf32, #tpu.memory_space<hbm>> -> memref<32x768xf32, #tpu.memory_space<hbm>>
    tpu.wait_dma2 semaphore(%arg17 : memref<!tpu.dma_semaphore, #tpu.memory_space<semaphore_mem>>) src(%arg9 : memref<32x768xf32, #tpu.memory_space<vmem>>) dst(%dma_wait3A_837 : memref<32x768xf32, #tpu.memory_space<hbm>>)
    %dma_start3A_838 = arith.constant 1216 : i32
    %dma_start3A_839 = tpu.memref_slice %arg6[%dma_start3A_838] : memref<2048xi32, #tpu.memory_space<vmem>> -> memref<32xi32, #tpu.memory_space<vmem>>
    %dma_start3A_840 = tpu.memref_reshape %arg2 : memref<16x16x16x768xf32, #tpu.memory_space<hbm>> -> memref<4096x768xf32, #tpu.memory_space<hbm>>
    %dma_start3A_841 = arith.constant 0 : i32
    %dma_start3A_842 = arith.constant 0 : i32
    %dma_start3A_843 = tpu.memref_slice %dma_start3A_840[%dma_start3A_841, %dma_start3A_842] : memref<4096x768xf32, #tpu.memory_space<hbm>> -> memref<4096x768xf32, #tpu.memory_space<hbm>>
    tpu.enqueue_indirect_dma source(%dma_start3A_843 : memref<4096x768xf32, #tpu.memory_space<hbm>>) target(%arg9 : memref<32x768xf32, #tpu.memory_space<vmem>>) offsets(%dma_start3A_839 : memref<32xi32, #tpu.memory_space<vmem>>) semaphore(%arg13 : memref<!tpu.dma_semaphore, #tpu.memory_space<semaphore_mem>>)
    %dma_wait3A_844 = arith.constant 1184 : i32
    %dma_wait3A_845 = tpu.memref_slice %arg6[%dma_wait3A_844] : memref<2048xi32, #tpu.memory_space<vmem>> -> memref<32xi32, #tpu.memory_space<vmem>>
    %dma_wait3A_846 = tpu.memref_reshape %arg2 : memref<16x16x16x768xf32, #tpu.memory_space<hbm>> -> memref<4096x768xf32, #tpu.memory_space<hbm>>
    %dma_wait3A_847 = arith.constant 0 : i32
    %dma_wait3A_848 = arith.constant 0 : i32
    %dma_wait3A_849 = tpu.memref_slice %dma_wait3A_846[%dma_wait3A_847, %dma_wait3A_848] : memref<4096x768xf32, #tpu.memory_space<hbm>> -> memref<4096x768xf32, #tpu.memory_space<hbm>>
    tpu.wait_indirect_dma semaphore(%arg12 : memref<!tpu.dma_semaphore, #tpu.memory_space<semaphore_mem>>) src(%dma_wait3A_849 : memref<4096x768xf32, #tpu.memory_space<hbm>>) dst(%arg8 : memref<32x768xf32, #tpu.memory_space<vmem>>)
    %add3A_850 = arith.constant 1184 : i32
    %add3A_851 = arith.addi %mul3A_2, %add3A_850 : i32
    %dma_start3A_852 = arith.constant 0 : i32
    %dma_start3A_853 = tpu.memref_slice %arg4[%add3A_851, %dma_start3A_852] : memref<65536x768xf32, #tpu.memory_space<hbm>> -> memref<32x768xf32, #tpu.memory_space<hbm>>
    %dma_start3A_854 = arith.constant 0 : i32
    %dma_start3A_855 = tpu.memref_slice %arg4[%add3A_851, %dma_start3A_854] : memref<65536x768xf32, #tpu.memory_space<hbm>> -> memref<32x768xf32, #tpu.memory_space<hbm>>
    tpu.enqueue_dma source(%arg8 : memref<32x768xf32, #tpu.memory_space<vmem>>) target(%dma_start3A_855 : memref<32x768xf32, #tpu.memory_space<hbm>>) target_semaphore(%arg16 : memref<!tpu.dma_semaphore, #tpu.memory_space<semaphore_mem>>)
    %dma_wait3A_856 = arith.constant 0 : i32
    %dma_wait3A_857 = tpu.memref_slice %arg4[%add3A_807, %dma_wait3A_856] : memref<65536x768xf32, #tpu.memory_space<hbm>> -> memref<32x768xf32, #tpu.memory_space<hbm>>
    %dma_wait3A_858 = arith.constant 0 : i32
    %dma_wait3A_859 = tpu.memref_slice %arg4[%add3A_807, %dma_wait3A_858] : memref<65536x768xf32, #tpu.memory_space<hbm>> -> memref<32x768xf32, #tpu.memory_space<hbm>>
    tpu.wait_dma2 semaphore(%arg18 : memref<!tpu.dma_semaphore, #tpu.memory_space<semaphore_mem>>) src(%arg10 : memref<32x768xf32, #tpu.memory_space<vmem>>) dst(%dma_wait3A_859 : memref<32x768xf32, #tpu.memory_space<hbm>>)
    %dma_start3A_860 = arith.constant 1248 : i32
    %dma_start3A_861 = tpu.memref_slice %arg6[%dma_start3A_860] : memref<2048xi32, #tpu.memory_space<vmem>> -> memref<32xi32, #tpu.memory_space<vmem>>
    %dma_start3A_862 = tpu.memref_reshape %arg2 : memref<16x16x16x768xf32, #tpu.memory_space<hbm>> -> memref<4096x768xf32, #tpu.memory_space<hbm>>
    %dma_start3A_863 = arith.constant 0 : i32
    %dma_start3A_864 = arith.constant 0 : i32
    %dma_start3A_865 = tpu.memref_slice %dma_start3A_862[%dma_start3A_863, %dma_start3A_864] : memref<4096x768xf32, #tpu.memory_space<hbm>> -> memref<4096x768xf32, #tpu.memory_space<hbm>>
    tpu.enqueue_indirect_dma source(%dma_start3A_865 : memref<4096x768xf32, #tpu.memory_space<hbm>>) target(%arg10 : memref<32x768xf32, #tpu.memory_space<vmem>>) offsets(%dma_start3A_861 : memref<32xi32, #tpu.memory_space<vmem>>) semaphore(%arg14 : memref<!tpu.dma_semaphore, #tpu.memory_space<semaphore_mem>>)
    %dma_wait3A_866 = arith.constant 1216 : i32
    %dma_wait3A_867 = tpu.memref_slice %arg6[%dma_wait3A_866] : memref<2048xi32, #tpu.memory_space<vmem>> -> memref<32xi32, #tpu.memory_space<vmem>>
    %dma_wait3A_868 = tpu.memref_reshape %arg2 : memref<16x16x16x768xf32, #tpu.memory_space<hbm>> -> memref<4096x768xf32, #tpu.memory_space<hbm>>
    %dma_wait3A_869 = arith.constant 0 : i32
    %dma_wait3A_870 = arith.constant 0 : i32
    %dma_wait3A_871 = tpu.memref_slice %dma_wait3A_868[%dma_wait3A_869, %dma_wait3A_870] : memref<4096x768xf32, #tpu.memory_space<hbm>> -> memref<4096x768xf32, #tpu.memory_space<hbm>>
    tpu.wait_indirect_dma semaphore(%arg13 : memref<!tpu.dma_semaphore, #tpu.memory_space<semaphore_mem>>) src(%dma_wait3A_871 : memref<4096x768xf32, #tpu.memory_space<hbm>>) dst(%arg9 : memref<32x768xf32, #tpu.memory_space<vmem>>)
    %add3A_872 = arith.constant 1216 : i32
    %add3A_873 = arith.addi %mul3A_2, %add3A_872 : i32
    %dma_start3A_874 = arith.constant 0 : i32
    %dma_start3A_875 = tpu.memref_slice %arg4[%add3A_873, %dma_start3A_874] : memref<65536x768xf32, #tpu.memory_space<hbm>> -> memref<32x768xf32, #tpu.memory_space<hbm>>
    %dma_start3A_876 = arith.constant 0 : i32
    %dma_start3A_877 = tpu.memref_slice %arg4[%add3A_873, %dma_start3A_876] : memref<65536x768xf32, #tpu.memory_space<hbm>> -> memref<32x768xf32, #tpu.memory_space<hbm>>
    tpu.enqueue_dma source(%arg9 : memref<32x768xf32, #tpu.memory_space<vmem>>) target(%dma_start3A_877 : memref<32x768xf32, #tpu.memory_space<hbm>>) target_semaphore(%arg17 : memref<!tpu.dma_semaphore, #tpu.memory_space<semaphore_mem>>)
    %dma_wait3A_878 = arith.constant 0 : i32
    %dma_wait3A_879 = tpu.memref_slice %arg4[%add3A_829, %dma_wait3A_878] : memref<65536x768xf32, #tpu.memory_space<hbm>> -> memref<32x768xf32, #tpu.memory_space<hbm>>
    %dma_wait3A_880 = arith.constant 0 : i32
    %dma_wait3A_881 = tpu.memref_slice %arg4[%add3A_829, %dma_wait3A_880] : memref<65536x768xf32, #tpu.memory_space<hbm>> -> memref<32x768xf32, #tpu.memory_space<hbm>>
    tpu.wait_dma2 semaphore(%arg15 : memref<!tpu.dma_semaphore, #tpu.memory_space<semaphore_mem>>) src(%arg7 : memref<32x768xf32, #tpu.memory_space<vmem>>) dst(%dma_wait3A_881 : memref<32x768xf32, #tpu.memory_space<hbm>>)
    %dma_start3A_882 = arith.constant 1280 : i32
    %dma_start3A_883 = tpu.memref_slice %arg6[%dma_start3A_882] : memref<2048xi32, #tpu.memory_space<vmem>> -> memref<32xi32, #tpu.memory_space<vmem>>
    %dma_start3A_884 = tpu.memref_reshape %arg2 : memref<16x16x16x768xf32, #tpu.memory_space<hbm>> -> memref<4096x768xf32, #tpu.memory_space<hbm>>
    %dma_start3A_885 = arith.constant 0 : i32
    %dma_start3A_886 = arith.constant 0 : i32
    %dma_start3A_887 = tpu.memref_slice %dma_start3A_884[%dma_start3A_885, %dma_start3A_886] : memref<4096x768xf32, #tpu.memory_space<hbm>> -> memref<4096x768xf32, #tpu.memory_space<hbm>>
    tpu.enqueue_indirect_dma source(%dma_start3A_887 : memref<4096x768xf32, #tpu.memory_space<hbm>>) target(%arg7 : memref<32x768xf32, #tpu.memory_space<vmem>>) offsets(%dma_start3A_883 : memref<32xi32, #tpu.memory_space<vmem>>) semaphore(%arg11 : memref<!tpu.dma_semaphore, #tpu.memory_space<semaphore_mem>>)
    %dma_wait3A_888 = arith.constant 1248 : i32
    %dma_wait3A_889 = tpu.memref_slice %arg6[%dma_wait3A_888] : memref<2048xi32, #tpu.memory_space<vmem>> -> memref<32xi32, #tpu.memory_space<vmem>>
    %dma_wait3A_890 = tpu.memref_reshape %arg2 : memref<16x16x16x768xf32, #tpu.memory_space<hbm>> -> memref<4096x768xf32, #tpu.memory_space<hbm>>
    %dma_wait3A_891 = arith.constant 0 : i32
    %dma_wait3A_892 = arith.constant 0 : i32
    %dma_wait3A_893 = tpu.memref_slice %dma_wait3A_890[%dma_wait3A_891, %dma_wait3A_892] : memref<4096x768xf32, #tpu.memory_space<hbm>> -> memref<4096x768xf32, #tpu.memory_space<hbm>>
    tpu.wait_indirect_dma semaphore(%arg14 : memref<!tpu.dma_semaphore, #tpu.memory_space<semaphore_mem>>) src(%dma_wait3A_893 : memref<4096x768xf32, #tpu.memory_space<hbm>>) dst(%arg10 : memref<32x768xf32, #tpu.memory_space<vmem>>)
    %add3A_894 = arith.constant 1248 : i32
    %add3A_895 = arith.addi %mul3A_2, %add3A_894 : i32
    %dma_start3A_896 = arith.constant 0 : i32
    %dma_start3A_897 = tpu.memref_slice %arg4[%add3A_895, %dma_start3A_896] : memref<65536x768xf32, #tpu.memory_space<hbm>> -> memref<32x768xf32, #tpu.memory_space<hbm>>
    %dma_start3A_898 = arith.constant 0 : i32
    %dma_start3A_899 = tpu.memref_slice %arg4[%add3A_895, %dma_start3A_898] : memref<65536x768xf32, #tpu.memory_space<hbm>> -> memref<32x768xf32, #tpu.memory_space<hbm>>
    tpu.enqueue_dma source(%arg10 : memref<32x768xf32, #tpu.memory_space<vmem>>) target(%dma_start3A_899 : memref<32x768xf32, #tpu.memory_space<hbm>>) target_semaphore(%arg18 : memref<!tpu.dma_semaphore, #tpu.memory_space<semaphore_mem>>)
    %dma_wait3A_900 = arith.constant 0 : i32
    %dma_wait3A_901 = tpu.memref_slice %arg4[%add3A_851, %dma_wait3A_900] : memref<65536x768xf32, #tpu.memory_space<hbm>> -> memref<32x768xf32, #tpu.memory_space<hbm>>
    %dma_wait3A_902 = arith.constant 0 : i32
    %dma_wait3A_903 = tpu.memref_slice %arg4[%add3A_851, %dma_wait3A_902] : memref<65536x768xf32, #tpu.memory_space<hbm>> -> memref<32x768xf32, #tpu.memory_space<hbm>>
    tpu.wait_dma2 semaphore(%arg16 : memref<!tpu.dma_semaphore, #tpu.memory_space<semaphore_mem>>) src(%arg8 : memref<32x768xf32, #tpu.memory_space<vmem>>) dst(%dma_wait3A_903 : memref<32x768xf32, #tpu.memory_space<hbm>>)
    %dma_start3A_904 = arith.constant 1312 : i32
    %dma_start3A_905 = tpu.memref_slice %arg6[%dma_start3A_904] : memref<2048xi32, #tpu.memory_space<vmem>> -> memref<32xi32, #tpu.memory_space<vmem>>
    %dma_start3A_906 = tpu.memref_reshape %arg2 : memref<16x16x16x768xf32, #tpu.memory_space<hbm>> -> memref<4096x768xf32, #tpu.memory_space<hbm>>
    %dma_start3A_907 = arith.constant 0 : i32
    %dma_start3A_908 = arith.constant 0 : i32
    %dma_start3A_909 = tpu.memref_slice %dma_start3A_906[%dma_start3A_907, %dma_start3A_908] : memref<4096x768xf32, #tpu.memory_space<hbm>> -> memref<4096x768xf32, #tpu.memory_space<hbm>>
    tpu.enqueue_indirect_dma source(%dma_start3A_909 : memref<4096x768xf32, #tpu.memory_space<hbm>>) target(%arg8 : memref<32x768xf32, #tpu.memory_space<vmem>>) offsets(%dma_start3A_905 : memref<32xi32, #tpu.memory_space<vmem>>) semaphore(%arg12 : memref<!tpu.dma_semaphore, #tpu.memory_space<semaphore_mem>>)
    %dma_wait3A_910 = arith.constant 1280 : i32
    %dma_wait3A_911 = tpu.memref_slice %arg6[%dma_wait3A_910] : memref<2048xi32, #tpu.memory_space<vmem>> -> memref<32xi32, #tpu.memory_space<vmem>>
    %dma_wait3A_912 = tpu.memref_reshape %arg2 : memref<16x16x16x768xf32, #tpu.memory_space<hbm>> -> memref<4096x768xf32, #tpu.memory_space<hbm>>
    %dma_wait3A_913 = arith.constant 0 : i32
    %dma_wait3A_914 = arith.constant 0 : i32
    %dma_wait3A_915 = tpu.memref_slice %dma_wait3A_912[%dma_wait3A_913, %dma_wait3A_914] : memref<4096x768xf32, #tpu.memory_space<hbm>> -> memref<4096x768xf32, #tpu.memory_space<hbm>>
    tpu.wait_indirect_dma semaphore(%arg11 : memref<!tpu.dma_semaphore, #tpu.memory_space<semaphore_mem>>) src(%dma_wait3A_915 : memref<4096x768xf32, #tpu.memory_space<hbm>>) dst(%arg7 : memref<32x768xf32, #tpu.memory_space<vmem>>)
    %add3A_916 = arith.constant 1280 : i32
    %add3A_917 = arith.addi %mul3A_2, %add3A_916 : i32
    %dma_start3A_918 = arith.constant 0 : i32
    %dma_start3A_919 = tpu.memref_slice %arg4[%add3A_917, %dma_start3A_918] : memref<65536x768xf32, #tpu.memory_space<hbm>> -> memref<32x768xf32, #tpu.memory_space<hbm>>
    %dma_start3A_920 = arith.constant 0 : i32
    %dma_start3A_921 = tpu.memref_slice %arg4[%add3A_917, %dma_start3A_920] : memref<65536x768xf32, #tpu.memory_space<hbm>> -> memref<32x768xf32, #tpu.memory_space<hbm>>
    tpu.enqueue_dma source(%arg7 : memref<32x768xf32, #tpu.memory_space<vmem>>) target(%dma_start3A_921 : memref<32x768xf32, #tpu.memory_space<hbm>>) target_semaphore(%arg15 : memref<!tpu.dma_semaphore, #tpu.memory_space<semaphore_mem>>)
    %dma_wait3A_922 = arith.constant 0 : i32
    %dma_wait3A_923 = tpu.memref_slice %arg4[%add3A_873, %dma_wait3A_922] : memref<65536x768xf32, #tpu.memory_space<hbm>> -> memref<32x768xf32, #tpu.memory_space<hbm>>
    %dma_wait3A_924 = arith.constant 0 : i32
    %dma_wait3A_925 = tpu.memref_slice %arg4[%add3A_873, %dma_wait3A_924] : memref<65536x768xf32, #tpu.memory_space<hbm>> -> memref<32x768xf32, #tpu.memory_space<hbm>>
    tpu.wait_dma2 semaphore(%arg17 : memref<!tpu.dma_semaphore, #tpu.memory_space<semaphore_mem>>) src(%arg9 : memref<32x768xf32, #tpu.memory_space<vmem>>) dst(%dma_wait3A_925 : memref<32x768xf32, #tpu.memory_space<hbm>>)
    %dma_start3A_926 = arith.constant 1344 : i32
    %dma_start3A_927 = tpu.memref_slice %arg6[%dma_start3A_926] : memref<2048xi32, #tpu.memory_space<vmem>> -> memref<32xi32, #tpu.memory_space<vmem>>
    %dma_start3A_928 = tpu.memref_reshape %arg2 : memref<16x16x16x768xf32, #tpu.memory_space<hbm>> -> memref<4096x768xf32, #tpu.memory_space<hbm>>
    %dma_start3A_929 = arith.constant 0 : i32
    %dma_start3A_930 = arith.constant 0 : i32
    %dma_start3A_931 = tpu.memref_slice %dma_start3A_928[%dma_start3A_929, %dma_start3A_930] : memref<4096x768xf32, #tpu.memory_space<hbm>> -> memref<4096x768xf32, #tpu.memory_space<hbm>>
    tpu.enqueue_indirect_dma source(%dma_start3A_931 : memref<4096x768xf32, #tpu.memory_space<hbm>>) target(%arg9 : memref<32x768xf32, #tpu.memory_space<vmem>>) offsets(%dma_start3A_927 : memref<32xi32, #tpu.memory_space<vmem>>) semaphore(%arg13 : memref<!tpu.dma_semaphore, #tpu.memory_space<semaphore_mem>>)
    %dma_wait3A_932 = arith.constant 1312 : i32
    %dma_wait3A_933 = tpu.memref_slice %arg6[%dma_wait3A_932] : memref<2048xi32, #tpu.memory_space<vmem>> -> memref<32xi32, #tpu.memory_space<vmem>>
    %dma_wait3A_934 = tpu.memref_reshape %arg2 : memref<16x16x16x768xf32, #tpu.memory_space<hbm>> -> memref<4096x768xf32, #tpu.memory_space<hbm>>
    %dma_wait3A_935 = arith.constant 0 : i32
    %dma_wait3A_936 = arith.constant 0 : i32
    %dma_wait3A_937 = tpu.memref_slice %dma_wait3A_934[%dma_wait3A_935, %dma_wait3A_936] : memref<4096x768xf32, #tpu.memory_space<hbm>> -> memref<4096x768xf32, #tpu.memory_space<hbm>>
    tpu.wait_indirect_dma semaphore(%arg12 : memref<!tpu.dma_semaphore, #tpu.memory_space<semaphore_mem>>) src(%dma_wait3A_937 : memref<4096x768xf32, #tpu.memory_space<hbm>>) dst(%arg8 : memref<32x768xf32, #tpu.memory_space<vmem>>)
    %add3A_938 = arith.constant 1312 : i32
    %add3A_939 = arith.addi %mul3A_2, %add3A_938 : i32
    %dma_start3A_940 = arith.constant 0 : i32
    %dma_start3A_941 = tpu.memref_slice %arg4[%add3A_939, %dma_start3A_940] : memref<65536x768xf32, #tpu.memory_space<hbm>> -> memref<32x768xf32, #tpu.memory_space<hbm>>
    %dma_start3A_942 = arith.constant 0 : i32
    %dma_start3A_943 = tpu.memref_slice %arg4[%add3A_939, %dma_start3A_942] : memref<65536x768xf32, #tpu.memory_space<hbm>> -> memref<32x768xf32, #tpu.memory_space<hbm>>
    tpu.enqueue_dma source(%arg8 : memref<32x768xf32, #tpu.memory_space<vmem>>) target(%dma_start3A_943 : memref<32x768xf32, #tpu.memory_space<hbm>>) target_semaphore(%arg16 : memref<!tpu.dma_semaphore, #tpu.memory_space<semaphore_mem>>)
    %dma_wait3A_944 = arith.constant 0 : i32
    %dma_wait3A_945 = tpu.memref_slice %arg4[%add3A_895, %dma_wait3A_944] : memref<65536x768xf32, #tpu.memory_space<hbm>> -> memref<32x768xf32, #tpu.memory_space<hbm>>
    %dma_wait3A_946 = arith.constant 0 : i32
    %dma_wait3A_947 = tpu.memref_slice %arg4[%add3A_895, %dma_wait3A_946] : memref<65536x768xf32, #tpu.memory_space<hbm>> -> memref<32x768xf32, #tpu.memory_space<hbm>>
    tpu.wait_dma2 semaphore(%arg18 : memref<!tpu.dma_semaphore, #tpu.memory_space<semaphore_mem>>) src(%arg10 : memref<32x768xf32, #tpu.memory_space<vmem>>) dst(%dma_wait3A_947 : memref<32x768xf32, #tpu.memory_space<hbm>>)
    %dma_start3A_948 = arith.constant 1376 : i32
    %dma_start3A_949 = tpu.memref_slice %arg6[%dma_start3A_948] : memref<2048xi32, #tpu.memory_space<vmem>> -> memref<32xi32, #tpu.memory_space<vmem>>
    %dma_start3A_950 = tpu.memref_reshape %arg2 : memref<16x16x16x768xf32, #tpu.memory_space<hbm>> -> memref<4096x768xf32, #tpu.memory_space<hbm>>
    %dma_start3A_951 = arith.constant 0 : i32
    %dma_start3A_952 = arith.constant 0 : i32
    %dma_start3A_953 = tpu.memref_slice %dma_start3A_950[%dma_start3A_951, %dma_start3A_952] : memref<4096x768xf32, #tpu.memory_space<hbm>> -> memref<4096x768xf32, #tpu.memory_space<hbm>>
    tpu.enqueue_indirect_dma source(%dma_start3A_953 : memref<4096x768xf32, #tpu.memory_space<hbm>>) target(%arg10 : memref<32x768xf32, #tpu.memory_space<vmem>>) offsets(%dma_start3A_949 : memref<32xi32, #tpu.memory_space<vmem>>) semaphore(%arg14 : memref<!tpu.dma_semaphore, #tpu.memory_space<semaphore_mem>>)
    %dma_wait3A_954 = arith.constant 1344 : i32
    %dma_wait3A_955 = tpu.memref_slice %arg6[%dma_wait3A_954] : memref<2048xi32, #tpu.memory_space<vmem>> -> memref<32xi32, #tpu.memory_space<vmem>>
    %dma_wait3A_956 = tpu.memref_reshape %arg2 : memref<16x16x16x768xf32, #tpu.memory_space<hbm>> -> memref<4096x768xf32, #tpu.memory_space<hbm>>
    %dma_wait3A_957 = arith.constant 0 : i32
    %dma_wait3A_958 = arith.constant 0 : i32
    %dma_wait3A_959 = tpu.memref_slice %dma_wait3A_956[%dma_wait3A_957, %dma_wait3A_958] : memref<4096x768xf32, #tpu.memory_space<hbm>> -> memref<4096x768xf32, #tpu.memory_space<hbm>>
    tpu.wait_indirect_dma semaphore(%arg13 : memref<!tpu.dma_semaphore, #tpu.memory_space<semaphore_mem>>) src(%dma_wait3A_959 : memref<4096x768xf32, #tpu.memory_space<hbm>>) dst(%arg9 : memref<32x768xf32, #tpu.memory_space<vmem>>)
    %add3A_960 = arith.constant 1344 : i32
    %add3A_961 = arith.addi %mul3A_2, %add3A_960 : i32
    %dma_start3A_962 = arith.constant 0 : i32
    %dma_start3A_963 = tpu.memref_slice %arg4[%add3A_961, %dma_start3A_962] : memref<65536x768xf32, #tpu.memory_space<hbm>> -> memref<32x768xf32, #tpu.memory_space<hbm>>
    %dma_start3A_964 = arith.constant 0 : i32
    %dma_start3A_965 = tpu.memref_slice %arg4[%add3A_961, %dma_start3A_964] : memref<65536x768xf32, #tpu.memory_space<hbm>> -> memref<32x768xf32, #tpu.memory_space<hbm>>
    tpu.enqueue_dma source(%arg9 : memref<32x768xf32, #tpu.memory_space<vmem>>) target(%dma_start3A_965 : memref<32x768xf32, #tpu.memory_space<hbm>>) target_semaphore(%arg17 : memref<!tpu.dma_semaphore, #tpu.memory_space<semaphore_mem>>)
    %dma_wait3A_966 = arith.constant 0 : i32
    %dma_wait3A_967 = tpu.memref_slice %arg4[%add3A_917, %dma_wait3A_966] : memref<65536x768xf32, #tpu.memory_space<hbm>> -> memref<32x768xf32, #tpu.memory_space<hbm>>
    %dma_wait3A_968 = arith.constant 0 : i32
    %dma_wait3A_969 = tpu.memref_slice %arg4[%add3A_917, %dma_wait3A_968] : memref<65536x768xf32, #tpu.memory_space<hbm>> -> memref<32x768xf32, #tpu.memory_space<hbm>>
    tpu.wait_dma2 semaphore(%arg15 : memref<!tpu.dma_semaphore, #tpu.memory_space<semaphore_mem>>) src(%arg7 : memref<32x768xf32, #tpu.memory_space<vmem>>) dst(%dma_wait3A_969 : memref<32x768xf32, #tpu.memory_space<hbm>>)
    %dma_start3A_970 = arith.constant 1408 : i32
    %dma_start3A_971 = tpu.memref_slice %arg6[%dma_start3A_970] : memref<2048xi32, #tpu.memory_space<vmem>> -> memref<32xi32, #tpu.memory_space<vmem>>
    %dma_start3A_972 = tpu.memref_reshape %arg2 : memref<16x16x16x768xf32, #tpu.memory_space<hbm>> -> memref<4096x768xf32, #tpu.memory_space<hbm>>
    %dma_start3A_973 = arith.constant 0 : i32
    %dma_start3A_974 = arith.constant 0 : i32
    %dma_start3A_975 = tpu.memref_slice %dma_start3A_972[%dma_start3A_973, %dma_start3A_974] : memref<4096x768xf32, #tpu.memory_space<hbm>> -> memref<4096x768xf32, #tpu.memory_space<hbm>>
    tpu.enqueue_indirect_dma source(%dma_start3A_975 : memref<4096x768xf32, #tpu.memory_space<hbm>>) target(%arg7 : memref<32x768xf32, #tpu.memory_space<vmem>>) offsets(%dma_start3A_971 : memref<32xi32, #tpu.memory_space<vmem>>) semaphore(%arg11 : memref<!tpu.dma_semaphore, #tpu.memory_space<semaphore_mem>>)
    %dma_wait3A_976 = arith.constant 1376 : i32
    %dma_wait3A_977 = tpu.memref_slice %arg6[%dma_wait3A_976] : memref<2048xi32, #tpu.memory_space<vmem>> -> memref<32xi32, #tpu.memory_space<vmem>>
    %dma_wait3A_978 = tpu.memref_reshape %arg2 : memref<16x16x16x768xf32, #tpu.memory_space<hbm>> -> memref<4096x768xf32, #tpu.memory_space<hbm>>
    %dma_wait3A_979 = arith.constant 0 : i32
    %dma_wait3A_980 = arith.constant 0 : i32
    %dma_wait3A_981 = tpu.memref_slice %dma_wait3A_978[%dma_wait3A_979, %dma_wait3A_980] : memref<4096x768xf32, #tpu.memory_space<hbm>> -> memref<4096x768xf32, #tpu.memory_space<hbm>>
    tpu.wait_indirect_dma semaphore(%arg14 : memref<!tpu.dma_semaphore, #tpu.memory_space<semaphore_mem>>) src(%dma_wait3A_981 : memref<4096x768xf32, #tpu.memory_space<hbm>>) dst(%arg10 : memref<32x768xf32, #tpu.memory_space<vmem>>)
    %add3A_982 = arith.constant 1376 : i32
    %add3A_983 = arith.addi %mul3A_2, %add3A_982 : i32
    %dma_start3A_984 = arith.constant 0 : i32
    %dma_start3A_985 = tpu.memref_slice %arg4[%add3A_983, %dma_start3A_984] : memref<65536x768xf32, #tpu.memory_space<hbm>> -> memref<32x768xf32, #tpu.memory_space<hbm>>
    %dma_start3A_986 = arith.constant 0 : i32
    %dma_start3A_987 = tpu.memref_slice %arg4[%add3A_983, %dma_start3A_986] : memref<65536x768xf32, #tpu.memory_space<hbm>> -> memref<32x768xf32, #tpu.memory_space<hbm>>
    tpu.enqueue_dma source(%arg10 : memref<32x768xf32, #tpu.memory_space<vmem>>) target(%dma_start3A_987 : memref<32x768xf32, #tpu.memory_space<hbm>>) target_semaphore(%arg18 : memref<!tpu.dma_semaphore, #tpu.memory_space<semaphore_mem>>)
    %dma_wait3A_988 = arith.constant 0 : i32
    %dma_wait3A_989 = tpu.memref_slice %arg4[%add3A_939, %dma_wait3A_988] : memref<65536x768xf32, #tpu.memory_space<hbm>> -> memref<32x768xf32, #tpu.memory_space<hbm>>
    %dma_wait3A_990 = arith.constant 0 : i32
    %dma_wait3A_991 = tpu.memref_slice %arg4[%add3A_939, %dma_wait3A_990] : memref<65536x768xf32, #tpu.memory_space<hbm>> -> memref<32x768xf32, #tpu.memory_space<hbm>>
    tpu.wait_dma2 semaphore(%arg16 : memref<!tpu.dma_semaphore, #tpu.memory_space<semaphore_mem>>) src(%arg8 : memref<32x768xf32, #tpu.memory_space<vmem>>) dst(%dma_wait3A_991 : memref<32x768xf32, #tpu.memory_space<hbm>>)
    %dma_start3A_992 = arith.constant 1440 : i32
    %dma_start3A_993 = tpu.memref_slice %arg6[%dma_start3A_992] : memref<2048xi32, #tpu.memory_space<vmem>> -> memref<32xi32, #tpu.memory_space<vmem>>
    %dma_start3A_994 = tpu.memref_reshape %arg2 : memref<16x16x16x768xf32, #tpu.memory_space<hbm>> -> memref<4096x768xf32, #tpu.memory_space<hbm>>
    %dma_start3A_995 = arith.constant 0 : i32
    %dma_start3A_996 = arith.constant 0 : i32
    %dma_start3A_997 = tpu.memref_slice %dma_start3A_994[%dma_start3A_995, %dma_start3A_996] : memref<4096x768xf32, #tpu.memory_space<hbm>> -> memref<4096x768xf32, #tpu.memory_space<hbm>>
    tpu.enqueue_indirect_dma source(%dma_start3A_997 : memref<4096x768xf32, #tpu.memory_space<hbm>>) target(%arg8 : memref<32x768xf32, #tpu.memory_space<vmem>>) offsets(%dma_start3A_993 : memref<32xi32, #tpu.memory_space<vmem>>) semaphore(%arg12 : memref<!tpu.dma_semaphore, #tpu.memory_space<semaphore_mem>>)
    %dma_wait3A_998 = arith.constant 1408 : i32
    %dma_wait3A_999 = tpu.memref_slice %arg6[%dma_wait3A_998] : memref<2048xi32, #tpu.memory_space<vmem>> -> memref<32xi32, #tpu.memory_space<vmem>>
    %dma_wait3A_1000 = tpu.memref_reshape %arg2 : memref<16x16x16x768xf32, #tpu.memory_space<hbm>> -> memref<4096x768xf32, #tpu.memory_space<hbm>>
    %dma_wait3A_1001 = arith.constant 0 : i32
    %dma_wait3A_1002 = arith.constant 0 : i32
    %dma_wait3A_1003 = tpu.memref_slice %dma_wait3A_1000[%dma_wait3A_1001, %dma_wait3A_1002] : memref<4096x768xf32, #tpu.memory_space<hbm>> -> memref<4096x768xf32, #tpu.memory_space<hbm>>
    tpu.wait_indirect_dma semaphore(%arg11 : memref<!tpu.dma_semaphore, #tpu.memory_space<semaphore_mem>>) src(%dma_wait3A_1003 : memref<4096x768xf32, #tpu.memory_space<hbm>>) dst(%arg7 : memref<32x768xf32, #tpu.memory_space<vmem>>)
    %add3A_1004 = arith.constant 1408 : i32
    %add3A_1005 = arith.addi %mul3A_2, %add3A_1004 : i32
    %dma_start3A_1006 = arith.constant 0 : i32
    %dma_start3A_1007 = tpu.memref_slice %arg4[%add3A_1005, %dma_start3A_1006] : memref<65536x768xf32, #tpu.memory_space<hbm>> -> memref<32x768xf32, #tpu.memory_space<hbm>>
    %dma_start3A_1008 = arith.constant 0 : i32
    %dma_start3A_1009 = tpu.memref_slice %arg4[%add3A_1005, %dma_start3A_1008] : memref<65536x768xf32, #tpu.memory_space<hbm>> -> memref<32x768xf32, #tpu.memory_space<hbm>>
    tpu.enqueue_dma source(%arg7 : memref<32x768xf32, #tpu.memory_space<vmem>>) target(%dma_start3A_1009 : memref<32x768xf32, #tpu.memory_space<hbm>>) target_semaphore(%arg15 : memref<!tpu.dma_semaphore, #tpu.memory_space<semaphore_mem>>)
    %dma_wait3A_1010 = arith.constant 0 : i32
    %dma_wait3A_1011 = tpu.memref_slice %arg4[%add3A_961, %dma_wait3A_1010] : memref<65536x768xf32, #tpu.memory_space<hbm>> -> memref<32x768xf32, #tpu.memory_space<hbm>>
    %dma_wait3A_1012 = arith.constant 0 : i32
    %dma_wait3A_1013 = tpu.memref_slice %arg4[%add3A_961, %dma_wait3A_1012] : memref<65536x768xf32, #tpu.memory_space<hbm>> -> memref<32x768xf32, #tpu.memory_space<hbm>>
    tpu.wait_dma2 semaphore(%arg17 : memref<!tpu.dma_semaphore, #tpu.memory_space<semaphore_mem>>) src(%arg9 : memref<32x768xf32, #tpu.memory_space<vmem>>) dst(%dma_wait3A_1013 : memref<32x768xf32, #tpu.memory_space<hbm>>)
    %dma_start3A_1014 = arith.constant 1472 : i32
    %dma_start3A_1015 = tpu.memref_slice %arg6[%dma_start3A_1014] : memref<2048xi32, #tpu.memory_space<vmem>> -> memref<32xi32, #tpu.memory_space<vmem>>
    %dma_start3A_1016 = tpu.memref_reshape %arg2 : memref<16x16x16x768xf32, #tpu.memory_space<hbm>> -> memref<4096x768xf32, #tpu.memory_space<hbm>>
    %dma_start3A_1017 = arith.constant 0 : i32
    %dma_start3A_1018 = arith.constant 0 : i32
    %dma_start3A_1019 = tpu.memref_slice %dma_start3A_1016[%dma_start3A_1017, %dma_start3A_1018] : memref<4096x768xf32, #tpu.memory_space<hbm>> -> memref<4096x768xf32, #tpu.memory_space<hbm>>
    tpu.enqueue_indirect_dma source(%dma_start3A_1019 : memref<4096x768xf32, #tpu.memory_space<hbm>>) target(%arg9 : memref<32x768xf32, #tpu.memory_space<vmem>>) offsets(%dma_start3A_1015 : memref<32xi32, #tpu.memory_space<vmem>>) semaphore(%arg13 : memref<!tpu.dma_semaphore, #tpu.memory_space<semaphore_mem>>)
    %dma_wait3A_1020 = arith.constant 1440 : i32
    %dma_wait3A_1021 = tpu.memref_slice %arg6[%dma_wait3A_1020] : memref<2048xi32, #tpu.memory_space<vmem>> -> memref<32xi32, #tpu.memory_space<vmem>>
    %dma_wait3A_1022 = tpu.memref_reshape %arg2 : memref<16x16x16x768xf32, #tpu.memory_space<hbm>> -> memref<4096x768xf32, #tpu.memory_space<hbm>>
    %dma_wait3A_1023 = arith.constant 0 : i32
    %dma_wait3A_1024 = arith.constant 0 : i32
    %dma_wait3A_1025 = tpu.memref_slice %dma_wait3A_1022[%dma_wait3A_1023, %dma_wait3A_1024] : memref<4096x768xf32, #tpu.memory_space<hbm>> -> memref<4096x768xf32, #tpu.memory_space<hbm>>
    tpu.wait_indirect_dma semaphore(%arg12 : memref<!tpu.dma_semaphore, #tpu.memory_space<semaphore_mem>>) src(%dma_wait3A_1025 : memref<4096x768xf32, #tpu.memory_space<hbm>>) dst(%arg8 : memref<32x768xf32, #tpu.memory_space<vmem>>)
    %add3A_1026 = arith.constant 1440 : i32
    %add3A_1027 = arith.addi %mul3A_2, %add3A_1026 : i32
    %dma_start3A_1028 = arith.constant 0 : i32
    %dma_start3A_1029 = tpu.memref_slice %arg4[%add3A_1027, %dma_start3A_1028] : memref<65536x768xf32, #tpu.memory_space<hbm>> -> memref<32x768xf32, #tpu.memory_space<hbm>>
    %dma_start3A_1030 = arith.constant 0 : i32
    %dma_start3A_1031 = tpu.memref_slice %arg4[%add3A_1027, %dma_start3A_1030] : memref<65536x768xf32, #tpu.memory_space<hbm>> -> memref<32x768xf32, #tpu.memory_space<hbm>>
    tpu.enqueue_dma source(%arg8 : memref<32x768xf32, #tpu.memory_space<vmem>>) target(%dma_start3A_1031 : memref<32x768xf32, #tpu.memory_space<hbm>>) target_semaphore(%arg16 : memref<!tpu.dma_semaphore, #tpu.memory_space<semaphore_mem>>)
    %dma_wait3A_1032 = arith.constant 0 : i32
    %dma_wait3A_1033 = tpu.memref_slice %arg4[%add3A_983, %dma_wait3A_1032] : memref<65536x768xf32, #tpu.memory_space<hbm>> -> memref<32x768xf32, #tpu.memory_space<hbm>>
    %dma_wait3A_1034 = arith.constant 0 : i32
    %dma_wait3A_1035 = tpu.memref_slice %arg4[%add3A_983, %dma_wait3A_1034] : memref<65536x768xf32, #tpu.memory_space<hbm>> -> memref<32x768xf32, #tpu.memory_space<hbm>>
    tpu.wait_dma2 semaphore(%arg18 : memref<!tpu.dma_semaphore, #tpu.memory_space<semaphore_mem>>) src(%arg10 : memref<32x768xf32, #tpu.memory_space<vmem>>) dst(%dma_wait3A_1035 : memref<32x768xf32, #tpu.memory_space<hbm>>)
    %dma_start3A_1036 = arith.constant 1504 : i32
    %dma_start3A_1037 = tpu.memref_slice %arg6[%dma_start3A_1036] : memref<2048xi32, #tpu.memory_space<vmem>> -> memref<32xi32, #tpu.memory_space<vmem>>
    %dma_start3A_1038 = tpu.memref_reshape %arg2 : memref<16x16x16x768xf32, #tpu.memory_space<hbm>> -> memref<4096x768xf32, #tpu.memory_space<hbm>>
    %dma_start3A_1039 = arith.constant 0 : i32
    %dma_start3A_1040 = arith.constant 0 : i32
    %dma_start3A_1041 = tpu.memref_slice %dma_start3A_1038[%dma_start3A_1039, %dma_start3A_1040] : memref<4096x768xf32, #tpu.memory_space<hbm>> -> memref<4096x768xf32, #tpu.memory_space<hbm>>
    tpu.enqueue_indirect_dma source(%dma_start3A_1041 : memref<4096x768xf32, #tpu.memory_space<hbm>>) target(%arg10 : memref<32x768xf32, #tpu.memory_space<vmem>>) offsets(%dma_start3A_1037 : memref<32xi32, #tpu.memory_space<vmem>>) semaphore(%arg14 : memref<!tpu.dma_semaphore, #tpu.memory_space<semaphore_mem>>)
    %dma_wait3A_1042 = arith.constant 1472 : i32
    %dma_wait3A_1043 = tpu.memref_slice %arg6[%dma_wait3A_1042] : memref<2048xi32, #tpu.memory_space<vmem>> -> memref<32xi32, #tpu.memory_space<vmem>>
    %dma_wait3A_1044 = tpu.memref_reshape %arg2 : memref<16x16x16x768xf32, #tpu.memory_space<hbm>> -> memref<4096x768xf32, #tpu.memory_space<hbm>>
    %dma_wait3A_1045 = arith.constant 0 : i32
    %dma_wait3A_1046 = arith.constant 0 : i32
    %dma_wait3A_1047 = tpu.memref_slice %dma_wait3A_1044[%dma_wait3A_1045, %dma_wait3A_1046] : memref<4096x768xf32, #tpu.memory_space<hbm>> -> memref<4096x768xf32, #tpu.memory_space<hbm>>
    tpu.wait_indirect_dma semaphore(%arg13 : memref<!tpu.dma_semaphore, #tpu.memory_space<semaphore_mem>>) src(%dma_wait3A_1047 : memref<4096x768xf32, #tpu.memory_space<hbm>>) dst(%arg9 : memref<32x768xf32, #tpu.memory_space<vmem>>)
    %add3A_1048 = arith.constant 1472 : i32
    %add3A_1049 = arith.addi %mul3A_2, %add3A_1048 : i32
    %dma_start3A_1050 = arith.constant 0 : i32
    %dma_start3A_1051 = tpu.memref_slice %arg4[%add3A_1049, %dma_start3A_1050] : memref<65536x768xf32, #tpu.memory_space<hbm>> -> memref<32x768xf32, #tpu.memory_space<hbm>>
    %dma_start3A_1052 = arith.constant 0 : i32
    %dma_start3A_1053 = tpu.memref_slice %arg4[%add3A_1049, %dma_start3A_1052] : memref<65536x768xf32, #tpu.memory_space<hbm>> -> memref<32x768xf32, #tpu.memory_space<hbm>>
    tpu.enqueue_dma source(%arg9 : memref<32x768xf32, #tpu.memory_space<vmem>>) target(%dma_start3A_1053 : memref<32x768xf32, #tpu.memory_space<hbm>>) target_semaphore(%arg17 : memref<!tpu.dma_semaphore, #tpu.memory_space<semaphore_mem>>)
    %dma_wait3A_1054 = arith.constant 0 : i32
    %dma_wait3A_1055 = tpu.memref_slice %arg4[%add3A_1005, %dma_wait3A_1054] : memref<65536x768xf32, #tpu.memory_space<hbm>> -> memref<32x768xf32, #tpu.memory_space<hbm>>
    %dma_wait3A_1056 = arith.constant 0 : i32
    %dma_wait3A_1057 = tpu.memref_slice %arg4[%add3A_1005, %dma_wait3A_1056] : memref<65536x768xf32, #tpu.memory_space<hbm>> -> memref<32x768xf32, #tpu.memory_space<hbm>>
    tpu.wait_dma2 semaphore(%arg15 : memref<!tpu.dma_semaphore, #tpu.memory_space<semaphore_mem>>) src(%arg7 : memref<32x768xf32, #tpu.memory_space<vmem>>) dst(%dma_wait3A_1057 : memref<32x768xf32, #tpu.memory_space<hbm>>)
    %dma_start3A_1058 = arith.constant 1536 : i32
    %dma_start3A_1059 = tpu.memref_slice %arg6[%dma_start3A_1058] : memref<2048xi32, #tpu.memory_space<vmem>> -> memref<32xi32, #tpu.memory_space<vmem>>
    %dma_start3A_1060 = tpu.memref_reshape %arg2 : memref<16x16x16x768xf32, #tpu.memory_space<hbm>> -> memref<4096x768xf32, #tpu.memory_space<hbm>>
    %dma_start3A_1061 = arith.constant 0 : i32
    %dma_start3A_1062 = arith.constant 0 : i32
    %dma_start3A_1063 = tpu.memref_slice %dma_start3A_1060[%dma_start3A_1061, %dma_start3A_1062] : memref<4096x768xf32, #tpu.memory_space<hbm>> -> memref<4096x768xf32, #tpu.memory_space<hbm>>
    tpu.enqueue_indirect_dma source(%dma_start3A_1063 : memref<4096x768xf32, #tpu.memory_space<hbm>>) target(%arg7 : memref<32x768xf32, #tpu.memory_space<vmem>>) offsets(%dma_start3A_1059 : memref<32xi32, #tpu.memory_space<vmem>>) semaphore(%arg11 : memref<!tpu.dma_semaphore, #tpu.memory_space<semaphore_mem>>)
    %dma_wait3A_1064 = arith.constant 1504 : i32
    %dma_wait3A_1065 = tpu.memref_slice %arg6[%dma_wait3A_1064] : memref<2048xi32, #tpu.memory_space<vmem>> -> memref<32xi32, #tpu.memory_space<vmem>>
    %dma_wait3A_1066 = tpu.memref_reshape %arg2 : memref<16x16x16x768xf32, #tpu.memory_space<hbm>> -> memref<4096x768xf32, #tpu.memory_space<hbm>>
    %dma_wait3A_1067 = arith.constant 0 : i32
    %dma_wait3A_1068 = arith.constant 0 : i32
    %dma_wait3A_1069 = tpu.memref_slice %dma_wait3A_1066[%dma_wait3A_1067, %dma_wait3A_1068] : memref<4096x768xf32, #tpu.memory_space<hbm>> -> memref<4096x768xf32, #tpu.memory_space<hbm>>
    tpu.wait_indirect_dma semaphore(%arg14 : memref<!tpu.dma_semaphore, #tpu.memory_space<semaphore_mem>>) src(%dma_wait3A_1069 : memref<4096x768xf32, #tpu.memory_space<hbm>>) dst(%arg10 : memref<32x768xf32, #tpu.memory_space<vmem>>)
    %add3A_1070 = arith.constant 1504 : i32
    %add3A_1071 = arith.addi %mul3A_2, %add3A_1070 : i32
    %dma_start3A_1072 = arith.constant 0 : i32
    %dma_start3A_1073 = tpu.memref_slice %arg4[%add3A_1071, %dma_start3A_1072] : memref<65536x768xf32, #tpu.memory_space<hbm>> -> memref<32x768xf32, #tpu.memory_space<hbm>>
    %dma_start3A_1074 = arith.constant 0 : i32
    %dma_start3A_1075 = tpu.memref_slice %arg4[%add3A_1071, %dma_start3A_1074] : memref<65536x768xf32, #tpu.memory_space<hbm>> -> memref<32x768xf32, #tpu.memory_space<hbm>>
    tpu.enqueue_dma source(%arg10 : memref<32x768xf32, #tpu.memory_space<vmem>>) target(%dma_start3A_1075 : memref<32x768xf32, #tpu.memory_space<hbm>>) target_semaphore(%arg18 : memref<!tpu.dma_semaphore, #tpu.memory_space<semaphore_mem>>)
    %dma_wait3A_1076 = arith.constant 0 : i32
    %dma_wait3A_1077 = tpu.memref_slice %arg4[%add3A_1027, %dma_wait3A_1076] : memref<65536x768xf32, #tpu.memory_space<hbm>> -> memref<32x768xf32, #tpu.memory_space<hbm>>
    %dma_wait3A_1078 = arith.constant 0 : i32
    %dma_wait3A_1079 = tpu.memref_slice %arg4[%add3A_1027, %dma_wait3A_1078] : memref<65536x768xf32, #tpu.memory_space<hbm>> -> memref<32x768xf32, #tpu.memory_space<hbm>>
    tpu.wait_dma2 semaphore(%arg16 : memref<!tpu.dma_semaphore, #tpu.memory_space<semaphore_mem>>) src(%arg8 : memref<32x768xf32, #tpu.memory_space<vmem>>) dst(%dma_wait3A_1079 : memref<32x768xf32, #tpu.memory_space<hbm>>)
    %dma_start3A_1080 = arith.constant 1568 : i32
    %dma_start3A_1081 = tpu.memref_slice %arg6[%dma_start3A_1080] : memref<2048xi32, #tpu.memory_space<vmem>> -> memref<32xi32, #tpu.memory_space<vmem>>
    %dma_start3A_1082 = tpu.memref_reshape %arg2 : memref<16x16x16x768xf32, #tpu.memory_space<hbm>> -> memref<4096x768xf32, #tpu.memory_space<hbm>>
    %dma_start3A_1083 = arith.constant 0 : i32
    %dma_start3A_1084 = arith.constant 0 : i32
    %dma_start3A_1085 = tpu.memref_slice %dma_start3A_1082[%dma_start3A_1083, %dma_start3A_1084] : memref<4096x768xf32, #tpu.memory_space<hbm>> -> memref<4096x768xf32, #tpu.memory_space<hbm>>
    tpu.enqueue_indirect_dma source(%dma_start3A_1085 : memref<4096x768xf32, #tpu.memory_space<hbm>>) target(%arg8 : memref<32x768xf32, #tpu.memory_space<vmem>>) offsets(%dma_start3A_1081 : memref<32xi32, #tpu.memory_space<vmem>>) semaphore(%arg12 : memref<!tpu.dma_semaphore, #tpu.memory_space<semaphore_mem>>)
    %dma_wait3A_1086 = arith.constant 1536 : i32
    %dma_wait3A_1087 = tpu.memref_slice %arg6[%dma_wait3A_1086] : memref<2048xi32, #tpu.memory_space<vmem>> -> memref<32xi32, #tpu.memory_space<vmem>>
    %dma_wait3A_1088 = tpu.memref_reshape %arg2 : memref<16x16x16x768xf32, #tpu.memory_space<hbm>> -> memref<4096x768xf32, #tpu.memory_space<hbm>>
    %dma_wait3A_1089 = arith.constant 0 : i32
    %dma_wait3A_1090 = arith.constant 0 : i32
    %dma_wait3A_1091 = tpu.memref_slice %dma_wait3A_1088[%dma_wait3A_1089, %dma_wait3A_1090] : memref<4096x768xf32, #tpu.memory_space<hbm>> -> memref<4096x768xf32, #tpu.memory_space<hbm>>
    tpu.wait_indirect_dma semaphore(%arg11 : memref<!tpu.dma_semaphore, #tpu.memory_space<semaphore_mem>>) src(%dma_wait3A_1091 : memref<4096x768xf32, #tpu.memory_space<hbm>>) dst(%arg7 : memref<32x768xf32, #tpu.memory_space<vmem>>)
    %add3A_1092 = arith.constant 1536 : i32
    %add3A_1093 = arith.addi %mul3A_2, %add3A_1092 : i32
    %dma_start3A_1094 = arith.constant 0 : i32
    %dma_start3A_1095 = tpu.memref_slice %arg4[%add3A_1093, %dma_start3A_1094] : memref<65536x768xf32, #tpu.memory_space<hbm>> -> memref<32x768xf32, #tpu.memory_space<hbm>>
    %dma_start3A_1096 = arith.constant 0 : i32
    %dma_start3A_1097 = tpu.memref_slice %arg4[%add3A_1093, %dma_start3A_1096] : memref<65536x768xf32, #tpu.memory_space<hbm>> -> memref<32x768xf32, #tpu.memory_space<hbm>>
    tpu.enqueue_dma source(%arg7 : memref<32x768xf32, #tpu.memory_space<vmem>>) target(%dma_start3A_1097 : memref<32x768xf32, #tpu.memory_space<hbm>>) target_semaphore(%arg15 : memref<!tpu.dma_semaphore, #tpu.memory_space<semaphore_mem>>)
    %dma_wait3A_1098 = arith.constant 0 : i32
    %dma_wait3A_1099 = tpu.memref_slice %arg4[%add3A_1049, %dma_wait3A_1098] : memref<65536x768xf32, #tpu.memory_space<hbm>> -> memref<32x768xf32, #tpu.memory_space<hbm>>
    %dma_wait3A_1100 = arith.constant 0 : i32
    %dma_wait3A_1101 = tpu.memref_slice %arg4[%add3A_1049, %dma_wait3A_1100] : memref<65536x768xf32, #tpu.memory_space<hbm>> -> memref<32x768xf32, #tpu.memory_space<hbm>>
    tpu.wait_dma2 semaphore(%arg17 : memref<!tpu.dma_semaphore, #tpu.memory_space<semaphore_mem>>) src(%arg9 : memref<32x768xf32, #tpu.memory_space<vmem>>) dst(%dma_wait3A_1101 : memref<32x768xf32, #tpu.memory_space<hbm>>)
    %dma_start3A_1102 = arith.constant 1600 : i32
    %dma_start3A_1103 = tpu.memref_slice %arg6[%dma_start3A_1102] : memref<2048xi32, #tpu.memory_space<vmem>> -> memref<32xi32, #tpu.memory_space<vmem>>
    %dma_start3A_1104 = tpu.memref_reshape %arg2 : memref<16x16x16x768xf32, #tpu.memory_space<hbm>> -> memref<4096x768xf32, #tpu.memory_space<hbm>>
    %dma_start3A_1105 = arith.constant 0 : i32
    %dma_start3A_1106 = arith.constant 0 : i32
    %dma_start3A_1107 = tpu.memref_slice %dma_start3A_1104[%dma_start3A_1105, %dma_start3A_1106] : memref<4096x768xf32, #tpu.memory_space<hbm>> -> memref<4096x768xf32, #tpu.memory_space<hbm>>
    tpu.enqueue_indirect_dma source(%dma_start3A_1107 : memref<4096x768xf32, #tpu.memory_space<hbm>>) target(%arg9 : memref<32x768xf32, #tpu.memory_space<vmem>>) offsets(%dma_start3A_1103 : memref<32xi32, #tpu.memory_space<vmem>>) semaphore(%arg13 : memref<!tpu.dma_semaphore, #tpu.memory_space<semaphore_mem>>)
    %dma_wait3A_1108 = arith.constant 1568 : i32
    %dma_wait3A_1109 = tpu.memref_slice %arg6[%dma_wait3A_1108] : memref<2048xi32, #tpu.memory_space<vmem>> -> memref<32xi32, #tpu.memory_space<vmem>>
    %dma_wait3A_1110 = tpu.memref_reshape %arg2 : memref<16x16x16x768xf32, #tpu.memory_space<hbm>> -> memref<4096x768xf32, #tpu.memory_space<hbm>>
    %dma_wait3A_1111 = arith.constant 0 : i32
    %dma_wait3A_1112 = arith.constant 0 : i32
    %dma_wait3A_1113 = tpu.memref_slice %dma_wait3A_1110[%dma_wait3A_1111, %dma_wait3A_1112] : memref<4096x768xf32, #tpu.memory_space<hbm>> -> memref<4096x768xf32, #tpu.memory_space<hbm>>
    tpu.wait_indirect_dma semaphore(%arg12 : memref<!tpu.dma_semaphore, #tpu.memory_space<semaphore_mem>>) src(%dma_wait3A_1113 : memref<4096x768xf32, #tpu.memory_space<hbm>>) dst(%arg8 : memref<32x768xf32, #tpu.memory_space<vmem>>)
    %add3A_1114 = arith.constant 1568 : i32
    %add3A_1115 = arith.addi %mul3A_2, %add3A_1114 : i32
    %dma_start3A_1116 = arith.constant 0 : i32
    %dma_start3A_1117 = tpu.memref_slice %arg4[%add3A_1115, %dma_start3A_1116] : memref<65536x768xf32, #tpu.memory_space<hbm>> -> memref<32x768xf32, #tpu.memory_space<hbm>>
    %dma_start3A_1118 = arith.constant 0 : i32
    %dma_start3A_1119 = tpu.memref_slice %arg4[%add3A_1115, %dma_start3A_1118] : memref<65536x768xf32, #tpu.memory_space<hbm>> -> memref<32x768xf32, #tpu.memory_space<hbm>>
    tpu.enqueue_dma source(%arg8 : memref<32x768xf32, #tpu.memory_space<vmem>>) target(%dma_start3A_1119 : memref<32x768xf32, #tpu.memory_space<hbm>>) target_semaphore(%arg16 : memref<!tpu.dma_semaphore, #tpu.memory_space<semaphore_mem>>)
    %dma_wait3A_1120 = arith.constant 0 : i32
    %dma_wait3A_1121 = tpu.memref_slice %arg4[%add3A_1071, %dma_wait3A_1120] : memref<65536x768xf32, #tpu.memory_space<hbm>> -> memref<32x768xf32, #tpu.memory_space<hbm>>
    %dma_wait3A_1122 = arith.constant 0 : i32
    %dma_wait3A_1123 = tpu.memref_slice %arg4[%add3A_1071, %dma_wait3A_1122] : memref<65536x768xf32, #tpu.memory_space<hbm>> -> memref<32x768xf32, #tpu.memory_space<hbm>>
    tpu.wait_dma2 semaphore(%arg18 : memref<!tpu.dma_semaphore, #tpu.memory_space<semaphore_mem>>) src(%arg10 : memref<32x768xf32, #tpu.memory_space<vmem>>) dst(%dma_wait3A_1123 : memref<32x768xf32, #tpu.memory_space<hbm>>)
    %dma_start3A_1124 = arith.constant 1632 : i32
    %dma_start3A_1125 = tpu.memref_slice %arg6[%dma_start3A_1124] : memref<2048xi32, #tpu.memory_space<vmem>> -> memref<32xi32, #tpu.memory_space<vmem>>
    %dma_start3A_1126 = tpu.memref_reshape %arg2 : memref<16x16x16x768xf32, #tpu.memory_space<hbm>> -> memref<4096x768xf32, #tpu.memory_space<hbm>>
    %dma_start3A_1127 = arith.constant 0 : i32
    %dma_start3A_1128 = arith.constant 0 : i32
    %dma_start3A_1129 = tpu.memref_slice %dma_start3A_1126[%dma_start3A_1127, %dma_start3A_1128] : memref<4096x768xf32, #tpu.memory_space<hbm>> -> memref<4096x768xf32, #tpu.memory_space<hbm>>
    tpu.enqueue_indirect_dma source(%dma_start3A_1129 : memref<4096x768xf32, #tpu.memory_space<hbm>>) target(%arg10 : memref<32x768xf32, #tpu.memory_space<vmem>>) offsets(%dma_start3A_1125 : memref<32xi32, #tpu.memory_space<vmem>>) semaphore(%arg14 : memref<!tpu.dma_semaphore, #tpu.memory_space<semaphore_mem>>)
    %dma_wait3A_1130 = arith.constant 1600 : i32
    %dma_wait3A_1131 = tpu.memref_slice %arg6[%dma_wait3A_1130] : memref<2048xi32, #tpu.memory_space<vmem>> -> memref<32xi32, #tpu.memory_space<vmem>>
    %dma_wait3A_1132 = tpu.memref_reshape %arg2 : memref<16x16x16x768xf32, #tpu.memory_space<hbm>> -> memref<4096x768xf32, #tpu.memory_space<hbm>>
    %dma_wait3A_1133 = arith.constant 0 : i32
    %dma_wait3A_1134 = arith.constant 0 : i32
    %dma_wait3A_1135 = tpu.memref_slice %dma_wait3A_1132[%dma_wait3A_1133, %dma_wait3A_1134] : memref<4096x768xf32, #tpu.memory_space<hbm>> -> memref<4096x768xf32, #tpu.memory_space<hbm>>
    tpu.wait_indirect_dma semaphore(%arg13 : memref<!tpu.dma_semaphore, #tpu.memory_space<semaphore_mem>>) src(%dma_wait3A_1135 : memref<4096x768xf32, #tpu.memory_space<hbm>>) dst(%arg9 : memref<32x768xf32, #tpu.memory_space<vmem>>)
    %add3A_1136 = arith.constant 1600 : i32
    %add3A_1137 = arith.addi %mul3A_2, %add3A_1136 : i32
    %dma_start3A_1138 = arith.constant 0 : i32
    %dma_start3A_1139 = tpu.memref_slice %arg4[%add3A_1137, %dma_start3A_1138] : memref<65536x768xf32, #tpu.memory_space<hbm>> -> memref<32x768xf32, #tpu.memory_space<hbm>>
    %dma_start3A_1140 = arith.constant 0 : i32
    %dma_start3A_1141 = tpu.memref_slice %arg4[%add3A_1137, %dma_start3A_1140] : memref<65536x768xf32, #tpu.memory_space<hbm>> -> memref<32x768xf32, #tpu.memory_space<hbm>>
    tpu.enqueue_dma source(%arg9 : memref<32x768xf32, #tpu.memory_space<vmem>>) target(%dma_start3A_1141 : memref<32x768xf32, #tpu.memory_space<hbm>>) target_semaphore(%arg17 : memref<!tpu.dma_semaphore, #tpu.memory_space<semaphore_mem>>)
    %dma_wait3A_1142 = arith.constant 0 : i32
    %dma_wait3A_1143 = tpu.memref_slice %arg4[%add3A_1093, %dma_wait3A_1142] : memref<65536x768xf32, #tpu.memory_space<hbm>> -> memref<32x768xf32, #tpu.memory_space<hbm>>
    %dma_wait3A_1144 = arith.constant 0 : i32
    %dma_wait3A_1145 = tpu.memref_slice %arg4[%add3A_1093, %dma_wait3A_1144] : memref<65536x768xf32, #tpu.memory_space<hbm>> -> memref<32x768xf32, #tpu.memory_space<hbm>>
    tpu.wait_dma2 semaphore(%arg15 : memref<!tpu.dma_semaphore, #tpu.memory_space<semaphore_mem>>) src(%arg7 : memref<32x768xf32, #tpu.memory_space<vmem>>) dst(%dma_wait3A_1145 : memref<32x768xf32, #tpu.memory_space<hbm>>)
    %dma_start3A_1146 = arith.constant 1664 : i32
    %dma_start3A_1147 = tpu.memref_slice %arg6[%dma_start3A_1146] : memref<2048xi32, #tpu.memory_space<vmem>> -> memref<32xi32, #tpu.memory_space<vmem>>
    %dma_start3A_1148 = tpu.memref_reshape %arg2 : memref<16x16x16x768xf32, #tpu.memory_space<hbm>> -> memref<4096x768xf32, #tpu.memory_space<hbm>>
    %dma_start3A_1149 = arith.constant 0 : i32
    %dma_start3A_1150 = arith.constant 0 : i32
    %dma_start3A_1151 = tpu.memref_slice %dma_start3A_1148[%dma_start3A_1149, %dma_start3A_1150] : memref<4096x768xf32, #tpu.memory_space<hbm>> -> memref<4096x768xf32, #tpu.memory_space<hbm>>
    tpu.enqueue_indirect_dma source(%dma_start3A_1151 : memref<4096x768xf32, #tpu.memory_space<hbm>>) target(%arg7 : memref<32x768xf32, #tpu.memory_space<vmem>>) offsets(%dma_start3A_1147 : memref<32xi32, #tpu.memory_space<vmem>>) semaphore(%arg11 : memref<!tpu.dma_semaphore, #tpu.memory_space<semaphore_mem>>)
    %dma_wait3A_1152 = arith.constant 1632 : i32
    %dma_wait3A_1153 = tpu.memref_slice %arg6[%dma_wait3A_1152] : memref<2048xi32, #tpu.memory_space<vmem>> -> memref<32xi32, #tpu.memory_space<vmem>>
    %dma_wait3A_1154 = tpu.memref_reshape %arg2 : memref<16x16x16x768xf32, #tpu.memory_space<hbm>> -> memref<4096x768xf32, #tpu.memory_space<hbm>>
    %dma_wait3A_1155 = arith.constant 0 : i32
    %dma_wait3A_1156 = arith.constant 0 : i32
    %dma_wait3A_1157 = tpu.memref_slice %dma_wait3A_1154[%dma_wait3A_1155, %dma_wait3A_1156] : memref<4096x768xf32, #tpu.memory_space<hbm>> -> memref<4096x768xf32, #tpu.memory_space<hbm>>
    tpu.wait_indirect_dma semaphore(%arg14 : memref<!tpu.dma_semaphore, #tpu.memory_space<semaphore_mem>>) src(%dma_wait3A_1157 : memref<4096x768xf32, #tpu.memory_space<hbm>>) dst(%arg10 : memref<32x768xf32, #tpu.memory_space<vmem>>)
    %add3A_1158 = arith.constant 1632 : i32
    %add3A_1159 = arith.addi %mul3A_2, %add3A_1158 : i32
    %dma_start3A_1160 = arith.constant 0 : i32
    %dma_start3A_1161 = tpu.memref_slice %arg4[%add3A_1159, %dma_start3A_1160] : memref<65536x768xf32, #tpu.memory_space<hbm>> -> memref<32x768xf32, #tpu.memory_space<hbm>>
    %dma_start3A_1162 = arith.constant 0 : i32
    %dma_start3A_1163 = tpu.memref_slice %arg4[%add3A_1159, %dma_start3A_1162] : memref<65536x768xf32, #tpu.memory_space<hbm>> -> memref<32x768xf32, #tpu.memory_space<hbm>>
    tpu.enqueue_dma source(%arg10 : memref<32x768xf32, #tpu.memory_space<vmem>>) target(%dma_start3A_1163 : memref<32x768xf32, #tpu.memory_space<hbm>>) target_semaphore(%arg18 : memref<!tpu.dma_semaphore, #tpu.memory_space<semaphore_mem>>)
    %dma_wait3A_1164 = arith.constant 0 : i32
    %dma_wait3A_1165 = tpu.memref_slice %arg4[%add3A_1115, %dma_wait3A_1164] : memref<65536x768xf32, #tpu.memory_space<hbm>> -> memref<32x768xf32, #tpu.memory_space<hbm>>
    %dma_wait3A_1166 = arith.constant 0 : i32
    %dma_wait3A_1167 = tpu.memref_slice %arg4[%add3A_1115, %dma_wait3A_1166] : memref<65536x768xf32, #tpu.memory_space<hbm>> -> memref<32x768xf32, #tpu.memory_space<hbm>>
    tpu.wait_dma2 semaphore(%arg16 : memref<!tpu.dma_semaphore, #tpu.memory_space<semaphore_mem>>) src(%arg8 : memref<32x768xf32, #tpu.memory_space<vmem>>) dst(%dma_wait3A_1167 : memref<32x768xf32, #tpu.memory_space<hbm>>)
    %dma_start3A_1168 = arith.constant 1696 : i32
    %dma_start3A_1169 = tpu.memref_slice %arg6[%dma_start3A_1168] : memref<2048xi32, #tpu.memory_space<vmem>> -> memref<32xi32, #tpu.memory_space<vmem>>
    %dma_start3A_1170 = tpu.memref_reshape %arg2 : memref<16x16x16x768xf32, #tpu.memory_space<hbm>> -> memref<4096x768xf32, #tpu.memory_space<hbm>>
    %dma_start3A_1171 = arith.constant 0 : i32
    %dma_start3A_1172 = arith.constant 0 : i32
    %dma_start3A_1173 = tpu.memref_slice %dma_start3A_1170[%dma_start3A_1171, %dma_start3A_1172] : memref<4096x768xf32, #tpu.memory_space<hbm>> -> memref<4096x768xf32, #tpu.memory_space<hbm>>
    tpu.enqueue_indirect_dma source(%dma_start3A_1173 : memref<4096x768xf32, #tpu.memory_space<hbm>>) target(%arg8 : memref<32x768xf32, #tpu.memory_space<vmem>>) offsets(%dma_start3A_1169 : memref<32xi32, #tpu.memory_space<vmem>>) semaphore(%arg12 : memref<!tpu.dma_semaphore, #tpu.memory_space<semaphore_mem>>)
    %dma_wait3A_1174 = arith.constant 1664 : i32
    %dma_wait3A_1175 = tpu.memref_slice %arg6[%dma_wait3A_1174] : memref<2048xi32, #tpu.memory_space<vmem>> -> memref<32xi32, #tpu.memory_space<vmem>>
    %dma_wait3A_1176 = tpu.memref_reshape %arg2 : memref<16x16x16x768xf32, #tpu.memory_space<hbm>> -> memref<4096x768xf32, #tpu.memory_space<hbm>>
    %dma_wait3A_1177 = arith.constant 0 : i32
    %dma_wait3A_1178 = arith.constant 0 : i32
    %dma_wait3A_1179 = tpu.memref_slice %dma_wait3A_1176[%dma_wait3A_1177, %dma_wait3A_1178] : memref<4096x768xf32, #tpu.memory_space<hbm>> -> memref<4096x768xf32, #tpu.memory_space<hbm>>
    tpu.wait_indirect_dma semaphore(%arg11 : memref<!tpu.dma_semaphore, #tpu.memory_space<semaphore_mem>>) src(%dma_wait3A_1179 : memref<4096x768xf32, #tpu.memory_space<hbm>>) dst(%arg7 : memref<32x768xf32, #tpu.memory_space<vmem>>)
    %add3A_1180 = arith.constant 1664 : i32
    %add3A_1181 = arith.addi %mul3A_2, %add3A_1180 : i32
    %dma_start3A_1182 = arith.constant 0 : i32
    %dma_start3A_1183 = tpu.memref_slice %arg4[%add3A_1181, %dma_start3A_1182] : memref<65536x768xf32, #tpu.memory_space<hbm>> -> memref<32x768xf32, #tpu.memory_space<hbm>>
    %dma_start3A_1184 = arith.constant 0 : i32
    %dma_start3A_1185 = tpu.memref_slice %arg4[%add3A_1181, %dma_start3A_1184] : memref<65536x768xf32, #tpu.memory_space<hbm>> -> memref<32x768xf32, #tpu.memory_space<hbm>>
    tpu.enqueue_dma source(%arg7 : memref<32x768xf32, #tpu.memory_space<vmem>>) target(%dma_start3A_1185 : memref<32x768xf32, #tpu.memory_space<hbm>>) target_semaphore(%arg15 : memref<!tpu.dma_semaphore, #tpu.memory_space<semaphore_mem>>)
    %dma_wait3A_1186 = arith.constant 0 : i32
    %dma_wait3A_1187 = tpu.memref_slice %arg4[%add3A_1137, %dma_wait3A_1186] : memref<65536x768xf32, #tpu.memory_space<hbm>> -> memref<32x768xf32, #tpu.memory_space<hbm>>
    %dma_wait3A_1188 = arith.constant 0 : i32
    %dma_wait3A_1189 = tpu.memref_slice %arg4[%add3A_1137, %dma_wait3A_1188] : memref<65536x768xf32, #tpu.memory_space<hbm>> -> memref<32x768xf32, #tpu.memory_space<hbm>>
    tpu.wait_dma2 semaphore(%arg17 : memref<!tpu.dma_semaphore, #tpu.memory_space<semaphore_mem>>) src(%arg9 : memref<32x768xf32, #tpu.memory_space<vmem>>) dst(%dma_wait3A_1189 : memref<32x768xf32, #tpu.memory_space<hbm>>)
    %dma_start3A_1190 = arith.constant 1728 : i32
    %dma_start3A_1191 = tpu.memref_slice %arg6[%dma_start3A_1190] : memref<2048xi32, #tpu.memory_space<vmem>> -> memref<32xi32, #tpu.memory_space<vmem>>
    %dma_start3A_1192 = tpu.memref_reshape %arg2 : memref<16x16x16x768xf32, #tpu.memory_space<hbm>> -> memref<4096x768xf32, #tpu.memory_space<hbm>>
    %dma_start3A_1193 = arith.constant 0 : i32
    %dma_start3A_1194 = arith.constant 0 : i32
    %dma_start3A_1195 = tpu.memref_slice %dma_start3A_1192[%dma_start3A_1193, %dma_start3A_1194] : memref<4096x768xf32, #tpu.memory_space<hbm>> -> memref<4096x768xf32, #tpu.memory_space<hbm>>
    tpu.enqueue_indirect_dma source(%dma_start3A_1195 : memref<4096x768xf32, #tpu.memory_space<hbm>>) target(%arg9 : memref<32x768xf32, #tpu.memory_space<vmem>>) offsets(%dma_start3A_1191 : memref<32xi32, #tpu.memory_space<vmem>>) semaphore(%arg13 : memref<!tpu.dma_semaphore, #tpu.memory_space<semaphore_mem>>)
    %dma_wait3A_1196 = arith.constant 1696 : i32
    %dma_wait3A_1197 = tpu.memref_slice %arg6[%dma_wait3A_1196] : memref<2048xi32, #tpu.memory_space<vmem>> -> memref<32xi32, #tpu.memory_space<vmem>>
    %dma_wait3A_1198 = tpu.memref_reshape %arg2 : memref<16x16x16x768xf32, #tpu.memory_space<hbm>> -> memref<4096x768xf32, #tpu.memory_space<hbm>>
    %dma_wait3A_1199 = arith.constant 0 : i32
    %dma_wait3A_1200 = arith.constant 0 : i32
    %dma_wait3A_1201 = tpu.memref_slice %dma_wait3A_1198[%dma_wait3A_1199, %dma_wait3A_1200] : memref<4096x768xf32, #tpu.memory_space<hbm>> -> memref<4096x768xf32, #tpu.memory_space<hbm>>
    tpu.wait_indirect_dma semaphore(%arg12 : memref<!tpu.dma_semaphore, #tpu.memory_space<semaphore_mem>>) src(%dma_wait3A_1201 : memref<4096x768xf32, #tpu.memory_space<hbm>>) dst(%arg8 : memref<32x768xf32, #tpu.memory_space<vmem>>)
    %add3A_1202 = arith.constant 1696 : i32
    %add3A_1203 = arith.addi %mul3A_2, %add3A_1202 : i32
    %dma_start3A_1204 = arith.constant 0 : i32
    %dma_start3A_1205 = tpu.memref_slice %arg4[%add3A_1203, %dma_start3A_1204] : memref<65536x768xf32, #tpu.memory_space<hbm>> -> memref<32x768xf32, #tpu.memory_space<hbm>>
    %dma_start3A_1206 = arith.constant 0 : i32
    %dma_start3A_1207 = tpu.memref_slice %arg4[%add3A_1203, %dma_start3A_1206] : memref<65536x768xf32, #tpu.memory_space<hbm>> -> memref<32x768xf32, #tpu.memory_space<hbm>>
    tpu.enqueue_dma source(%arg8 : memref<32x768xf32, #tpu.memory_space<vmem>>) target(%dma_start3A_1207 : memref<32x768xf32, #tpu.memory_space<hbm>>) target_semaphore(%arg16 : memref<!tpu.dma_semaphore, #tpu.memory_space<semaphore_mem>>)
    %dma_wait3A_1208 = arith.constant 0 : i32
    %dma_wait3A_1209 = tpu.memref_slice %arg4[%add3A_1159, %dma_wait3A_1208] : memref<65536x768xf32, #tpu.memory_space<hbm>> -> memref<32x768xf32, #tpu.memory_space<hbm>>
    %dma_wait3A_1210 = arith.constant 0 : i32
    %dma_wait3A_1211 = tpu.memref_slice %arg4[%add3A_1159, %dma_wait3A_1210] : memref<65536x768xf32, #tpu.memory_space<hbm>> -> memref<32x768xf32, #tpu.memory_space<hbm>>
    tpu.wait_dma2 semaphore(%arg18 : memref<!tpu.dma_semaphore, #tpu.memory_space<semaphore_mem>>) src(%arg10 : memref<32x768xf32, #tpu.memory_space<vmem>>) dst(%dma_wait3A_1211 : memref<32x768xf32, #tpu.memory_space<hbm>>)
    %dma_start3A_1212 = arith.constant 1760 : i32
    %dma_start3A_1213 = tpu.memref_slice %arg6[%dma_start3A_1212] : memref<2048xi32, #tpu.memory_space<vmem>> -> memref<32xi32, #tpu.memory_space<vmem>>
    %dma_start3A_1214 = tpu.memref_reshape %arg2 : memref<16x16x16x768xf32, #tpu.memory_space<hbm>> -> memref<4096x768xf32, #tpu.memory_space<hbm>>
    %dma_start3A_1215 = arith.constant 0 : i32
    %dma_start3A_1216 = arith.constant 0 : i32
    %dma_start3A_1217 = tpu.memref_slice %dma_start3A_1214[%dma_start3A_1215, %dma_start3A_1216] : memref<4096x768xf32, #tpu.memory_space<hbm>> -> memref<4096x768xf32, #tpu.memory_space<hbm>>
    tpu.enqueue_indirect_dma source(%dma_start3A_1217 : memref<4096x768xf32, #tpu.memory_space<hbm>>) target(%arg10 : memref<32x768xf32, #tpu.memory_space<vmem>>) offsets(%dma_start3A_1213 : memref<32xi32, #tpu.memory_space<vmem>>) semaphore(%arg14 : memref<!tpu.dma_semaphore, #tpu.memory_space<semaphore_mem>>)
    %dma_wait3A_1218 = arith.constant 1728 : i32
    %dma_wait3A_1219 = tpu.memref_slice %arg6[%dma_wait3A_1218] : memref<2048xi32, #tpu.memory_space<vmem>> -> memref<32xi32, #tpu.memory_space<vmem>>
    %dma_wait3A_1220 = tpu.memref_reshape %arg2 : memref<16x16x16x768xf32, #tpu.memory_space<hbm>> -> memref<4096x768xf32, #tpu.memory_space<hbm>>
    %dma_wait3A_1221 = arith.constant 0 : i32
    %dma_wait3A_1222 = arith.constant 0 : i32
    %dma_wait3A_1223 = tpu.memref_slice %dma_wait3A_1220[%dma_wait3A_1221, %dma_wait3A_1222] : memref<4096x768xf32, #tpu.memory_space<hbm>> -> memref<4096x768xf32, #tpu.memory_space<hbm>>
    tpu.wait_indirect_dma semaphore(%arg13 : memref<!tpu.dma_semaphore, #tpu.memory_space<semaphore_mem>>) src(%dma_wait3A_1223 : memref<4096x768xf32, #tpu.memory_space<hbm>>) dst(%arg9 : memref<32x768xf32, #tpu.memory_space<vmem>>)
    %add3A_1224 = arith.constant 1728 : i32
    %add3A_1225 = arith.addi %mul3A_2, %add3A_1224 : i32
    %dma_start3A_1226 = arith.constant 0 : i32
    %dma_start3A_1227 = tpu.memref_slice %arg4[%add3A_1225, %dma_start3A_1226] : memref<65536x768xf32, #tpu.memory_space<hbm>> -> memref<32x768xf32, #tpu.memory_space<hbm>>
    %dma_start3A_1228 = arith.constant 0 : i32
    %dma_start3A_1229 = tpu.memref_slice %arg4[%add3A_1225, %dma_start3A_1228] : memref<65536x768xf32, #tpu.memory_space<hbm>> -> memref<32x768xf32, #tpu.memory_space<hbm>>
    tpu.enqueue_dma source(%arg9 : memref<32x768xf32, #tpu.memory_space<vmem>>) target(%dma_start3A_1229 : memref<32x768xf32, #tpu.memory_space<hbm>>) target_semaphore(%arg17 : memref<!tpu.dma_semaphore, #tpu.memory_space<semaphore_mem>>)
    %dma_wait3A_1230 = arith.constant 0 : i32
    %dma_wait3A_1231 = tpu.memref_slice %arg4[%add3A_1181, %dma_wait3A_1230] : memref<65536x768xf32, #tpu.memory_space<hbm>> -> memref<32x768xf32, #tpu.memory_space<hbm>>
    %dma_wait3A_1232 = arith.constant 0 : i32
    %dma_wait3A_1233 = tpu.memref_slice %arg4[%add3A_1181, %dma_wait3A_1232] : memref<65536x768xf32, #tpu.memory_space<hbm>> -> memref<32x768xf32, #tpu.memory_space<hbm>>
    tpu.wait_dma2 semaphore(%arg15 : memref<!tpu.dma_semaphore, #tpu.memory_space<semaphore_mem>>) src(%arg7 : memref<32x768xf32, #tpu.memory_space<vmem>>) dst(%dma_wait3A_1233 : memref<32x768xf32, #tpu.memory_space<hbm>>)
    %dma_start3A_1234 = arith.constant 1792 : i32
    %dma_start3A_1235 = tpu.memref_slice %arg6[%dma_start3A_1234] : memref<2048xi32, #tpu.memory_space<vmem>> -> memref<32xi32, #tpu.memory_space<vmem>>
    %dma_start3A_1236 = tpu.memref_reshape %arg2 : memref<16x16x16x768xf32, #tpu.memory_space<hbm>> -> memref<4096x768xf32, #tpu.memory_space<hbm>>
    %dma_start3A_1237 = arith.constant 0 : i32
    %dma_start3A_1238 = arith.constant 0 : i32
    %dma_start3A_1239 = tpu.memref_slice %dma_start3A_1236[%dma_start3A_1237, %dma_start3A_1238] : memref<4096x768xf32, #tpu.memory_space<hbm>> -> memref<4096x768xf32, #tpu.memory_space<hbm>>
    tpu.enqueue_indirect_dma source(%dma_start3A_1239 : memref<4096x768xf32, #tpu.memory_space<hbm>>) target(%arg7 : memref<32x768xf32, #tpu.memory_space<vmem>>) offsets(%dma_start3A_1235 : memref<32xi32, #tpu.memory_space<vmem>>) semaphore(%arg11 : memref<!tpu.dma_semaphore, #tpu.memory_space<semaphore_mem>>)
    %dma_wait3A_1240 = arith.constant 1760 : i32
    %dma_wait3A_1241 = tpu.memref_slice %arg6[%dma_wait3A_1240] : memref<2048xi32, #tpu.memory_space<vmem>> -> memref<32xi32, #tpu.memory_space<vmem>>
    %dma_wait3A_1242 = tpu.memref_reshape %arg2 : memref<16x16x16x768xf32, #tpu.memory_space<hbm>> -> memref<4096x768xf32, #tpu.memory_space<hbm>>
    %dma_wait3A_1243 = arith.constant 0 : i32
    %dma_wait3A_1244 = arith.constant 0 : i32
    %dma_wait3A_1245 = tpu.memref_slice %dma_wait3A_1242[%dma_wait3A_1243, %dma_wait3A_1244] : memref<4096x768xf32, #tpu.memory_space<hbm>> -> memref<4096x768xf32, #tpu.memory_space<hbm>>
    tpu.wait_indirect_dma semaphore(%arg14 : memref<!tpu.dma_semaphore, #tpu.memory_space<semaphore_mem>>) src(%dma_wait3A_1245 : memref<4096x768xf32, #tpu.memory_space<hbm>>) dst(%arg10 : memref<32x768xf32, #tpu.memory_space<vmem>>)
    %add3A_1246 = arith.constant 1760 : i32
    %add3A_1247 = arith.addi %mul3A_2, %add3A_1246 : i32
    %dma_start3A_1248 = arith.constant 0 : i32
    %dma_start3A_1249 = tpu.memref_slice %arg4[%add3A_1247, %dma_start3A_1248] : memref<65536x768xf32, #tpu.memory_space<hbm>> -> memref<32x768xf32, #tpu.memory_space<hbm>>
    %dma_start3A_1250 = arith.constant 0 : i32
    %dma_start3A_1251 = tpu.memref_slice %arg4[%add3A_1247, %dma_start3A_1250] : memref<65536x768xf32, #tpu.memory_space<hbm>> -> memref<32x768xf32, #tpu.memory_space<hbm>>
    tpu.enqueue_dma source(%arg10 : memref<32x768xf32, #tpu.memory_space<vmem>>) target(%dma_start3A_1251 : memref<32x768xf32, #tpu.memory_space<hbm>>) target_semaphore(%arg18 : memref<!tpu.dma_semaphore, #tpu.memory_space<semaphore_mem>>)
    %dma_wait3A_1252 = arith.constant 0 : i32
    %dma_wait3A_1253 = tpu.memref_slice %arg4[%add3A_1203, %dma_wait3A_1252] : memref<65536x768xf32, #tpu.memory_space<hbm>> -> memref<32x768xf32, #tpu.memory_space<hbm>>
    %dma_wait3A_1254 = arith.constant 0 : i32
    %dma_wait3A_1255 = tpu.memref_slice %arg4[%add3A_1203, %dma_wait3A_1254] : memref<65536x768xf32, #tpu.memory_space<hbm>> -> memref<32x768xf32, #tpu.memory_space<hbm>>
    tpu.wait_dma2 semaphore(%arg16 : memref<!tpu.dma_semaphore, #tpu.memory_space<semaphore_mem>>) src(%arg8 : memref<32x768xf32, #tpu.memory_space<vmem>>) dst(%dma_wait3A_1255 : memref<32x768xf32, #tpu.memory_space<hbm>>)
    %dma_start3A_1256 = arith.constant 1824 : i32
    %dma_start3A_1257 = tpu.memref_slice %arg6[%dma_start3A_1256] : memref<2048xi32, #tpu.memory_space<vmem>> -> memref<32xi32, #tpu.memory_space<vmem>>
    %dma_start3A_1258 = tpu.memref_reshape %arg2 : memref<16x16x16x768xf32, #tpu.memory_space<hbm>> -> memref<4096x768xf32, #tpu.memory_space<hbm>>
    %dma_start3A_1259 = arith.constant 0 : i32
    %dma_start3A_1260 = arith.constant 0 : i32
    %dma_start3A_1261 = tpu.memref_slice %dma_start3A_1258[%dma_start3A_1259, %dma_start3A_1260] : memref<4096x768xf32, #tpu.memory_space<hbm>> -> memref<4096x768xf32, #tpu.memory_space<hbm>>
    tpu.enqueue_indirect_dma source(%dma_start3A_1261 : memref<4096x768xf32, #tpu.memory_space<hbm>>) target(%arg8 : memref<32x768xf32, #tpu.memory_space<vmem>>) offsets(%dma_start3A_1257 : memref<32xi32, #tpu.memory_space<vmem>>) semaphore(%arg12 : memref<!tpu.dma_semaphore, #tpu.memory_space<semaphore_mem>>)
    %dma_wait3A_1262 = arith.constant 1792 : i32
    %dma_wait3A_1263 = tpu.memref_slice %arg6[%dma_wait3A_1262] : memref<2048xi32, #tpu.memory_space<vmem>> -> memref<32xi32, #tpu.memory_space<vmem>>
    %dma_wait3A_1264 = tpu.memref_reshape %arg2 : memref<16x16x16x768xf32, #tpu.memory_space<hbm>> -> memref<4096x768xf32, #tpu.memory_space<hbm>>
    %dma_wait3A_1265 = arith.constant 0 : i32
    %dma_wait3A_1266 = arith.constant 0 : i32
    %dma_wait3A_1267 = tpu.memref_slice %dma_wait3A_1264[%dma_wait3A_1265, %dma_wait3A_1266] : memref<4096x768xf32, #tpu.memory_space<hbm>> -> memref<4096x768xf32, #tpu.memory_space<hbm>>
    tpu.wait_indirect_dma semaphore(%arg11 : memref<!tpu.dma_semaphore, #tpu.memory_space<semaphore_mem>>) src(%dma_wait3A_1267 : memref<4096x768xf32, #tpu.memory_space<hbm>>) dst(%arg7 : memref<32x768xf32, #tpu.memory_space<vmem>>)
    %add3A_1268 = arith.constant 1792 : i32
    %add3A_1269 = arith.addi %mul3A_2, %add3A_1268 : i32
    %dma_start3A_1270 = arith.constant 0 : i32
    %dma_start3A_1271 = tpu.memref_slice %arg4[%add3A_1269, %dma_start3A_1270] : memref<65536x768xf32, #tpu.memory_space<hbm>> -> memref<32x768xf32, #tpu.memory_space<hbm>>
    %dma_start3A_1272 = arith.constant 0 : i32
    %dma_start3A_1273 = tpu.memref_slice %arg4[%add3A_1269, %dma_start3A_1272] : memref<65536x768xf32, #tpu.memory_space<hbm>> -> memref<32x768xf32, #tpu.memory_space<hbm>>
    tpu.enqueue_dma source(%arg7 : memref<32x768xf32, #tpu.memory_space<vmem>>) target(%dma_start3A_1273 : memref<32x768xf32, #tpu.memory_space<hbm>>) target_semaphore(%arg15 : memref<!tpu.dma_semaphore, #tpu.memory_space<semaphore_mem>>)
    %dma_wait3A_1274 = arith.constant 0 : i32
    %dma_wait3A_1275 = tpu.memref_slice %arg4[%add3A_1225, %dma_wait3A_1274] : memref<65536x768xf32, #tpu.memory_space<hbm>> -> memref<32x768xf32, #tpu.memory_space<hbm>>
    %dma_wait3A_1276 = arith.constant 0 : i32
    %dma_wait3A_1277 = tpu.memref_slice %arg4[%add3A_1225, %dma_wait3A_1276] : memref<65536x768xf32, #tpu.memory_space<hbm>> -> memref<32x768xf32, #tpu.memory_space<hbm>>
    tpu.wait_dma2 semaphore(%arg17 : memref<!tpu.dma_semaphore, #tpu.memory_space<semaphore_mem>>) src(%arg9 : memref<32x768xf32, #tpu.memory_space<vmem>>) dst(%dma_wait3A_1277 : memref<32x768xf32, #tpu.memory_space<hbm>>)
    %dma_start3A_1278 = arith.constant 1856 : i32
    %dma_start3A_1279 = tpu.memref_slice %arg6[%dma_start3A_1278] : memref<2048xi32, #tpu.memory_space<vmem>> -> memref<32xi32, #tpu.memory_space<vmem>>
    %dma_start3A_1280 = tpu.memref_reshape %arg2 : memref<16x16x16x768xf32, #tpu.memory_space<hbm>> -> memref<4096x768xf32, #tpu.memory_space<hbm>>
    %dma_start3A_1281 = arith.constant 0 : i32
    %dma_start3A_1282 = arith.constant 0 : i32
    %dma_start3A_1283 = tpu.memref_slice %dma_start3A_1280[%dma_start3A_1281, %dma_start3A_1282] : memref<4096x768xf32, #tpu.memory_space<hbm>> -> memref<4096x768xf32, #tpu.memory_space<hbm>>
    tpu.enqueue_indirect_dma source(%dma_start3A_1283 : memref<4096x768xf32, #tpu.memory_space<hbm>>) target(%arg9 : memref<32x768xf32, #tpu.memory_space<vmem>>) offsets(%dma_start3A_1279 : memref<32xi32, #tpu.memory_space<vmem>>) semaphore(%arg13 : memref<!tpu.dma_semaphore, #tpu.memory_space<semaphore_mem>>)
    %dma_wait3A_1284 = arith.constant 1824 : i32
    %dma_wait3A_1285 = tpu.memref_slice %arg6[%dma_wait3A_1284] : memref<2048xi32, #tpu.memory_space<vmem>> -> memref<32xi32, #tpu.memory_space<vmem>>
    %dma_wait3A_1286 = tpu.memref_reshape %arg2 : memref<16x16x16x768xf32, #tpu.memory_space<hbm>> -> memref<4096x768xf32, #tpu.memory_space<hbm>>
    %dma_wait3A_1287 = arith.constant 0 : i32
    %dma_wait3A_1288 = arith.constant 0 : i32
    %dma_wait3A_1289 = tpu.memref_slice %dma_wait3A_1286[%dma_wait3A_1287, %dma_wait3A_1288] : memref<4096x768xf32, #tpu.memory_space<hbm>> -> memref<4096x768xf32, #tpu.memory_space<hbm>>
    tpu.wait_indirect_dma semaphore(%arg12 : memref<!tpu.dma_semaphore, #tpu.memory_space<semaphore_mem>>) src(%dma_wait3A_1289 : memref<4096x768xf32, #tpu.memory_space<hbm>>) dst(%arg8 : memref<32x768xf32, #tpu.memory_space<vmem>>)
    %add3A_1290 = arith.constant 1824 : i32
    %add3A_1291 = arith.addi %mul3A_2, %add3A_1290 : i32
    %dma_start3A_1292 = arith.constant 0 : i32
    %dma_start3A_1293 = tpu.memref_slice %arg4[%add3A_1291, %dma_start3A_1292] : memref<65536x768xf32, #tpu.memory_space<hbm>> -> memref<32x768xf32, #tpu.memory_space<hbm>>
    %dma_start3A_1294 = arith.constant 0 : i32
    %dma_start3A_1295 = tpu.memref_slice %arg4[%add3A_1291, %dma_start3A_1294] : memref<65536x768xf32, #tpu.memory_space<hbm>> -> memref<32x768xf32, #tpu.memory_space<hbm>>
    tpu.enqueue_dma source(%arg8 : memref<32x768xf32, #tpu.memory_space<vmem>>) target(%dma_start3A_1295 : memref<32x768xf32, #tpu.memory_space<hbm>>) target_semaphore(%arg16 : memref<!tpu.dma_semaphore, #tpu.memory_space<semaphore_mem>>)
    %dma_wait3A_1296 = arith.constant 0 : i32
    %dma_wait3A_1297 = tpu.memref_slice %arg4[%add3A_1247, %dma_wait3A_1296] : memref<65536x768xf32, #tpu.memory_space<hbm>> -> memref<32x768xf32, #tpu.memory_space<hbm>>
    %dma_wait3A_1298 = arith.constant 0 : i32
    %dma_wait3A_1299 = tpu.memref_slice %arg4[%add3A_1247, %dma_wait3A_1298] : memref<65536x768xf32, #tpu.memory_space<hbm>> -> memref<32x768xf32, #tpu.memory_space<hbm>>
    tpu.wait_dma2 semaphore(%arg18 : memref<!tpu.dma_semaphore, #tpu.memory_space<semaphore_mem>>) src(%arg10 : memref<32x768xf32, #tpu.memory_space<vmem>>) dst(%dma_wait3A_1299 : memref<32x768xf32, #tpu.memory_space<hbm>>)
    %dma_start3A_1300 = arith.constant 1888 : i32
    %dma_start3A_1301 = tpu.memref_slice %arg6[%dma_start3A_1300] : memref<2048xi32, #tpu.memory_space<vmem>> -> memref<32xi32, #tpu.memory_space<vmem>>
    %dma_start3A_1302 = tpu.memref_reshape %arg2 : memref<16x16x16x768xf32, #tpu.memory_space<hbm>> -> memref<4096x768xf32, #tpu.memory_space<hbm>>
    %dma_start3A_1303 = arith.constant 0 : i32
    %dma_start3A_1304 = arith.constant 0 : i32
    %dma_start3A_1305 = tpu.memref_slice %dma_start3A_1302[%dma_start3A_1303, %dma_start3A_1304] : memref<4096x768xf32, #tpu.memory_space<hbm>> -> memref<4096x768xf32, #tpu.memory_space<hbm>>
    tpu.enqueue_indirect_dma source(%dma_start3A_1305 : memref<4096x768xf32, #tpu.memory_space<hbm>>) target(%arg10 : memref<32x768xf32, #tpu.memory_space<vmem>>) offsets(%dma_start3A_1301 : memref<32xi32, #tpu.memory_space<vmem>>) semaphore(%arg14 : memref<!tpu.dma_semaphore, #tpu.memory_space<semaphore_mem>>)
    %dma_wait3A_1306 = arith.constant 1856 : i32
    %dma_wait3A_1307 = tpu.memref_slice %arg6[%dma_wait3A_1306] : memref<2048xi32, #tpu.memory_space<vmem>> -> memref<32xi32, #tpu.memory_space<vmem>>
    %dma_wait3A_1308 = tpu.memref_reshape %arg2 : memref<16x16x16x768xf32, #tpu.memory_space<hbm>> -> memref<4096x768xf32, #tpu.memory_space<hbm>>
    %dma_wait3A_1309 = arith.constant 0 : i32
    %dma_wait3A_1310 = arith.constant 0 : i32
    %dma_wait3A_1311 = tpu.memref_slice %dma_wait3A_1308[%dma_wait3A_1309, %dma_wait3A_1310] : memref<4096x768xf32, #tpu.memory_space<hbm>> -> memref<4096x768xf32, #tpu.memory_space<hbm>>
    tpu.wait_indirect_dma semaphore(%arg13 : memref<!tpu.dma_semaphore, #tpu.memory_space<semaphore_mem>>) src(%dma_wait3A_1311 : memref<4096x768xf32, #tpu.memory_space<hbm>>) dst(%arg9 : memref<32x768xf32, #tpu.memory_space<vmem>>)
    %add3A_1312 = arith.constant 1856 : i32
    %add3A_1313 = arith.addi %mul3A_2, %add3A_1312 : i32
    %dma_start3A_1314 = arith.constant 0 : i32
    %dma_start3A_1315 = tpu.memref_slice %arg4[%add3A_1313, %dma_start3A_1314] : memref<65536x768xf32, #tpu.memory_space<hbm>> -> memref<32x768xf32, #tpu.memory_space<hbm>>
    %dma_start3A_1316 = arith.constant 0 : i32
    %dma_start3A_1317 = tpu.memref_slice %arg4[%add3A_1313, %dma_start3A_1316] : memref<65536x768xf32, #tpu.memory_space<hbm>> -> memref<32x768xf32, #tpu.memory_space<hbm>>
    tpu.enqueue_dma source(%arg9 : memref<32x768xf32, #tpu.memory_space<vmem>>) target(%dma_start3A_1317 : memref<32x768xf32, #tpu.memory_space<hbm>>) target_semaphore(%arg17 : memref<!tpu.dma_semaphore, #tpu.memory_space<semaphore_mem>>)
    %dma_wait3A_1318 = arith.constant 0 : i32
    %dma_wait3A_1319 = tpu.memref_slice %arg4[%add3A_1269, %dma_wait3A_1318] : memref<65536x768xf32, #tpu.memory_space<hbm>> -> memref<32x768xf32, #tpu.memory_space<hbm>>
    %dma_wait3A_1320 = arith.constant 0 : i32
    %dma_wait3A_1321 = tpu.memref_slice %arg4[%add3A_1269, %dma_wait3A_1320] : memref<65536x768xf32, #tpu.memory_space<hbm>> -> memref<32x768xf32, #tpu.memory_space<hbm>>
    tpu.wait_dma2 semaphore(%arg15 : memref<!tpu.dma_semaphore, #tpu.memory_space<semaphore_mem>>) src(%arg7 : memref<32x768xf32, #tpu.memory_space<vmem>>) dst(%dma_wait3A_1321 : memref<32x768xf32, #tpu.memory_space<hbm>>)
    %dma_start3A_1322 = arith.constant 1920 : i32
    %dma_start3A_1323 = tpu.memref_slice %arg6[%dma_start3A_1322] : memref<2048xi32, #tpu.memory_space<vmem>> -> memref<32xi32, #tpu.memory_space<vmem>>
    %dma_start3A_1324 = tpu.memref_reshape %arg2 : memref<16x16x16x768xf32, #tpu.memory_space<hbm>> -> memref<4096x768xf32, #tpu.memory_space<hbm>>
    %dma_start3A_1325 = arith.constant 0 : i32
    %dma_start3A_1326 = arith.constant 0 : i32
    %dma_start3A_1327 = tpu.memref_slice %dma_start3A_1324[%dma_start3A_1325, %dma_start3A_1326] : memref<4096x768xf32, #tpu.memory_space<hbm>> -> memref<4096x768xf32, #tpu.memory_space<hbm>>
    tpu.enqueue_indirect_dma source(%dma_start3A_1327 : memref<4096x768xf32, #tpu.memory_space<hbm>>) target(%arg7 : memref<32x768xf32, #tpu.memory_space<vmem>>) offsets(%dma_start3A_1323 : memref<32xi32, #tpu.memory_space<vmem>>) semaphore(%arg11 : memref<!tpu.dma_semaphore, #tpu.memory_space<semaphore_mem>>)
    %dma_wait3A_1328 = arith.constant 1888 : i32
    %dma_wait3A_1329 = tpu.memref_slice %arg6[%dma_wait3A_1328] : memref<2048xi32, #tpu.memory_space<vmem>> -> memref<32xi32, #tpu.memory_space<vmem>>
    %dma_wait3A_1330 = tpu.memref_reshape %arg2 : memref<16x16x16x768xf32, #tpu.memory_space<hbm>> -> memref<4096x768xf32, #tpu.memory_space<hbm>>
    %dma_wait3A_1331 = arith.constant 0 : i32
    %dma_wait3A_1332 = arith.constant 0 : i32
    %dma_wait3A_1333 = tpu.memref_slice %dma_wait3A_1330[%dma_wait3A_1331, %dma_wait3A_1332] : memref<4096x768xf32, #tpu.memory_space<hbm>> -> memref<4096x768xf32, #tpu.memory_space<hbm>>
    tpu.wait_indirect_dma semaphore(%arg14 : memref<!tpu.dma_semaphore, #tpu.memory_space<semaphore_mem>>) src(%dma_wait3A_1333 : memref<4096x768xf32, #tpu.memory_space<hbm>>) dst(%arg10 : memref<32x768xf32, #tpu.memory_space<vmem>>)
    %add3A_1334 = arith.constant 1888 : i32
    %add3A_1335 = arith.addi %mul3A_2, %add3A_1334 : i32
    %dma_start3A_1336 = arith.constant 0 : i32
    %dma_start3A_1337 = tpu.memref_slice %arg4[%add3A_1335, %dma_start3A_1336] : memref<65536x768xf32, #tpu.memory_space<hbm>> -> memref<32x768xf32, #tpu.memory_space<hbm>>
    %dma_start3A_1338 = arith.constant 0 : i32
    %dma_start3A_1339 = tpu.memref_slice %arg4[%add3A_1335, %dma_start3A_1338] : memref<65536x768xf32, #tpu.memory_space<hbm>> -> memref<32x768xf32, #tpu.memory_space<hbm>>
    tpu.enqueue_dma source(%arg10 : memref<32x768xf32, #tpu.memory_space<vmem>>) target(%dma_start3A_1339 : memref<32x768xf32, #tpu.memory_space<hbm>>) target_semaphore(%arg18 : memref<!tpu.dma_semaphore, #tpu.memory_space<semaphore_mem>>)
    %dma_wait3A_1340 = arith.constant 0 : i32
    %dma_wait3A_1341 = tpu.memref_slice %arg4[%add3A_1291, %dma_wait3A_1340] : memref<65536x768xf32, #tpu.memory_space<hbm>> -> memref<32x768xf32, #tpu.memory_space<hbm>>
    %dma_wait3A_1342 = arith.constant 0 : i32
    %dma_wait3A_1343 = tpu.memref_slice %arg4[%add3A_1291, %dma_wait3A_1342] : memref<65536x768xf32, #tpu.memory_space<hbm>> -> memref<32x768xf32, #tpu.memory_space<hbm>>
    tpu.wait_dma2 semaphore(%arg16 : memref<!tpu.dma_semaphore, #tpu.memory_space<semaphore_mem>>) src(%arg8 : memref<32x768xf32, #tpu.memory_space<vmem>>) dst(%dma_wait3A_1343 : memref<32x768xf32, #tpu.memory_space<hbm>>)
    %dma_start3A_1344 = arith.constant 1952 : i32
    %dma_start3A_1345 = tpu.memref_slice %arg6[%dma_start3A_1344] : memref<2048xi32, #tpu.memory_space<vmem>> -> memref<32xi32, #tpu.memory_space<vmem>>
    %dma_start3A_1346 = tpu.memref_reshape %arg2 : memref<16x16x16x768xf32, #tpu.memory_space<hbm>> -> memref<4096x768xf32, #tpu.memory_space<hbm>>
    %dma_start3A_1347 = arith.constant 0 : i32
    %dma_start3A_1348 = arith.constant 0 : i32
    %dma_start3A_1349 = tpu.memref_slice %dma_start3A_1346[%dma_start3A_1347, %dma_start3A_1348] : memref<4096x768xf32, #tpu.memory_space<hbm>> -> memref<4096x768xf32, #tpu.memory_space<hbm>>
    tpu.enqueue_indirect_dma source(%dma_start3A_1349 : memref<4096x768xf32, #tpu.memory_space<hbm>>) target(%arg8 : memref<32x768xf32, #tpu.memory_space<vmem>>) offsets(%dma_start3A_1345 : memref<32xi32, #tpu.memory_space<vmem>>) semaphore(%arg12 : memref<!tpu.dma_semaphore, #tpu.memory_space<semaphore_mem>>)
    %dma_wait3A_1350 = arith.constant 1920 : i32
    %dma_wait3A_1351 = tpu.memref_slice %arg6[%dma_wait3A_1350] : memref<2048xi32, #tpu.memory_space<vmem>> -> memref<32xi32, #tpu.memory_space<vmem>>
    %dma_wait3A_1352 = tpu.memref_reshape %arg2 : memref<16x16x16x768xf32, #tpu.memory_space<hbm>> -> memref<4096x768xf32, #tpu.memory_space<hbm>>
    %dma_wait3A_1353 = arith.constant 0 : i32
    %dma_wait3A_1354 = arith.constant 0 : i32
    %dma_wait3A_1355 = tpu.memref_slice %dma_wait3A_1352[%dma_wait3A_1353, %dma_wait3A_1354] : memref<4096x768xf32, #tpu.memory_space<hbm>> -> memref<4096x768xf32, #tpu.memory_space<hbm>>
    tpu.wait_indirect_dma semaphore(%arg11 : memref<!tpu.dma_semaphore, #tpu.memory_space<semaphore_mem>>) src(%dma_wait3A_1355 : memref<4096x768xf32, #tpu.memory_space<hbm>>) dst(%arg7 : memref<32x768xf32, #tpu.memory_space<vmem>>)
    %add3A_1356 = arith.constant 1920 : i32
    %add3A_1357 = arith.addi %mul3A_2, %add3A_1356 : i32
    %dma_start3A_1358 = arith.constant 0 : i32
    %dma_start3A_1359 = tpu.memref_slice %arg4[%add3A_1357, %dma_start3A_1358] : memref<65536x768xf32, #tpu.memory_space<hbm>> -> memref<32x768xf32, #tpu.memory_space<hbm>>
    %dma_start3A_1360 = arith.constant 0 : i32
    %dma_start3A_1361 = tpu.memref_slice %arg4[%add3A_1357, %dma_start3A_1360] : memref<65536x768xf32, #tpu.memory_space<hbm>> -> memref<32x768xf32, #tpu.memory_space<hbm>>
    tpu.enqueue_dma source(%arg7 : memref<32x768xf32, #tpu.memory_space<vmem>>) target(%dma_start3A_1361 : memref<32x768xf32, #tpu.memory_space<hbm>>) target_semaphore(%arg15 : memref<!tpu.dma_semaphore, #tpu.memory_space<semaphore_mem>>)
    %dma_wait3A_1362 = arith.constant 0 : i32
    %dma_wait3A_1363 = tpu.memref_slice %arg4[%add3A_1313, %dma_wait3A_1362] : memref<65536x768xf32, #tpu.memory_space<hbm>> -> memref<32x768xf32, #tpu.memory_space<hbm>>
    %dma_wait3A_1364 = arith.constant 0 : i32
    %dma_wait3A_1365 = tpu.memref_slice %arg4[%add3A_1313, %dma_wait3A_1364] : memref<65536x768xf32, #tpu.memory_space<hbm>> -> memref<32x768xf32, #tpu.memory_space<hbm>>
    tpu.wait_dma2 semaphore(%arg17 : memref<!tpu.dma_semaphore, #tpu.memory_space<semaphore_mem>>) src(%arg9 : memref<32x768xf32, #tpu.memory_space<vmem>>) dst(%dma_wait3A_1365 : memref<32x768xf32, #tpu.memory_space<hbm>>)
    %dma_start3A_1366 = arith.constant 1984 : i32
    %dma_start3A_1367 = tpu.memref_slice %arg6[%dma_start3A_1366] : memref<2048xi32, #tpu.memory_space<vmem>> -> memref<32xi32, #tpu.memory_space<vmem>>
    %dma_start3A_1368 = tpu.memref_reshape %arg2 : memref<16x16x16x768xf32, #tpu.memory_space<hbm>> -> memref<4096x768xf32, #tpu.memory_space<hbm>>
    %dma_start3A_1369 = arith.constant 0 : i32
    %dma_start3A_1370 = arith.constant 0 : i32
    %dma_start3A_1371 = tpu.memref_slice %dma_start3A_1368[%dma_start3A_1369, %dma_start3A_1370] : memref<4096x768xf32, #tpu.memory_space<hbm>> -> memref<4096x768xf32, #tpu.memory_space<hbm>>
    tpu.enqueue_indirect_dma source(%dma_start3A_1371 : memref<4096x768xf32, #tpu.memory_space<hbm>>) target(%arg9 : memref<32x768xf32, #tpu.memory_space<vmem>>) offsets(%dma_start3A_1367 : memref<32xi32, #tpu.memory_space<vmem>>) semaphore(%arg13 : memref<!tpu.dma_semaphore, #tpu.memory_space<semaphore_mem>>)
    %dma_wait3A_1372 = arith.constant 1952 : i32
    %dma_wait3A_1373 = tpu.memref_slice %arg6[%dma_wait3A_1372] : memref<2048xi32, #tpu.memory_space<vmem>> -> memref<32xi32, #tpu.memory_space<vmem>>
    %dma_wait3A_1374 = tpu.memref_reshape %arg2 : memref<16x16x16x768xf32, #tpu.memory_space<hbm>> -> memref<4096x768xf32, #tpu.memory_space<hbm>>
    %dma_wait3A_1375 = arith.constant 0 : i32
    %dma_wait3A_1376 = arith.constant 0 : i32
    %dma_wait3A_1377 = tpu.memref_slice %dma_wait3A_1374[%dma_wait3A_1375, %dma_wait3A_1376] : memref<4096x768xf32, #tpu.memory_space<hbm>> -> memref<4096x768xf32, #tpu.memory_space<hbm>>
    tpu.wait_indirect_dma semaphore(%arg12 : memref<!tpu.dma_semaphore, #tpu.memory_space<semaphore_mem>>) src(%dma_wait3A_1377 : memref<4096x768xf32, #tpu.memory_space<hbm>>) dst(%arg8 : memref<32x768xf32, #tpu.memory_space<vmem>>)
    %add3A_1378 = arith.constant 1952 : i32
    %add3A_1379 = arith.addi %mul3A_2, %add3A_1378 : i32
    %dma_start3A_1380 = arith.constant 0 : i32
    %dma_start3A_1381 = tpu.memref_slice %arg4[%add3A_1379, %dma_start3A_1380] : memref<65536x768xf32, #tpu.memory_space<hbm>> -> memref<32x768xf32, #tpu.memory_space<hbm>>
    %dma_start3A_1382 = arith.constant 0 : i32
    %dma_start3A_1383 = tpu.memref_slice %arg4[%add3A_1379, %dma_start3A_1382] : memref<65536x768xf32, #tpu.memory_space<hbm>> -> memref<32x768xf32, #tpu.memory_space<hbm>>
    tpu.enqueue_dma source(%arg8 : memref<32x768xf32, #tpu.memory_space<vmem>>) target(%dma_start3A_1383 : memref<32x768xf32, #tpu.memory_space<hbm>>) target_semaphore(%arg16 : memref<!tpu.dma_semaphore, #tpu.memory_space<semaphore_mem>>)
    %dma_wait3A_1384 = arith.constant 0 : i32
    %dma_wait3A_1385 = tpu.memref_slice %arg4[%add3A_1335, %dma_wait3A_1384] : memref<65536x768xf32, #tpu.memory_space<hbm>> -> memref<32x768xf32, #tpu.memory_space<hbm>>
    %dma_wait3A_1386 = arith.constant 0 : i32
    %dma_wait3A_1387 = tpu.memref_slice %arg4[%add3A_1335, %dma_wait3A_1386] : memref<65536x768xf32, #tpu.memory_space<hbm>> -> memref<32x768xf32, #tpu.memory_space<hbm>>
    tpu.wait_dma2 semaphore(%arg18 : memref<!tpu.dma_semaphore, #tpu.memory_space<semaphore_mem>>) src(%arg10 : memref<32x768xf32, #tpu.memory_space<vmem>>) dst(%dma_wait3A_1387 : memref<32x768xf32, #tpu.memory_space<hbm>>)
    %dma_start3A_1388 = arith.constant 2016 : i32
    %dma_start3A_1389 = tpu.memref_slice %arg6[%dma_start3A_1388] : memref<2048xi32, #tpu.memory_space<vmem>> -> memref<32xi32, #tpu.memory_space<vmem>>
    %dma_start3A_1390 = tpu.memref_reshape %arg2 : memref<16x16x16x768xf32, #tpu.memory_space<hbm>> -> memref<4096x768xf32, #tpu.memory_space<hbm>>
    %dma_start3A_1391 = arith.constant 0 : i32
    %dma_start3A_1392 = arith.constant 0 : i32
    %dma_start3A_1393 = tpu.memref_slice %dma_start3A_1390[%dma_start3A_1391, %dma_start3A_1392] : memref<4096x768xf32, #tpu.memory_space<hbm>> -> memref<4096x768xf32, #tpu.memory_space<hbm>>
    tpu.enqueue_indirect_dma source(%dma_start3A_1393 : memref<4096x768xf32, #tpu.memory_space<hbm>>) target(%arg10 : memref<32x768xf32, #tpu.memory_space<vmem>>) offsets(%dma_start3A_1389 : memref<32xi32, #tpu.memory_space<vmem>>) semaphore(%arg14 : memref<!tpu.dma_semaphore, #tpu.memory_space<semaphore_mem>>)
    %dma_wait3A_1394 = arith.constant 1984 : i32
    %dma_wait3A_1395 = tpu.memref_slice %arg6[%dma_wait3A_1394] : memref<2048xi32, #tpu.memory_space<vmem>> -> memref<32xi32, #tpu.memory_space<vmem>>
    %dma_wait3A_1396 = tpu.memref_reshape %arg2 : memref<16x16x16x768xf32, #tpu.memory_space<hbm>> -> memref<4096x768xf32, #tpu.memory_space<hbm>>
    %dma_wait3A_1397 = arith.constant 0 : i32
    %dma_wait3A_1398 = arith.constant 0 : i32
    %dma_wait3A_1399 = tpu.memref_slice %dma_wait3A_1396[%dma_wait3A_1397, %dma_wait3A_1398] : memref<4096x768xf32, #tpu.memory_space<hbm>> -> memref<4096x768xf32, #tpu.memory_space<hbm>>
    tpu.wait_indirect_dma semaphore(%arg13 : memref<!tpu.dma_semaphore, #tpu.memory_space<semaphore_mem>>) src(%dma_wait3A_1399 : memref<4096x768xf32, #tpu.memory_space<hbm>>) dst(%arg9 : memref<32x768xf32, #tpu.memory_space<vmem>>)
    %add3A_1400 = arith.constant 1984 : i32
    %add3A_1401 = arith.addi %mul3A_2, %add3A_1400 : i32
    %dma_start3A_1402 = arith.constant 0 : i32
    %dma_start3A_1403 = tpu.memref_slice %arg4[%add3A_1401, %dma_start3A_1402] : memref<65536x768xf32, #tpu.memory_space<hbm>> -> memref<32x768xf32, #tpu.memory_space<hbm>>
    %dma_start3A_1404 = arith.constant 0 : i32
    %dma_start3A_1405 = tpu.memref_slice %arg4[%add3A_1401, %dma_start3A_1404] : memref<65536x768xf32, #tpu.memory_space<hbm>> -> memref<32x768xf32, #tpu.memory_space<hbm>>
    tpu.enqueue_dma source(%arg9 : memref<32x768xf32, #tpu.memory_space<vmem>>) target(%dma_start3A_1405 : memref<32x768xf32, #tpu.memory_space<hbm>>) target_semaphore(%arg17 : memref<!tpu.dma_semaphore, #tpu.memory_space<semaphore_mem>>)
    %dma_wait3A_1406 = arith.constant 2016 : i32
    %dma_wait3A_1407 = tpu.memref_slice %arg6[%dma_wait3A_1406] : memref<2048xi32, #tpu.memory_space<vmem>> -> memref<32xi32, #tpu.memory_space<vmem>>
    %dma_wait3A_1408 = tpu.memref_reshape %arg2 : memref<16x16x16x768xf32, #tpu.memory_space<hbm>> -> memref<4096x768xf32, #tpu.memory_space<hbm>>
    %dma_wait3A_1409 = arith.constant 0 : i32
    %dma_wait3A_1410 = arith.constant 0 : i32
    %dma_wait3A_1411 = tpu.memref_slice %dma_wait3A_1408[%dma_wait3A_1409, %dma_wait3A_1410] : memref<4096x768xf32, #tpu.memory_space<hbm>> -> memref<4096x768xf32, #tpu.memory_space<hbm>>
    tpu.wait_indirect_dma semaphore(%arg14 : memref<!tpu.dma_semaphore, #tpu.memory_space<semaphore_mem>>) src(%dma_wait3A_1411 : memref<4096x768xf32, #tpu.memory_space<hbm>>) dst(%arg10 : memref<32x768xf32, #tpu.memory_space<vmem>>)
    %add3A_1412 = arith.constant 2016 : i32
    %add3A_1413 = arith.addi %mul3A_2, %add3A_1412 : i32
    %dma_start3A_1414 = arith.constant 0 : i32
    %dma_start3A_1415 = tpu.memref_slice %arg4[%add3A_1413, %dma_start3A_1414] : memref<65536x768xf32, #tpu.memory_space<hbm>> -> memref<32x768xf32, #tpu.memory_space<hbm>>
    %dma_start3A_1416 = arith.constant 0 : i32
    %dma_start3A_1417 = tpu.memref_slice %arg4[%add3A_1413, %dma_start3A_1416] : memref<65536x768xf32, #tpu.memory_space<hbm>> -> memref<32x768xf32, #tpu.memory_space<hbm>>
    tpu.enqueue_dma source(%arg10 : memref<32x768xf32, #tpu.memory_space<vmem>>) target(%dma_start3A_1417 : memref<32x768xf32, #tpu.memory_space<hbm>>) target_semaphore(%arg18 : memref<!tpu.dma_semaphore, #tpu.memory_space<semaphore_mem>>)
    %dma_wait3A_1418 = arith.constant 0 : i32
    %dma_wait3A_1419 = tpu.memref_slice %arg4[%add3A_1357, %dma_wait3A_1418] : memref<65536x768xf32, #tpu.memory_space<hbm>> -> memref<32x768xf32, #tpu.memory_space<hbm>>
    %dma_wait3A_1420 = arith.constant 0 : i32
    %dma_wait3A_1421 = tpu.memref_slice %arg4[%add3A_1357, %dma_wait3A_1420] : memref<65536x768xf32, #tpu.memory_space<hbm>> -> memref<32x768xf32, #tpu.memory_space<hbm>>
    tpu.wait_dma2 semaphore(%arg15 : memref<!tpu.dma_semaphore, #tpu.memory_space<semaphore_mem>>) src(%arg7 : memref<32x768xf32, #tpu.memory_space<vmem>>) dst(%dma_wait3A_1421 : memref<32x768xf32, #tpu.memory_space<hbm>>)
    %dma_wait3A_1422 = arith.constant 0 : i32
    %dma_wait3A_1423 = tpu.memref_slice %arg4[%add3A_1379, %dma_wait3A_1422] : memref<65536x768xf32, #tpu.memory_space<hbm>> -> memref<32x768xf32, #tpu.memory_space<hbm>>
    %dma_wait3A_1424 = arith.constant 0 : i32
    %dma_wait3A_1425 = tpu.memref_slice %arg4[%add3A_1379, %dma_wait3A_1424] : memref<65536x768xf32, #tpu.memory_space<hbm>> -> memref<32x768xf32, #tpu.memory_space<hbm>>
    tpu.wait_dma2 semaphore(%arg16 : memref<!tpu.dma_semaphore, #tpu.memory_space<semaphore_mem>>) src(%arg8 : memref<32x768xf32, #tpu.memory_space<vmem>>) dst(%dma_wait3A_1425 : memref<32x768xf32, #tpu.memory_space<hbm>>)
    %dma_wait3A_1426 = arith.constant 0 : i32
    %dma_wait3A_1427 = tpu.memref_slice %arg4[%add3A_1401, %dma_wait3A_1426] : memref<65536x768xf32, #tpu.memory_space<hbm>> -> memref<32x768xf32, #tpu.memory_space<hbm>>
    %dma_wait3A_1428 = arith.constant 0 : i32
    %dma_wait3A_1429 = tpu.memref_slice %arg4[%add3A_1401, %dma_wait3A_1428] : memref<65536x768xf32, #tpu.memory_space<hbm>> -> memref<32x768xf32, #tpu.memory_space<hbm>>
    tpu.wait_dma2 semaphore(%arg17 : memref<!tpu.dma_semaphore, #tpu.memory_space<semaphore_mem>>) src(%arg9 : memref<32x768xf32, #tpu.memory_space<vmem>>) dst(%dma_wait3A_1429 : memref<32x768xf32, #tpu.memory_space<hbm>>)
    %dma_wait3A_1430 = arith.constant 0 : i32
    %dma_wait3A_1431 = tpu.memref_slice %arg4[%add3A_1413, %dma_wait3A_1430] : memref<65536x768xf32, #tpu.memory_space<hbm>> -> memref<32x768xf32, #tpu.memory_space<hbm>>
    %dma_wait3A_1432 = arith.constant 0 : i32
    %dma_wait3A_1433 = tpu.memref_slice %arg4[%add3A_1413, %dma_wait3A_1432] : memref<65536x768xf32, #tpu.memory_space<hbm>> -> memref<32x768xf32, #tpu.memory_space<hbm>>
    tpu.wait_dma2 semaphore(%arg18 : memref<!tpu.dma_semaphore, #tpu.memory_space<semaphore_mem>>) src(%arg10 : memref<32x768xf32, #tpu.memory_space<vmem>>) dst(%dma_wait3A_1433 : memref<32x768xf32, #tpu.memory_space<hbm>>)
    return
  }
}

</mosaic_0001>

<sc_bundles>
// kernel: kernel.3.cloned.1.call-start
scs
__scs_entry_jumppad:
0x0: {  	(pc) =	sbr.rel $0x88, $3  }
0x1: {  	(tag) =	ssettag $0x0;
	lr =	simm.s32 $0x1  }
0x2: {  	[smem:$0x3F9F] =	sst lr;
	_ =	strace $0xD0000000  }
0x3: {  	_ = 	snop  }
0x4: {  	_ = 	snop  }
0x5: {  	_ = 	snop  }
0x6: {  	_ = 	snop  }
0x7: {  	_ = 	snop  }
__scs_overlays_trampoline_lowered:
0x8: {  	[smem:$0x3FAE] =	sst s0  }
0x9: {  	[smem:$0x3FAF] =	sst s1  }
0xa: {  	[smem:$0x3FB0] =	sst s2  }
0xb: {  	[smem:$0x3FB1] =	sst s3  }
0xc: {  	[smem:$0x3FB2] =	sst s4  }
0xd: {  	[smem:$0x3FB3] =	sst s5  }
0xe: {  	[smem:$0x3FB4] =	sst s6  }
0xf: {  	[smem:$0x3FB5] =	sst s7  }
0x10: {  	[smem:$0x3FB6] =	sst s8  }
0x11: {  	[smem:$0x3FB7] =	sst s9;
	s0 =	simm.s32 @!p0 $0x0  }
0x12: {  	s1 =	sld [smem:$0x3F9D];
	s0 =	simm.s32 @p0 $0x1  }
0x13: {  	[smem:$0x3FB8] =	sst s0;
	s0 =	simm.s32 @!p1 $0x0  }
0x14: {  	s2 =	sld [smem:$0x3F9C];
	s0 =	simm.s32 @p1 $0x1  }
0x15: {  	[smem:$0x3FB9] =	sst s0;
	s0 =	simm.s32 @!p2 $0x0  }
0x16: {  	s3 =	sld [smem:$0x3FDB];
	s0 =	simm.s32 @p2 $0x1  }
0x17: {  	s4 =	simm.s32 $0x1BF5;
	[smem:$0x3FBB] =	sst s0  }
0x18: {  	s0 =	sld [smem:$0x3F9E];
	_ =	swait.ge [sflag:s4], $0x0  }
0x19: {  	s7 =	sld [smem:$0x3F9F]  }
0x1a: {  	s8 =	sadd.s32 $0xFFFFE003, lr  }
0x1b: {  	s9 =	sadd.s32 $0xFFFFFEF7, lr;
	s5 =	simm.s32 $0xFFFFFFFF;
	p2 =	slt.u32 s8, $0xFFFFF086  }
0x1c: {  	p1 =	slt.u32 s9, $0xF7A;
	s5 =	simm.s32 @!p2 $0x0  }
0x1d: {  	s5 =	simm.s32 @p1 $0x1;
	p0 =	seq.s32 s7, s2  }
0x1e: {  	s7 =	smul.u32 @!p0 $0xF7A, s2;
	p2 =	seq.s32 @!p0 s5, $0x0  }
0x1f: {  	s9 =	smul.u32 $0xF7A, s1;
	s8 =	simm.s32 @!p0 $0x1BF5;
	p2 =	por !p2, p0  }
0x20: {  	[sflag:s8] =	ssyncset.s32 @!p0 $0xFFFFF086;
	s6 =	sadd.s32 @!p0 s3, s7;
	s7 =	simm.s32 @!p0 $0x108  }
0x21: {  	s3 =	sadd.s32 s3, s9;
	s6 =	sadd.s32 @!p0 $0x88, s6;
	s7 =	simm.s32 @p2 $0x1082  }
0x22: {  	[simem:s7], [sflag:s8] =	dma.local @!p0 [hbm:s6], $0xF7A  }
0x23: {  	s9 =	sor.u32 $0xD0000000, s2;
	s6 =	simm.s32 $0x108;
	_ =	swait.ge @!p0 [sflag:s8], $0x0  }
0x24: {  	s3 =	sadd.s32 $0x88, s3;
	s6 =	simm.s32 @!p1 $0x1082;
	[sflag:s4] =	ssyncset.s32 $0xFFFFF086  }
0x25: {  	[simem:s6], [sflag:s4] =	dma.local [hbm:s3], $0xF7A  }
0x26: {  	[smem:$0x3F9F] =	sst s1;
	(tag) =	ssettag s2;
	_ =	strace s9  }
0x27: {  	s1 =	sld [smem:$0x3FAF]  }
0x28: {  	s2 =	sld [smem:$0x3FB0]  }
0x29: {  	s4 =	sld [smem:$0x3FB2]  }
0x2a: {  	p0 =	seq.s32 s5, $0x0;
	s5 =	sld [smem:$0x3FB3]  }
0x2b: {  	s6 =	sld [smem:$0x3FB4]  }
0x2c: {  	s7 =	sld [smem:$0x3FB5]  }
0x2d: {  	s3 =	simm.s32 $0x108;
	s8 =	sld [smem:$0x3FB6]  }
0x2e: {  	s3 =	simm.s32 @!p0 $0x1082;
	s9 =	sld [smem:$0x3FB7]  }
0x2f: {  	lr =	sadd.s32 s0, s3;
	s0 =	sld [smem:$0x3FAE]  }
0x30: {  	s3 =	sld [smem:$0x3FB1]  }
0x31: {  	[smem:$0x3FBA] =	sst s10  }
0x32: {  	s10 =	sld [smem:$0x3FB8];
	_ =	sdelay $0x3  }
0x33: {  	p0 =	seq.s32 s10, $0x1;
	s10 =	sld [smem:$0x3FBA];
	_ =	sdelay $0x3  }
0x34: {  	[smem:$0x3FBA] =	sst s10  }
0x35: {  	s10 =	sld [smem:$0x3FB9];
	_ =	sdelay $0x3  }
0x36: {  	p1 =	seq.s32 s10, $0x1;
	s10 =	sld [smem:$0x3FBA];
	_ =	sdelay $0x3  }
0x37: {  	[smem:$0x3FBA] =	sst s10  }
0x38: {  	s10 =	sld [smem:$0x3FBB]  }
0x39: {  	_ = 	snop;
	(pc) =	sbr.ind lr, $3  }
0x3a: {  	_ = 	snop  }
0x3b: {  	_ = 	snop  }
0x3c: {  	p2 =	seq.s32 s10, $0x1;
	s10 =	sld [smem:$0x3FBA]  }
0x3d: {  	_ =	shalt  }
0x3e: {  	_ =	shalt  }
0x3f: {  	_ =	shalt  }
0x40: {  	_ =	shalt  }
0x41: {  	_ =	shalt  }
0x42: {  	_ =	shalt  }
0x43: {  	_ =	shalt  }
0x44: {  	_ =	shalt  }
0x45: {  	_ =	shalt  }
0x46: {  	_ =	shalt  }
0x47: {  	_ =	shalt  }
0x48: {  	_ =	shalt  }
0x49: {  	_ =	shalt  }
0x4a: {  	_ =	shalt  }
0x4b: {  	_ =	shalt  }
0x4c: {  	_ =	shalt  }
0x4d: {  	_ =	shalt  }
0x4e: {  	_ =	shalt  }
0x4f: {  	_ =	shalt  }
0x50: {  	_ =	shalt  }
0x51: {  	_ =	shalt  }
0x52: {  	_ =	shalt  }
0x53: {  	_ =	shalt  }
0x54: {  	_ =	shalt  }
0x55: {  	_ =	shalt  }
0x56: {  	_ =	shalt  }
0x57: {  	_ =	shalt  }
0x58: {  	_ =	shalt  }
0x59: {  	_ =	shalt  }
0x5a: {  	_ =	shalt  }
0x5b: {  	_ =	shalt  }
0x5c: {  	_ =	shalt  }
0x5d: {  	_ =	shalt  }
0x5e: {  	_ =	shalt  }
0x5f: {  	_ =	shalt  }
0x60: {  	_ =	shalt  }
0x61: {  	_ =	shalt  }
0x62: {  	_ =	shalt  }
0x63: {  	_ =	shalt  }
0x64: {  	_ =	shalt  }
0x65: {  	_ =	shalt  }
0x66: {  	_ =	shalt  }
0x67: {  	_ =	shalt  }
0x68: {  	_ =	shalt  }
0x69: {  	_ =	shalt  }
0x6a: {  	_ =	shalt  }
0x6b: {  	_ =	shalt  }
0x6c: {  	_ =	shalt  }
0x6d: {  	_ =	shalt  }
0x6e: {  	_ =	shalt  }
0x6f: {  	_ =	shalt  }
0x70: {  	_ =	shalt  }
0x71: {  	_ =	shalt  }
0x72: {  	_ =	shalt  }
0x73: {  	_ =	shalt  }
0x74: {  	_ =	shalt  }
0x75: {  	_ =	shalt  }
0x76: {  	_ =	shalt  }
0x77: {  	_ =	shalt  }
0x78: {  	_ =	shalt  }
0x79: {  	_ =	shalt  }
0x7a: {  	_ =	shalt  }
0x7b: {  	_ =	shalt  }
0x7c: {  	_ =	shalt  }
0x7d: {  	_ =	shalt  }
0x7e: {  	_ =	shalt  }
0x7f: {  	_ =	shalt  }
0x80: {  	_ =	shalt  }
0x81: {  	_ =	shalt  }
0x82: {  	_ =	shalt  }
0x83: {  	_ =	shalt  }
0x84: {  	_ =	shalt  }
0x85: {  	_ =	shalt  }
0x86: {  	_ =	shalt  }
0x87: {  	_ =	shalt  }
.Lfunc_end0:
.L_simem_size_0:
called_computation_lowered:
.L_overlay_start_0:
0x88: {  	s2 =	sld [smem:$0x3FD9]  }
0x89: {  	s3 =	sld [smem:$0x3FFE];
	_ =	sdelay $0x1  }
0x8a: {  	s1 =	srdreg.scid  }
0x8b: {  	s0 =	sand.u32 $0x1, s1  }
0x8c: {  	s18 =	sshll.u32 s0, $0xA;
	s2 =	sadd.s32 s3, s2  }
0x8d: {  	s2 =	sadd.s32 s2, s18  }
0x8e: {  	[smem:$0x3FC6] =	sst s2  }
0x8f: {  	_ = 	snop  }
0x90: {  	s2 =	sld [smem:$0x3FC9]  }
0x91: {  	s19 =	sld [smem:$0x3FC8]  }
0x92: {  	s4 =	sld [smem:$0x3FD0];
	(tm) =	ssettm $0x1  }
0x93: {  	s5 =	sld [smem:$0x3FFB];
	_ =	sdelay $0x3  }
0x94: {  	_ =	strace s5  }
0x95: {  	s5 =	sld [smem:$0x3FFC];
	_ =	sdelay $0x3  }
0x96: {  	_ =	strace s5  }
0x97: {  	s5 =	sld [smem:$0x3FFD];
	_ =	sdelay $0x3  }
0x98: {  	_ =	strace s5  }
0x99: {  	_ =	strace $0x8FFFFFFF  }
0x9a: {  	s20 =	sld [smem:$0x3FDB];
	_ =	sdelay $0x1  }
0x9b: {  	s6 =	simm.s32 $_scs_section_size  }
0x9c: {  	s7 =	simm.s32 $_size__tile_overlayer_lowered;
	s8 =	simm.s32 $_tile_overlayer_lowered  }
0x9d: {  	s23 =	simm.s32 $0x1BFF;
	s22 =	sshll.u32 s8, $0x1;
	s5 =	sadd.s32 s6, s20  }
0x9e: {  	s9 =	simm.s32 $0x0;
	s21 =	sshll.u32 s7, $0x1;
	s7 =	sadd.s32 s22, s5  }
0x9f: {  	[timem:s9], [sflag:s23] =	dma.local [hbm:s7], s21  }
0xa0: {  	_ =	swait.ge [sflag:s23], s21  }
0xa1: {  	s6 =	ssub.s32 $0x0, s21;
	[sflag:s23] =	ssyncset.done $0x0  }
0xa2: {  	[sflag:s23] =	ssyncadd.s32 s6;
	_ =	sdelay $0x1  }
0xa3: {  	s24 =	simm.s32 $0x1B8B  }
0xa4: {  	_ =	swait.ge [sflag:s24], $0x1  }
0xa5: {  	[sflag:s24] =	ssyncset.done $0x0  }
0xa6: {  	s25 =	simm.s32 $0x1B8E;
	[sflag:s24] =	ssyncadd.s32 $0xFFFFFFFF  }
0xa7: {  	s26 =	simm.s32 $execute0_lowered;
	[smem:$0x3FD2] =	sst s25  }
0xa8: {  	s6 =	sshll.u32 s26, $0x1;
	_ =	strace $0x80000046;
	[dreg:$0x1] =	wrdreg $0xFFFFFFFF  }
0xa9: {  	s28 =	simm.s32 $_size_execute0_lowered;
	s5 =	sadd.s32 s5, s6;
	[dreg:$0x0] =	wrdreg $0x0  }
0xaa: {  	s6 =	sshll.u32 s28, $0x1;
	[dreg:$0x2] =	wrdreg s5  }
0xab: {  	[dreg:$0x3] =	wrdreg s6  }
0xac: {  	[dreg:$0x4] =	wrdreg $0xC0  }
0xad: {  	_ =	task [dreg:s9], $0x5FFFF  }
0xae: {  	[dreg:$0x1] =	wrdreg $0xFFFFFFFF  }
0xaf: {  	[dreg:$0x0] =	wrdreg $0x60  }
0xb0: {  	[dreg:$0x2] =	wrdreg s2  }
0xb1: {  	[dreg:$0x3] =	wrdreg s19  }
0xb2: {  	[dreg:$0x4] =	wrdreg s4  }
0xb3: {  	[dreg:$0x5] =	wrdreg $0x9  }
0xb4: {  	_ =	task.clear_ibuf [dreg:s9], $0x6FFFF;
	_ =	strace $0x90000046  }
0xb5: {  	s29 =	simm.s32 $0x9;
	_ =	strace $0x80000048  }
0xb6: {  	_ =	swait.ge [sflag:s29], $0x1  }
0xb7: {  	[sflag:s29] =	ssyncadd.s32 $0xFFFFFFFF  }
0xb8: {  	_ =	strace $0x90000048  }
0xb9: {  	_ =	sfence  }
0xba: {  	s30 =	sld [smem:$0x0];
	_ =	sdelay $0x2  }
0xbb: {  	s31 =	sshll.u32 s1, $0xD;
	s1 =	sshrl.u32 s1, $0x2  }
0xbc: {  	s3 =	sand.u32 $0x4000, s31;
	s1 =	sadd.s32 s1, s30  }
0xbd: {  	s0 =	sor.u32 s3, s0;
	s1 =	sshll.u32 s1, $0x11  }
0xbe: {  	s0 =	sor.u32 s1, s0  }
0xbf: {  	s0 =	sadd.s32 $0x8F2B, s0  }
0xc0: {  	[sflag:s0] =	ssyncadd.remote.s32 $0x1  }
0xc1: {  	_ =	sfence.sel $0xFFFF  }
0xc2: {  	[dreg:$0x0] =	wrdreg $0xFFFFFFFF;
	(pc) =	sbr.abs _section_cstart, $3  }
0xc3: {  	[dreg:$0x1] =	wrdreg $0xFFFFFFFF  }
0xc4: {  	_ =	task.clear_ibuf [dreg:s9], $0x2FFFF;
	_ =	strace $0x9FFFFFFF  }
0xc5: {  	(tm) =	ssettm $0x7FFFFFFF  }
tec
execute0_lowered:
.L_overlay_start_1:
0x0: {  	(tag) =	ssettag $0x1  }
0x1: {  	s1 =	rddreg [dreg:$0x0]  }
0x2: {  	s0 =	rddreg [dreg:$0x1];
	s2 =	srdreg.scid  }
0x3: {  	s9 =	stileid.u32;
	s4 =	rddreg [dreg:$0x2]  }
0x4: {  	s3 =	simm.s32 $0x0;
	s2 =	sand.u32 $0x1, s2;
	s5 =	sshll.u32 s9, $0x1  }
0x5: {  	[smem:$0x7FF] =	sst s3;
	s5 =	sor.u32 s2, s5;
	s6 =	ssub.s32 $0x2, s2  }
0x6: {  	p1 =	seq.s32 s2, $0x1;
	p0 =	seq.s32 s5, $0x0;
	s8 =	smul.u32 $0x180000, s5  }
0x7: {  	s31 =	sshrl.u32 s6, $0x1;
	s10 =	smul.u32 $0x30000, s5;
	s5 =	sshll.u32 s5, $0x9  }
0x8: {  	_ =	strace $0x80000047;
	s2 =	ssub.s32 s6, s31;
	s0 =	sadd.s32 s0, s5  }
0x9: {  	s8 =	sshrl.u32 s8, $0x3;
	[dreg:$0x4] =	wrdreg s0;
	s2 =	smax.u32 s2, $0x1  }
0xa: {  	s0 =	sadd.s32 s4, s10;
	s6 =	sadd.s32 s4, s8;
	[smem:$0x7E8] =	sst s2  }
0xb: {  	[dreg:$0x5] =	wrdreg s0;
	s11 =	sadd.s32 $0x10800, s6  }
0xc: {  	s12 =	sadd.s32 $0x11400, s6;
	[dreg:$0x6] =	wrdreg s11  }
0xd: {  	s13 =	sadd.s32 $0x12000, s6;
	[dreg:$0x7] =	wrdreg s12  }
0xe: {  	s14 =	sadd.s32 $0x12C00, s6;
	[dreg:$0x8] =	wrdreg s13  }
0xf: {  	s15 =	sadd.s32 $0x13800, s6;
	[dreg:$0x9] =	wrdreg s14  }
0x10: {  	s16 =	sadd.s32 $0x14400, s6;
	[dreg:$0xa] =	wrdreg s15  }
0x11: {  	s17 =	sadd.s32 $0x15000, s6;
	[dreg:$0xb] =	wrdreg s16  }
0x12: {  	s18 =	sadd.s32 $0x15C00, s6;
	[dreg:$0xc] =	wrdreg s17  }
0x13: {  	s19 =	sadd.s32 $0x16800, s6;
	[dreg:$0xd] =	wrdreg s18  }
0x14: {  	s21 =	sadd.s32 $0x17400, s6;
	[dreg:$0xe] =	wrdreg s19  }
0x15: {  	s22 =	sadd.s32 $0x18000, s6;
	[dreg:$0xf] =	wrdreg s21  }
0x16: {  	s23 =	sadd.s32 $0x18C00, s6;
	[dreg:$0x10] =	wrdreg s22  }
0x17: {  	s24 =	sadd.s32 $0x19800, s6;
	[dreg:$0x11] =	wrdreg s23  }
0x18: {  	s25 =	sadd.s32 $0x1A400, s6;
	[dreg:$0x12] =	wrdreg s24  }
0x19: {  	s26 =	sadd.s32 $0x1B000, s6;
	[dreg:$0x13] =	wrdreg s25  }
0x1a: {  	s7 =	simm.s32 $0x1;
	s29 =	sadd.s32 $0x1BC00, s6;
	[dreg:$0x14] =	wrdreg s26  }
0x1b: {  	p0 =	por !p0, !p1;
	s30 =	sadd.s32 $0x1C800, s6;
	[dreg:$0x15] =	wrdreg s29  }
0x1c: {  	p0 =	por !p0, !p0;
	s31 =	sadd.s32 $0x1D400, s6;
	[dreg:$0x16] =	wrdreg s30  }
0x1d: {  	s7 =	simm.s32 @!p0 $0x0;
	s5 =	sadd.s32 $0x1E000, s6;
	[dreg:$0x17] =	wrdreg s31  }
0x1e: {  	s9 =	ssub.s32 s9, s7;
	s7 =	sadd.s32 $0x1EC00, s6;
	[dreg:$0x18] =	wrdreg s5  }
0x1f: {  	s8 =	sadd.s32 $0x1F800, s6;
	[dreg:$0x19] =	wrdreg s7  }
0x20: {  	s10 =	sadd.s32 $0x21000, s6;
	[dreg:$0x1a] =	wrdreg s8  }
0x21: {  	s20 =	sshll.u32 s9, $0x8;
	s9 =	sadd.s32 $0x20400, s6;
	[dreg:$0x1c] =	wrdreg s10  }
0x22: {  	s11 =	sadd.s32 $0x21C00, s6;
	[dreg:$0x1b] =	wrdreg s9  }
0x23: {  	s12 =	sadd.s32 $0x22800, s6;
	[dreg:$0x1d] =	wrdreg s11  }
0x24: {  	s13 =	sadd.s32 $0x23400, s6;
	[dreg:$0x1e] =	wrdreg s12  }
0x25: {  	s14 =	sadd.s32 $0x24000, s6;
	[dreg:$0x1f] =	wrdreg s13  }
0x26: {  	s15 =	sadd.s32 $0x24C00, s6;
	[smem:$0x7D8] =	sst s14  }
0x27: {  	s16 =	sadd.s32 $0x25800, s6;
	[smem:$0x7D9] =	sst s15  }
0x28: {  	s17 =	sadd.s32 $0x26400, s6;
	[smem:$0x7DA] =	sst s16  }
0x29: {  	s18 =	sadd.s32 $0x27000, s6;
	[smem:$0x7DB] =	sst s17  }
0x2a: {  	s19 =	sadd.s32 $0x27C00, s6;
	[smem:$0x7DC] =	sst s18  }
0x2b: {  	s21 =	sadd.s32 $0x28800, s6;
	[smem:$0x7DD] =	sst s19  }
0x2c: {  	s22 =	sadd.s32 $0x29400, s6;
	[smem:$0x7DE] =	sst s21  }
0x2d: {  	s23 =	sadd.s32 $0x2A000, s6;
	[smem:$0x7DF] =	sst s22  }
0x2e: {  	s24 =	sadd.s32 $0x2AC00, s6;
	[smem:$0x7E0] =	sst s23  }
0x2f: {  	s25 =	sadd.s32 $0x2B800, s6;
	[smem:$0x7E1] =	sst s24  }
0x30: {  	s26 =	sadd.s32 $0x2C400, s6;
	[smem:$0x7E2] =	sst s25  }
0x31: {  	s29 =	sadd.s32 $0x2D000, s6;
	[smem:$0x7E3] =	sst s26  }
0x32: {  	s30 =	sadd.s32 $0x2DC00, s6;
	[smem:$0x7E4] =	sst s29  }
0x33: {  	s31 =	sadd.s32 $0x2E800, s6;
	[smem:$0x7E5] =	sst s30  }
0x34: {  	s5 =	sadd.s32 $0x2F400, s6;
	[smem:$0x7E6] =	sst s31  }
0x35: {  	s6 =	sadd.s32 $0xC00, s0;
	[smem:$0x7E7] =	sst s5  }
0x36: {  	s7 =	sadd.s32 $0x1800, s0;
	[smem:$0x7E9] =	sst s6  }
0x37: {  	s8 =	sadd.s32 $0x2400, s0;
	[smem:$0x7EA] =	sst s7  }
0x38: {  	s10 =	sadd.s32 $0x3C00, s0;
	[smem:$0x7EB] =	sst s8  }
0x39: {  	s9 =	sadd.s32 $0x3000, s0;
	[smem:$0x7ED] =	sst s10  }
0x3a: {  	s11 =	sadd.s32 $0x4800, s0;
	[smem:$0x7EC] =	sst s9  }
0x3b: {  	s12 =	sadd.s32 $0x5400, s0;
	[smem:$0x7EE] =	sst s11  }
0x3c: {  	s13 =	sadd.s32 $0x6000, s0;
	[smem:$0x7EF] =	sst s12  }
0x3d: {  	s14 =	sadd.s32 $0x6C00, s0;
	[smem:$0x7F0] =	sst s13  }
0x3e: {  	s15 =	sadd.s32 $0x7800, s0;
	[smem:$0x7F1] =	sst s14  }
0x3f: {  	s16 =	sadd.s32 $0x8400, s0;
	[smem:$0x7F2] =	sst s15  }
0x40: {  	s17 =	sadd.s32 $0x9000, s0;
	[smem:$0x7F3] =	sst s16  }
0x41: {  	s18 =	sadd.s32 $0x9C00, s0;
	[smem:$0x7F4] =	sst s17  }
0x42: {  	s19 =	sadd.s32 $0xA800, s0;
	[smem:$0x7F5] =	sst s18  }
0x43: {  	s28 =	simm.s32 $0x8;
	s24 =	sadd.s32 $0xB400, s0;
	[smem:$0x7F6] =	sst s19  }
0x44: {  	s4 =	simm.s32 $0x7800;
	s25 =	sadd.s32 $0xC000, s0;
	[smem:$0x7F7] =	sst s24  }
0x45: {  	s21 =	simm.s32 $0x1;
	s26 =	sadd.s32 $0xCC00, s0;
	[smem:$0x7F8] =	sst s25  }
0x46: {  	s22 =	sadd.s32 $0x100, s1;
	s29 =	sadd.s32 $0xD800, s0;
	[smem:$0x7F9] =	sst s26  }
0x47: {  	s23 =	sadd.s32 $0x200, s1;
	s30 =	sadd.s32 $0xE400, s0;
	[smem:$0x7FA] =	sst s29  }
0x48: {  	s31 =	sadd.s32 $0xF000, s0;
	s0 =	sadd.s32 $0xFC00, s0;
	[smem:$0x7FB] =	sst s30  }
0x49: {  	s6 =	simm.s32 $0x13800;
	v0 =	vmov s20;
	s20 =	simm.s32 $0x5;
	[smem:$0x7FC] =	sst s31  }
0x4a: {  	v3 =	vlaneseq.u32;
	s5 =	simm.s32 $0x0;
	[smem:$0x7FD] =	sst s0;
	s18 =	simm.s32 $0x1800  }
0x4b: {  	vm0 =	vmmov $0xffff;
	v2 =	vshrl.u32 v3, $0x3;
	s17 =	simm.s32 $0xD800;
	s0 =	simm.s32 $0x2;
	s19 =	simm.s32 $0x3  }
0x4c: {  	v1 =	vand.u32 $0x7, v3;
	v3 =	vor.u32 $0x8, v3;
	v2 =	vmul.u32 $0x8, v2;
	s24 =	simm.s32 $0x4;
	s25 =	simm.s32 $0x6;
	s26 =	simm.s32 $0x7  }
.LBB2_1:
0x4d: {  	[smem:$0x7D7] =	sst s5  }
0x4e: {  	s2 =	rddreg [dreg:$0x4];
	s29 =	simm.s32 $0x9  }
0x4f: {  	[tilespmem:s3], [sflag:$0x9] =	stream.linear.gather [hbm4b:s2+s3], $0x1000, $0x38;
	[tilespmem:$0x19800] =	vst v63  }
0x50: {  	s14 =	sand.u32 $0x3C00, s3;
	_ =	swait.ge [sflag:s29], $0x1000  }
0x51: {  	s7 =	sand.u32 $0x70, s3;
	s2 =	sshrl.u32 s14, $0x2;
	[sflag:s29] =	ssyncset.done $0x0  }
0x52: {  	s2 =	sor.u32 s7, s2;
	[sflag:s29] =	ssyncadd.s32 $0xFFFFF000  }
0x53: {  	v4 =	vld [tilespmem:s2+$0x0]  }
0x54: {  	v5 =	vld [tilespmem:s2+$0x80];
	_ =	sdelay $0x4  }
0x55: {  	s15 =	simm.s32 $0x80;
	v4 =	vshra.s32 v4, $0x1;
	v5 =	vshra.s32 v5, $0x5  }
0x56: {  	s30 =	simm.s32 $0x10;
	s31 =	simm.s32 $0x100;
	s16 =	sand.u32 $0x3C00, s15;
	v4 =	vand.u32 $0xFFFFFFF0, v4;
	v5 =	vadd.s32 v0, v5  }
0x57: {  	s7 =	sshrl.u32 s16, $0x2;
	s29 =	simm.s32 $0x1000;
	s2 =	sand.u32 $0x70, s30;
	v4 =	vadd.s32 v4, v5  }
.LBB2_2:
0x58: {  	p0 =	sne.s32 s31, $0x3F80;
	s2 =	sor.u32 s2, s7;
	[tilespmem:s29+$0x0] =	vst v4  }
0x59: {  	v4 =	vld [tilespmem:s2+$0x0]  }
0x5a: {  	v5 =	vld [tilespmem:s2+$0x80];
	_ =	sdelay $0x2  }
.Ltmp0:
0x5b: {  	(pc) =	sbr.rel @p0 .LBB2_2-.Ltmp0, $4  }
0x5c: {  	_ = 	snop  }
0x5d: {  	v4 =	vshra.s32 v4, $0x1;
	v5 =	vshra.s32 v5, $0x5  }
0x5e: {  	s7 =	sand.u32 $0x3C00, s31;
	s30 =	sadd.s32 $0x10, s30;
	s29 =	sadd.s32 $0x10, s29;
	v4 =	vand.u32 $0xFFFFFFF0, v4;
	v5 =	vadd.s32 v0, v5  }
0x5f: {  	s31 =	sadd.s32 $0x80, s31;
	s7 =	sshrl.u32 s7, $0x2;
	s2 =	sand.u32 $0x70, s30;
	v4 =	vadd.s32 v4, v5  }
0x60: {  	s2 =	sor.u32 s2, s7;
	[tilespmem:s29+$0x0] =	vst v4  }
0x61: {  	v4 =	vld [tilespmem:s2+$0x0]  }
0x62: {  	v5 =	vld [tilespmem:s2+$0x80];
	_ =	sdelay $0x4  }
0x63: {  	v4 =	vshra.s32 v4, $0x1;
	v5 =	vshra.s32 v5, $0x5  }
0x64: {  	v4 =	vand.u32 $0xFFFFFFF0, v4;
	v5 =	vadd.s32 v0, v5  }
0x65: {  	s5 =	sadd.s32 $0x10, s29;
	v4 =	vadd.s32 v4, v5  }
0x66: {  	[tilespmem:s5+$0x0] =	vst v4  }
0x67: {  	v4 =	vld [tilespmem:$0x1000];
	_ =	sdelay $0x4  }
0x68: {  	v5 =	vshrl.u32 v4, $0x3  }
0x69: {  	v5 =	vmul.u32 $0x30, v5  }
0x6a: {  	v4 =	vand.u32 $0x7, v4  }
0x6b: {  	v4 =	vor.u32 v4, v5  }
0x6c: {  	v5 =	vperm.xlane v4, v1;
	_ =	sdelay $0x1  }
0x6d: {  	v5 =	vadd.s32 v2, v5;
	_ =	sdelay $0x3  }
0x6e: {  	v4 =	vperm.xlane v4, v3  }
0x6f: {  	[tilespmem:s18], [sflag:$0x1] =	stream.indirect_vreg.gather [hbm4b:s1+s3], $0x80, v5, vm0, $0xb8;
	[tilespmem:$0x19800] =	vst v63  }
0x70: {  	s7 =	simm.s32 $0x2000;
	v4 =	vadd.s32 v2, v4  }
0x71: {  	[tilespmem:s7], [sflag:$0x1] =	stream.indirect_vreg.gather [hbm4b:s22+s3], $0x80, v5, vm0, $0xb8;
	[tilespmem:$0x19800] =	vst v63  }
0x72: {  	s8 =	simm.s32 $0x2800  }
0x73: {  	[tilespmem:s8], [sflag:$0x1] =	stream.indirect_vreg.gather [hbm4b:s23+s3], $0x80, v5, vm0, $0xb8;
	[tilespmem:$0x19800] =	vst v63  }
0x74: {  	s9 =	simm.s32 $0x3000  }
0x75: {  	[tilespmem:s9], [sflag:$0x1] =	stream.indirect_vreg.gather [hbm4b:s1+s3], $0x80, v4, vm0, $0xb8;
	[tilespmem:$0x19800] =	vst v63  }
0x76: {  	s10 =	simm.s32 $0x3800  }
0x77: {  	[tilespmem:s10], [sflag:$0x1] =	stream.indirect_vreg.gather [hbm4b:s22+s3], $0x80, v4, vm0, $0xb8;
	[tilespmem:$0x19800] =	vst v63  }
0x78: {  	s11 =	simm.s32 $0x4000  }
0x79: {  	[tilespmem:s11], [sflag:$0x1] =	stream.indirect_vreg.gather [hbm4b:s23+s3], $0x80, v4, vm0, $0xb8;
	[tilespmem:$0x19800] =	vst v63  }
0x7a: {  	v4 =	vld [tilespmem:$0x1010];
	_ =	sdelay $0x4  }
0x7b: {  	v5 =	vshrl.u32 v4, $0x3  }
0x7c: {  	v5 =	vmul.u32 $0x30, v5  }
0x7d: {  	v4 =	vand.u32 $0x7, v4  }
0x7e: {  	v4 =	vor.u32 v4, v5  }
0x7f: {  	v5 =	vperm.xlane v4, v1;
	_ =	sdelay $0x1  }
0x80: {  	v5 =	vadd.s32 v2, v5;
	_ =	sdelay $0x3  }
0x81: {  	s12 =	simm.s32 $0x4800;
	v4 =	vperm.xlane v4, v3  }
0x82: {  	[tilespmem:s12], [sflag:$0x1] =	stream.indirect_vreg.gather [hbm4b:s1+s3], $0x80, v5, vm0, $0xb8;
	[tilespmem:$0x19800] =	vst v63  }
0x83: {  	s13 =	simm.s32 $0x5000;
	v4 =	vadd.s32 v2, v4  }
0x84: {  	[tilespmem:s13], [sflag:$0x1] =	stream.indirect_vreg.gather [hbm4b:s22+s3], $0x80, v5, vm0, $0xb8;
	[tilespmem:$0x19800] =	vst v63  }
0x85: {  	s29 =	simm.s32 $0x5800  }
0x86: {  	[tilespmem:s29], [sflag:$0x1] =	stream.indirect_vreg.gather [hbm4b:s23+s3], $0x80, v5, vm0, $0xb8;
	[tilespmem:$0x19800] =	vst v63  }
0x87: {  	s30 =	simm.s32 $0x6000  }
0x88: {  	[tilespmem:s30], [sflag:$0x1] =	stream.indirect_vreg.gather [hbm4b:s1+s3], $0x80, v4, vm0, $0xb8;
	[tilespmem:$0x19800] =	vst v63  }
0x89: {  	s31 =	simm.s32 $0x6800  }
0x8a: {  	[tilespmem:s31], [sflag:$0x1] =	stream.indirect_vreg.gather [hbm4b:s22+s3], $0x80, v4, vm0, $0xb8;
	[tilespmem:$0x19800] =	vst v63  }
0x8b: {  	s8 =	simm.s32 $0x7000  }
0x8c: {  	[tilespmem:s8], [sflag:$0x1] =	stream.indirect_vreg.gather [hbm4b:s23+s3], $0x80, v4, vm0, $0xb8;
	[tilespmem:$0x19800] =	vst v63  }
0x8d: {  	v4 =	vld [tilespmem:$0x1020];
	_ =	sdelay $0x4  }
0x8e: {  	v5 =	vshrl.u32 v4, $0x3  }
0x8f: {  	v5 =	vmul.u32 $0x30, v5  }
0x90: {  	v4 =	vand.u32 $0x7, v4  }
0x91: {  	v4 =	vor.u32 v4, v5  }
0x92: {  	v5 =	vperm.xlane v4, v1;
	_ =	sdelay $0x1  }
0x93: {  	v5 =	vadd.s32 v2, v5;
	_ =	sdelay $0x3  }
0x94: {  	v4 =	vperm.xlane v4, v3  }
0x95: {  	[tilespmem:s4], [sflag:$0x2] =	stream.indirect_vreg.gather [hbm4b:s1+s3], $0x80, v5, vm0, $0xb8;
	[tilespmem:$0x19800] =	vst v63  }
0x96: {  	s29 =	simm.s32 $0x8000;
	v4 =	vadd.s32 v2, v4  }
0x97: {  	[tilespmem:s29], [sflag:$0x2] =	stream.indirect_vreg.gather [hbm4b:s22+s3], $0x80, v5, vm0, $0xb8;
	[tilespmem:$0x19800] =	vst v63  }
0x98: {  	s30 =	simm.s32 $0x8800  }
0x99: {  	[tilespmem:s30], [sflag:$0x2] =	stream.indirect_vreg.gather [hbm4b:s23+s3], $0x80, v5, vm0, $0xb8;
	[tilespmem:$0x19800] =	vst v63  }
0x9a: {  	s31 =	simm.s32 $0x9000  }
0x9b: {  	[tilespmem:s31], [sflag:$0x2] =	stream.indirect_vreg.gather [hbm4b:s1+s3], $0x80, v4, vm0, $0xb8;
	[tilespmem:$0x19800] =	vst v63  }
0x9c: {  	s29 =	simm.s32 $0x9800  }
0x9d: {  	[tilespmem:s29], [sflag:$0x2] =	stream.indirect_vreg.gather [hbm4b:s22+s3], $0x80, v4, vm0, $0xb8;
	[tilespmem:$0x19800] =	vst v63  }
0x9e: {  	s30 =	simm.s32 $0xA000  }
0x9f: {  	[tilespmem:s30], [sflag:$0x2] =	stream.indirect_vreg.gather [hbm4b:s23+s3], $0x80, v4, vm0, $0xb8;
	[tilespmem:$0x19800] =	vst v63  }
0xa0: {  	v4 =	vld [tilespmem:$0x1030];
	_ =	sdelay $0x4  }
0xa1: {  	v5 =	vshrl.u32 v4, $0x3  }
0xa2: {  	v5 =	vmul.u32 $0x30, v5  }
0xa3: {  	v4 =	vand.u32 $0x7, v4  }
0xa4: {  	v4 =	vor.u32 v4, v5  }
0xa5: {  	v5 =	vperm.xlane v4, v1;
	_ =	sdelay $0x1  }
0xa6: {  	v5 =	vadd.s32 v2, v5;
	_ =	sdelay $0x3  }
0xa7: {  	s31 =	simm.s32 $0xA800;
	v4 =	vperm.xlane v4, v3  }
0xa8: {  	[tilespmem:s31], [sflag:$0x2] =	stream.indirect_vreg.gather [hbm4b:s1+s3], $0x80, v5, vm0, $0xb8;
	[tilespmem:$0x19800] =	vst v63  }
0xa9: {  	s29 =	simm.s32 $0xB000;
	v4 =	vadd.s32 v2, v4  }
0xaa: {  	[tilespmem:s29], [sflag:$0x2] =	stream.indirect_vreg.gather [hbm4b:s22+s3], $0x80, v5, vm0, $0xb8;
	[tilespmem:$0x19800] =	vst v63  }
0xab: {  	s29 =	simm.s32 $0xB800  }
0xac: {  	[tilespmem:s29], [sflag:$0x2] =	stream.indirect_vreg.gather [hbm4b:s23+s3], $0x80, v5, vm0, $0xb8;
	[tilespmem:$0x19800] =	vst v63  }
0xad: {  	s29 =	simm.s32 $0xC000  }
0xae: {  	[tilespmem:s29], [sflag:$0x2] =	stream.indirect_vreg.gather [hbm4b:s1+s3], $0x80, v4, vm0, $0xb8;
	[tilespmem:$0x19800] =	vst v63  }
0xaf: {  	s29 =	simm.s32 $0xC800  }
0xb0: {  	[tilespmem:s29], [sflag:$0x2] =	stream.indirect_vreg.gather [hbm4b:s22+s3], $0x80, v4, vm0, $0xb8;
	[tilespmem:$0x19800] =	vst v63  }
0xb1: {  	s29 =	simm.s32 $0xD000  }
0xb2: {  	[tilespmem:s29], [sflag:$0x2] =	stream.indirect_vreg.gather [hbm4b:s23+s3], $0x80, v4, vm0, $0xb8;
	[tilespmem:$0x19800] =	vst v63  }
0xb3: {  	_ =	swait.ge [sflag:s21], $0x6000  }
0xb4: {  	[sflag:s21] =	ssyncset.done $0x0  }
0xb5: {  	s2 =	rddreg [dreg:$0x5];
	[sflag:s21] =	ssyncadd.s32 $0xFFFFA000  }
0xb6: {  	[hbm4b:s2+s3] =	stream.linear.scatter [tilespmem:s18], [sflag:$0x5], $0x6000, $0x38;
	[tilespmem:$0x19800] =	vst v63  }
0xb7: {  	v4 =	vld [tilespmem:$0x1040];
	_ =	sdelay $0x4  }
0xb8: {  	v5 =	vshrl.u32 v4, $0x3  }
0xb9: {  	v5 =	vmul.u32 $0x30, v5  }
0xba: {  	v4 =	vand.u32 $0x7, v4  }
0xbb: {  	v4 =	vor.u32 v4, v5  }
0xbc: {  	v5 =	vperm.xlane v4, v1;
	_ =	sdelay $0x1  }
0xbd: {  	v5 =	vadd.s32 v2, v5;
	_ =	sdelay $0x3  }
0xbe: {  	v4 =	vperm.xlane v4, v3  }
0xbf: {  	[tilespmem:s17], [sflag:$0x3] =	stream.indirect_vreg.gather [hbm4b:s1+s3], $0x80, v5, vm0, $0xb8;
	[tilespmem:$0x19800] =	vst v63  }
0xc0: {  	s2 =	simm.s32 $0xE000;
	v4 =	vadd.s32 v2, v4  }
0xc1: {  	[tilespmem:s2], [sflag:$0x3] =	stream.indirect_vreg.gather [hbm4b:s22+s3], $0x80, v5, vm0, $0xb8;
	[tilespmem:$0x19800] =	vst v63  }
0xc2: {  	s2 =	simm.s32 $0xE800  }
0xc3: {  	[tilespmem:s2], [sflag:$0x3] =	stream.indirect_vreg.gather [hbm4b:s23+s3], $0x80, v5, vm0, $0xb8;
	[tilespmem:$0x19800] =	vst v63  }
0xc4: {  	s2 =	simm.s32 $0xF000  }
0xc5: {  	[tilespmem:s2], [sflag:$0x3] =	stream.indirect_vreg.gather [hbm4b:s1+s3], $0x80, v4, vm0, $0xb8;
	[tilespmem:$0x19800] =	vst v63  }
0xc6: {  	s2 =	simm.s32 $0xF800  }
0xc7: {  	[tilespmem:s2], [sflag:$0x3] =	stream.indirect_vreg.gather [hbm4b:s22+s3], $0x80, v4, vm0, $0xb8;
	[tilespmem:$0x19800] =	vst v63  }
0xc8: {  	s2 =	simm.s32 $0x10000  }
0xc9: {  	[tilespmem:s2], [sflag:$0x3] =	stream.indirect_vreg.gather [hbm4b:s23+s3], $0x80, v4, vm0, $0xb8;
	[tilespmem:$0x19800] =	vst v63  }
0xca: {  	v4 =	vld [tilespmem:$0x1050];
	_ =	sdelay $0x4  }
0xcb: {  	v5 =	vshrl.u32 v4, $0x3  }
0xcc: {  	v5 =	vmul.u32 $0x30, v5  }
0xcd: {  	v4 =	vand.u32 $0x7, v4  }
0xce: {  	v4 =	vor.u32 v4, v5  }
0xcf: {  	v5 =	vperm.xlane v4, v1;
	_ =	sdelay $0x1  }
0xd0: {  	v5 =	vadd.s32 v2, v5;
	_ =	sdelay $0x3  }
0xd1: {  	s2 =	simm.s32 $0x10800;
	v4 =	vperm.xlane v4, v3  }
0xd2: {  	[tilespmem:s2], [sflag:$0x3] =	stream.indirect_vreg.gather [hbm4b:s1+s3], $0x80, v5, vm0, $0xb8;
	[tilespmem:$0x19800] =	vst v63  }
0xd3: {  	v4 =	vadd.s32 v2, v4;
	s2 =	simm.s32 $0x11000  }
0xd4: {  	[tilespmem:s2], [sflag:$0x3] =	stream.indirect_vreg.gather [hbm4b:s22+s3], $0x80, v5, vm0, $0xb8;
	[tilespmem:$0x19800] =	vst v63  }
0xd5: {  	s2 =	simm.s32 $0x11800  }
0xd6: {  	[tilespmem:s2], [sflag:$0x3] =	stream.indirect_vreg.gather [hbm4b:s23+s3], $0x80, v5, vm0, $0xb8;
	[tilespmem:$0x19800] =	vst v63  }
0xd7: {  	s2 =	simm.s32 $0x12000  }
0xd8: {  	[tilespmem:s2], [sflag:$0x3] =	stream.indirect_vreg.gather [hbm4b:s1+s3], $0x80, v4, vm0, $0xb8;
	[tilespmem:$0x19800] =	vst v63  }
0xd9: {  	s2 =	simm.s32 $0x12800  }
0xda: {  	[tilespmem:s2], [sflag:$0x3] =	stream.indirect_vreg.gather [hbm4b:s22+s3], $0x80, v4, vm0, $0xb8;
	[tilespmem:$0x19800] =	vst v63  }
0xdb: {  	s2 =	simm.s32 $0x13000  }
0xdc: {  	[tilespmem:s2], [sflag:$0x3] =	stream.indirect_vreg.gather [hbm4b:s23+s3], $0x80, v4, vm0, $0xb8;
	[tilespmem:$0x19800] =	vst v63  }
0xdd: {  	_ =	swait.ge [sflag:s0], $0x6000  }
0xde: {  	s2 =	sld [smem:$0x7E9]  }
0xdf: {  	[sflag:s0] =	ssyncset.done $0x0  }
0xe0: {  	[sflag:s0] =	ssyncadd.s32 $0xFFFFA000  }
0xe1: {  	[hbm4b:s2+s3] =	stream.linear.scatter [tilespmem:s4], [sflag:$0x6], $0x6000, $0x38;
	[tilespmem:$0x19800] =	vst v63  }
0xe2: {  	v4 =	vld [tilespmem:$0x1060];
	_ =	sdelay $0x4  }
0xe3: {  	v5 =	vshrl.u32 v4, $0x3  }
0xe4: {  	v5 =	vmul.u32 $0x30, v5  }
0xe5: {  	v4 =	vand.u32 $0x7, v4  }
0xe6: {  	v4 =	vor.u32 v4, v5  }
0xe7: {  	v5 =	vperm.xlane v4, v1;
	_ =	sdelay $0x1  }
0xe8: {  	v5 =	vadd.s32 v2, v5;
	_ =	sdelay $0x3  }
0xe9: {  	v4 =	vperm.xlane v4, v3  }
0xea: {  	[tilespmem:s6], [sflag:$0x4] =	stream.indirect_vreg.gather [hbm4b:s1+s3], $0x80, v5, vm0, $0xb8;
	[tilespmem:$0x19800] =	vst v63  }
0xeb: {  	s2 =	simm.s32 $0x14000;
	v4 =	vadd.s32 v2, v4  }
0xec: {  	[tilespmem:s2], [sflag:$0x4] =	stream.indirect_vreg.gather [hbm4b:s22+s3], $0x80, v5, vm0, $0xb8;
	[tilespmem:$0x19800] =	vst v63  }
0xed: {  	s2 =	simm.s32 $0x14800  }
0xee: {  	[tilespmem:s2], [sflag:$0x4] =	stream.indirect_vreg.gather [hbm4b:s23+s3], $0x80, v5, vm0, $0xb8;
	[tilespmem:$0x19800] =	vst v63  }
0xef: {  	s2 =	simm.s32 $0x15000  }
0xf0: {  	[tilespmem:s2], [sflag:$0x4] =	stream.indirect_vreg.gather [hbm4b:s1+s3], $0x80, v4, vm0, $0xb8;
	[tilespmem:$0x19800] =	vst v63  }
0xf1: {  	s2 =	simm.s32 $0x15800  }
0xf2: {  	[tilespmem:s2], [sflag:$0x4] =	stream.indirect_vreg.gather [hbm4b:s22+s3], $0x80, v4, vm0, $0xb8;
	[tilespmem:$0x19800] =	vst v63  }
0xf3: {  	s2 =	simm.s32 $0x16000  }
0xf4: {  	[tilespmem:s2], [sflag:$0x4] =	stream.indirect_vreg.gather [hbm4b:s23+s3], $0x80, v4, vm0, $0xb8;
	[tilespmem:$0x19800] =	vst v63  }
0xf5: {  	v4 =	vld [tilespmem:$0x1070];
	_ =	sdelay $0x4  }
0xf6: {  	v5 =	vshrl.u32 v4, $0x3  }
0xf7: {  	v5 =	vmul.u32 $0x30, v5  }
0xf8: {  	v4 =	vand.u32 $0x7, v4  }
0xf9: {  	v4 =	vor.u32 v4, v5  }
0xfa: {  	v5 =	vperm.xlane v4, v1;
	_ =	sdelay $0x1  }
0xfb: {  	v5 =	vadd.s32 v2, v5;
	_ =	sdelay $0x3  }
0xfc: {  	s2 =	simm.s32 $0x16800;
	v4 =	vperm.xlane v4, v3  }
0xfd: {  	[tilespmem:s2], [sflag:$0x4] =	stream.indirect_vreg.gather [hbm4b:s1+s3], $0x80, v5, vm0, $0xb8;
	[tilespmem:$0x19800] =	vst v63  }
0xfe: {  	v4 =	vadd.s32 v2, v4;
	s2 =	simm.s32 $0x17000  }
0xff: {  	[tilespmem:s2], [sflag:$0x4] =	stream.indirect_vreg.gather [hbm4b:s22+s3], $0x80, v5, vm0, $0xb8;
	[tilespmem:$0x19800] =	vst v63  }
0x100: {  	s2 =	simm.s32 $0x17800  }
0x101: {  	[tilespmem:s2], [sflag:$0x4] =	stream.indirect_vreg.gather [hbm4b:s23+s3], $0x80, v5, vm0, $0xb8;
	[tilespmem:$0x19800] =	vst v63  }
0x102: {  	s2 =	simm.s32 $0x18000  }
0x103: {  	[tilespmem:s2], [sflag:$0x4] =	stream.indirect_vreg.gather [hbm4b:s1+s3], $0x80, v4, vm0, $0xb8;
	[tilespmem:$0x19800] =	vst v63  }
0x104: {  	s2 =	simm.s32 $0x18800  }
0x105: {  	[tilespmem:s2], [sflag:$0x4] =	stream.indirect_vreg.gather [hbm4b:s22+s3], $0x80, v4, vm0, $0xb8;
	[tilespmem:$0x19800] =	vst v63  }
0x106: {  	s2 =	simm.s32 $0x19000  }
0x107: {  	[tilespmem:s2], [sflag:$0x4] =	stream.indirect_vreg.gather [hbm4b:s23+s3], $0x80, v4, vm0, $0xb8;
	[tilespmem:$0x19800] =	vst v63  }
0x108: {  	_ =	swait.ge [sflag:s19], $0x6000  }
0x109: {  	s2 =	sld [smem:$0x7EA]  }
0x10a: {  	[sflag:s19] =	ssyncset.done $0x0  }
0x10b: {  	[sflag:s19] =	ssyncadd.s32 $0xFFFFA000  }
0x10c: {  	[hbm4b:s2+s3] =	stream.linear.scatter [tilespmem:s17], [sflag:$0x7], $0x6000, $0x38;
	[tilespmem:$0x19800] =	vst v63  }
0x10d: {  	_ =	swait.ge [sflag:s20], $0x6000  }
0x10e: {  	[sflag:s20] =	ssyncset.done $0x0  }
0x10f: {  	[sflag:s20] =	ssyncadd.s32 $0xFFFFA000  }
0x110: {  	v4 =	vld [tilespmem:$0x1080];
	_ =	sdelay $0x4  }
0x111: {  	v5 =	vshrl.u32 v4, $0x3  }
0x112: {  	v5 =	vmul.u32 $0x30, v5  }
0x113: {  	v4 =	vand.u32 $0x7, v4  }
0x114: {  	v4 =	vor.u32 v4, v5  }
0x115: {  	v5 =	vperm.xlane v4, v1;
	_ =	sdelay $0x1  }
0x116: {  	v5 =	vadd.s32 v2, v5;
	_ =	sdelay $0x3  }
0x117: {  	v4 =	vperm.xlane v4, v3  }
0x118: {  	[tilespmem:s18], [sflag:$0x1] =	stream.indirect_vreg.gather [hbm4b:s1+s3], $0x80, v5, vm0, $0xb8;
	[tilespmem:$0x19800] =	vst v63  }
0x119: {  	s14 =	simm.s32 $0x2000;
	v4 =	vadd.s32 v2, v4  }
0x11a: {  	[tilespmem:s14], [sflag:$0x1] =	stream.indirect_vreg.gather [hbm4b:s22+s3], $0x80, v5, vm0, $0xb8;
	[tilespmem:$0x19800] =	vst v63  }
0x11b: {  	s15 =	simm.s32 $0x2800  }
0x11c: {  	[tilespmem:s15], [sflag:$0x1] =	stream.indirect_vreg.gather [hbm4b:s23+s3], $0x80, v5, vm0, $0xb8;
	[tilespmem:$0x19800] =	vst v63  }
0x11d: {  	s16 =	simm.s32 $0x3000  }
0x11e: {  	[tilespmem:s16], [sflag:$0x1] =	stream.indirect_vreg.gather [hbm4b:s1+s3], $0x80, v4, vm0, $0xb8;
	[tilespmem:$0x19800] =	vst v63  }
0x11f: {  	s9 =	simm.s32 $0x3800  }
0x120: {  	[tilespmem:s9], [sflag:$0x1] =	stream.indirect_vreg.gather [hbm4b:s22+s3], $0x80, v4, vm0, $0xb8;
	[tilespmem:$0x19800] =	vst v63  }
0x121: {  	s5 =	simm.s32 $0x4000  }
0x122: {  	[tilespmem:s5], [sflag:$0x1] =	stream.indirect_vreg.gather [hbm4b:s23+s3], $0x80, v4, vm0, $0xb8;
	[tilespmem:$0x19800] =	vst v63  }
0x123: {  	v4 =	vld [tilespmem:$0x1090];
	_ =	sdelay $0x4  }
0x124: {  	v5 =	vshrl.u32 v4, $0x3  }
0x125: {  	v5 =	vmul.u32 $0x30, v5  }
0x126: {  	v4 =	vand.u32 $0x7, v4  }
0x127: {  	v4 =	vor.u32 v4, v5  }
0x128: {  	v5 =	vperm.xlane v4, v1;
	_ =	sdelay $0x1  }
0x129: {  	v5 =	vadd.s32 v2, v5;
	_ =	sdelay $0x3  }
0x12a: {  	s7 =	simm.s32 $0x4800;
	v4 =	vperm.xlane v4, v3  }
0x12b: {  	[tilespmem:s7], [sflag:$0x1] =	stream.indirect_vreg.gather [hbm4b:s1+s3], $0x80, v5, vm0, $0xb8;
	[tilespmem:$0x19800] =	vst v63  }
0x12c: {  	s10 =	simm.s32 $0x5000;
	v4 =	vadd.s32 v2, v4  }
0x12d: {  	[tilespmem:s10], [sflag:$0x1] =	stream.indirect_vreg.gather [hbm4b:s22+s3], $0x80, v5, vm0, $0xb8;
	[tilespmem:$0x19800] =	vst v63  }
0x12e: {  	s11 =	simm.s32 $0x5800  }
0x12f: {  	[tilespmem:s11], [sflag:$0x1] =	stream.indirect_vreg.gather [hbm4b:s23+s3], $0x80, v5, vm0, $0xb8;
	[tilespmem:$0x19800] =	vst v63  }
0x130: {  	s12 =	simm.s32 $0x6000  }
0x131: {  	[tilespmem:s12], [sflag:$0x1] =	stream.indirect_vreg.gather [hbm4b:s1+s3], $0x80, v4, vm0, $0xb8;
	[tilespmem:$0x19800] =	vst v63  }
0x132: {  	s13 =	simm.s32 $0x6800  }
0x133: {  	[tilespmem:s13], [sflag:$0x1] =	stream.indirect_vreg.gather [hbm4b:s22+s3], $0x80, v4, vm0, $0xb8;
	[tilespmem:$0x19800] =	vst v63  }
0x134: {  	s8 =	simm.s32 $0x7000  }
0x135: {  	[tilespmem:s8], [sflag:$0x1] =	stream.indirect_vreg.gather [hbm4b:s23+s3], $0x80, v4, vm0, $0xb8;
	[tilespmem:$0x19800] =	vst v63  }
0x136: {  	_ =	swait.ge [sflag:s24], $0x6000  }
0x137: {  	s7 =	sld [smem:$0x7EB]  }
0x138: {  	[sflag:s24] =	ssyncset.done $0x0  }
0x139: {  	[sflag:s24] =	ssyncadd.s32 $0xFFFFA000  }
0x13a: {  	[hbm4b:s7+s3] =	stream.linear.scatter [tilespmem:s6], [sflag:$0x8], $0x6000, $0x38;
	[tilespmem:$0x19800] =	vst v63  }
0x13b: {  	_ =	swait.ge [sflag:s25], $0x6000  }
0x13c: {  	[sflag:s25] =	ssyncset.done $0x0  }
0x13d: {  	[sflag:s25] =	ssyncadd.s32 $0xFFFFA000  }
0x13e: {  	v4 =	vld [tilespmem:$0x10A0];
	_ =	sdelay $0x4  }
0x13f: {  	v5 =	vshrl.u32 v4, $0x3  }
0x140: {  	v5 =	vmul.u32 $0x30, v5  }
0x141: {  	v4 =	vand.u32 $0x7, v4  }
0x142: {  	v4 =	vor.u32 v4, v5  }
0x143: {  	v5 =	vperm.xlane v4, v1;
	_ =	sdelay $0x1  }
0x144: {  	v5 =	vadd.s32 v2, v5;
	_ =	sdelay $0x3  }
0x145: {  	v4 =	vperm.xlane v4, v3  }
0x146: {  	[tilespmem:s4], [sflag:$0x2] =	stream.indirect_vreg.gather [hbm4b:s1+s3], $0x80, v5, vm0, $0xb8;
	[tilespmem:$0x19800] =	vst v63  }
0x147: {  	s8 =	simm.s32 $0x8000;
	v4 =	vadd.s32 v2, v4  }
0x148: {  	[tilespmem:s8], [sflag:$0x2] =	stream.indirect_vreg.gather [hbm4b:s22+s3], $0x80, v5, vm0, $0xb8;
	[tilespmem:$0x19800] =	vst v63  }
0x149: {  	s9 =	simm.s32 $0x8800  }
0x14a: {  	[tilespmem:s9], [sflag:$0x2] =	stream.indirect_vreg.gather [hbm4b:s23+s3], $0x80, v5, vm0, $0xb8;
	[tilespmem:$0x19800] =	vst v63  }
0x14b: {  	s10 =	simm.s32 $0x9000  }
0x14c: {  	[tilespmem:s10], [sflag:$0x2] =	stream.indirect_vreg.gather [hbm4b:s1+s3], $0x80, v4, vm0, $0xb8;
	[tilespmem:$0x19800] =	vst v63  }
0x14d: {  	s11 =	simm.s32 $0x9800  }
0x14e: {  	[tilespmem:s11], [sflag:$0x2] =	stream.indirect_vreg.gather [hbm4b:s22+s3], $0x80, v4, vm0, $0xb8;
	[tilespmem:$0x19800] =	vst v63  }
0x14f: {  	s30 =	simm.s32 $0xA000  }
0x150: {  	[tilespmem:s30], [sflag:$0x2] =	stream.indirect_vreg.gather [hbm4b:s23+s3], $0x80, v4, vm0, $0xb8;
	[tilespmem:$0x19800] =	vst v63  }
0x151: {  	v4 =	vld [tilespmem:$0x10B0];
	_ =	sdelay $0x4  }
0x152: {  	v5 =	vshrl.u32 v4, $0x3  }
0x153: {  	v5 =	vmul.u32 $0x30, v5  }
0x154: {  	v4 =	vand.u32 $0x7, v4  }
0x155: {  	v4 =	vor.u32 v4, v5  }
0x156: {  	v5 =	vperm.xlane v4, v1;
	_ =	sdelay $0x1  }
0x157: {  	v5 =	vadd.s32 v2, v5;
	_ =	sdelay $0x3  }
0x158: {  	s31 =	simm.s32 $0xA800;
	v4 =	vperm.xlane v4, v3  }
0x159: {  	[tilespmem:s31], [sflag:$0x2] =	stream.indirect_vreg.gather [hbm4b:s1+s3], $0x80, v5, vm0, $0xb8;
	[tilespmem:$0x19800] =	vst v63  }
0x15a: {  	s12 =	simm.s32 $0xB000;
	v4 =	vadd.s32 v2, v4  }
0x15b: {  	[tilespmem:s12], [sflag:$0x2] =	stream.indirect_vreg.gather [hbm4b:s22+s3], $0x80, v5, vm0, $0xb8;
	[tilespmem:$0x19800] =	vst v63  }
0x15c: {  	s13 =	simm.s32 $0xB800  }
0x15d: {  	[tilespmem:s13], [sflag:$0x2] =	stream.indirect_vreg.gather [hbm4b:s23+s3], $0x80, v5, vm0, $0xb8;
	[tilespmem:$0x19800] =	vst v63  }
0x15e: {  	s14 =	simm.s32 $0xC000  }
0x15f: {  	[tilespmem:s14], [sflag:$0x2] =	stream.indirect_vreg.gather [hbm4b:s1+s3], $0x80, v4, vm0, $0xb8;
	[tilespmem:$0x19800] =	vst v63  }
0x160: {  	s15 =	simm.s32 $0xC800  }
0x161: {  	[tilespmem:s15], [sflag:$0x2] =	stream.indirect_vreg.gather [hbm4b:s22+s3], $0x80, v4, vm0, $0xb8;
	[tilespmem:$0x19800] =	vst v63  }
0x162: {  	s29 =	simm.s32 $0xD000  }
0x163: {  	[tilespmem:s29], [sflag:$0x2] =	stream.indirect_vreg.gather [hbm4b:s23+s3], $0x80, v4, vm0, $0xb8;
	[tilespmem:$0x19800] =	vst v63  }
0x164: {  	_ =	swait.ge [sflag:s21], $0x6000  }
0x165: {  	s16 =	sld [smem:$0x7EC]  }
0x166: {  	[sflag:s21] =	ssyncset.done $0x0  }
0x167: {  	[sflag:s21] =	ssyncadd.s32 $0xFFFFA000  }
0x168: {  	[hbm4b:s16+s3] =	stream.linear.scatter [tilespmem:s18], [sflag:$0x5], $0x6000, $0x38;
	[tilespmem:$0x19800] =	vst v63  }
0x169: {  	_ =	swait.ge [sflag:s26], $0x6000  }
0x16a: {  	[sflag:s26] =	ssyncset.done $0x0  }
0x16b: {  	[sflag:s26] =	ssyncadd.s32 $0xFFFFA000  }
0x16c: {  	v4 =	vld [tilespmem:$0x10C0];
	_ =	sdelay $0x4  }
0x16d: {  	v5 =	vshrl.u32 v4, $0x3  }
0x16e: {  	v5 =	vmul.u32 $0x30, v5  }
0x16f: {  	v4 =	vand.u32 $0x7, v4  }
0x170: {  	v4 =	vor.u32 v4, v5  }
0x171: {  	v5 =	vperm.xlane v4, v1;
	_ =	sdelay $0x1  }
0x172: {  	v5 =	vadd.s32 v2, v5;
	_ =	sdelay $0x3  }
0x173: {  	v4 =	vperm.xlane v4, v3  }
0x174: {  	[tilespmem:s17], [sflag:$0x3] =	stream.indirect_vreg.gather [hbm4b:s1+s3], $0x80, v5, vm0, $0xb8;
	[tilespmem:$0x19800] =	vst v63  }
0x175: {  	s29 =	simm.s32 $0xE000;
	v4 =	vadd.s32 v2, v4  }
0x176: {  	[tilespmem:s29], [sflag:$0x3] =	stream.indirect_vreg.gather [hbm4b:s22+s3], $0x80, v5, vm0, $0xb8;
	[tilespmem:$0x19800] =	vst v63  }
0x177: {  	s30 =	simm.s32 $0xE800  }
0x178: {  	[tilespmem:s30], [sflag:$0x3] =	stream.indirect_vreg.gather [hbm4b:s23+s3], $0x80, v5, vm0, $0xb8;
	[tilespmem:$0x19800] =	vst v63  }
0x179: {  	s31 =	simm.s32 $0xF000  }
0x17a: {  	[tilespmem:s31], [sflag:$0x3] =	stream.indirect_vreg.gather [hbm4b:s1+s3], $0x80, v4, vm0, $0xb8;
	[tilespmem:$0x19800] =	vst v63  }
0x17b: {  	s7 =	simm.s32 $0xF800  }
0x17c: {  	[tilespmem:s7], [sflag:$0x3] =	stream.indirect_vreg.gather [hbm4b:s22+s3], $0x80, v4, vm0, $0xb8;
	[tilespmem:$0x19800] =	vst v63  }
0x17d: {  	s8 =	simm.s32 $0x10000  }
0x17e: {  	[tilespmem:s8], [sflag:$0x3] =	stream.indirect_vreg.gather [hbm4b:s23+s3], $0x80, v4, vm0, $0xb8;
	[tilespmem:$0x19800] =	vst v63  }
0x17f: {  	v4 =	vld [tilespmem:$0x10D0];
	_ =	sdelay $0x4  }
0x180: {  	v5 =	vshrl.u32 v4, $0x3  }
0x181: {  	v5 =	vmul.u32 $0x30, v5  }
0x182: {  	v4 =	vand.u32 $0x7, v4  }
0x183: {  	v4 =	vor.u32 v4, v5  }
0x184: {  	v5 =	vperm.xlane v4, v1;
	_ =	sdelay $0x1  }
0x185: {  	v5 =	vadd.s32 v2, v5;
	_ =	sdelay $0x3  }
0x186: {  	s9 =	simm.s32 $0x10800;
	v4 =	vperm.xlane v4, v3  }
0x187: {  	[tilespmem:s9], [sflag:$0x3] =	stream.indirect_vreg.gather [hbm4b:s1+s3], $0x80, v5, vm0, $0xb8;
	[tilespmem:$0x19800] =	vst v63  }
0x188: {  	s10 =	simm.s32 $0x11000;
	v4 =	vadd.s32 v2, v4  }
0x189: {  	[tilespmem:s10], [sflag:$0x3] =	stream.indirect_vreg.gather [hbm4b:s22+s3], $0x80, v5, vm0, $0xb8;
	[tilespmem:$0x19800] =	vst v63  }
0x18a: {  	s11 =	simm.s32 $0x11800  }
0x18b: {  	[tilespmem:s11], [sflag:$0x3] =	stream.indirect_vreg.gather [hbm4b:s23+s3], $0x80, v5, vm0, $0xb8;
	[tilespmem:$0x19800] =	vst v63  }
0x18c: {  	s12 =	simm.s32 $0x12000  }
0x18d: {  	[tilespmem:s12], [sflag:$0x3] =	stream.indirect_vreg.gather [hbm4b:s1+s3], $0x80, v4, vm0, $0xb8;
	[tilespmem:$0x19800] =	vst v63  }
0x18e: {  	s13 =	simm.s32 $0x12800  }
0x18f: {  	[tilespmem:s13], [sflag:$0x3] =	stream.indirect_vreg.gather [hbm4b:s22+s3], $0x80, v4, vm0, $0xb8;
	[tilespmem:$0x19800] =	vst v63  }
0x190: {  	s14 =	simm.s32 $0x13000  }
0x191: {  	[tilespmem:s14], [sflag:$0x3] =	stream.indirect_vreg.gather [hbm4b:s23+s3], $0x80, v4, vm0, $0xb8;
	[tilespmem:$0x19800] =	vst v63  }
0x192: {  	_ =	swait.ge [sflag:s0], $0x6000  }
0x193: {  	s30 =	sld [smem:$0x7ED]  }
0x194: {  	[sflag:s0] =	ssyncset.done $0x0  }
0x195: {  	[sflag:s0] =	ssyncadd.s32 $0xFFFFA000  }
0x196: {  	[hbm4b:s30+s3] =	stream.linear.scatter [tilespmem:s4], [sflag:$0x6], $0x6000, $0x38;
	[tilespmem:$0x19800] =	vst v63  }
0x197: {  	_ =	swait.ge [sflag:s28], $0x6000  }
0x198: {  	[sflag:s28] =	ssyncset.done $0x0  }
0x199: {  	[sflag:s28] =	ssyncadd.s32 $0xFFFFA000  }
0x19a: {  	v4 =	vld [tilespmem:$0x10E0];
	_ =	sdelay $0x4  }
0x19b: {  	v5 =	vshrl.u32 v4, $0x3  }
0x19c: {  	v5 =	vmul.u32 $0x30, v5  }
0x19d: {  	v4 =	vand.u32 $0x7, v4  }
0x19e: {  	v4 =	vor.u32 v4, v5  }
0x19f: {  	v5 =	vperm.xlane v4, v1;
	_ =	sdelay $0x1  }
0x1a0: {  	v5 =	vadd.s32 v2, v5;
	_ =	sdelay $0x3  }
0x1a1: {  	v4 =	vperm.xlane v4, v3  }
0x1a2: {  	[tilespmem:s6], [sflag:$0x4] =	stream.indirect_vreg.gather [hbm4b:s1+s3], $0x80, v5, vm0, $0xb8;
	[tilespmem:$0x19800] =	vst v63  }
0x1a3: {  	s31 =	simm.s32 $0x14000;
	v4 =	vadd.s32 v2, v4  }
0x1a4: {  	[tilespmem:s31], [sflag:$0x4] =	stream.indirect_vreg.gather [hbm4b:s22+s3], $0x80, v5, vm0, $0xb8;
	[tilespmem:$0x19800] =	vst v63  }
0x1a5: {  	s7 =	simm.s32 $0x14800  }
0x1a6: {  	[tilespmem:s7], [sflag:$0x4] =	stream.indirect_vreg.gather [hbm4b:s23+s3], $0x80, v5, vm0, $0xb8;
	[tilespmem:$0x19800] =	vst v63  }
0x1a7: {  	s8 =	simm.s32 $0x15000  }
0x1a8: {  	[tilespmem:s8], [sflag:$0x4] =	stream.indirect_vreg.gather [hbm4b:s1+s3], $0x80, v4, vm0, $0xb8;
	[tilespmem:$0x19800] =	vst v63  }
0x1a9: {  	s9 =	simm.s32 $0x15800  }
0x1aa: {  	[tilespmem:s9], [sflag:$0x4] =	stream.indirect_vreg.gather [hbm4b:s22+s3], $0x80, v4, vm0, $0xb8;
	[tilespmem:$0x19800] =	vst v63  }
0x1ab: {  	s10 =	simm.s32 $0x16000  }
0x1ac: {  	[tilespmem:s10], [sflag:$0x4] =	stream.indirect_vreg.gather [hbm4b:s23+s3], $0x80, v4, vm0, $0xb8;
	[tilespmem:$0x19800] =	vst v63  }
0x1ad: {  	v4 =	vld [tilespmem:$0x10F0];
	_ =	sdelay $0x4  }
0x1ae: {  	v5 =	vshrl.u32 v4, $0x3  }
0x1af: {  	v5 =	vmul.u32 $0x30, v5  }
0x1b0: {  	v4 =	vand.u32 $0x7, v4  }
0x1b1: {  	v4 =	vor.u32 v4, v5  }
0x1b2: {  	v5 =	vperm.xlane v4, v1;
	_ =	sdelay $0x1  }
0x1b3: {  	v5 =	vadd.s32 v2, v5;
	_ =	sdelay $0x3  }
0x1b4: {  	s11 =	simm.s32 $0x16800;
	v4 =	vperm.xlane v4, v3  }
0x1b5: {  	[tilespmem:s11], [sflag:$0x4] =	stream.indirect_vreg.gather [hbm4b:s1+s3], $0x80, v5, vm0, $0xb8;
	[tilespmem:$0x19800] =	vst v63  }
0x1b6: {  	s13 =	simm.s32 $0x17000;
	v4 =	vadd.s32 v2, v4  }
0x1b7: {  	[tilespmem:s13], [sflag:$0x4] =	stream.indirect_vreg.gather [hbm4b:s22+s3], $0x80, v5, vm0, $0xb8;
	[tilespmem:$0x19800] =	vst v63  }
0x1b8: {  	s8 =	simm.s32 $0x17800  }
0x1b9: {  	[tilespmem:s8], [sflag:$0x4] =	stream.indirect_vreg.gather [hbm4b:s23+s3], $0x80, v5, vm0, $0xb8;
	[tilespmem:$0x19800] =	vst v63  }
0x1ba: {  	s9 =	simm.s32 $0x18000  }
0x1bb: {  	[tilespmem:s9], [sflag:$0x4] =	stream.indirect_vreg.gather [hbm4b:s1+s3], $0x80, v4, vm0, $0xb8;
	[tilespmem:$0x19800] =	vst v63  }
0x1bc: {  	s13 =	simm.s32 $0x18800  }
0x1bd: {  	[tilespmem:s13], [sflag:$0x4] =	stream.indirect_vreg.gather [hbm4b:s22+s3], $0x80, v4, vm0, $0xb8;
	[tilespmem:$0x19800] =	vst v63  }
0x1be: {  	s8 =	simm.s32 $0x19000  }
0x1bf: {  	[tilespmem:s8], [sflag:$0x4] =	stream.indirect_vreg.gather [hbm4b:s23+s3], $0x80, v4, vm0, $0xb8;
	[tilespmem:$0x19800] =	vst v63  }
0x1c0: {  	_ =	swait.ge [sflag:s19], $0x6000  }
0x1c1: {  	s2 =	sld [smem:$0x7EE]  }
0x1c2: {  	[sflag:s19] =	ssyncset.done $0x0  }
0x1c3: {  	[sflag:s19] =	ssyncadd.s32 $0xFFFFA000  }
0x1c4: {  	[hbm4b:s2+s3] =	stream.linear.scatter [tilespmem:s17], [sflag:$0x7], $0x6000, $0x38;
	[tilespmem:$0x19800] =	vst v63  }
0x1c5: {  	_ =	swait.ge [sflag:s20], $0x6000  }
0x1c6: {  	[sflag:s20] =	ssyncset.done $0x0  }
0x1c7: {  	[sflag:s20] =	ssyncadd.s32 $0xFFFFA000  }
0x1c8: {  	v4 =	vld [tilespmem:$0x1100];
	_ =	sdelay $0x4  }
0x1c9: {  	v5 =	vshrl.u32 v4, $0x3  }
0x1ca: {  	v5 =	vmul.u32 $0x30, v5  }
0x1cb: {  	v4 =	vand.u32 $0x7, v4  }
0x1cc: {  	v4 =	vor.u32 v4, v5  }
0x1cd: {  	v5 =	vperm.xlane v4, v1;
	_ =	sdelay $0x1  }
0x1ce: {  	v5 =	vadd.s32 v2, v5;
	_ =	sdelay $0x3  }
0x1cf: {  	v4 =	vperm.xlane v4, v3  }
0x1d0: {  	[tilespmem:s18], [sflag:$0x1] =	stream.indirect_vreg.gather [hbm4b:s1+s3], $0x80, v5, vm0, $0xb8;
	[tilespmem:$0x19800] =	vst v63  }
0x1d1: {  	s2 =	simm.s32 $0x2000;
	v4 =	vadd.s32 v2, v4  }
0x1d2: {  	[tilespmem:s2], [sflag:$0x1] =	stream.indirect_vreg.gather [hbm4b:s22+s3], $0x80, v5, vm0, $0xb8;
	[tilespmem:$0x19800] =	vst v63  }
0x1d3: {  	s2 =	simm.s32 $0x2800  }
0x1d4: {  	[tilespmem:s2], [sflag:$0x1] =	stream.indirect_vreg.gather [hbm4b:s23+s3], $0x80, v5, vm0, $0xb8;
	[tilespmem:$0x19800] =	vst v63  }
0x1d5: {  	s2 =	simm.s32 $0x3000  }
0x1d6: {  	[tilespmem:s2], [sflag:$0x1] =	stream.indirect_vreg.gather [hbm4b:s1+s3], $0x80, v4, vm0, $0xb8;
	[tilespmem:$0x19800] =	vst v63  }
0x1d7: {  	s2 =	simm.s32 $0x3800  }
0x1d8: {  	[tilespmem:s2], [sflag:$0x1] =	stream.indirect_vreg.gather [hbm4b:s22+s3], $0x80, v4, vm0, $0xb8;
	[tilespmem:$0x19800] =	vst v63  }
0x1d9: {  	s2 =	simm.s32 $0x4000  }
0x1da: {  	[tilespmem:s2], [sflag:$0x1] =	stream.indirect_vreg.gather [hbm4b:s23+s3], $0x80, v4, vm0, $0xb8;
	[tilespmem:$0x19800] =	vst v63  }
0x1db: {  	v4 =	vld [tilespmem:$0x1110];
	_ =	sdelay $0x4  }
0x1dc: {  	v5 =	vshrl.u32 v4, $0x3  }
0x1dd: {  	v5 =	vmul.u32 $0x30, v5  }
0x1de: {  	v4 =	vand.u32 $0x7, v4  }
0x1df: {  	v4 =	vor.u32 v4, v5  }
0x1e0: {  	v5 =	vperm.xlane v4, v1;
	_ =	sdelay $0x1  }
0x1e1: {  	v5 =	vadd.s32 v2, v5;
	_ =	sdelay $0x3  }
0x1e2: {  	s2 =	simm.s32 $0x4800;
	v4 =	vperm.xlane v4, v3  }
0x1e3: {  	[tilespmem:s2], [sflag:$0x1] =	stream.indirect_vreg.gather [hbm4b:s1+s3], $0x80, v5, vm0, $0xb8;
	[tilespmem:$0x19800] =	vst v63  }
0x1e4: {  	v4 =	vadd.s32 v2, v4;
	s2 =	simm.s32 $0x5000  }
0x1e5: {  	[tilespmem:s2], [sflag:$0x1] =	stream.indirect_vreg.gather [hbm4b:s22+s3], $0x80, v5, vm0, $0xb8;
	[tilespmem:$0x19800] =	vst v63  }
0x1e6: {  	s2 =	simm.s32 $0x5800  }
0x1e7: {  	[tilespmem:s2], [sflag:$0x1] =	stream.indirect_vreg.gather [hbm4b:s23+s3], $0x80, v5, vm0, $0xb8;
	[tilespmem:$0x19800] =	vst v63  }
0x1e8: {  	s2 =	simm.s32 $0x6000  }
0x1e9: {  	[tilespmem:s2], [sflag:$0x1] =	stream.indirect_vreg.gather [hbm4b:s1+s3], $0x80, v4, vm0, $0xb8;
	[tilespmem:$0x19800] =	vst v63  }
0x1ea: {  	s2 =	simm.s32 $0x6800  }
0x1eb: {  	[tilespmem:s2], [sflag:$0x1] =	stream.indirect_vreg.gather [hbm4b:s22+s3], $0x80, v4, vm0, $0xb8;
	[tilespmem:$0x19800] =	vst v63  }
0x1ec: {  	s2 =	simm.s32 $0x7000  }
0x1ed: {  	[tilespmem:s2], [sflag:$0x1] =	stream.indirect_vreg.gather [hbm4b:s23+s3], $0x80, v4, vm0, $0xb8;
	[tilespmem:$0x19800] =	vst v63  }
0x1ee: {  	_ =	swait.ge [sflag:s24], $0x6000  }
0x1ef: {  	s2 =	sld [smem:$0x7EF]  }
0x1f0: {  	[sflag:s24] =	ssyncset.done $0x0  }
0x1f1: {  	[sflag:s24] =	ssyncadd.s32 $0xFFFFA000  }
0x1f2: {  	[hbm4b:s2+s3] =	stream.linear.scatter [tilespmem:s6], [sflag:$0x8], $0x6000, $0x38;
	[tilespmem:$0x19800] =	vst v63  }
0x1f3: {  	_ =	swait.ge [sflag:s25], $0x6000  }
0x1f4: {  	[sflag:s25] =	ssyncset.done $0x0  }
0x1f5: {  	[sflag:s25] =	ssyncadd.s32 $0xFFFFA000  }
0x1f6: {  	v4 =	vld [tilespmem:$0x1120];
	_ =	sdelay $0x4  }
0x1f7: {  	v5 =	vshrl.u32 v4, $0x3  }
0x1f8: {  	v5 =	vmul.u32 $0x30, v5  }
0x1f9: {  	v4 =	vand.u32 $0x7, v4  }
0x1fa: {  	v4 =	vor.u32 v4, v5  }
0x1fb: {  	v5 =	vperm.xlane v4, v1;
	_ =	sdelay $0x1  }
0x1fc: {  	v5 =	vadd.s32 v2, v5;
	_ =	sdelay $0x3  }
0x1fd: {  	v4 =	vperm.xlane v4, v3  }
0x1fe: {  	[tilespmem:s4], [sflag:$0x2] =	stream.indirect_vreg.gather [hbm4b:s1+s3], $0x80, v5, vm0, $0xb8;
	[tilespmem:$0x19800] =	vst v63  }
0x1ff: {  	s2 =	simm.s32 $0x8000;
	v4 =	vadd.s32 v2, v4  }
0x200: {  	[tilespmem:s2], [sflag:$0x2] =	stream.indirect_vreg.gather [hbm4b:s22+s3], $0x80, v5, vm0, $0xb8;
	[tilespmem:$0x19800] =	vst v63  }
0x201: {  	s2 =	simm.s32 $0x8800  }
0x202: {  	[tilespmem:s2], [sflag:$0x2] =	stream.indirect_vreg.gather [hbm4b:s23+s3], $0x80, v5, vm0, $0xb8;
	[tilespmem:$0x19800] =	vst v63  }
0x203: {  	s2 =	simm.s32 $0x9000  }
0x204: {  	[tilespmem:s2], [sflag:$0x2] =	stream.indirect_vreg.gather [hbm4b:s1+s3], $0x80, v4, vm0, $0xb8;
	[tilespmem:$0x19800] =	vst v63  }
0x205: {  	s2 =	simm.s32 $0x9800  }
0x206: {  	[tilespmem:s2], [sflag:$0x2] =	stream.indirect_vreg.gather [hbm4b:s22+s3], $0x80, v4, vm0, $0xb8;
	[tilespmem:$0x19800] =	vst v63  }
0x207: {  	s2 =	simm.s32 $0xA000  }
0x208: {  	[tilespmem:s2], [sflag:$0x2] =	stream.indirect_vreg.gather [hbm4b:s23+s3], $0x80, v4, vm0, $0xb8;
	[tilespmem:$0x19800] =	vst v63  }
0x209: {  	v4 =	vld [tilespmem:$0x1130];
	_ =	sdelay $0x4  }
0x20a: {  	v5 =	vshrl.u32 v4, $0x3  }
0x20b: {  	v5 =	vmul.u32 $0x30, v5  }
0x20c: {  	v4 =	vand.u32 $0x7, v4  }
0x20d: {  	v4 =	vor.u32 v4, v5  }
0x20e: {  	v5 =	vperm.xlane v4, v1;
	_ =	sdelay $0x1  }
0x20f: {  	v5 =	vadd.s32 v2, v5;
	_ =	sdelay $0x3  }
0x210: {  	s2 =	simm.s32 $0xA800;
	v4 =	vperm.xlane v4, v3  }
0x211: {  	[tilespmem:s2], [sflag:$0x2] =	stream.indirect_vreg.gather [hbm4b:s1+s3], $0x80, v5, vm0, $0xb8;
	[tilespmem:$0x19800] =	vst v63  }
0x212: {  	v4 =	vadd.s32 v2, v4;
	s2 =	simm.s32 $0xB000  }
0x213: {  	[tilespmem:s2], [sflag:$0x2] =	stream.indirect_vreg.gather [hbm4b:s22+s3], $0x80, v5, vm0, $0xb8;
	[tilespmem:$0x19800] =	vst v63  }
0x214: {  	s2 =	simm.s32 $0xB800  }
0x215: {  	[tilespmem:s2], [sflag:$0x2] =	stream.indirect_vreg.gather [hbm4b:s23+s3], $0x80, v5, vm0, $0xb8;
	[tilespmem:$0x19800] =	vst v63  }
0x216: {  	s2 =	simm.s32 $0xC000  }
0x217: {  	[tilespmem:s2], [sflag:$0x2] =	stream.indirect_vreg.gather [hbm4b:s1+s3], $0x80, v4, vm0, $0xb8;
	[tilespmem:$0x19800] =	vst v63  }
0x218: {  	s2 =	simm.s32 $0xC800  }
0x219: {  	[tilespmem:s2], [sflag:$0x2] =	stream.indirect_vreg.gather [hbm4b:s22+s3], $0x80, v4, vm0, $0xb8;
	[tilespmem:$0x19800] =	vst v63  }
0x21a: {  	s2 =	simm.s32 $0xD000  }
0x21b: {  	[tilespmem:s2], [sflag:$0x2] =	stream.indirect_vreg.gather [hbm4b:s23+s3], $0x80, v4, vm0, $0xb8;
	[tilespmem:$0x19800] =	vst v63  }
0x21c: {  	_ =	swait.ge [sflag:s21], $0x6000  }
0x21d: {  	s2 =	sld [smem:$0x7F0]  }
0x21e: {  	[sflag:s21] =	ssyncset.done $0x0  }
0x21f: {  	[sflag:s21] =	ssyncadd.s32 $0xFFFFA000  }
0x220: {  	[hbm4b:s2+s3] =	stream.linear.scatter [tilespmem:s18], [sflag:$0x5], $0x6000, $0x38;
	[tilespmem:$0x19800] =	vst v63  }
0x221: {  	_ =	swait.ge [sflag:s26], $0x6000  }
0x222: {  	[sflag:s26] =	ssyncset.done $0x0  }
0x223: {  	[sflag:s26] =	ssyncadd.s32 $0xFFFFA000  }
0x224: {  	v4 =	vld [tilespmem:$0x1140];
	_ =	sdelay $0x4  }
0x225: {  	v5 =	vshrl.u32 v4, $0x3  }
0x226: {  	v5 =	vmul.u32 $0x30, v5  }
0x227: {  	v4 =	vand.u32 $0x7, v4  }
0x228: {  	v4 =	vor.u32 v4, v5  }
0x229: {  	v5 =	vperm.xlane v4, v1;
	_ =	sdelay $0x1  }
0x22a: {  	v5 =	vadd.s32 v2, v5;
	_ =	sdelay $0x3  }
0x22b: {  	v4 =	vperm.xlane v4, v3  }
0x22c: {  	[tilespmem:s17], [sflag:$0x3] =	stream.indirect_vreg.gather [hbm4b:s1+s3], $0x80, v5, vm0, $0xb8;
	[tilespmem:$0x19800] =	vst v63  }
0x22d: {  	s5 =	simm.s32 $0xE000;
	v4 =	vadd.s32 v2, v4  }
0x22e: {  	[tilespmem:s5], [sflag:$0x3] =	stream.indirect_vreg.gather [hbm4b:s22+s3], $0x80, v5, vm0, $0xb8;
	[tilespmem:$0x19800] =	vst v63  }
0x22f: {  	s15 =	simm.s32 $0xE800  }
0x230: {  	[tilespmem:s15], [sflag:$0x3] =	stream.indirect_vreg.gather [hbm4b:s23+s3], $0x80, v5, vm0, $0xb8;
	[tilespmem:$0x19800] =	vst v63  }
0x231: {  	s16 =	simm.s32 $0xF000  }
0x232: {  	[tilespmem:s16], [sflag:$0x3] =	stream.indirect_vreg.gather [hbm4b:s1+s3], $0x80, v4, vm0, $0xb8;
	[tilespmem:$0x19800] =	vst v63  }
0x233: {  	s29 =	simm.s32 $0xF800  }
0x234: {  	[tilespmem:s29], [sflag:$0x3] =	stream.indirect_vreg.gather [hbm4b:s22+s3], $0x80, v4, vm0, $0xb8;
	[tilespmem:$0x19800] =	vst v63  }
0x235: {  	s15 =	simm.s32 $0x10000  }
0x236: {  	[tilespmem:s15], [sflag:$0x3] =	stream.indirect_vreg.gather [hbm4b:s23+s3], $0x80, v4, vm0, $0xb8;
	[tilespmem:$0x19800] =	vst v63  }
0x237: {  	v4 =	vld [tilespmem:$0x1150];
	_ =	sdelay $0x4  }
0x238: {  	v5 =	vshrl.u32 v4, $0x3  }
0x239: {  	v5 =	vmul.u32 $0x30, v5  }
0x23a: {  	v4 =	vand.u32 $0x7, v4  }
0x23b: {  	v4 =	vor.u32 v4, v5  }
0x23c: {  	v5 =	vperm.xlane v4, v1;
	_ =	sdelay $0x1  }
0x23d: {  	v5 =	vadd.s32 v2, v5;
	_ =	sdelay $0x3  }
0x23e: {  	s5 =	simm.s32 $0x10800;
	v4 =	vperm.xlane v4, v3  }
0x23f: {  	[tilespmem:s5], [sflag:$0x3] =	stream.indirect_vreg.gather [hbm4b:s1+s3], $0x80, v5, vm0, $0xb8;
	[tilespmem:$0x19800] =	vst v63  }
0x240: {  	s15 =	simm.s32 $0x11000;
	v4 =	vadd.s32 v2, v4  }
0x241: {  	[tilespmem:s15], [sflag:$0x3] =	stream.indirect_vreg.gather [hbm4b:s22+s3], $0x80, v5, vm0, $0xb8;
	[tilespmem:$0x19800] =	vst v63  }
0x242: {  	s5 =	simm.s32 $0x11800  }
0x243: {  	[tilespmem:s5], [sflag:$0x3] =	stream.indirect_vreg.gather [hbm4b:s23+s3], $0x80, v5, vm0, $0xb8;
	[tilespmem:$0x19800] =	vst v63  }
0x244: {  	s15 =	simm.s32 $0x12000  }
0x245: {  	[tilespmem:s15], [sflag:$0x3] =	stream.indirect_vreg.gather [hbm4b:s1+s3], $0x80, v4, vm0, $0xb8;
	[tilespmem:$0x19800] =	vst v63  }
0x246: {  	s5 =	simm.s32 $0x12800  }
0x247: {  	[tilespmem:s5], [sflag:$0x3] =	stream.indirect_vreg.gather [hbm4b:s22+s3], $0x80, v4, vm0, $0xb8;
	[tilespmem:$0x19800] =	vst v63  }
0x248: {  	s15 =	simm.s32 $0x13000  }
0x249: {  	[tilespmem:s15], [sflag:$0x3] =	stream.indirect_vreg.gather [hbm4b:s23+s3], $0x80, v4, vm0, $0xb8;
	[tilespmem:$0x19800] =	vst v63  }
0x24a: {  	_ =	swait.ge [sflag:s0], $0x6000  }
0x24b: {  	s5 =	sld [smem:$0x7F1]  }
0x24c: {  	[sflag:s0] =	ssyncset.done $0x0  }
0x24d: {  	[sflag:s0] =	ssyncadd.s32 $0xFFFFA000  }
0x24e: {  	[hbm4b:s5+s3] =	stream.linear.scatter [tilespmem:s4], [sflag:$0x6], $0x6000, $0x38;
	[tilespmem:$0x19800] =	vst v63  }
0x24f: {  	_ =	swait.ge [sflag:s28], $0x6000  }
0x250: {  	[sflag:s28] =	ssyncset.done $0x0  }
0x251: {  	[sflag:s28] =	ssyncadd.s32 $0xFFFFA000  }
0x252: {  	v4 =	vld [tilespmem:$0x1160];
	_ =	sdelay $0x4  }
0x253: {  	v5 =	vshrl.u32 v4, $0x3  }
0x254: {  	v5 =	vmul.u32 $0x30, v5  }
0x255: {  	v4 =	vand.u32 $0x7, v4  }
0x256: {  	v4 =	vor.u32 v4, v5  }
0x257: {  	v5 =	vperm.xlane v4, v1;
	_ =	sdelay $0x1  }
0x258: {  	v5 =	vadd.s32 v2, v5;
	_ =	sdelay $0x3  }
0x259: {  	v4 =	vperm.xlane v4, v3  }
0x25a: {  	[tilespmem:s6], [sflag:$0x4] =	stream.indirect_vreg.gather [hbm4b:s1+s3], $0x80, v5, vm0, $0xb8;
	[tilespmem:$0x19800] =	vst v63  }
0x25b: {  	s30 =	simm.s32 $0x14000;
	v4 =	vadd.s32 v2, v4  }
0x25c: {  	[tilespmem:s30], [sflag:$0x4] =	stream.indirect_vreg.gather [hbm4b:s22+s3], $0x80, v5, vm0, $0xb8;
	[tilespmem:$0x19800] =	vst v63  }
0x25d: {  	s31 =	simm.s32 $0x14800  }
0x25e: {  	[tilespmem:s31], [sflag:$0x4] =	stream.indirect_vreg.gather [hbm4b:s23+s3], $0x80, v5, vm0, $0xb8;
	[tilespmem:$0x19800] =	vst v63  }
0x25f: {  	s12 =	simm.s32 $0x15000  }
0x260: {  	[tilespmem:s12], [sflag:$0x4] =	stream.indirect_vreg.gather [hbm4b:s1+s3], $0x80, v4, vm0, $0xb8;
	[tilespmem:$0x19800] =	vst v63  }
0x261: {  	s14 =	simm.s32 $0x15800  }
0x262: {  	[tilespmem:s14], [sflag:$0x4] =	stream.indirect_vreg.gather [hbm4b:s22+s3], $0x80, v4, vm0, $0xb8;
	[tilespmem:$0x19800] =	vst v63  }
0x263: {  	s12 =	simm.s32 $0x16000  }
0x264: {  	[tilespmem:s12], [sflag:$0x4] =	stream.indirect_vreg.gather [hbm4b:s23+s3], $0x80, v4, vm0, $0xb8;
	[tilespmem:$0x19800] =	vst v63  }
0x265: {  	v4 =	vld [tilespmem:$0x1170];
	_ =	sdelay $0x4  }
0x266: {  	v5 =	vshrl.u32 v4, $0x3  }
0x267: {  	v5 =	vmul.u32 $0x30, v5  }
0x268: {  	v4 =	vand.u32 $0x7, v4  }
0x269: {  	v4 =	vor.u32 v4, v5  }
0x26a: {  	v5 =	vperm.xlane v4, v1;
	_ =	sdelay $0x1  }
0x26b: {  	v5 =	vadd.s32 v2, v5;
	_ =	sdelay $0x3  }
0x26c: {  	s7 =	simm.s32 $0x16800;
	v4 =	vperm.xlane v4, v3  }
0x26d: {  	[tilespmem:s7], [sflag:$0x4] =	stream.indirect_vreg.gather [hbm4b:s1+s3], $0x80, v5, vm0, $0xb8;
	[tilespmem:$0x19800] =	vst v63  }
0x26e: {  	s10 =	simm.s32 $0x17000;
	v4 =	vadd.s32 v2, v4  }
0x26f: {  	[tilespmem:s10], [sflag:$0x4] =	stream.indirect_vreg.gather [hbm4b:s22+s3], $0x80, v5, vm0, $0xb8;
	[tilespmem:$0x19800] =	vst v63  }
0x270: {  	s11 =	simm.s32 $0x17800  }
0x271: {  	[tilespmem:s11], [sflag:$0x4] =	stream.indirect_vreg.gather [hbm4b:s23+s3], $0x80, v5, vm0, $0xb8;
	[tilespmem:$0x19800] =	vst v63  }
0x272: {  	s9 =	simm.s32 $0x18000  }
0x273: {  	[tilespmem:s9], [sflag:$0x4] =	stream.indirect_vreg.gather [hbm4b:s1+s3], $0x80, v4, vm0, $0xb8;
	[tilespmem:$0x19800] =	vst v63  }
0x274: {  	s13 =	simm.s32 $0x18800  }
0x275: {  	[tilespmem:s13], [sflag:$0x4] =	stream.indirect_vreg.gather [hbm4b:s22+s3], $0x80, v4, vm0, $0xb8;
	[tilespmem:$0x19800] =	vst v63  }
0x276: {  	s8 =	simm.s32 $0x19000  }
0x277: {  	[tilespmem:s8], [sflag:$0x4] =	stream.indirect_vreg.gather [hbm4b:s23+s3], $0x80, v4, vm0, $0xb8;
	[tilespmem:$0x19800] =	vst v63  }
0x278: {  	_ =	swait.ge [sflag:s19], $0x6000  }
0x279: {  	s13 =	sld [smem:$0x7F2]  }
0x27a: {  	[sflag:s19] =	ssyncset.done $0x0  }
0x27b: {  	[sflag:s19] =	ssyncadd.s32 $0xFFFFA000  }
0x27c: {  	[hbm4b:s13+s3] =	stream.linear.scatter [tilespmem:s17], [sflag:$0x7], $0x6000, $0x38;
	[tilespmem:$0x19800] =	vst v63  }
0x27d: {  	_ =	swait.ge [sflag:s20], $0x6000  }
0x27e: {  	[sflag:s20] =	ssyncset.done $0x0  }
0x27f: {  	[sflag:s20] =	ssyncadd.s32 $0xFFFFA000  }
0x280: {  	v4 =	vld [tilespmem:$0x1180];
	_ =	sdelay $0x4  }
0x281: {  	v5 =	vshrl.u32 v4, $0x3  }
0x282: {  	v5 =	vmul.u32 $0x30, v5  }
0x283: {  	v4 =	vand.u32 $0x7, v4  }
0x284: {  	v4 =	vor.u32 v4, v5  }
0x285: {  	v5 =	vperm.xlane v4, v1;
	_ =	sdelay $0x1  }
0x286: {  	v5 =	vadd.s32 v2, v5;
	_ =	sdelay $0x3  }
0x287: {  	v4 =	vperm.xlane v4, v3  }
0x288: {  	[tilespmem:s18], [sflag:$0x1] =	stream.indirect_vreg.gather [hbm4b:s1+s3], $0x80, v5, vm0, $0xb8;
	[tilespmem:$0x19800] =	vst v63  }
0x289: {  	s13 =	simm.s32 $0x2000;
	v4 =	vadd.s32 v2, v4  }
0x28a: {  	[tilespmem:s13], [sflag:$0x1] =	stream.indirect_vreg.gather [hbm4b:s22+s3], $0x80, v5, vm0, $0xb8;
	[tilespmem:$0x19800] =	vst v63  }
0x28b: {  	s13 =	simm.s32 $0x2800  }
0x28c: {  	[tilespmem:s13], [sflag:$0x1] =	stream.indirect_vreg.gather [hbm4b:s23+s3], $0x80, v5, vm0, $0xb8;
	[tilespmem:$0x19800] =	vst v63  }
0x28d: {  	s13 =	simm.s32 $0x3000  }
0x28e: {  	[tilespmem:s13], [sflag:$0x1] =	stream.indirect_vreg.gather [hbm4b:s1+s3], $0x80, v4, vm0, $0xb8;
	[tilespmem:$0x19800] =	vst v63  }
0x28f: {  	s13 =	simm.s32 $0x3800  }
0x290: {  	[tilespmem:s13], [sflag:$0x1] =	stream.indirect_vreg.gather [hbm4b:s22+s3], $0x80, v4, vm0, $0xb8;
	[tilespmem:$0x19800] =	vst v63  }
0x291: {  	s13 =	simm.s32 $0x4000  }
0x292: {  	[tilespmem:s13], [sflag:$0x1] =	stream.indirect_vreg.gather [hbm4b:s23+s3], $0x80, v4, vm0, $0xb8;
	[tilespmem:$0x19800] =	vst v63  }
0x293: {  	v4 =	vld [tilespmem:$0x1190];
	_ =	sdelay $0x4  }
0x294: {  	v5 =	vshrl.u32 v4, $0x3  }
0x295: {  	v5 =	vmul.u32 $0x30, v5  }
0x296: {  	v4 =	vand.u32 $0x7, v4  }
0x297: {  	v4 =	vor.u32 v4, v5  }
0x298: {  	v5 =	vperm.xlane v4, v1;
	_ =	sdelay $0x1  }
0x299: {  	v5 =	vadd.s32 v2, v5;
	_ =	sdelay $0x3  }
0x29a: {  	s13 =	simm.s32 $0x4800;
	v4 =	vperm.xlane v4, v3  }
0x29b: {  	[tilespmem:s13], [sflag:$0x1] =	stream.indirect_vreg.gather [hbm4b:s1+s3], $0x80, v5, vm0, $0xb8;
	[tilespmem:$0x19800] =	vst v63  }
0x29c: {  	v4 =	vadd.s32 v2, v4;
	s13 =	simm.s32 $0x5000  }
0x29d: {  	[tilespmem:s13], [sflag:$0x1] =	stream.indirect_vreg.gather [hbm4b:s22+s3], $0x80, v5, vm0, $0xb8;
	[tilespmem:$0x19800] =	vst v63  }
0x29e: {  	s13 =	simm.s32 $0x5800  }
0x29f: {  	[tilespmem:s13], [sflag:$0x1] =	stream.indirect_vreg.gather [hbm4b:s23+s3], $0x80, v5, vm0, $0xb8;
	[tilespmem:$0x19800] =	vst v63  }
0x2a0: {  	s13 =	simm.s32 $0x6000  }
0x2a1: {  	[tilespmem:s13], [sflag:$0x1] =	stream.indirect_vreg.gather [hbm4b:s1+s3], $0x80, v4, vm0, $0xb8;
	[tilespmem:$0x19800] =	vst v63  }
0x2a2: {  	s13 =	simm.s32 $0x6800  }
0x2a3: {  	[tilespmem:s13], [sflag:$0x1] =	stream.indirect_vreg.gather [hbm4b:s22+s3], $0x80, v4, vm0, $0xb8;
	[tilespmem:$0x19800] =	vst v63  }
0x2a4: {  	s13 =	simm.s32 $0x7000  }
0x2a5: {  	[tilespmem:s13], [sflag:$0x1] =	stream.indirect_vreg.gather [hbm4b:s23+s3], $0x80, v4, vm0, $0xb8;
	[tilespmem:$0x19800] =	vst v63  }
0x2a6: {  	_ =	swait.ge [sflag:s24], $0x6000  }
0x2a7: {  	s13 =	sld [smem:$0x7F3]  }
0x2a8: {  	[sflag:s24] =	ssyncset.done $0x0  }
0x2a9: {  	[sflag:s24] =	ssyncadd.s32 $0xFFFFA000  }
0x2aa: {  	[hbm4b:s13+s3] =	stream.linear.scatter [tilespmem:s6], [sflag:$0x8], $0x6000, $0x38;
	[tilespmem:$0x19800] =	vst v63  }
0x2ab: {  	_ =	swait.ge [sflag:s25], $0x6000  }
0x2ac: {  	[sflag:s25] =	ssyncset.done $0x0  }
0x2ad: {  	[sflag:s25] =	ssyncadd.s32 $0xFFFFA000  }
0x2ae: {  	v4 =	vld [tilespmem:$0x11A0];
	_ =	sdelay $0x4  }
0x2af: {  	v5 =	vshrl.u32 v4, $0x3  }
0x2b0: {  	v5 =	vmul.u32 $0x30, v5  }
0x2b1: {  	v4 =	vand.u32 $0x7, v4  }
0x2b2: {  	v4 =	vor.u32 v4, v5  }
0x2b3: {  	v5 =	vperm.xlane v4, v1;
	_ =	sdelay $0x1  }
0x2b4: {  	v5 =	vadd.s32 v2, v5;
	_ =	sdelay $0x3  }
0x2b5: {  	v4 =	vperm.xlane v4, v3  }
0x2b6: {  	[tilespmem:s4], [sflag:$0x2] =	stream.indirect_vreg.gather [hbm4b:s1+s3], $0x80, v5, vm0, $0xb8;
	[tilespmem:$0x19800] =	vst v63  }
0x2b7: {  	s13 =	simm.s32 $0x8000;
	v4 =	vadd.s32 v2, v4  }
0x2b8: {  	[tilespmem:s13], [sflag:$0x2] =	stream.indirect_vreg.gather [hbm4b:s22+s3], $0x80, v5, vm0, $0xb8;
	[tilespmem:$0x19800] =	vst v63  }
0x2b9: {  	s13 =	simm.s32 $0x8800  }
0x2ba: {  	[tilespmem:s13], [sflag:$0x2] =	stream.indirect_vreg.gather [hbm4b:s23+s3], $0x80, v5, vm0, $0xb8;
	[tilespmem:$0x19800] =	vst v63  }
0x2bb: {  	s13 =	simm.s32 $0x9000  }
0x2bc: {  	[tilespmem:s13], [sflag:$0x2] =	stream.indirect_vreg.gather [hbm4b:s1+s3], $0x80, v4, vm0, $0xb8;
	[tilespmem:$0x19800] =	vst v63  }
0x2bd: {  	s13 =	simm.s32 $0x9800  }
0x2be: {  	[tilespmem:s13], [sflag:$0x2] =	stream.indirect_vreg.gather [hbm4b:s22+s3], $0x80, v4, vm0, $0xb8;
	[tilespmem:$0x19800] =	vst v63  }
0x2bf: {  	s13 =	simm.s32 $0xA000  }
0x2c0: {  	[tilespmem:s13], [sflag:$0x2] =	stream.indirect_vreg.gather [hbm4b:s23+s3], $0x80, v4, vm0, $0xb8;
	[tilespmem:$0x19800] =	vst v63  }
0x2c1: {  	v4 =	vld [tilespmem:$0x11B0];
	_ =	sdelay $0x4  }
0x2c2: {  	v5 =	vshrl.u32 v4, $0x3  }
0x2c3: {  	v5 =	vmul.u32 $0x30, v5  }
0x2c4: {  	v4 =	vand.u32 $0x7, v4  }
0x2c5: {  	v4 =	vor.u32 v4, v5  }
0x2c6: {  	v5 =	vperm.xlane v4, v1;
	_ =	sdelay $0x1  }
0x2c7: {  	v5 =	vadd.s32 v2, v5;
	_ =	sdelay $0x3  }
0x2c8: {  	s13 =	simm.s32 $0xA800;
	v4 =	vperm.xlane v4, v3  }
0x2c9: {  	[tilespmem:s13], [sflag:$0x2] =	stream.indirect_vreg.gather [hbm4b:s1+s3], $0x80, v5, vm0, $0xb8;
	[tilespmem:$0x19800] =	vst v63  }
0x2ca: {  	v4 =	vadd.s32 v2, v4;
	s13 =	simm.s32 $0xB000  }
0x2cb: {  	[tilespmem:s13], [sflag:$0x2] =	stream.indirect_vreg.gather [hbm4b:s22+s3], $0x80, v5, vm0, $0xb8;
	[tilespmem:$0x19800] =	vst v63  }
0x2cc: {  	s13 =	simm.s32 $0xB800  }
0x2cd: {  	[tilespmem:s13], [sflag:$0x2] =	stream.indirect_vreg.gather [hbm4b:s23+s3], $0x80, v5, vm0, $0xb8;
	[tilespmem:$0x19800] =	vst v63  }
0x2ce: {  	s13 =	simm.s32 $0xC000  }
0x2cf: {  	[tilespmem:s13], [sflag:$0x2] =	stream.indirect_vreg.gather [hbm4b:s1+s3], $0x80, v4, vm0, $0xb8;
	[tilespmem:$0x19800] =	vst v63  }
0x2d0: {  	s13 =	simm.s32 $0xC800  }
0x2d1: {  	[tilespmem:s13], [sflag:$0x2] =	stream.indirect_vreg.gather [hbm4b:s22+s3], $0x80, v4, vm0, $0xb8;
	[tilespmem:$0x19800] =	vst v63  }
0x2d2: {  	s13 =	simm.s32 $0xD000  }
0x2d3: {  	[tilespmem:s13], [sflag:$0x2] =	stream.indirect_vreg.gather [hbm4b:s23+s3], $0x80, v4, vm0, $0xb8;
	[tilespmem:$0x19800] =	vst v63  }
0x2d4: {  	_ =	swait.ge [sflag:s21], $0x6000  }
0x2d5: {  	s13 =	sld [smem:$0x7F4]  }
0x2d6: {  	[sflag:s21] =	ssyncset.done $0x0  }
0x2d7: {  	[sflag:s21] =	ssyncadd.s32 $0xFFFFA000  }
0x2d8: {  	[hbm4b:s13+s3] =	stream.linear.scatter [tilespmem:s18], [sflag:$0x5], $0x6000, $0x38;
	[tilespmem:$0x19800] =	vst v63  }
0x2d9: {  	_ =	swait.ge [sflag:s26], $0x6000  }
0x2da: {  	[sflag:s26] =	ssyncset.done $0x0  }
0x2db: {  	[sflag:s26] =	ssyncadd.s32 $0xFFFFA000  }
0x2dc: {  	v4 =	vld [tilespmem:$0x11C0];
	_ =	sdelay $0x4  }
0x2dd: {  	v5 =	vshrl.u32 v4, $0x3  }
0x2de: {  	v5 =	vmul.u32 $0x30, v5  }
0x2df: {  	v4 =	vand.u32 $0x7, v4  }
0x2e0: {  	v4 =	vor.u32 v4, v5  }
0x2e1: {  	v5 =	vperm.xlane v4, v1;
	_ =	sdelay $0x1  }
0x2e2: {  	v5 =	vadd.s32 v2, v5;
	_ =	sdelay $0x3  }
0x2e3: {  	v4 =	vperm.xlane v4, v3  }
0x2e4: {  	[tilespmem:s17], [sflag:$0x3] =	stream.indirect_vreg.gather [hbm4b:s1+s3], $0x80, v5, vm0, $0xb8;
	[tilespmem:$0x19800] =	vst v63  }
0x2e5: {  	s13 =	simm.s32 $0xE000;
	v4 =	vadd.s32 v2, v4  }
0x2e6: {  	[tilespmem:s13], [sflag:$0x3] =	stream.indirect_vreg.gather [hbm4b:s22+s3], $0x80, v5, vm0, $0xb8;
	[tilespmem:$0x19800] =	vst v63  }
0x2e7: {  	s2 =	simm.s32 $0xE800  }
0x2e8: {  	[tilespmem:s2], [sflag:$0x3] =	stream.indirect_vreg.gather [hbm4b:s23+s3], $0x80, v5, vm0, $0xb8;
	[tilespmem:$0x19800] =	vst v63  }
0x2e9: {  	s16 =	simm.s32 $0xF000  }
0x2ea: {  	[tilespmem:s16], [sflag:$0x3] =	stream.indirect_vreg.gather [hbm4b:s1+s3], $0x80, v4, vm0, $0xb8;
	[tilespmem:$0x19800] =	vst v63  }
0x2eb: {  	s29 =	simm.s32 $0xF800  }
0x2ec: {  	[tilespmem:s29], [sflag:$0x3] =	stream.indirect_vreg.gather [hbm4b:s22+s3], $0x80, v4, vm0, $0xb8;
	[tilespmem:$0x19800] =	vst v63  }
0x2ed: {  	s2 =	simm.s32 $0x10000  }
0x2ee: {  	[tilespmem:s2], [sflag:$0x3] =	stream.indirect_vreg.gather [hbm4b:s23+s3], $0x80, v4, vm0, $0xb8;
	[tilespmem:$0x19800] =	vst v63  }
0x2ef: {  	v4 =	vld [tilespmem:$0x11D0];
	_ =	sdelay $0x4  }
0x2f0: {  	v5 =	vshrl.u32 v4, $0x3  }
0x2f1: {  	v5 =	vmul.u32 $0x30, v5  }
0x2f2: {  	v4 =	vand.u32 $0x7, v4  }
0x2f3: {  	v4 =	vor.u32 v4, v5  }
0x2f4: {  	v5 =	vperm.xlane v4, v1;
	_ =	sdelay $0x1  }
0x2f5: {  	v5 =	vadd.s32 v2, v5;
	_ =	sdelay $0x3  }
0x2f6: {  	s2 =	simm.s32 $0x10800;
	v4 =	vperm.xlane v4, v3  }
0x2f7: {  	[tilespmem:s2], [sflag:$0x3] =	stream.indirect_vreg.gather [hbm4b:s1+s3], $0x80, v5, vm0, $0xb8;
	[tilespmem:$0x19800] =	vst v63  }
0x2f8: {  	v4 =	vadd.s32 v2, v4;
	s2 =	simm.s32 $0x11000  }
0x2f9: {  	[tilespmem:s2], [sflag:$0x3] =	stream.indirect_vreg.gather [hbm4b:s22+s3], $0x80, v5, vm0, $0xb8;
	[tilespmem:$0x19800] =	vst v63  }
0x2fa: {  	s2 =	simm.s32 $0x11800  }
0x2fb: {  	[tilespmem:s2], [sflag:$0x3] =	stream.indirect_vreg.gather [hbm4b:s23+s3], $0x80, v5, vm0, $0xb8;
	[tilespmem:$0x19800] =	vst v63  }
0x2fc: {  	s2 =	simm.s32 $0x12000  }
0x2fd: {  	[tilespmem:s2], [sflag:$0x3] =	stream.indirect_vreg.gather [hbm4b:s1+s3], $0x80, v4, vm0, $0xb8;
	[tilespmem:$0x19800] =	vst v63  }
0x2fe: {  	s2 =	simm.s32 $0x12800  }
0x2ff: {  	[tilespmem:s2], [sflag:$0x3] =	stream.indirect_vreg.gather [hbm4b:s22+s3], $0x80, v4, vm0, $0xb8;
	[tilespmem:$0x19800] =	vst v63  }
0x300: {  	s2 =	simm.s32 $0x13000  }
0x301: {  	[tilespmem:s2], [sflag:$0x3] =	stream.indirect_vreg.gather [hbm4b:s23+s3], $0x80, v4, vm0, $0xb8;
	[tilespmem:$0x19800] =	vst v63  }
0x302: {  	_ =	swait.ge [sflag:s0], $0x6000  }
0x303: {  	s2 =	sld [smem:$0x7F5]  }
0x304: {  	[sflag:s0] =	ssyncset.done $0x0  }
0x305: {  	[sflag:s0] =	ssyncadd.s32 $0xFFFFA000  }
0x306: {  	[hbm4b:s2+s3] =	stream.linear.scatter [tilespmem:s4], [sflag:$0x6], $0x6000, $0x38;
	[tilespmem:$0x19800] =	vst v63  }
0x307: {  	_ =	swait.ge [sflag:s28], $0x6000  }
0x308: {  	[sflag:s28] =	ssyncset.done $0x0  }
0x309: {  	[sflag:s28] =	ssyncadd.s32 $0xFFFFA000  }
0x30a: {  	v4 =	vld [tilespmem:$0x11E0];
	_ =	sdelay $0x4  }
0x30b: {  	v5 =	vshrl.u32 v4, $0x3  }
0x30c: {  	v5 =	vmul.u32 $0x30, v5  }
0x30d: {  	v4 =	vand.u32 $0x7, v4  }
0x30e: {  	v4 =	vor.u32 v4, v5  }
0x30f: {  	v5 =	vperm.xlane v4, v1;
	_ =	sdelay $0x1  }
0x310: {  	v5 =	vadd.s32 v2, v5;
	_ =	sdelay $0x3  }
0x311: {  	v4 =	vperm.xlane v4, v3  }
0x312: {  	[tilespmem:s6], [sflag:$0x4] =	stream.indirect_vreg.gather [hbm4b:s1+s3], $0x80, v5, vm0, $0xb8;
	[tilespmem:$0x19800] =	vst v63  }
0x313: {  	s30 =	simm.s32 $0x14000;
	v4 =	vadd.s32 v2, v4  }
0x314: {  	[tilespmem:s30], [sflag:$0x4] =	stream.indirect_vreg.gather [hbm4b:s22+s3], $0x80, v5, vm0, $0xb8;
	[tilespmem:$0x19800] =	vst v63  }
0x315: {  	s31 =	simm.s32 $0x14800  }
0x316: {  	[tilespmem:s31], [sflag:$0x4] =	stream.indirect_vreg.gather [hbm4b:s23+s3], $0x80, v5, vm0, $0xb8;
	[tilespmem:$0x19800] =	vst v63  }
0x317: {  	s15 =	simm.s32 $0x15000  }
0x318: {  	[tilespmem:s15], [sflag:$0x4] =	stream.indirect_vreg.gather [hbm4b:s1+s3], $0x80, v4, vm0, $0xb8;
	[tilespmem:$0x19800] =	vst v63  }
0x319: {  	s14 =	simm.s32 $0x15800  }
0x31a: {  	[tilespmem:s14], [sflag:$0x4] =	stream.indirect_vreg.gather [hbm4b:s22+s3], $0x80, v4, vm0, $0xb8;
	[tilespmem:$0x19800] =	vst v63  }
0x31b: {  	s5 =	simm.s32 $0x16000  }
0x31c: {  	[tilespmem:s5], [sflag:$0x4] =	stream.indirect_vreg.gather [hbm4b:s23+s3], $0x80, v4, vm0, $0xb8;
	[tilespmem:$0x19800] =	vst v63  }
0x31d: {  	v4 =	vld [tilespmem:$0x11F0];
	_ =	sdelay $0x4  }
0x31e: {  	v5 =	vshrl.u32 v4, $0x3  }
0x31f: {  	v5 =	vmul.u32 $0x30, v5  }
0x320: {  	v4 =	vand.u32 $0x7, v4  }
0x321: {  	v4 =	vor.u32 v4, v5  }
0x322: {  	v5 =	vperm.xlane v4, v1;
	_ =	sdelay $0x1  }
0x323: {  	v5 =	vadd.s32 v2, v5;
	_ =	sdelay $0x3  }
0x324: {  	s7 =	simm.s32 $0x16800;
	v4 =	vperm.xlane v4, v3  }
0x325: {  	[tilespmem:s7], [sflag:$0x4] =	stream.indirect_vreg.gather [hbm4b:s1+s3], $0x80, v5, vm0, $0xb8;
	[tilespmem:$0x19800] =	vst v63  }
0x326: {  	s12 =	simm.s32 $0x17000;
	v4 =	vadd.s32 v2, v4  }
0x327: {  	[tilespmem:s12], [sflag:$0x4] =	stream.indirect_vreg.gather [hbm4b:s22+s3], $0x80, v5, vm0, $0xb8;
	[tilespmem:$0x19800] =	vst v63  }
0x328: {  	s10 =	simm.s32 $0x17800  }
0x329: {  	[tilespmem:s10], [sflag:$0x4] =	stream.indirect_vreg.gather [hbm4b:s23+s3], $0x80, v5, vm0, $0xb8;
	[tilespmem:$0x19800] =	vst v63  }
0x32a: {  	s11 =	simm.s32 $0x18000  }
0x32b: {  	[tilespmem:s11], [sflag:$0x4] =	stream.indirect_vreg.gather [hbm4b:s1+s3], $0x80, v4, vm0, $0xb8;
	[tilespmem:$0x19800] =	vst v63  }
0x32c: {  	s9 =	simm.s32 $0x18800  }
0x32d: {  	[tilespmem:s9], [sflag:$0x4] =	stream.indirect_vreg.gather [hbm4b:s22+s3], $0x80, v4, vm0, $0xb8;
	[tilespmem:$0x19800] =	vst v63  }
0x32e: {  	s8 =	simm.s32 $0x19000  }
0x32f: {  	[tilespmem:s8], [sflag:$0x4] =	stream.indirect_vreg.gather [hbm4b:s23+s3], $0x80, v4, vm0, $0xb8;
	[tilespmem:$0x19800] =	vst v63  }
0x330: {  	_ =	swait.ge [sflag:s19], $0x6000  }
0x331: {  	s11 =	sld [smem:$0x7F6]  }
0x332: {  	[sflag:s19] =	ssyncset.done $0x0  }
0x333: {  	[sflag:s19] =	ssyncadd.s32 $0xFFFFA000  }
0x334: {  	[hbm4b:s11+s3] =	stream.linear.scatter [tilespmem:s17], [sflag:$0x7], $0x6000, $0x38;
	[tilespmem:$0x19800] =	vst v63  }
0x335: {  	_ =	swait.ge [sflag:s20], $0x6000  }
0x336: {  	[sflag:s20] =	ssyncset.done $0x0  }
0x337: {  	[sflag:s20] =	ssyncadd.s32 $0xFFFFA000  }
0x338: {  	v4 =	vld [tilespmem:$0x1200];
	_ =	sdelay $0x4  }
0x339: {  	v5 =	vshrl.u32 v4, $0x3  }
0x33a: {  	v5 =	vmul.u32 $0x30, v5  }
0x33b: {  	v4 =	vand.u32 $0x7, v4  }
0x33c: {  	v4 =	vor.u32 v4, v5  }
0x33d: {  	v5 =	vperm.xlane v4, v1;
	_ =	sdelay $0x1  }
0x33e: {  	v5 =	vadd.s32 v2, v5;
	_ =	sdelay $0x3  }
0x33f: {  	v4 =	vperm.xlane v4, v3  }
0x340: {  	[tilespmem:s18], [sflag:$0x1] =	stream.indirect_vreg.gather [hbm4b:s1+s3], $0x80, v5, vm0, $0xb8;
	[tilespmem:$0x19800] =	vst v63  }
0x341: {  	s8 =	simm.s32 $0x2000;
	v4 =	vadd.s32 v2, v4  }
0x342: {  	[tilespmem:s8], [sflag:$0x1] =	stream.indirect_vreg.gather [hbm4b:s22+s3], $0x80, v5, vm0, $0xb8;
	[tilespmem:$0x19800] =	vst v63  }
0x343: {  	s11 =	simm.s32 $0x2800  }
0x344: {  	[tilespmem:s11], [sflag:$0x1] =	stream.indirect_vreg.gather [hbm4b:s23+s3], $0x80, v5, vm0, $0xb8;
	[tilespmem:$0x19800] =	vst v63  }
0x345: {  	s8 =	simm.s32 $0x3000  }
0x346: {  	[tilespmem:s8], [sflag:$0x1] =	stream.indirect_vreg.gather [hbm4b:s1+s3], $0x80, v4, vm0, $0xb8;
	[tilespmem:$0x19800] =	vst v63  }
0x347: {  	s11 =	simm.s32 $0x3800  }
0x348: {  	[tilespmem:s11], [sflag:$0x1] =	stream.indirect_vreg.gather [hbm4b:s22+s3], $0x80, v4, vm0, $0xb8;
	[tilespmem:$0x19800] =	vst v63  }
0x349: {  	s8 =	simm.s32 $0x4000  }
0x34a: {  	[tilespmem:s8], [sflag:$0x1] =	stream.indirect_vreg.gather [hbm4b:s23+s3], $0x80, v4, vm0, $0xb8;
	[tilespmem:$0x19800] =	vst v63  }
0x34b: {  	v4 =	vld [tilespmem:$0x1210];
	_ =	sdelay $0x4  }
0x34c: {  	v5 =	vshrl.u32 v4, $0x3  }
0x34d: {  	v5 =	vmul.u32 $0x30, v5  }
0x34e: {  	v4 =	vand.u32 $0x7, v4  }
0x34f: {  	v4 =	vor.u32 v4, v5  }
0x350: {  	v5 =	vperm.xlane v4, v1;
	_ =	sdelay $0x1  }
0x351: {  	v5 =	vadd.s32 v2, v5;
	_ =	sdelay $0x3  }
0x352: {  	s11 =	simm.s32 $0x4800;
	v4 =	vperm.xlane v4, v3  }
0x353: {  	[tilespmem:s11], [sflag:$0x1] =	stream.indirect_vreg.gather [hbm4b:s1+s3], $0x80, v5, vm0, $0xb8;
	[tilespmem:$0x19800] =	vst v63  }
0x354: {  	s8 =	simm.s32 $0x5000;
	v4 =	vadd.s32 v2, v4  }
0x355: {  	[tilespmem:s8], [sflag:$0x1] =	stream.indirect_vreg.gather [hbm4b:s22+s3], $0x80, v5, vm0, $0xb8;
	[tilespmem:$0x19800] =	vst v63  }
0x356: {  	s11 =	simm.s32 $0x5800  }
0x357: {  	[tilespmem:s11], [sflag:$0x1] =	stream.indirect_vreg.gather [hbm4b:s23+s3], $0x80, v5, vm0, $0xb8;
	[tilespmem:$0x19800] =	vst v63  }
0x358: {  	s8 =	simm.s32 $0x6000  }
0x359: {  	[tilespmem:s8], [sflag:$0x1] =	stream.indirect_vreg.gather [hbm4b:s1+s3], $0x80, v4, vm0, $0xb8;
	[tilespmem:$0x19800] =	vst v63  }
0x35a: {  	s11 =	simm.s32 $0x6800  }
0x35b: {  	[tilespmem:s11], [sflag:$0x1] =	stream.indirect_vreg.gather [hbm4b:s22+s3], $0x80, v4, vm0, $0xb8;
	[tilespmem:$0x19800] =	vst v63  }
0x35c: {  	s8 =	simm.s32 $0x7000  }
0x35d: {  	[tilespmem:s8], [sflag:$0x1] =	stream.indirect_vreg.gather [hbm4b:s23+s3], $0x80, v4, vm0, $0xb8;
	[tilespmem:$0x19800] =	vst v63  }
0x35e: {  	_ =	swait.ge [sflag:s24], $0x6000  }
0x35f: {  	s11 =	sld [smem:$0x7F7]  }
0x360: {  	[sflag:s24] =	ssyncset.done $0x0  }
0x361: {  	[sflag:s24] =	ssyncadd.s32 $0xFFFFA000  }
0x362: {  	[hbm4b:s11+s3] =	stream.linear.scatter [tilespmem:s6], [sflag:$0x8], $0x6000, $0x38;
	[tilespmem:$0x19800] =	vst v63  }
0x363: {  	_ =	swait.ge [sflag:s25], $0x6000  }
0x364: {  	[sflag:s25] =	ssyncset.done $0x0  }
0x365: {  	[sflag:s25] =	ssyncadd.s32 $0xFFFFA000  }
0x366: {  	v4 =	vld [tilespmem:$0x1220];
	_ =	sdelay $0x4  }
0x367: {  	v5 =	vshrl.u32 v4, $0x3  }
0x368: {  	v5 =	vmul.u32 $0x30, v5  }
0x369: {  	v4 =	vand.u32 $0x7, v4  }
0x36a: {  	v4 =	vor.u32 v4, v5  }
0x36b: {  	v5 =	vperm.xlane v4, v1;
	_ =	sdelay $0x1  }
0x36c: {  	v5 =	vadd.s32 v2, v5;
	_ =	sdelay $0x3  }
0x36d: {  	v4 =	vperm.xlane v4, v3  }
0x36e: {  	[tilespmem:s4], [sflag:$0x2] =	stream.indirect_vreg.gather [hbm4b:s1+s3], $0x80, v5, vm0, $0xb8;
	[tilespmem:$0x19800] =	vst v63  }
0x36f: {  	s8 =	simm.s32 $0x8000;
	v4 =	vadd.s32 v2, v4  }
0x370: {  	[tilespmem:s8], [sflag:$0x2] =	stream.indirect_vreg.gather [hbm4b:s22+s3], $0x80, v5, vm0, $0xb8;
	[tilespmem:$0x19800] =	vst v63  }
0x371: {  	s11 =	simm.s32 $0x8800  }
0x372: {  	[tilespmem:s11], [sflag:$0x2] =	stream.indirect_vreg.gather [hbm4b:s23+s3], $0x80, v5, vm0, $0xb8;
	[tilespmem:$0x19800] =	vst v63  }
0x373: {  	s8 =	simm.s32 $0x9000  }
0x374: {  	[tilespmem:s8], [sflag:$0x2] =	stream.indirect_vreg.gather [hbm4b:s1+s3], $0x80, v4, vm0, $0xb8;
	[tilespmem:$0x19800] =	vst v63  }
0x375: {  	s11 =	simm.s32 $0x9800  }
0x376: {  	[tilespmem:s11], [sflag:$0x2] =	stream.indirect_vreg.gather [hbm4b:s22+s3], $0x80, v4, vm0, $0xb8;
	[tilespmem:$0x19800] =	vst v63  }
0x377: {  	s8 =	simm.s32 $0xA000  }
0x378: {  	[tilespmem:s8], [sflag:$0x2] =	stream.indirect_vreg.gather [hbm4b:s23+s3], $0x80, v4, vm0, $0xb8;
	[tilespmem:$0x19800] =	vst v63  }
0x379: {  	v4 =	vld [tilespmem:$0x1230];
	_ =	sdelay $0x4  }
0x37a: {  	v5 =	vshrl.u32 v4, $0x3  }
0x37b: {  	v5 =	vmul.u32 $0x30, v5  }
0x37c: {  	v4 =	vand.u32 $0x7, v4  }
0x37d: {  	v4 =	vor.u32 v4, v5  }
0x37e: {  	v5 =	vperm.xlane v4, v1;
	_ =	sdelay $0x1  }
0x37f: {  	v5 =	vadd.s32 v2, v5;
	_ =	sdelay $0x3  }
0x380: {  	s11 =	simm.s32 $0xA800;
	v4 =	vperm.xlane v4, v3  }
0x381: {  	[tilespmem:s11], [sflag:$0x2] =	stream.indirect_vreg.gather [hbm4b:s1+s3], $0x80, v5, vm0, $0xb8;
	[tilespmem:$0x19800] =	vst v63  }
0x382: {  	s8 =	simm.s32 $0xB000;
	v4 =	vadd.s32 v2, v4  }
0x383: {  	[tilespmem:s8], [sflag:$0x2] =	stream.indirect_vreg.gather [hbm4b:s22+s3], $0x80, v5, vm0, $0xb8;
	[tilespmem:$0x19800] =	vst v63  }
0x384: {  	s11 =	simm.s32 $0xB800  }
0x385: {  	[tilespmem:s11], [sflag:$0x2] =	stream.indirect_vreg.gather [hbm4b:s23+s3], $0x80, v5, vm0, $0xb8;
	[tilespmem:$0x19800] =	vst v63  }
0x386: {  	s8 =	simm.s32 $0xC000  }
0x387: {  	[tilespmem:s8], [sflag:$0x2] =	stream.indirect_vreg.gather [hbm4b:s1+s3], $0x80, v4, vm0, $0xb8;
	[tilespmem:$0x19800] =	vst v63  }
0x388: {  	s11 =	simm.s32 $0xC800  }
0x389: {  	[tilespmem:s11], [sflag:$0x2] =	stream.indirect_vreg.gather [hbm4b:s22+s3], $0x80, v4, vm0, $0xb8;
	[tilespmem:$0x19800] =	vst v63  }
0x38a: {  	s8 =	simm.s32 $0xD000  }
0x38b: {  	[tilespmem:s8], [sflag:$0x2] =	stream.indirect_vreg.gather [hbm4b:s23+s3], $0x80, v4, vm0, $0xb8;
	[tilespmem:$0x19800] =	vst v63  }
0x38c: {  	_ =	swait.ge [sflag:s21], $0x6000  }
0x38d: {  	s11 =	sld [smem:$0x7F8]  }
0x38e: {  	[sflag:s21] =	ssyncset.done $0x0  }
0x38f: {  	[sflag:s21] =	ssyncadd.s32 $0xFFFFA000  }
0x390: {  	[hbm4b:s11+s3] =	stream.linear.scatter [tilespmem:s18], [sflag:$0x5], $0x6000, $0x38;
	[tilespmem:$0x19800] =	vst v63  }
0x391: {  	_ =	swait.ge [sflag:s26], $0x6000  }
0x392: {  	[sflag:s26] =	ssyncset.done $0x0  }
0x393: {  	[sflag:s26] =	ssyncadd.s32 $0xFFFFA000  }
0x394: {  	v4 =	vld [tilespmem:$0x1240];
	_ =	sdelay $0x4  }
0x395: {  	v5 =	vshrl.u32 v4, $0x3  }
0x396: {  	v5 =	vmul.u32 $0x30, v5  }
0x397: {  	v4 =	vand.u32 $0x7, v4  }
0x398: {  	v4 =	vor.u32 v4, v5  }
0x399: {  	v5 =	vperm.xlane v4, v1;
	_ =	sdelay $0x1  }
0x39a: {  	v5 =	vadd.s32 v2, v5;
	_ =	sdelay $0x3  }
0x39b: {  	v4 =	vperm.xlane v4, v3  }
0x39c: {  	[tilespmem:s17], [sflag:$0x3] =	stream.indirect_vreg.gather [hbm4b:s1+s3], $0x80, v5, vm0, $0xb8;
	[tilespmem:$0x19800] =	vst v63  }
0x39d: {  	s13 =	simm.s32 $0xE000;
	v4 =	vadd.s32 v2, v4  }
0x39e: {  	[tilespmem:s13], [sflag:$0x3] =	stream.indirect_vreg.gather [hbm4b:s22+s3], $0x80, v5, vm0, $0xb8;
	[tilespmem:$0x19800] =	vst v63  }
0x39f: {  	s13 =	simm.s32 $0xE800  }
0x3a0: {  	[tilespmem:s13], [sflag:$0x3] =	stream.indirect_vreg.gather [hbm4b:s23+s3], $0x80, v5, vm0, $0xb8;
	[tilespmem:$0x19800] =	vst v63  }
0x3a1: {  	s16 =	simm.s32 $0xF000  }
0x3a2: {  	[tilespmem:s16], [sflag:$0x3] =	stream.indirect_vreg.gather [hbm4b:s1+s3], $0x80, v4, vm0, $0xb8;
	[tilespmem:$0x19800] =	vst v63  }
0x3a3: {  	s29 =	simm.s32 $0xF800  }
0x3a4: {  	[tilespmem:s29], [sflag:$0x3] =	stream.indirect_vreg.gather [hbm4b:s22+s3], $0x80, v4, vm0, $0xb8;
	[tilespmem:$0x19800] =	vst v63  }
0x3a5: {  	s8 =	simm.s32 $0x10000  }
0x3a6: {  	[tilespmem:s8], [sflag:$0x3] =	stream.indirect_vreg.gather [hbm4b:s23+s3], $0x80, v4, vm0, $0xb8;
	[tilespmem:$0x19800] =	vst v63  }
0x3a7: {  	v4 =	vld [tilespmem:$0x1250];
	_ =	sdelay $0x4  }
0x3a8: {  	v5 =	vshrl.u32 v4, $0x3  }
0x3a9: {  	v5 =	vmul.u32 $0x30, v5  }
0x3aa: {  	v4 =	vand.u32 $0x7, v4  }
0x3ab: {  	v4 =	vor.u32 v4, v5  }
0x3ac: {  	v5 =	vperm.xlane v4, v1;
	_ =	sdelay $0x1  }
0x3ad: {  	v5 =	vadd.s32 v2, v5;
	_ =	sdelay $0x3  }
0x3ae: {  	s8 =	simm.s32 $0x10800;
	v4 =	vperm.xlane v4, v3  }
0x3af: {  	[tilespmem:s8], [sflag:$0x3] =	stream.indirect_vreg.gather [hbm4b:s1+s3], $0x80, v5, vm0, $0xb8;
	[tilespmem:$0x19800] =	vst v63  }
0x3b0: {  	v4 =	vadd.s32 v2, v4;
	s8 =	simm.s32 $0x11000  }
0x3b1: {  	[tilespmem:s8], [sflag:$0x3] =	stream.indirect_vreg.gather [hbm4b:s22+s3], $0x80, v5, vm0, $0xb8;
	[tilespmem:$0x19800] =	vst v63  }
0x3b2: {  	s8 =	simm.s32 $0x11800  }
0x3b3: {  	[tilespmem:s8], [sflag:$0x3] =	stream.indirect_vreg.gather [hbm4b:s23+s3], $0x80, v5, vm0, $0xb8;
	[tilespmem:$0x19800] =	vst v63  }
0x3b4: {  	s8 =	simm.s32 $0x12000  }
0x3b5: {  	[tilespmem:s8], [sflag:$0x3] =	stream.indirect_vreg.gather [hbm4b:s1+s3], $0x80, v4, vm0, $0xb8;
	[tilespmem:$0x19800] =	vst v63  }
0x3b6: {  	s8 =	simm.s32 $0x12800  }
0x3b7: {  	[tilespmem:s8], [sflag:$0x3] =	stream.indirect_vreg.gather [hbm4b:s22+s3], $0x80, v4, vm0, $0xb8;
	[tilespmem:$0x19800] =	vst v63  }
0x3b8: {  	s8 =	simm.s32 $0x13000  }
0x3b9: {  	[tilespmem:s8], [sflag:$0x3] =	stream.indirect_vreg.gather [hbm4b:s23+s3], $0x80, v4, vm0, $0xb8;
	[tilespmem:$0x19800] =	vst v63  }
0x3ba: {  	_ =	swait.ge [sflag:s0], $0x6000  }
0x3bb: {  	s8 =	sld [smem:$0x7F9]  }
0x3bc: {  	[sflag:s0] =	ssyncset.done $0x0  }
0x3bd: {  	[sflag:s0] =	ssyncadd.s32 $0xFFFFA000  }
0x3be: {  	[hbm4b:s8+s3] =	stream.linear.scatter [tilespmem:s4], [sflag:$0x6], $0x6000, $0x38;
	[tilespmem:$0x19800] =	vst v63  }
0x3bf: {  	_ =	swait.ge [sflag:s28], $0x6000  }
0x3c0: {  	[sflag:s28] =	ssyncset.done $0x0  }
0x3c1: {  	[sflag:s28] =	ssyncadd.s32 $0xFFFFA000  }
0x3c2: {  	v4 =	vld [tilespmem:$0x1260];
	_ =	sdelay $0x4  }
0x3c3: {  	v5 =	vshrl.u32 v4, $0x3  }
0x3c4: {  	v5 =	vmul.u32 $0x30, v5  }
0x3c5: {  	v4 =	vand.u32 $0x7, v4  }
0x3c6: {  	v4 =	vor.u32 v4, v5  }
0x3c7: {  	v5 =	vperm.xlane v4, v1;
	_ =	sdelay $0x1  }
0x3c8: {  	v5 =	vadd.s32 v2, v5;
	_ =	sdelay $0x3  }
0x3c9: {  	v4 =	vperm.xlane v4, v3  }
0x3ca: {  	[tilespmem:s6], [sflag:$0x4] =	stream.indirect_vreg.gather [hbm4b:s1+s3], $0x80, v5, vm0, $0xb8;
	[tilespmem:$0x19800] =	vst v63  }
0x3cb: {  	s8 =	simm.s32 $0x14000;
	v4 =	vadd.s32 v2, v4  }
0x3cc: {  	[tilespmem:s8], [sflag:$0x4] =	stream.indirect_vreg.gather [hbm4b:s22+s3], $0x80, v5, vm0, $0xb8;
	[tilespmem:$0x19800] =	vst v63  }
0x3cd: {  	s8 =	simm.s32 $0x14800  }
0x3ce: {  	[tilespmem:s8], [sflag:$0x4] =	stream.indirect_vreg.gather [hbm4b:s23+s3], $0x80, v5, vm0, $0xb8;
	[tilespmem:$0x19800] =	vst v63  }
0x3cf: {  	s30 =	simm.s32 $0x15000  }
0x3d0: {  	[tilespmem:s30], [sflag:$0x4] =	stream.indirect_vreg.gather [hbm4b:s1+s3], $0x80, v4, vm0, $0xb8;
	[tilespmem:$0x19800] =	vst v63  }
0x3d1: {  	s14 =	simm.s32 $0x15800  }
0x3d2: {  	[tilespmem:s14], [sflag:$0x4] =	stream.indirect_vreg.gather [hbm4b:s22+s3], $0x80, v4, vm0, $0xb8;
	[tilespmem:$0x19800] =	vst v63  }
0x3d3: {  	s15 =	simm.s32 $0x16000  }
0x3d4: {  	[tilespmem:s15], [sflag:$0x4] =	stream.indirect_vreg.gather [hbm4b:s23+s3], $0x80, v4, vm0, $0xb8;
	[tilespmem:$0x19800] =	vst v63  }
0x3d5: {  	v4 =	vld [tilespmem:$0x1270];
	_ =	sdelay $0x4  }
0x3d6: {  	v5 =	vshrl.u32 v4, $0x3  }
0x3d7: {  	v5 =	vmul.u32 $0x30, v5  }
0x3d8: {  	v4 =	vand.u32 $0x7, v4  }
0x3d9: {  	v4 =	vor.u32 v4, v5  }
0x3da: {  	v5 =	vperm.xlane v4, v1;
	_ =	sdelay $0x1  }
0x3db: {  	v5 =	vadd.s32 v2, v5;
	_ =	sdelay $0x3  }
0x3dc: {  	s5 =	simm.s32 $0x16800;
	v4 =	vperm.xlane v4, v3  }
0x3dd: {  	[tilespmem:s5], [sflag:$0x4] =	stream.indirect_vreg.gather [hbm4b:s1+s3], $0x80, v5, vm0, $0xb8;
	[tilespmem:$0x19800] =	vst v63  }
0x3de: {  	s31 =	simm.s32 $0x17000;
	v4 =	vadd.s32 v2, v4  }
0x3df: {  	[tilespmem:s31], [sflag:$0x4] =	stream.indirect_vreg.gather [hbm4b:s22+s3], $0x80, v5, vm0, $0xb8;
	[tilespmem:$0x19800] =	vst v63  }
0x3e0: {  	s10 =	simm.s32 $0x17800  }
0x3e1: {  	[tilespmem:s10], [sflag:$0x4] =	stream.indirect_vreg.gather [hbm4b:s23+s3], $0x80, v5, vm0, $0xb8;
	[tilespmem:$0x19800] =	vst v63  }
0x3e2: {  	s12 =	simm.s32 $0x18000  }
0x3e3: {  	[tilespmem:s12], [sflag:$0x4] =	stream.indirect_vreg.gather [hbm4b:s1+s3], $0x80, v4, vm0, $0xb8;
	[tilespmem:$0x19800] =	vst v63  }
0x3e4: {  	s9 =	simm.s32 $0x18800  }
0x3e5: {  	[tilespmem:s9], [sflag:$0x4] =	stream.indirect_vreg.gather [hbm4b:s22+s3], $0x80, v4, vm0, $0xb8;
	[tilespmem:$0x19800] =	vst v63  }
0x3e6: {  	s7 =	simm.s32 $0x19000  }
0x3e7: {  	[tilespmem:s7], [sflag:$0x4] =	stream.indirect_vreg.gather [hbm4b:s23+s3], $0x80, v4, vm0, $0xb8;
	[tilespmem:$0x19800] =	vst v63  }
0x3e8: {  	_ =	swait.ge [sflag:s19], $0x6000  }
0x3e9: {  	s31 =	sld [smem:$0x7FA]  }
0x3ea: {  	[sflag:s19] =	ssyncset.done $0x0  }
0x3eb: {  	[sflag:s19] =	ssyncadd.s32 $0xFFFFA000  }
0x3ec: {  	[hbm4b:s31+s3] =	stream.linear.scatter [tilespmem:s17], [sflag:$0x7], $0x6000, $0x38;
	[tilespmem:$0x19800] =	vst v63  }
0x3ed: {  	_ =	swait.ge [sflag:s20], $0x6000  }
0x3ee: {  	[sflag:s20] =	ssyncset.done $0x0  }
0x3ef: {  	[sflag:s20] =	ssyncadd.s32 $0xFFFFA000  }
0x3f0: {  	v4 =	vld [tilespmem:$0x1280];
	_ =	sdelay $0x4  }
0x3f1: {  	v5 =	vshrl.u32 v4, $0x3  }
0x3f2: {  	v5 =	vmul.u32 $0x30, v5  }
0x3f3: {  	v4 =	vand.u32 $0x7, v4  }
0x3f4: {  	v4 =	vor.u32 v4, v5  }
0x3f5: {  	v5 =	vperm.xlane v4, v1;
	_ =	sdelay $0x1  }
0x3f6: {  	v5 =	vadd.s32 v2, v5;
	_ =	sdelay $0x3  }
0x3f7: {  	v4 =	vperm.xlane v4, v3  }
0x3f8: {  	[tilespmem:s18], [sflag:$0x1] =	stream.indirect_vreg.gather [hbm4b:s1+s3], $0x80, v5, vm0, $0xb8;
	[tilespmem:$0x19800] =	vst v63  }
0x3f9: {  	s31 =	simm.s32 $0x2000;
	v4 =	vadd.s32 v2, v4  }
0x3fa: {  	[tilespmem:s31], [sflag:$0x1] =	stream.indirect_vreg.gather [hbm4b:s22+s3], $0x80, v5, vm0, $0xb8;
	[tilespmem:$0x19800] =	vst v63  }
0x3fb: {  	s31 =	simm.s32 $0x2800  }
0x3fc: {  	[tilespmem:s31], [sflag:$0x1] =	stream.indirect_vreg.gather [hbm4b:s23+s3], $0x80, v5, vm0, $0xb8;
	[tilespmem:$0x19800] =	vst v63  }
0x3fd: {  	s31 =	simm.s32 $0x3000  }
0x3fe: {  	[tilespmem:s31], [sflag:$0x1] =	stream.indirect_vreg.gather [hbm4b:s1+s3], $0x80, v4, vm0, $0xb8;
	[tilespmem:$0x19800] =	vst v63  }
0x3ff: {  	s31 =	simm.s32 $0x3800  }
0x400: {  	[tilespmem:s31], [sflag:$0x1] =	stream.indirect_vreg.gather [hbm4b:s22+s3], $0x80, v4, vm0, $0xb8;
	[tilespmem:$0x19800] =	vst v63  }
0x401: {  	s31 =	simm.s32 $0x4000  }
0x402: {  	[tilespmem:s31], [sflag:$0x1] =	stream.indirect_vreg.gather [hbm4b:s23+s3], $0x80, v4, vm0, $0xb8;
	[tilespmem:$0x19800] =	vst v63  }
0x403: {  	v4 =	vld [tilespmem:$0x1290];
	_ =	sdelay $0x4  }
0x404: {  	v5 =	vshrl.u32 v4, $0x3  }
0x405: {  	v5 =	vmul.u32 $0x30, v5  }
0x406: {  	v4 =	vand.u32 $0x7, v4  }
0x407: {  	v4 =	vor.u32 v4, v5  }
0x408: {  	v5 =	vperm.xlane v4, v1;
	_ =	sdelay $0x1  }
0x409: {  	v5 =	vadd.s32 v2, v5;
	_ =	sdelay $0x3  }
0x40a: {  	s31 =	simm.s32 $0x4800;
	v4 =	vperm.xlane v4, v3  }
0x40b: {  	[tilespmem:s31], [sflag:$0x1] =	stream.indirect_vreg.gather [hbm4b:s1+s3], $0x80, v5, vm0, $0xb8;
	[tilespmem:$0x19800] =	vst v63  }
0x40c: {  	v4 =	vadd.s32 v2, v4;
	s31 =	simm.s32 $0x5000  }
0x40d: {  	[tilespmem:s31], [sflag:$0x1] =	stream.indirect_vreg.gather [hbm4b:s22+s3], $0x80, v5, vm0, $0xb8;
	[tilespmem:$0x19800] =	vst v63  }
0x40e: {  	s31 =	simm.s32 $0x5800  }
0x40f: {  	[tilespmem:s31], [sflag:$0x1] =	stream.indirect_vreg.gather [hbm4b:s23+s3], $0x80, v5, vm0, $0xb8;
	[tilespmem:$0x19800] =	vst v63  }
0x410: {  	s31 =	simm.s32 $0x6000  }
0x411: {  	[tilespmem:s31], [sflag:$0x1] =	stream.indirect_vreg.gather [hbm4b:s1+s3], $0x80, v4, vm0, $0xb8;
	[tilespmem:$0x19800] =	vst v63  }
0x412: {  	s31 =	simm.s32 $0x6800  }
0x413: {  	[tilespmem:s31], [sflag:$0x1] =	stream.indirect_vreg.gather [hbm4b:s22+s3], $0x80, v4, vm0, $0xb8;
	[tilespmem:$0x19800] =	vst v63  }
0x414: {  	s31 =	simm.s32 $0x7000  }
0x415: {  	[tilespmem:s31], [sflag:$0x1] =	stream.indirect_vreg.gather [hbm4b:s23+s3], $0x80, v4, vm0, $0xb8;
	[tilespmem:$0x19800] =	vst v63  }
0x416: {  	_ =	swait.ge [sflag:s24], $0x6000  }
0x417: {  	s31 =	sld [smem:$0x7FB]  }
0x418: {  	[sflag:s24] =	ssyncset.done $0x0  }
0x419: {  	[sflag:s24] =	ssyncadd.s32 $0xFFFFA000  }
0x41a: {  	[hbm4b:s31+s3] =	stream.linear.scatter [tilespmem:s6], [sflag:$0x8], $0x6000, $0x38;
	[tilespmem:$0x19800] =	vst v63  }
0x41b: {  	_ =	swait.ge [sflag:s25], $0x6000  }
0x41c: {  	[sflag:s25] =	ssyncset.done $0x0  }
0x41d: {  	[sflag:s25] =	ssyncadd.s32 $0xFFFFA000  }
0x41e: {  	v4 =	vld [tilespmem:$0x12A0];
	_ =	sdelay $0x4  }
0x41f: {  	v5 =	vshrl.u32 v4, $0x3  }
0x420: {  	v5 =	vmul.u32 $0x30, v5  }
0x421: {  	v4 =	vand.u32 $0x7, v4  }
0x422: {  	v4 =	vor.u32 v4, v5  }
0x423: {  	v5 =	vperm.xlane v4, v1;
	_ =	sdelay $0x1  }
0x424: {  	v5 =	vadd.s32 v2, v5;
	_ =	sdelay $0x3  }
0x425: {  	v4 =	vperm.xlane v4, v3  }
0x426: {  	[tilespmem:s4], [sflag:$0x2] =	stream.indirect_vreg.gather [hbm4b:s1+s3], $0x80, v5, vm0, $0xb8;
	[tilespmem:$0x19800] =	vst v63  }
0x427: {  	s31 =	simm.s32 $0x8000;
	v4 =	vadd.s32 v2, v4  }
0x428: {  	[tilespmem:s31], [sflag:$0x2] =	stream.indirect_vreg.gather [hbm4b:s22+s3], $0x80, v5, vm0, $0xb8;
	[tilespmem:$0x19800] =	vst v63  }
0x429: {  	s31 =	simm.s32 $0x8800  }
0x42a: {  	[tilespmem:s31], [sflag:$0x2] =	stream.indirect_vreg.gather [hbm4b:s23+s3], $0x80, v5, vm0, $0xb8;
	[tilespmem:$0x19800] =	vst v63  }
0x42b: {  	s31 =	simm.s32 $0x9000  }
0x42c: {  	[tilespmem:s31], [sflag:$0x2] =	stream.indirect_vreg.gather [hbm4b:s1+s3], $0x80, v4, vm0, $0xb8;
	[tilespmem:$0x19800] =	vst v63  }
0x42d: {  	s31 =	simm.s32 $0x9800  }
0x42e: {  	[tilespmem:s31], [sflag:$0x2] =	stream.indirect_vreg.gather [hbm4b:s22+s3], $0x80, v4, vm0, $0xb8;
	[tilespmem:$0x19800] =	vst v63  }
0x42f: {  	s31 =	simm.s32 $0xA000  }
0x430: {  	[tilespmem:s31], [sflag:$0x2] =	stream.indirect_vreg.gather [hbm4b:s23+s3], $0x80, v4, vm0, $0xb8;
	[tilespmem:$0x19800] =	vst v63  }
0x431: {  	v4 =	vld [tilespmem:$0x12B0];
	_ =	sdelay $0x4  }
0x432: {  	v5 =	vshrl.u32 v4, $0x3  }
0x433: {  	v5 =	vmul.u32 $0x30, v5  }
0x434: {  	v4 =	vand.u32 $0x7, v4  }
0x435: {  	v4 =	vor.u32 v4, v5  }
0x436: {  	v5 =	vperm.xlane v4, v1;
	_ =	sdelay $0x1  }
0x437: {  	v5 =	vadd.s32 v2, v5;
	_ =	sdelay $0x3  }
0x438: {  	s31 =	simm.s32 $0xA800;
	v4 =	vperm.xlane v4, v3  }
0x439: {  	[tilespmem:s31], [sflag:$0x2] =	stream.indirect_vreg.gather [hbm4b:s1+s3], $0x80, v5, vm0, $0xb8;
	[tilespmem:$0x19800] =	vst v63  }
0x43a: {  	v4 =	vadd.s32 v2, v4;
	s31 =	simm.s32 $0xB000  }
0x43b: {  	[tilespmem:s31], [sflag:$0x2] =	stream.indirect_vreg.gather [hbm4b:s22+s3], $0x80, v5, vm0, $0xb8;
	[tilespmem:$0x19800] =	vst v63  }
0x43c: {  	s31 =	simm.s32 $0xB800  }
0x43d: {  	[tilespmem:s31], [sflag:$0x2] =	stream.indirect_vreg.gather [hbm4b:s23+s3], $0x80, v5, vm0, $0xb8;
	[tilespmem:$0x19800] =	vst v63  }
0x43e: {  	s31 =	simm.s32 $0xC000  }
0x43f: {  	[tilespmem:s31], [sflag:$0x2] =	stream.indirect_vreg.gather [hbm4b:s1+s3], $0x80, v4, vm0, $0xb8;
	[tilespmem:$0x19800] =	vst v63  }
0x440: {  	s31 =	simm.s32 $0xC800  }
0x441: {  	[tilespmem:s31], [sflag:$0x2] =	stream.indirect_vreg.gather [hbm4b:s22+s3], $0x80, v4, vm0, $0xb8;
	[tilespmem:$0x19800] =	vst v63  }
0x442: {  	s31 =	simm.s32 $0xD000  }
0x443: {  	[tilespmem:s31], [sflag:$0x2] =	stream.indirect_vreg.gather [hbm4b:s23+s3], $0x80, v4, vm0, $0xb8;
	[tilespmem:$0x19800] =	vst v63  }
0x444: {  	_ =	swait.ge [sflag:s21], $0x6000  }
0x445: {  	s31 =	sld [smem:$0x7FC]  }
0x446: {  	[sflag:s21] =	ssyncset.done $0x0  }
0x447: {  	[sflag:s21] =	ssyncadd.s32 $0xFFFFA000  }
0x448: {  	[hbm4b:s31+s3] =	stream.linear.scatter [tilespmem:s18], [sflag:$0x5], $0x6000, $0x38;
	[tilespmem:$0x19800] =	vst v63  }
0x449: {  	_ =	swait.ge [sflag:s26], $0x6000  }
0x44a: {  	[sflag:s26] =	ssyncset.done $0x0  }
0x44b: {  	[sflag:s26] =	ssyncadd.s32 $0xFFFFA000  }
0x44c: {  	v4 =	vld [tilespmem:$0x12C0];
	_ =	sdelay $0x4  }
0x44d: {  	v5 =	vshrl.u32 v4, $0x3  }
0x44e: {  	v5 =	vmul.u32 $0x30, v5  }
0x44f: {  	v4 =	vand.u32 $0x7, v4  }
0x450: {  	v4 =	vor.u32 v4, v5  }
0x451: {  	v5 =	vperm.xlane v4, v1;
	_ =	sdelay $0x1  }
0x452: {  	v5 =	vadd.s32 v2, v5;
	_ =	sdelay $0x3  }
0x453: {  	v4 =	vperm.xlane v4, v3  }
0x454: {  	[tilespmem:s17], [sflag:$0x3] =	stream.indirect_vreg.gather [hbm4b:s1+s3], $0x80, v5, vm0, $0xb8;
	[tilespmem:$0x19800] =	vst v63  }
0x455: {  	s11 =	simm.s32 $0xE000;
	v4 =	vadd.s32 v2, v4  }
0x456: {  	[tilespmem:s11], [sflag:$0x3] =	stream.indirect_vreg.gather [hbm4b:s22+s3], $0x80, v5, vm0, $0xb8;
	[tilespmem:$0x19800] =	vst v63  }
0x457: {  	s13 =	simm.s32 $0xE800  }
0x458: {  	[tilespmem:s13], [sflag:$0x3] =	stream.indirect_vreg.gather [hbm4b:s23+s3], $0x80, v5, vm0, $0xb8;
	[tilespmem:$0x19800] =	vst v63  }
0x459: {  	s16 =	simm.s32 $0xF000  }
0x45a: {  	[tilespmem:s16], [sflag:$0x3] =	stream.indirect_vreg.gather [hbm4b:s1+s3], $0x80, v4, vm0, $0xb8;
	[tilespmem:$0x19800] =	vst v63  }
0x45b: {  	s29 =	simm.s32 $0xF800  }
0x45c: {  	[tilespmem:s29], [sflag:$0x3] =	stream.indirect_vreg.gather [hbm4b:s22+s3], $0x80, v4, vm0, $0xb8;
	[tilespmem:$0x19800] =	vst v63  }
0x45d: {  	s29 =	simm.s32 $0x10000  }
0x45e: {  	[tilespmem:s29], [sflag:$0x3] =	stream.indirect_vreg.gather [hbm4b:s23+s3], $0x80, v4, vm0, $0xb8;
	[tilespmem:$0x19800] =	vst v63  }
0x45f: {  	v4 =	vld [tilespmem:$0x12D0];
	_ =	sdelay $0x4  }
0x460: {  	v5 =	vshrl.u32 v4, $0x3  }
0x461: {  	v5 =	vmul.u32 $0x30, v5  }
0x462: {  	v4 =	vand.u32 $0x7, v4  }
0x463: {  	v4 =	vor.u32 v4, v5  }
0x464: {  	v5 =	vperm.xlane v4, v1;
	_ =	sdelay $0x1  }
0x465: {  	v5 =	vadd.s32 v2, v5;
	_ =	sdelay $0x3  }
0x466: {  	s31 =	simm.s32 $0x10800;
	v4 =	vperm.xlane v4, v3  }
0x467: {  	[tilespmem:s31], [sflag:$0x3] =	stream.indirect_vreg.gather [hbm4b:s1+s3], $0x80, v5, vm0, $0xb8;
	[tilespmem:$0x19800] =	vst v63  }
0x468: {  	s29 =	simm.s32 $0x11000;
	v4 =	vadd.s32 v2, v4  }
0x469: {  	[tilespmem:s29], [sflag:$0x3] =	stream.indirect_vreg.gather [hbm4b:s22+s3], $0x80, v5, vm0, $0xb8;
	[tilespmem:$0x19800] =	vst v63  }
0x46a: {  	s31 =	simm.s32 $0x11800  }
0x46b: {  	[tilespmem:s31], [sflag:$0x3] =	stream.indirect_vreg.gather [hbm4b:s23+s3], $0x80, v5, vm0, $0xb8;
	[tilespmem:$0x19800] =	vst v63  }
0x46c: {  	s29 =	simm.s32 $0x12000  }
0x46d: {  	[tilespmem:s29], [sflag:$0x3] =	stream.indirect_vreg.gather [hbm4b:s1+s3], $0x80, v4, vm0, $0xb8;
	[tilespmem:$0x19800] =	vst v63  }
0x46e: {  	s31 =	simm.s32 $0x12800  }
0x46f: {  	[tilespmem:s31], [sflag:$0x3] =	stream.indirect_vreg.gather [hbm4b:s22+s3], $0x80, v4, vm0, $0xb8;
	[tilespmem:$0x19800] =	vst v63  }
0x470: {  	s29 =	simm.s32 $0x13000  }
0x471: {  	[tilespmem:s29], [sflag:$0x3] =	stream.indirect_vreg.gather [hbm4b:s23+s3], $0x80, v4, vm0, $0xb8;
	[tilespmem:$0x19800] =	vst v63  }
0x472: {  	_ =	swait.ge [sflag:s0], $0x6000  }
0x473: {  	s31 =	sld [smem:$0x7FD]  }
0x474: {  	[sflag:s0] =	ssyncset.done $0x0  }
0x475: {  	[sflag:s0] =	ssyncadd.s32 $0xFFFFA000  }
0x476: {  	[hbm4b:s31+s3] =	stream.linear.scatter [tilespmem:s4], [sflag:$0x6], $0x6000, $0x38;
	[tilespmem:$0x19800] =	vst v63  }
0x477: {  	_ =	swait.ge [sflag:s28], $0x6000  }
0x478: {  	[sflag:s28] =	ssyncset.done $0x0  }
0x479: {  	[sflag:s28] =	ssyncadd.s32 $0xFFFFA000  }
0x47a: {  	v4 =	vld [tilespmem:$0x12E0];
	_ =	sdelay $0x4  }
0x47b: {  	v5 =	vshrl.u32 v4, $0x3  }
0x47c: {  	v5 =	vmul.u32 $0x30, v5  }
0x47d: {  	v4 =	vand.u32 $0x7, v4  }
0x47e: {  	v4 =	vor.u32 v4, v5  }
0x47f: {  	v5 =	vperm.xlane v4, v1;
	_ =	sdelay $0x1  }
0x480: {  	v5 =	vadd.s32 v2, v5;
	_ =	sdelay $0x3  }
0x481: {  	v4 =	vperm.xlane v4, v3  }
0x482: {  	[tilespmem:s6], [sflag:$0x4] =	stream.indirect_vreg.gather [hbm4b:s1+s3], $0x80, v5, vm0, $0xb8;
	[tilespmem:$0x19800] =	vst v63  }
0x483: {  	s29 =	simm.s32 $0x14000;
	v4 =	vadd.s32 v2, v4  }
0x484: {  	[tilespmem:s29], [sflag:$0x4] =	stream.indirect_vreg.gather [hbm4b:s22+s3], $0x80, v5, vm0, $0xb8;
	[tilespmem:$0x19800] =	vst v63  }
0x485: {  	s31 =	simm.s32 $0x14800  }
0x486: {  	[tilespmem:s31], [sflag:$0x4] =	stream.indirect_vreg.gather [hbm4b:s23+s3], $0x80, v5, vm0, $0xb8;
	[tilespmem:$0x19800] =	vst v63  }
0x487: {  	s8 =	simm.s32 $0x15000  }
0x488: {  	[tilespmem:s8], [sflag:$0x4] =	stream.indirect_vreg.gather [hbm4b:s1+s3], $0x80, v4, vm0, $0xb8;
	[tilespmem:$0x19800] =	vst v63  }
0x489: {  	s14 =	simm.s32 $0x15800  }
0x48a: {  	[tilespmem:s14], [sflag:$0x4] =	stream.indirect_vreg.gather [hbm4b:s22+s3], $0x80, v4, vm0, $0xb8;
	[tilespmem:$0x19800] =	vst v63  }
0x48b: {  	s30 =	simm.s32 $0x16000  }
0x48c: {  	[tilespmem:s30], [sflag:$0x4] =	stream.indirect_vreg.gather [hbm4b:s23+s3], $0x80, v4, vm0, $0xb8;
	[tilespmem:$0x19800] =	vst v63  }
0x48d: {  	v4 =	vld [tilespmem:$0x12F0];
	_ =	sdelay $0x4  }
0x48e: {  	v5 =	vshrl.u32 v4, $0x3  }
0x48f: {  	v5 =	vmul.u32 $0x30, v5  }
0x490: {  	v4 =	vand.u32 $0x7, v4  }
0x491: {  	v4 =	vor.u32 v4, v5  }
0x492: {  	v5 =	vperm.xlane v4, v1;
	_ =	sdelay $0x1  }
0x493: {  	v5 =	vadd.s32 v2, v5;
	_ =	sdelay $0x3  }
0x494: {  	s5 =	simm.s32 $0x16800;
	v4 =	vperm.xlane v4, v3  }
0x495: {  	[tilespmem:s5], [sflag:$0x4] =	stream.indirect_vreg.gather [hbm4b:s1+s3], $0x80, v5, vm0, $0xb8;
	[tilespmem:$0x19800] =	vst v63  }
0x496: {  	s15 =	simm.s32 $0x17000;
	v4 =	vadd.s32 v2, v4  }
0x497: {  	[tilespmem:s15], [sflag:$0x4] =	stream.indirect_vreg.gather [hbm4b:s22+s3], $0x80, v5, vm0, $0xb8;
	[tilespmem:$0x19800] =	vst v63  }
0x498: {  	s10 =	simm.s32 $0x17800  }
0x499: {  	[tilespmem:s10], [sflag:$0x4] =	stream.indirect_vreg.gather [hbm4b:s23+s3], $0x80, v5, vm0, $0xb8;
	[tilespmem:$0x19800] =	vst v63  }
0x49a: {  	s12 =	simm.s32 $0x18000  }
0x49b: {  	[tilespmem:s12], [sflag:$0x4] =	stream.indirect_vreg.gather [hbm4b:s1+s3], $0x80, v4, vm0, $0xb8;
	[tilespmem:$0x19800] =	vst v63  }
0x49c: {  	s9 =	simm.s32 $0x18800  }
0x49d: {  	[tilespmem:s9], [sflag:$0x4] =	stream.indirect_vreg.gather [hbm4b:s22+s3], $0x80, v4, vm0, $0xb8;
	[tilespmem:$0x19800] =	vst v63  }
0x49e: {  	s7 =	simm.s32 $0x19000  }
0x49f: {  	[tilespmem:s7], [sflag:$0x4] =	stream.indirect_vreg.gather [hbm4b:s23+s3], $0x80, v4, vm0, $0xb8;
	[tilespmem:$0x19800] =	vst v63  }
0x4a0: {  	_ =	swait.ge [sflag:s19], $0x6000  }
0x4a1: {  	[sflag:s19] =	ssyncset.done $0x0  }
0x4a2: {  	s12 =	rddreg [dreg:$0x6];
	[sflag:s19] =	ssyncadd.s32 $0xFFFFA000  }
0x4a3: {  	[hbm4b:s12+s3] =	stream.linear.scatter [tilespmem:s17], [sflag:$0x7], $0x6000, $0x38;
	[tilespmem:$0x19800] =	vst v63  }
0x4a4: {  	_ =	swait.ge [sflag:s20], $0x6000  }
0x4a5: {  	[sflag:s20] =	ssyncset.done $0x0  }
0x4a6: {  	[sflag:s20] =	ssyncadd.s32 $0xFFFFA000  }
0x4a7: {  	v4 =	vld [tilespmem:$0x1300];
	_ =	sdelay $0x4  }
0x4a8: {  	v5 =	vshrl.u32 v4, $0x3  }
0x4a9: {  	v5 =	vmul.u32 $0x30, v5  }
0x4aa: {  	v4 =	vand.u32 $0x7, v4  }
0x4ab: {  	v4 =	vor.u32 v4, v5  }
0x4ac: {  	v5 =	vperm.xlane v4, v1;
	_ =	sdelay $0x1  }
0x4ad: {  	v5 =	vadd.s32 v2, v5;
	_ =	sdelay $0x3  }
0x4ae: {  	v4 =	vperm.xlane v4, v3  }
0x4af: {  	[tilespmem:s18], [sflag:$0x1] =	stream.indirect_vreg.gather [hbm4b:s1+s3], $0x80, v5, vm0, $0xb8;
	[tilespmem:$0x19800] =	vst v63  }
0x4b0: {  	s12 =	simm.s32 $0x2000;
	v4 =	vadd.s32 v2, v4  }
0x4b1: {  	[tilespmem:s12], [sflag:$0x1] =	stream.indirect_vreg.gather [hbm4b:s22+s3], $0x80, v5, vm0, $0xb8;
	[tilespmem:$0x19800] =	vst v63  }
0x4b2: {  	s12 =	simm.s32 $0x2800  }
0x4b3: {  	[tilespmem:s12], [sflag:$0x1] =	stream.indirect_vreg.gather [hbm4b:s23+s3], $0x80, v5, vm0, $0xb8;
	[tilespmem:$0x19800] =	vst v63  }
0x4b4: {  	s12 =	simm.s32 $0x3000  }
0x4b5: {  	[tilespmem:s12], [sflag:$0x1] =	stream.indirect_vreg.gather [hbm4b:s1+s3], $0x80, v4, vm0, $0xb8;
	[tilespmem:$0x19800] =	vst v63  }
0x4b6: {  	s12 =	simm.s32 $0x3800  }
0x4b7: {  	[tilespmem:s12], [sflag:$0x1] =	stream.indirect_vreg.gather [hbm4b:s22+s3], $0x80, v4, vm0, $0xb8;
	[tilespmem:$0x19800] =	vst v63  }
0x4b8: {  	s12 =	simm.s32 $0x4000  }
0x4b9: {  	[tilespmem:s12], [sflag:$0x1] =	stream.indirect_vreg.gather [hbm4b:s23+s3], $0x80, v4, vm0, $0xb8;
	[tilespmem:$0x19800] =	vst v63  }
0x4ba: {  	v4 =	vld [tilespmem:$0x1310];
	_ =	sdelay $0x4  }
0x4bb: {  	v5 =	vshrl.u32 v4, $0x3  }
0x4bc: {  	v5 =	vmul.u32 $0x30, v5  }
0x4bd: {  	v4 =	vand.u32 $0x7, v4  }
0x4be: {  	v4 =	vor.u32 v4, v5  }
0x4bf: {  	v5 =	vperm.xlane v4, v1;
	_ =	sdelay $0x1  }
0x4c0: {  	v5 =	vadd.s32 v2, v5;
	_ =	sdelay $0x3  }
0x4c1: {  	s12 =	simm.s32 $0x4800;
	v4 =	vperm.xlane v4, v3  }
0x4c2: {  	[tilespmem:s12], [sflag:$0x1] =	stream.indirect_vreg.gather [hbm4b:s1+s3], $0x80, v5, vm0, $0xb8;
	[tilespmem:$0x19800] =	vst v63  }
0x4c3: {  	v4 =	vadd.s32 v2, v4;
	s12 =	simm.s32 $0x5000  }
0x4c4: {  	[tilespmem:s12], [sflag:$0x1] =	stream.indirect_vreg.gather [hbm4b:s22+s3], $0x80, v5, vm0, $0xb8;
	[tilespmem:$0x19800] =	vst v63  }
0x4c5: {  	s12 =	simm.s32 $0x5800  }
0x4c6: {  	[tilespmem:s12], [sflag:$0x1] =	stream.indirect_vreg.gather [hbm4b:s23+s3], $0x80, v5, vm0, $0xb8;
	[tilespmem:$0x19800] =	vst v63  }
0x4c7: {  	s12 =	simm.s32 $0x6000  }
0x4c8: {  	[tilespmem:s12], [sflag:$0x1] =	stream.indirect_vreg.gather [hbm4b:s1+s3], $0x80, v4, vm0, $0xb8;
	[tilespmem:$0x19800] =	vst v63  }
0x4c9: {  	s12 =	simm.s32 $0x6800  }
0x4ca: {  	[tilespmem:s12], [sflag:$0x1] =	stream.indirect_vreg.gather [hbm4b:s22+s3], $0x80, v4, vm0, $0xb8;
	[tilespmem:$0x19800] =	vst v63  }
0x4cb: {  	s12 =	simm.s32 $0x7000  }
0x4cc: {  	[tilespmem:s12], [sflag:$0x1] =	stream.indirect_vreg.gather [hbm4b:s23+s3], $0x80, v4, vm0, $0xb8;
	[tilespmem:$0x19800] =	vst v63  }
0x4cd: {  	_ =	swait.ge [sflag:s24], $0x6000  }
0x4ce: {  	[sflag:s24] =	ssyncset.done $0x0  }
0x4cf: {  	s12 =	rddreg [dreg:$0x7];
	[sflag:s24] =	ssyncadd.s32 $0xFFFFA000  }
0x4d0: {  	[hbm4b:s12+s3] =	stream.linear.scatter [tilespmem:s6], [sflag:$0x8], $0x6000, $0x38;
	[tilespmem:$0x19800] =	vst v63  }
0x4d1: {  	_ =	swait.ge [sflag:s25], $0x6000  }
0x4d2: {  	[sflag:s25] =	ssyncset.done $0x0  }
0x4d3: {  	[sflag:s25] =	ssyncadd.s32 $0xFFFFA000  }
0x4d4: {  	v4 =	vld [tilespmem:$0x1320];
	_ =	sdelay $0x4  }
0x4d5: {  	v5 =	vshrl.u32 v4, $0x3  }
0x4d6: {  	v5 =	vmul.u32 $0x30, v5  }
0x4d7: {  	v4 =	vand.u32 $0x7, v4  }
0x4d8: {  	v4 =	vor.u32 v4, v5  }
0x4d9: {  	v5 =	vperm.xlane v4, v1;
	_ =	sdelay $0x1  }
0x4da: {  	v5 =	vadd.s32 v2, v5;
	_ =	sdelay $0x3  }
0x4db: {  	v4 =	vperm.xlane v4, v3  }
0x4dc: {  	[tilespmem:s4], [sflag:$0x2] =	stream.indirect_vreg.gather [hbm4b:s1+s3], $0x80, v5, vm0, $0xb8;
	[tilespmem:$0x19800] =	vst v63  }
0x4dd: {  	s12 =	simm.s32 $0x8000;
	v4 =	vadd.s32 v2, v4  }
0x4de: {  	[tilespmem:s12], [sflag:$0x2] =	stream.indirect_vreg.gather [hbm4b:s22+s3], $0x80, v5, vm0, $0xb8;
	[tilespmem:$0x19800] =	vst v63  }
0x4df: {  	s12 =	simm.s32 $0x8800  }
0x4e0: {  	[tilespmem:s12], [sflag:$0x2] =	stream.indirect_vreg.gather [hbm4b:s23+s3], $0x80, v5, vm0, $0xb8;
	[tilespmem:$0x19800] =	vst v63  }
0x4e1: {  	s12 =	simm.s32 $0x9000  }
0x4e2: {  	[tilespmem:s12], [sflag:$0x2] =	stream.indirect_vreg.gather [hbm4b:s1+s3], $0x80, v4, vm0, $0xb8;
	[tilespmem:$0x19800] =	vst v63  }
0x4e3: {  	s12 =	simm.s32 $0x9800  }
0x4e4: {  	[tilespmem:s12], [sflag:$0x2] =	stream.indirect_vreg.gather [hbm4b:s22+s3], $0x80, v4, vm0, $0xb8;
	[tilespmem:$0x19800] =	vst v63  }
0x4e5: {  	s12 =	simm.s32 $0xA000  }
0x4e6: {  	[tilespmem:s12], [sflag:$0x2] =	stream.indirect_vreg.gather [hbm4b:s23+s3], $0x80, v4, vm0, $0xb8;
	[tilespmem:$0x19800] =	vst v63  }
0x4e7: {  	v4 =	vld [tilespmem:$0x1330];
	_ =	sdelay $0x4  }
0x4e8: {  	v5 =	vshrl.u32 v4, $0x3  }
0x4e9: {  	v5 =	vmul.u32 $0x30, v5  }
0x4ea: {  	v4 =	vand.u32 $0x7, v4  }
0x4eb: {  	v4 =	vor.u32 v4, v5  }
0x4ec: {  	v5 =	vperm.xlane v4, v1;
	_ =	sdelay $0x1  }
0x4ed: {  	v5 =	vadd.s32 v2, v5;
	_ =	sdelay $0x3  }
0x4ee: {  	s12 =	simm.s32 $0xA800;
	v4 =	vperm.xlane v4, v3  }
0x4ef: {  	[tilespmem:s12], [sflag:$0x2] =	stream.indirect_vreg.gather [hbm4b:s1+s3], $0x80, v5, vm0, $0xb8;
	[tilespmem:$0x19800] =	vst v63  }
0x4f0: {  	v4 =	vadd.s32 v2, v4;
	s12 =	simm.s32 $0xB000  }
0x4f1: {  	[tilespmem:s12], [sflag:$0x2] =	stream.indirect_vreg.gather [hbm4b:s22+s3], $0x80, v5, vm0, $0xb8;
	[tilespmem:$0x19800] =	vst v63  }
0x4f2: {  	s12 =	simm.s32 $0xB800  }
0x4f3: {  	[tilespmem:s12], [sflag:$0x2] =	stream.indirect_vreg.gather [hbm4b:s23+s3], $0x80, v5, vm0, $0xb8;
	[tilespmem:$0x19800] =	vst v63  }
0x4f4: {  	s12 =	simm.s32 $0xC000  }
0x4f5: {  	[tilespmem:s12], [sflag:$0x2] =	stream.indirect_vreg.gather [hbm4b:s1+s3], $0x80, v4, vm0, $0xb8;
	[tilespmem:$0x19800] =	vst v63  }
0x4f6: {  	s12 =	simm.s32 $0xC800  }
0x4f7: {  	[tilespmem:s12], [sflag:$0x2] =	stream.indirect_vreg.gather [hbm4b:s22+s3], $0x80, v4, vm0, $0xb8;
	[tilespmem:$0x19800] =	vst v63  }
0x4f8: {  	s12 =	simm.s32 $0xD000  }
0x4f9: {  	[tilespmem:s12], [sflag:$0x2] =	stream.indirect_vreg.gather [hbm4b:s23+s3], $0x80, v4, vm0, $0xb8;
	[tilespmem:$0x19800] =	vst v63  }
0x4fa: {  	_ =	swait.ge [sflag:s21], $0x6000  }
0x4fb: {  	[sflag:s21] =	ssyncset.done $0x0  }
0x4fc: {  	s12 =	rddreg [dreg:$0x8];
	[sflag:s21] =	ssyncadd.s32 $0xFFFFA000  }
0x4fd: {  	[hbm4b:s12+s3] =	stream.linear.scatter [tilespmem:s18], [sflag:$0x5], $0x6000, $0x38;
	[tilespmem:$0x19800] =	vst v63  }
0x4fe: {  	_ =	swait.ge [sflag:s26], $0x6000  }
0x4ff: {  	[sflag:s26] =	ssyncset.done $0x0  }
0x500: {  	[sflag:s26] =	ssyncadd.s32 $0xFFFFA000  }
0x501: {  	v4 =	vld [tilespmem:$0x1340];
	_ =	sdelay $0x4  }
0x502: {  	v5 =	vshrl.u32 v4, $0x3  }
0x503: {  	v5 =	vmul.u32 $0x30, v5  }
0x504: {  	v4 =	vand.u32 $0x7, v4  }
0x505: {  	v4 =	vor.u32 v4, v5  }
0x506: {  	v5 =	vperm.xlane v4, v1;
	_ =	sdelay $0x1  }
0x507: {  	v5 =	vadd.s32 v2, v5;
	_ =	sdelay $0x3  }
0x508: {  	v4 =	vperm.xlane v4, v3  }
0x509: {  	[tilespmem:s17], [sflag:$0x3] =	stream.indirect_vreg.gather [hbm4b:s1+s3], $0x80, v5, vm0, $0xb8;
	[tilespmem:$0x19800] =	vst v63  }
0x50a: {  	s12 =	simm.s32 $0xE000;
	v4 =	vadd.s32 v2, v4  }
0x50b: {  	[tilespmem:s12], [sflag:$0x3] =	stream.indirect_vreg.gather [hbm4b:s22+s3], $0x80, v5, vm0, $0xb8;
	[tilespmem:$0x19800] =	vst v63  }
0x50c: {  	s11 =	simm.s32 $0xE800  }
0x50d: {  	[tilespmem:s11], [sflag:$0x3] =	stream.indirect_vreg.gather [hbm4b:s23+s3], $0x80, v5, vm0, $0xb8;
	[tilespmem:$0x19800] =	vst v63  }
0x50e: {  	s13 =	simm.s32 $0xF000  }
0x50f: {  	[tilespmem:s13], [sflag:$0x3] =	stream.indirect_vreg.gather [hbm4b:s1+s3], $0x80, v4, vm0, $0xb8;
	[tilespmem:$0x19800] =	vst v63  }
0x510: {  	s16 =	simm.s32 $0xF800  }
0x511: {  	[tilespmem:s16], [sflag:$0x3] =	stream.indirect_vreg.gather [hbm4b:s22+s3], $0x80, v4, vm0, $0xb8;
	[tilespmem:$0x19800] =	vst v63  }
0x512: {  	s13 =	simm.s32 $0x10000  }
0x513: {  	[tilespmem:s13], [sflag:$0x3] =	stream.indirect_vreg.gather [hbm4b:s23+s3], $0x80, v4, vm0, $0xb8;
	[tilespmem:$0x19800] =	vst v63  }
0x514: {  	v4 =	vld [tilespmem:$0x1350];
	_ =	sdelay $0x4  }
0x515: {  	v5 =	vshrl.u32 v4, $0x3  }
0x516: {  	v5 =	vmul.u32 $0x30, v5  }
0x517: {  	v4 =	vand.u32 $0x7, v4  }
0x518: {  	v4 =	vor.u32 v4, v5  }
0x519: {  	v5 =	vperm.xlane v4, v1;
	_ =	sdelay $0x1  }
0x51a: {  	v5 =	vadd.s32 v2, v5;
	_ =	sdelay $0x3  }
0x51b: {  	s16 =	simm.s32 $0x10800;
	v4 =	vperm.xlane v4, v3  }
0x51c: {  	[tilespmem:s16], [sflag:$0x3] =	stream.indirect_vreg.gather [hbm4b:s1+s3], $0x80, v5, vm0, $0xb8;
	[tilespmem:$0x19800] =	vst v63  }
0x51d: {  	s13 =	simm.s32 $0x11000;
	v4 =	vadd.s32 v2, v4  }
0x51e: {  	[tilespmem:s13], [sflag:$0x3] =	stream.indirect_vreg.gather [hbm4b:s22+s3], $0x80, v5, vm0, $0xb8;
	[tilespmem:$0x19800] =	vst v63  }
0x51f: {  	s16 =	simm.s32 $0x11800  }
0x520: {  	[tilespmem:s16], [sflag:$0x3] =	stream.indirect_vreg.gather [hbm4b:s23+s3], $0x80, v5, vm0, $0xb8;
	[tilespmem:$0x19800] =	vst v63  }
0x521: {  	s13 =	simm.s32 $0x12000  }
0x522: {  	[tilespmem:s13], [sflag:$0x3] =	stream.indirect_vreg.gather [hbm4b:s1+s3], $0x80, v4, vm0, $0xb8;
	[tilespmem:$0x19800] =	vst v63  }
0x523: {  	s16 =	simm.s32 $0x12800  }
0x524: {  	[tilespmem:s16], [sflag:$0x3] =	stream.indirect_vreg.gather [hbm4b:s22+s3], $0x80, v4, vm0, $0xb8;
	[tilespmem:$0x19800] =	vst v63  }
0x525: {  	s13 =	simm.s32 $0x13000  }
0x526: {  	[tilespmem:s13], [sflag:$0x3] =	stream.indirect_vreg.gather [hbm4b:s23+s3], $0x80, v4, vm0, $0xb8;
	[tilespmem:$0x19800] =	vst v63  }
0x527: {  	_ =	swait.ge [sflag:s0], $0x6000  }
0x528: {  	[sflag:s0] =	ssyncset.done $0x0  }
0x529: {  	s16 =	rddreg [dreg:$0x9];
	[sflag:s0] =	ssyncadd.s32 $0xFFFFA000  }
0x52a: {  	[hbm4b:s16+s3] =	stream.linear.scatter [tilespmem:s4], [sflag:$0x6], $0x6000, $0x38;
	[tilespmem:$0x19800] =	vst v63  }
0x52b: {  	_ =	swait.ge [sflag:s28], $0x6000  }
0x52c: {  	[sflag:s28] =	ssyncset.done $0x0  }
0x52d: {  	[sflag:s28] =	ssyncadd.s32 $0xFFFFA000  }
0x52e: {  	v4 =	vld [tilespmem:$0x1360];
	_ =	sdelay $0x4  }
0x52f: {  	v5 =	vshrl.u32 v4, $0x3  }
0x530: {  	v5 =	vmul.u32 $0x30, v5  }
0x531: {  	v4 =	vand.u32 $0x7, v4  }
0x532: {  	v4 =	vor.u32 v4, v5  }
0x533: {  	v5 =	vperm.xlane v4, v1;
	_ =	sdelay $0x1  }
0x534: {  	v5 =	vadd.s32 v2, v5;
	_ =	sdelay $0x3  }
0x535: {  	v4 =	vperm.xlane v4, v3  }
0x536: {  	[tilespmem:s6], [sflag:$0x4] =	stream.indirect_vreg.gather [hbm4b:s1+s3], $0x80, v5, vm0, $0xb8;
	[tilespmem:$0x19800] =	vst v63  }
0x537: {  	s29 =	simm.s32 $0x14000;
	v4 =	vadd.s32 v2, v4  }
0x538: {  	[tilespmem:s29], [sflag:$0x4] =	stream.indirect_vreg.gather [hbm4b:s22+s3], $0x80, v5, vm0, $0xb8;
	[tilespmem:$0x19800] =	vst v63  }
0x539: {  	s13 =	simm.s32 $0x14800  }
0x53a: {  	[tilespmem:s13], [sflag:$0x4] =	stream.indirect_vreg.gather [hbm4b:s23+s3], $0x80, v5, vm0, $0xb8;
	[tilespmem:$0x19800] =	vst v63  }
0x53b: {  	s8 =	simm.s32 $0x15000  }
0x53c: {  	[tilespmem:s8], [sflag:$0x4] =	stream.indirect_vreg.gather [hbm4b:s1+s3], $0x80, v4, vm0, $0xb8;
	[tilespmem:$0x19800] =	vst v63  }
0x53d: {  	s14 =	simm.s32 $0x15800  }
0x53e: {  	[tilespmem:s14], [sflag:$0x4] =	stream.indirect_vreg.gather [hbm4b:s22+s3], $0x80, v4, vm0, $0xb8;
	[tilespmem:$0x19800] =	vst v63  }
0x53f: {  	s31 =	simm.s32 $0x16000  }
0x540: {  	[tilespmem:s31], [sflag:$0x4] =	stream.indirect_vreg.gather [hbm4b:s23+s3], $0x80, v4, vm0, $0xb8;
	[tilespmem:$0x19800] =	vst v63  }
0x541: {  	v4 =	vld [tilespmem:$0x1370];
	_ =	sdelay $0x4  }
0x542: {  	v5 =	vshrl.u32 v4, $0x3  }
0x543: {  	v5 =	vmul.u32 $0x30, v5  }
0x544: {  	v4 =	vand.u32 $0x7, v4  }
0x545: {  	v4 =	vor.u32 v4, v5  }
0x546: {  	v5 =	vperm.xlane v4, v1;
	_ =	sdelay $0x1  }
0x547: {  	v5 =	vadd.s32 v2, v5;
	_ =	sdelay $0x3  }
0x548: {  	s5 =	simm.s32 $0x16800;
	v4 =	vperm.xlane v4, v3  }
0x549: {  	[tilespmem:s5], [sflag:$0x4] =	stream.indirect_vreg.gather [hbm4b:s1+s3], $0x80, v5, vm0, $0xb8;
	[tilespmem:$0x19800] =	vst v63  }
0x54a: {  	s15 =	simm.s32 $0x17000;
	v4 =	vadd.s32 v2, v4  }
0x54b: {  	[tilespmem:s15], [sflag:$0x4] =	stream.indirect_vreg.gather [hbm4b:s22+s3], $0x80, v5, vm0, $0xb8;
	[tilespmem:$0x19800] =	vst v63  }
0x54c: {  	s30 =	simm.s32 $0x17800  }
0x54d: {  	[tilespmem:s30], [sflag:$0x4] =	stream.indirect_vreg.gather [hbm4b:s23+s3], $0x80, v5, vm0, $0xb8;
	[tilespmem:$0x19800] =	vst v63  }
0x54e: {  	s10 =	simm.s32 $0x18000  }
0x54f: {  	[tilespmem:s10], [sflag:$0x4] =	stream.indirect_vreg.gather [hbm4b:s1+s3], $0x80, v4, vm0, $0xb8;
	[tilespmem:$0x19800] =	vst v63  }
0x550: {  	s9 =	simm.s32 $0x18800  }
0x551: {  	[tilespmem:s9], [sflag:$0x4] =	stream.indirect_vreg.gather [hbm4b:s22+s3], $0x80, v4, vm0, $0xb8;
	[tilespmem:$0x19800] =	vst v63  }
0x552: {  	s7 =	simm.s32 $0x19000  }
0x553: {  	[tilespmem:s7], [sflag:$0x4] =	stream.indirect_vreg.gather [hbm4b:s23+s3], $0x80, v4, vm0, $0xb8;
	[tilespmem:$0x19800] =	vst v63  }
0x554: {  	_ =	swait.ge [sflag:s19], $0x6000  }
0x555: {  	[sflag:s19] =	ssyncset.done $0x0  }
0x556: {  	s15 =	rddreg [dreg:$0xa];
	[sflag:s19] =	ssyncadd.s32 $0xFFFFA000  }
0x557: {  	[hbm4b:s15+s3] =	stream.linear.scatter [tilespmem:s17], [sflag:$0x7], $0x6000, $0x38;
	[tilespmem:$0x19800] =	vst v63  }
0x558: {  	_ =	swait.ge [sflag:s20], $0x6000  }
0x559: {  	[sflag:s20] =	ssyncset.done $0x0  }
0x55a: {  	[sflag:s20] =	ssyncadd.s32 $0xFFFFA000  }
0x55b: {  	v4 =	vld [tilespmem:$0x1380];
	_ =	sdelay $0x4  }
0x55c: {  	v5 =	vshrl.u32 v4, $0x3  }
0x55d: {  	v5 =	vmul.u32 $0x30, v5  }
0x55e: {  	v4 =	vand.u32 $0x7, v4  }
0x55f: {  	v4 =	vor.u32 v4, v5  }
0x560: {  	v5 =	vperm.xlane v4, v1;
	_ =	sdelay $0x1  }
0x561: {  	v5 =	vadd.s32 v2, v5;
	_ =	sdelay $0x3  }
0x562: {  	v4 =	vperm.xlane v4, v3  }
0x563: {  	[tilespmem:s18], [sflag:$0x1] =	stream.indirect_vreg.gather [hbm4b:s1+s3], $0x80, v5, vm0, $0xb8;
	[tilespmem:$0x19800] =	vst v63  }
0x564: {  	s30 =	simm.s32 $0x2000;
	v4 =	vadd.s32 v2, v4  }
0x565: {  	[tilespmem:s30], [sflag:$0x1] =	stream.indirect_vreg.gather [hbm4b:s22+s3], $0x80, v5, vm0, $0xb8;
	[tilespmem:$0x19800] =	vst v63  }
0x566: {  	s15 =	simm.s32 $0x2800  }
0x567: {  	[tilespmem:s15], [sflag:$0x1] =	stream.indirect_vreg.gather [hbm4b:s23+s3], $0x80, v5, vm0, $0xb8;
	[tilespmem:$0x19800] =	vst v63  }
0x568: {  	s30 =	simm.s32 $0x3000  }
0x569: {  	[tilespmem:s30], [sflag:$0x1] =	stream.indirect_vreg.gather [hbm4b:s1+s3], $0x80, v4, vm0, $0xb8;
	[tilespmem:$0x19800] =	vst v63  }
0x56a: {  	s15 =	simm.s32 $0x3800  }
0x56b: {  	[tilespmem:s15], [sflag:$0x1] =	stream.indirect_vreg.gather [hbm4b:s22+s3], $0x80, v4, vm0, $0xb8;
	[tilespmem:$0x19800] =	vst v63  }
0x56c: {  	s30 =	simm.s32 $0x4000  }
0x56d: {  	[tilespmem:s30], [sflag:$0x1] =	stream.indirect_vreg.gather [hbm4b:s23+s3], $0x80, v4, vm0, $0xb8;
	[tilespmem:$0x19800] =	vst v63  }
0x56e: {  	v4 =	vld [tilespmem:$0x1390];
	_ =	sdelay $0x4  }
0x56f: {  	v5 =	vshrl.u32 v4, $0x3  }
0x570: {  	v5 =	vmul.u32 $0x30, v5  }
0x571: {  	v4 =	vand.u32 $0x7, v4  }
0x572: {  	v4 =	vor.u32 v4, v5  }
0x573: {  	v5 =	vperm.xlane v4, v1;
	_ =	sdelay $0x1  }
0x574: {  	v5 =	vadd.s32 v2, v5;
	_ =	sdelay $0x3  }
0x575: {  	s15 =	simm.s32 $0x4800;
	v4 =	vperm.xlane v4, v3  }
0x576: {  	[tilespmem:s15], [sflag:$0x1] =	stream.indirect_vreg.gather [hbm4b:s1+s3], $0x80, v5, vm0, $0xb8;
	[tilespmem:$0x19800] =	vst v63  }
0x577: {  	s30 =	simm.s32 $0x5000;
	v4 =	vadd.s32 v2, v4  }
0x578: {  	[tilespmem:s30], [sflag:$0x1] =	stream.indirect_vreg.gather [hbm4b:s22+s3], $0x80, v5, vm0, $0xb8;
	[tilespmem:$0x19800] =	vst v63  }
0x579: {  	s15 =	simm.s32 $0x5800  }
0x57a: {  	[tilespmem:s15], [sflag:$0x1] =	stream.indirect_vreg.gather [hbm4b:s23+s3], $0x80, v5, vm0, $0xb8;
	[tilespmem:$0x19800] =	vst v63  }
0x57b: {  	s30 =	simm.s32 $0x6000  }
0x57c: {  	[tilespmem:s30], [sflag:$0x1] =	stream.indirect_vreg.gather [hbm4b:s1+s3], $0x80, v4, vm0, $0xb8;
	[tilespmem:$0x19800] =	vst v63  }
0x57d: {  	s15 =	simm.s32 $0x6800  }
0x57e: {  	[tilespmem:s15], [sflag:$0x1] =	stream.indirect_vreg.gather [hbm4b:s22+s3], $0x80, v4, vm0, $0xb8;
	[tilespmem:$0x19800] =	vst v63  }
0x57f: {  	s30 =	simm.s32 $0x7000  }
0x580: {  	[tilespmem:s30], [sflag:$0x1] =	stream.indirect_vreg.gather [hbm4b:s23+s3], $0x80, v4, vm0, $0xb8;
	[tilespmem:$0x19800] =	vst v63  }
0x581: {  	_ =	swait.ge [sflag:s24], $0x6000  }
0x582: {  	[sflag:s24] =	ssyncset.done $0x0  }
0x583: {  	s15 =	rddreg [dreg:$0xb];
	[sflag:s24] =	ssyncadd.s32 $0xFFFFA000  }
0x584: {  	[hbm4b:s15+s3] =	stream.linear.scatter [tilespmem:s6], [sflag:$0x8], $0x6000, $0x38;
	[tilespmem:$0x19800] =	vst v63  }
0x585: {  	_ =	swait.ge [sflag:s25], $0x6000  }
0x586: {  	[sflag:s25] =	ssyncset.done $0x0  }
0x587: {  	[sflag:s25] =	ssyncadd.s32 $0xFFFFA000  }
0x588: {  	v4 =	vld [tilespmem:$0x13A0];
	_ =	sdelay $0x4  }
0x589: {  	v5 =	vshrl.u32 v4, $0x3  }
0x58a: {  	v5 =	vmul.u32 $0x30, v5  }
0x58b: {  	v4 =	vand.u32 $0x7, v4  }
0x58c: {  	v4 =	vor.u32 v4, v5  }
0x58d: {  	v5 =	vperm.xlane v4, v1;
	_ =	sdelay $0x1  }
0x58e: {  	v5 =	vadd.s32 v2, v5;
	_ =	sdelay $0x3  }
0x58f: {  	v4 =	vperm.xlane v4, v3  }
0x590: {  	[tilespmem:s4], [sflag:$0x2] =	stream.indirect_vreg.gather [hbm4b:s1+s3], $0x80, v5, vm0, $0xb8;
	[tilespmem:$0x19800] =	vst v63  }
0x591: {  	s30 =	simm.s32 $0x8000;
	v4 =	vadd.s32 v2, v4  }
0x592: {  	[tilespmem:s30], [sflag:$0x2] =	stream.indirect_vreg.gather [hbm4b:s22+s3], $0x80, v5, vm0, $0xb8;
	[tilespmem:$0x19800] =	vst v63  }
0x593: {  	s15 =	simm.s32 $0x8800  }
0x594: {  	[tilespmem:s15], [sflag:$0x2] =	stream.indirect_vreg.gather [hbm4b:s23+s3], $0x80, v5, vm0, $0xb8;
	[tilespmem:$0x19800] =	vst v63  }
0x595: {  	s30 =	simm.s32 $0x9000  }
0x596: {  	[tilespmem:s30], [sflag:$0x2] =	stream.indirect_vreg.gather [hbm4b:s1+s3], $0x80, v4, vm0, $0xb8;
	[tilespmem:$0x19800] =	vst v63  }
0x597: {  	s15 =	simm.s32 $0x9800  }
0x598: {  	[tilespmem:s15], [sflag:$0x2] =	stream.indirect_vreg.gather [hbm4b:s22+s3], $0x80, v4, vm0, $0xb8;
	[tilespmem:$0x19800] =	vst v63  }
0x599: {  	s30 =	simm.s32 $0xA000  }
0x59a: {  	[tilespmem:s30], [sflag:$0x2] =	stream.indirect_vreg.gather [hbm4b:s23+s3], $0x80, v4, vm0, $0xb8;
	[tilespmem:$0x19800] =	vst v63  }
0x59b: {  	v4 =	vld [tilespmem:$0x13B0];
	_ =	sdelay $0x4  }
0x59c: {  	v5 =	vshrl.u32 v4, $0x3  }
0x59d: {  	v5 =	vmul.u32 $0x30, v5  }
0x59e: {  	v4 =	vand.u32 $0x7, v4  }
0x59f: {  	v4 =	vor.u32 v4, v5  }
0x5a0: {  	v5 =	vperm.xlane v4, v1;
	_ =	sdelay $0x1  }
0x5a1: {  	v5 =	vadd.s32 v2, v5;
	_ =	sdelay $0x3  }
0x5a2: {  	s15 =	simm.s32 $0xA800;
	v4 =	vperm.xlane v4, v3  }
0x5a3: {  	[tilespmem:s15], [sflag:$0x2] =	stream.indirect_vreg.gather [hbm4b:s1+s3], $0x80, v5, vm0, $0xb8;
	[tilespmem:$0x19800] =	vst v63  }
0x5a4: {  	s30 =	simm.s32 $0xB000;
	v4 =	vadd.s32 v2, v4  }
0x5a5: {  	[tilespmem:s30], [sflag:$0x2] =	stream.indirect_vreg.gather [hbm4b:s22+s3], $0x80, v5, vm0, $0xb8;
	[tilespmem:$0x19800] =	vst v63  }
0x5a6: {  	s15 =	simm.s32 $0xB800  }
0x5a7: {  	[tilespmem:s15], [sflag:$0x2] =	stream.indirect_vreg.gather [hbm4b:s23+s3], $0x80, v5, vm0, $0xb8;
	[tilespmem:$0x19800] =	vst v63  }
0x5a8: {  	s30 =	simm.s32 $0xC000  }
0x5a9: {  	[tilespmem:s30], [sflag:$0x2] =	stream.indirect_vreg.gather [hbm4b:s1+s3], $0x80, v4, vm0, $0xb8;
	[tilespmem:$0x19800] =	vst v63  }
0x5aa: {  	s15 =	simm.s32 $0xC800  }
0x5ab: {  	[tilespmem:s15], [sflag:$0x2] =	stream.indirect_vreg.gather [hbm4b:s22+s3], $0x80, v4, vm0, $0xb8;
	[tilespmem:$0x19800] =	vst v63  }
0x5ac: {  	s30 =	simm.s32 $0xD000  }
0x5ad: {  	[tilespmem:s30], [sflag:$0x2] =	stream.indirect_vreg.gather [hbm4b:s23+s3], $0x80, v4, vm0, $0xb8;
	[tilespmem:$0x19800] =	vst v63  }
0x5ae: {  	_ =	swait.ge [sflag:s21], $0x6000  }
0x5af: {  	[sflag:s21] =	ssyncset.done $0x0  }
0x5b0: {  	s15 =	rddreg [dreg:$0xc];
	[sflag:s21] =	ssyncadd.s32 $0xFFFFA000  }
0x5b1: {  	[hbm4b:s15+s3] =	stream.linear.scatter [tilespmem:s18], [sflag:$0x5], $0x6000, $0x38;
	[tilespmem:$0x19800] =	vst v63  }
0x5b2: {  	_ =	swait.ge [sflag:s26], $0x6000  }
0x5b3: {  	[sflag:s26] =	ssyncset.done $0x0  }
0x5b4: {  	[sflag:s26] =	ssyncadd.s32 $0xFFFFA000  }
0x5b5: {  	v4 =	vld [tilespmem:$0x13C0];
	_ =	sdelay $0x4  }
0x5b6: {  	v5 =	vshrl.u32 v4, $0x3  }
0x5b7: {  	v5 =	vmul.u32 $0x30, v5  }
0x5b8: {  	v4 =	vand.u32 $0x7, v4  }
0x5b9: {  	v4 =	vor.u32 v4, v5  }
0x5ba: {  	v5 =	vperm.xlane v4, v1;
	_ =	sdelay $0x1  }
0x5bb: {  	v5 =	vadd.s32 v2, v5;
	_ =	sdelay $0x3  }
0x5bc: {  	v4 =	vperm.xlane v4, v3  }
0x5bd: {  	[tilespmem:s17], [sflag:$0x3] =	stream.indirect_vreg.gather [hbm4b:s1+s3], $0x80, v5, vm0, $0xb8;
	[tilespmem:$0x19800] =	vst v63  }
0x5be: {  	s30 =	simm.s32 $0xE000;
	v4 =	vadd.s32 v2, v4  }
0x5bf: {  	[tilespmem:s30], [sflag:$0x3] =	stream.indirect_vreg.gather [hbm4b:s22+s3], $0x80, v5, vm0, $0xb8;
	[tilespmem:$0x19800] =	vst v63  }
0x5c0: {  	s15 =	simm.s32 $0xE800  }
0x5c1: {  	[tilespmem:s15], [sflag:$0x3] =	stream.indirect_vreg.gather [hbm4b:s23+s3], $0x80, v5, vm0, $0xb8;
	[tilespmem:$0x19800] =	vst v63  }
0x5c2: {  	s11 =	simm.s32 $0xF000  }
0x5c3: {  	[tilespmem:s11], [sflag:$0x3] =	stream.indirect_vreg.gather [hbm4b:s1+s3], $0x80, v4, vm0, $0xb8;
	[tilespmem:$0x19800] =	vst v63  }
0x5c4: {  	s12 =	simm.s32 $0xF800  }
0x5c5: {  	[tilespmem:s12], [sflag:$0x3] =	stream.indirect_vreg.gather [hbm4b:s22+s3], $0x80, v4, vm0, $0xb8;
	[tilespmem:$0x19800] =	vst v63  }
0x5c6: {  	s2 =	simm.s32 $0x10000  }
0x5c7: {  	[tilespmem:s2], [sflag:$0x3] =	stream.indirect_vreg.gather [hbm4b:s23+s3], $0x80, v4, vm0, $0xb8;
	[tilespmem:$0x19800] =	vst v63  }
0x5c8: {  	v4 =	vld [tilespmem:$0x13D0];
	_ =	sdelay $0x4  }
0x5c9: {  	v5 =	vshrl.u32 v4, $0x3  }
0x5ca: {  	v5 =	vmul.u32 $0x30, v5  }
0x5cb: {  	v4 =	vand.u32 $0x7, v4  }
0x5cc: {  	v4 =	vor.u32 v4, v5  }
0x5cd: {  	v5 =	vperm.xlane v4, v1;
	_ =	sdelay $0x1  }
0x5ce: {  	v5 =	vadd.s32 v2, v5;
	_ =	sdelay $0x3  }
0x5cf: {  	s2 =	simm.s32 $0x10800;
	v4 =	vperm.xlane v4, v3  }
0x5d0: {  	[tilespmem:s2], [sflag:$0x3] =	stream.indirect_vreg.gather [hbm4b:s1+s3], $0x80, v5, vm0, $0xb8;
	[tilespmem:$0x19800] =	vst v63  }
0x5d1: {  	v4 =	vadd.s32 v2, v4;
	s2 =	simm.s32 $0x11000  }
0x5d2: {  	[tilespmem:s2], [sflag:$0x3] =	stream.indirect_vreg.gather [hbm4b:s22+s3], $0x80, v5, vm0, $0xb8;
	[tilespmem:$0x19800] =	vst v63  }
0x5d3: {  	s2 =	simm.s32 $0x11800  }
0x5d4: {  	[tilespmem:s2], [sflag:$0x3] =	stream.indirect_vreg.gather [hbm4b:s23+s3], $0x80, v5, vm0, $0xb8;
	[tilespmem:$0x19800] =	vst v63  }
0x5d5: {  	s2 =	simm.s32 $0x12000  }
0x5d6: {  	[tilespmem:s2], [sflag:$0x3] =	stream.indirect_vreg.gather [hbm4b:s1+s3], $0x80, v4, vm0, $0xb8;
	[tilespmem:$0x19800] =	vst v63  }
0x5d7: {  	s2 =	simm.s32 $0x12800  }
0x5d8: {  	[tilespmem:s2], [sflag:$0x3] =	stream.indirect_vreg.gather [hbm4b:s22+s3], $0x80, v4, vm0, $0xb8;
	[tilespmem:$0x19800] =	vst v63  }
0x5d9: {  	s2 =	simm.s32 $0x13000  }
0x5da: {  	[tilespmem:s2], [sflag:$0x3] =	stream.indirect_vreg.gather [hbm4b:s23+s3], $0x80, v4, vm0, $0xb8;
	[tilespmem:$0x19800] =	vst v63  }
0x5db: {  	_ =	swait.ge [sflag:s0], $0x6000  }
0x5dc: {  	[sflag:s0] =	ssyncset.done $0x0  }
0x5dd: {  	s2 =	rddreg [dreg:$0xd];
	[sflag:s0] =	ssyncadd.s32 $0xFFFFA000  }
0x5de: {  	[hbm4b:s2+s3] =	stream.linear.scatter [tilespmem:s4], [sflag:$0x6], $0x6000, $0x38;
	[tilespmem:$0x19800] =	vst v63  }
0x5df: {  	_ =	swait.ge [sflag:s28], $0x6000  }
0x5e0: {  	[sflag:s28] =	ssyncset.done $0x0  }
0x5e1: {  	[sflag:s28] =	ssyncadd.s32 $0xFFFFA000  }
0x5e2: {  	v4 =	vld [tilespmem:$0x13E0];
	_ =	sdelay $0x4  }
0x5e3: {  	v5 =	vshrl.u32 v4, $0x3  }
0x5e4: {  	v5 =	vmul.u32 $0x30, v5  }
0x5e5: {  	v4 =	vand.u32 $0x7, v4  }
0x5e6: {  	v4 =	vor.u32 v4, v5  }
0x5e7: {  	v5 =	vperm.xlane v4, v1;
	_ =	sdelay $0x1  }
0x5e8: {  	v5 =	vadd.s32 v2, v5;
	_ =	sdelay $0x3  }
0x5e9: {  	v4 =	vperm.xlane v4, v3  }
0x5ea: {  	[tilespmem:s6], [sflag:$0x4] =	stream.indirect_vreg.gather [hbm4b:s1+s3], $0x80, v5, vm0, $0xb8;
	[tilespmem:$0x19800] =	vst v63  }
0x5eb: {  	s29 =	simm.s32 $0x14000;
	v4 =	vadd.s32 v2, v4  }
0x5ec: {  	[tilespmem:s29], [sflag:$0x4] =	stream.indirect_vreg.gather [hbm4b:s22+s3], $0x80, v5, vm0, $0xb8;
	[tilespmem:$0x19800] =	vst v63  }
0x5ed: {  	s29 =	simm.s32 $0x14800  }
0x5ee: {  	[tilespmem:s29], [sflag:$0x4] =	stream.indirect_vreg.gather [hbm4b:s23+s3], $0x80, v5, vm0, $0xb8;
	[tilespmem:$0x19800] =	vst v63  }
0x5ef: {  	s13 =	simm.s32 $0x15000  }
0x5f0: {  	[tilespmem:s13], [sflag:$0x4] =	stream.indirect_vreg.gather [hbm4b:s1+s3], $0x80, v4, vm0, $0xb8;
	[tilespmem:$0x19800] =	vst v63  }
0x5f1: {  	s8 =	simm.s32 $0x15800  }
0x5f2: {  	[tilespmem:s8], [sflag:$0x4] =	stream.indirect_vreg.gather [hbm4b:s22+s3], $0x80, v4, vm0, $0xb8;
	[tilespmem:$0x19800] =	vst v63  }
0x5f3: {  	s16 =	simm.s32 $0x16000  }
0x5f4: {  	[tilespmem:s16], [sflag:$0x4] =	stream.indirect_vreg.gather [hbm4b:s23+s3], $0x80, v4, vm0, $0xb8;
	[tilespmem:$0x19800] =	vst v63  }
0x5f5: {  	v4 =	vld [tilespmem:$0x13F0];
	_ =	sdelay $0x4  }
0x5f6: {  	v5 =	vshrl.u32 v4, $0x3  }
0x5f7: {  	v5 =	vmul.u32 $0x30, v5  }
0x5f8: {  	v4 =	vand.u32 $0x7, v4  }
0x5f9: {  	v4 =	vor.u32 v4, v5  }
0x5fa: {  	v5 =	vperm.xlane v4, v1;
	_ =	sdelay $0x1  }
0x5fb: {  	v5 =	vadd.s32 v2, v5;
	_ =	sdelay $0x3  }
0x5fc: {  	s14 =	simm.s32 $0x16800;
	v4 =	vperm.xlane v4, v3  }
0x5fd: {  	[tilespmem:s14], [sflag:$0x4] =	stream.indirect_vreg.gather [hbm4b:s1+s3], $0x80, v5, vm0, $0xb8;
	[tilespmem:$0x19800] =	vst v63  }
0x5fe: {  	s5 =	simm.s32 $0x17000;
	v4 =	vadd.s32 v2, v4  }
0x5ff: {  	[tilespmem:s5], [sflag:$0x4] =	stream.indirect_vreg.gather [hbm4b:s22+s3], $0x80, v5, vm0, $0xb8;
	[tilespmem:$0x19800] =	vst v63  }
0x600: {  	s31 =	simm.s32 $0x17800  }
0x601: {  	[tilespmem:s31], [sflag:$0x4] =	stream.indirect_vreg.gather [hbm4b:s23+s3], $0x80, v5, vm0, $0xb8;
	[tilespmem:$0x19800] =	vst v63  }
0x602: {  	s10 =	simm.s32 $0x18000  }
0x603: {  	[tilespmem:s10], [sflag:$0x4] =	stream.indirect_vreg.gather [hbm4b:s1+s3], $0x80, v4, vm0, $0xb8;
	[tilespmem:$0x19800] =	vst v63  }
0x604: {  	s9 =	simm.s32 $0x18800  }
0x605: {  	[tilespmem:s9], [sflag:$0x4] =	stream.indirect_vreg.gather [hbm4b:s22+s3], $0x80, v4, vm0, $0xb8;
	[tilespmem:$0x19800] =	vst v63  }
0x606: {  	s7 =	simm.s32 $0x19000  }
0x607: {  	[tilespmem:s7], [sflag:$0x4] =	stream.indirect_vreg.gather [hbm4b:s23+s3], $0x80, v4, vm0, $0xb8;
	[tilespmem:$0x19800] =	vst v63  }
0x608: {  	_ =	swait.ge [sflag:s19], $0x6000  }
0x609: {  	[sflag:s19] =	ssyncset.done $0x0  }
0x60a: {  	s31 =	rddreg [dreg:$0xe];
	[sflag:s19] =	ssyncadd.s32 $0xFFFFA000  }
0x60b: {  	[hbm4b:s31+s3] =	stream.linear.scatter [tilespmem:s17], [sflag:$0x7], $0x6000, $0x38;
	[tilespmem:$0x19800] =	vst v63  }
0x60c: {  	_ =	swait.ge [sflag:s20], $0x6000  }
0x60d: {  	[sflag:s20] =	ssyncset.done $0x0  }
0x60e: {  	[sflag:s20] =	ssyncadd.s32 $0xFFFFA000  }
0x60f: {  	v4 =	vld [tilespmem:$0x1400];
	_ =	sdelay $0x4  }
0x610: {  	v5 =	vshrl.u32 v4, $0x3  }
0x611: {  	v5 =	vmul.u32 $0x30, v5  }
0x612: {  	v4 =	vand.u32 $0x7, v4  }
0x613: {  	v4 =	vor.u32 v4, v5  }
0x614: {  	v5 =	vperm.xlane v4, v1;
	_ =	sdelay $0x1  }
0x615: {  	v5 =	vadd.s32 v2, v5;
	_ =	sdelay $0x3  }
0x616: {  	v4 =	vperm.xlane v4, v3  }
0x617: {  	[tilespmem:s18], [sflag:$0x1] =	stream.indirect_vreg.gather [hbm4b:s1+s3], $0x80, v5, vm0, $0xb8;
	[tilespmem:$0x19800] =	vst v63  }
0x618: {  	s31 =	simm.s32 $0x2000;
	v4 =	vadd.s32 v2, v4  }
0x619: {  	[tilespmem:s31], [sflag:$0x1] =	stream.indirect_vreg.gather [hbm4b:s22+s3], $0x80, v5, vm0, $0xb8;
	[tilespmem:$0x19800] =	vst v63  }
0x61a: {  	s31 =	simm.s32 $0x2800  }
0x61b: {  	[tilespmem:s31], [sflag:$0x1] =	stream.indirect_vreg.gather [hbm4b:s23+s3], $0x80, v5, vm0, $0xb8;
	[tilespmem:$0x19800] =	vst v63  }
0x61c: {  	s31 =	simm.s32 $0x3000  }
0x61d: {  	[tilespmem:s31], [sflag:$0x1] =	stream.indirect_vreg.gather [hbm4b:s1+s3], $0x80, v4, vm0, $0xb8;
	[tilespmem:$0x19800] =	vst v63  }
0x61e: {  	s31 =	simm.s32 $0x3800  }
0x61f: {  	[tilespmem:s31], [sflag:$0x1] =	stream.indirect_vreg.gather [hbm4b:s22+s3], $0x80, v4, vm0, $0xb8;
	[tilespmem:$0x19800] =	vst v63  }
0x620: {  	s31 =	simm.s32 $0x4000  }
0x621: {  	[tilespmem:s31], [sflag:$0x1] =	stream.indirect_vreg.gather [hbm4b:s23+s3], $0x80, v4, vm0, $0xb8;
	[tilespmem:$0x19800] =	vst v63  }
0x622: {  	v4 =	vld [tilespmem:$0x1410];
	_ =	sdelay $0x4  }
0x623: {  	v5 =	vshrl.u32 v4, $0x3  }
0x624: {  	v5 =	vmul.u32 $0x30, v5  }
0x625: {  	v4 =	vand.u32 $0x7, v4  }
0x626: {  	v4 =	vor.u32 v4, v5  }
0x627: {  	v5 =	vperm.xlane v4, v1;
	_ =	sdelay $0x1  }
0x628: {  	v5 =	vadd.s32 v2, v5;
	_ =	sdelay $0x3  }
0x629: {  	s31 =	simm.s32 $0x4800;
	v4 =	vperm.xlane v4, v3  }
0x62a: {  	[tilespmem:s31], [sflag:$0x1] =	stream.indirect_vreg.gather [hbm4b:s1+s3], $0x80, v5, vm0, $0xb8;
	[tilespmem:$0x19800] =	vst v63  }
0x62b: {  	v4 =	vadd.s32 v2, v4;
	s31 =	simm.s32 $0x5000  }
0x62c: {  	[tilespmem:s31], [sflag:$0x1] =	stream.indirect_vreg.gather [hbm4b:s22+s3], $0x80, v5, vm0, $0xb8;
	[tilespmem:$0x19800] =	vst v63  }
0x62d: {  	s31 =	simm.s32 $0x5800  }
0x62e: {  	[tilespmem:s31], [sflag:$0x1] =	stream.indirect_vreg.gather [hbm4b:s23+s3], $0x80, v5, vm0, $0xb8;
	[tilespmem:$0x19800] =	vst v63  }
0x62f: {  	s31 =	simm.s32 $0x6000  }
0x630: {  	[tilespmem:s31], [sflag:$0x1] =	stream.indirect_vreg.gather [hbm4b:s1+s3], $0x80, v4, vm0, $0xb8;
	[tilespmem:$0x19800] =	vst v63  }
0x631: {  	s31 =	simm.s32 $0x6800  }
0x632: {  	[tilespmem:s31], [sflag:$0x1] =	stream.indirect_vreg.gather [hbm4b:s22+s3], $0x80, v4, vm0, $0xb8;
	[tilespmem:$0x19800] =	vst v63  }
0x633: {  	s31 =	simm.s32 $0x7000  }
0x634: {  	[tilespmem:s31], [sflag:$0x1] =	stream.indirect_vreg.gather [hbm4b:s23+s3], $0x80, v4, vm0, $0xb8;
	[tilespmem:$0x19800] =	vst v63  }
0x635: {  	_ =	swait.ge [sflag:s24], $0x6000  }
0x636: {  	[sflag:s24] =	ssyncset.done $0x0  }
0x637: {  	s31 =	rddreg [dreg:$0xf];
	[sflag:s24] =	ssyncadd.s32 $0xFFFFA000  }
0x638: {  	[hbm4b:s31+s3] =	stream.linear.scatter [tilespmem:s6], [sflag:$0x8], $0x6000, $0x38;
	[tilespmem:$0x19800] =	vst v63  }
0x639: {  	_ =	swait.ge [sflag:s25], $0x6000  }
0x63a: {  	[sflag:s25] =	ssyncset.done $0x0  }
0x63b: {  	[sflag:s25] =	ssyncadd.s32 $0xFFFFA000  }
0x63c: {  	v4 =	vld [tilespmem:$0x1420];
	_ =	sdelay $0x4  }
0x63d: {  	v5 =	vshrl.u32 v4, $0x3  }
0x63e: {  	v5 =	vmul.u32 $0x30, v5  }
0x63f: {  	v4 =	vand.u32 $0x7, v4  }
0x640: {  	v4 =	vor.u32 v4, v5  }
0x641: {  	v5 =	vperm.xlane v4, v1;
	_ =	sdelay $0x1  }
0x642: {  	v5 =	vadd.s32 v2, v5;
	_ =	sdelay $0x3  }
0x643: {  	v4 =	vperm.xlane v4, v3  }
0x644: {  	[tilespmem:s4], [sflag:$0x2] =	stream.indirect_vreg.gather [hbm4b:s1+s3], $0x80, v5, vm0, $0xb8;
	[tilespmem:$0x19800] =	vst v63  }
0x645: {  	s31 =	simm.s32 $0x8000;
	v4 =	vadd.s32 v2, v4  }
0x646: {  	[tilespmem:s31], [sflag:$0x2] =	stream.indirect_vreg.gather [hbm4b:s22+s3], $0x80, v5, vm0, $0xb8;
	[tilespmem:$0x19800] =	vst v63  }
0x647: {  	s31 =	simm.s32 $0x8800  }
0x648: {  	[tilespmem:s31], [sflag:$0x2] =	stream.indirect_vreg.gather [hbm4b:s23+s3], $0x80, v5, vm0, $0xb8;
	[tilespmem:$0x19800] =	vst v63  }
0x649: {  	s31 =	simm.s32 $0x9000  }
0x64a: {  	[tilespmem:s31], [sflag:$0x2] =	stream.indirect_vreg.gather [hbm4b:s1+s3], $0x80, v4, vm0, $0xb8;
	[tilespmem:$0x19800] =	vst v63  }
0x64b: {  	s31 =	simm.s32 $0x9800  }
0x64c: {  	[tilespmem:s31], [sflag:$0x2] =	stream.indirect_vreg.gather [hbm4b:s22+s3], $0x80, v4, vm0, $0xb8;
	[tilespmem:$0x19800] =	vst v63  }
0x64d: {  	s31 =	simm.s32 $0xA000  }
0x64e: {  	[tilespmem:s31], [sflag:$0x2] =	stream.indirect_vreg.gather [hbm4b:s23+s3], $0x80, v4, vm0, $0xb8;
	[tilespmem:$0x19800] =	vst v63  }
0x64f: {  	v4 =	vld [tilespmem:$0x1430];
	_ =	sdelay $0x4  }
0x650: {  	v5 =	vshrl.u32 v4, $0x3  }
0x651: {  	v5 =	vmul.u32 $0x30, v5  }
0x652: {  	v4 =	vand.u32 $0x7, v4  }
0x653: {  	v4 =	vor.u32 v4, v5  }
0x654: {  	v5 =	vperm.xlane v4, v1;
	_ =	sdelay $0x1  }
0x655: {  	v5 =	vadd.s32 v2, v5;
	_ =	sdelay $0x3  }
0x656: {  	s31 =	simm.s32 $0xA800;
	v4 =	vperm.xlane v4, v3  }
0x657: {  	[tilespmem:s31], [sflag:$0x2] =	stream.indirect_vreg.gather [hbm4b:s1+s3], $0x80, v5, vm0, $0xb8;
	[tilespmem:$0x19800] =	vst v63  }
0x658: {  	v4 =	vadd.s32 v2, v4;
	s31 =	simm.s32 $0xB000  }
0x659: {  	[tilespmem:s31], [sflag:$0x2] =	stream.indirect_vreg.gather [hbm4b:s22+s3], $0x80, v5, vm0, $0xb8;
	[tilespmem:$0x19800] =	vst v63  }
0x65a: {  	s31 =	simm.s32 $0xB800  }
0x65b: {  	[tilespmem:s31], [sflag:$0x2] =	stream.indirect_vreg.gather [hbm4b:s23+s3], $0x80, v5, vm0, $0xb8;
	[tilespmem:$0x19800] =	vst v63  }
0x65c: {  	s31 =	simm.s32 $0xC000  }
0x65d: {  	[tilespmem:s31], [sflag:$0x2] =	stream.indirect_vreg.gather [hbm4b:s1+s3], $0x80, v4, vm0, $0xb8;
	[tilespmem:$0x19800] =	vst v63  }
0x65e: {  	s31 =	simm.s32 $0xC800  }
0x65f: {  	[tilespmem:s31], [sflag:$0x2] =	stream.indirect_vreg.gather [hbm4b:s22+s3], $0x80, v4, vm0, $0xb8;
	[tilespmem:$0x19800] =	vst v63  }
0x660: {  	s31 =	simm.s32 $0xD000  }
0x661: {  	[tilespmem:s31], [sflag:$0x2] =	stream.indirect_vreg.gather [hbm4b:s23+s3], $0x80, v4, vm0, $0xb8;
	[tilespmem:$0x19800] =	vst v63  }
0x662: {  	_ =	swait.ge [sflag:s21], $0x6000  }
0x663: {  	[sflag:s21] =	ssyncset.done $0x0  }
0x664: {  	s31 =	rddreg [dreg:$0x10];
	[sflag:s21] =	ssyncadd.s32 $0xFFFFA000  }
0x665: {  	[hbm4b:s31+s3] =	stream.linear.scatter [tilespmem:s18], [sflag:$0x5], $0x6000, $0x38;
	[tilespmem:$0x19800] =	vst v63  }
0x666: {  	_ =	swait.ge [sflag:s26], $0x6000  }
0x667: {  	[sflag:s26] =	ssyncset.done $0x0  }
0x668: {  	[sflag:s26] =	ssyncadd.s32 $0xFFFFA000  }
0x669: {  	v4 =	vld [tilespmem:$0x1440];
	_ =	sdelay $0x4  }
0x66a: {  	v5 =	vshrl.u32 v4, $0x3  }
0x66b: {  	v5 =	vmul.u32 $0x30, v5  }
0x66c: {  	v4 =	vand.u32 $0x7, v4  }
0x66d: {  	v4 =	vor.u32 v4, v5  }
0x66e: {  	v5 =	vperm.xlane v4, v1;
	_ =	sdelay $0x1  }
0x66f: {  	v5 =	vadd.s32 v2, v5;
	_ =	sdelay $0x3  }
0x670: {  	v4 =	vperm.xlane v4, v3  }
0x671: {  	[tilespmem:s17], [sflag:$0x3] =	stream.indirect_vreg.gather [hbm4b:s1+s3], $0x80, v5, vm0, $0xb8;
	[tilespmem:$0x19800] =	vst v63  }
0x672: {  	s30 =	simm.s32 $0xE000;
	v4 =	vadd.s32 v2, v4  }
0x673: {  	[tilespmem:s30], [sflag:$0x3] =	stream.indirect_vreg.gather [hbm4b:s22+s3], $0x80, v5, vm0, $0xb8;
	[tilespmem:$0x19800] =	vst v63  }
0x674: {  	s15 =	simm.s32 $0xE800  }
0x675: {  	[tilespmem:s15], [sflag:$0x3] =	stream.indirect_vreg.gather [hbm4b:s23+s3], $0x80, v5, vm0, $0xb8;
	[tilespmem:$0x19800] =	vst v63  }
0x676: {  	s11 =	simm.s32 $0xF000  }
0x677: {  	[tilespmem:s11], [sflag:$0x3] =	stream.indirect_vreg.gather [hbm4b:s1+s3], $0x80, v4, vm0, $0xb8;
	[tilespmem:$0x19800] =	vst v63  }
0x678: {  	s12 =	simm.s32 $0xF800  }
0x679: {  	[tilespmem:s12], [sflag:$0x3] =	stream.indirect_vreg.gather [hbm4b:s22+s3], $0x80, v4, vm0, $0xb8;
	[tilespmem:$0x19800] =	vst v63  }
0x67a: {  	s15 =	simm.s32 $0x10000  }
0x67b: {  	[tilespmem:s15], [sflag:$0x3] =	stream.indirect_vreg.gather [hbm4b:s23+s3], $0x80, v4, vm0, $0xb8;
	[tilespmem:$0x19800] =	vst v63  }
0x67c: {  	v4 =	vld [tilespmem:$0x1450];
	_ =	sdelay $0x4  }
0x67d: {  	v5 =	vshrl.u32 v4, $0x3  }
0x67e: {  	v5 =	vmul.u32 $0x30, v5  }
0x67f: {  	v4 =	vand.u32 $0x7, v4  }
0x680: {  	v4 =	vor.u32 v4, v5  }
0x681: {  	v5 =	vperm.xlane v4, v1;
	_ =	sdelay $0x1  }
0x682: {  	v5 =	vadd.s32 v2, v5;
	_ =	sdelay $0x3  }
0x683: {  	s15 =	simm.s32 $0x10800;
	v4 =	vperm.xlane v4, v3  }
0x684: {  	[tilespmem:s15], [sflag:$0x3] =	stream.indirect_vreg.gather [hbm4b:s1+s3], $0x80, v5, vm0, $0xb8;
	[tilespmem:$0x19800] =	vst v63  }
0x685: {  	v4 =	vadd.s32 v2, v4;
	s15 =	simm.s32 $0x11000  }
0x686: {  	[tilespmem:s15], [sflag:$0x3] =	stream.indirect_vreg.gather [hbm4b:s22+s3], $0x80, v5, vm0, $0xb8;
	[tilespmem:$0x19800] =	vst v63  }
0x687: {  	s15 =	simm.s32 $0x11800  }
0x688: {  	[tilespmem:s15], [sflag:$0x3] =	stream.indirect_vreg.gather [hbm4b:s23+s3], $0x80, v5, vm0, $0xb8;
	[tilespmem:$0x19800] =	vst v63  }
0x689: {  	s15 =	simm.s32 $0x12000  }
0x68a: {  	[tilespmem:s15], [sflag:$0x3] =	stream.indirect_vreg.gather [hbm4b:s1+s3], $0x80, v4, vm0, $0xb8;
	[tilespmem:$0x19800] =	vst v63  }
0x68b: {  	s15 =	simm.s32 $0x12800  }
0x68c: {  	[tilespmem:s15], [sflag:$0x3] =	stream.indirect_vreg.gather [hbm4b:s22+s3], $0x80, v4, vm0, $0xb8;
	[tilespmem:$0x19800] =	vst v63  }
0x68d: {  	s15 =	simm.s32 $0x13000  }
0x68e: {  	[tilespmem:s15], [sflag:$0x3] =	stream.indirect_vreg.gather [hbm4b:s23+s3], $0x80, v4, vm0, $0xb8;
	[tilespmem:$0x19800] =	vst v63  }
0x68f: {  	_ =	swait.ge [sflag:s0], $0x6000  }
0x690: {  	[sflag:s0] =	ssyncset.done $0x0  }
0x691: {  	s15 =	rddreg [dreg:$0x11];
	[sflag:s0] =	ssyncadd.s32 $0xFFFFA000  }
0x692: {  	[hbm4b:s15+s3] =	stream.linear.scatter [tilespmem:s4], [sflag:$0x6], $0x6000, $0x38;
	[tilespmem:$0x19800] =	vst v63  }
0x693: {  	_ =	swait.ge [sflag:s28], $0x6000  }
0x694: {  	[sflag:s28] =	ssyncset.done $0x0  }
0x695: {  	[sflag:s28] =	ssyncadd.s32 $0xFFFFA000  }
0x696: {  	v4 =	vld [tilespmem:$0x1460];
	_ =	sdelay $0x4  }
0x697: {  	v5 =	vshrl.u32 v4, $0x3  }
0x698: {  	v5 =	vmul.u32 $0x30, v5  }
0x699: {  	v4 =	vand.u32 $0x7, v4  }
0x69a: {  	v4 =	vor.u32 v4, v5  }
0x69b: {  	v5 =	vperm.xlane v4, v1;
	_ =	sdelay $0x1  }
0x69c: {  	v5 =	vadd.s32 v2, v5;
	_ =	sdelay $0x3  }
0x69d: {  	v4 =	vperm.xlane v4, v3  }
0x69e: {  	[tilespmem:s6], [sflag:$0x4] =	stream.indirect_vreg.gather [hbm4b:s1+s3], $0x80, v5, vm0, $0xb8;
	[tilespmem:$0x19800] =	vst v63  }
0x69f: {  	s15 =	simm.s32 $0x14000;
	v4 =	vadd.s32 v2, v4  }
0x6a0: {  	[tilespmem:s15], [sflag:$0x4] =	stream.indirect_vreg.gather [hbm4b:s22+s3], $0x80, v5, vm0, $0xb8;
	[tilespmem:$0x19800] =	vst v63  }
0x6a1: {  	s15 =	simm.s32 $0x14800  }
0x6a2: {  	[tilespmem:s15], [sflag:$0x4] =	stream.indirect_vreg.gather [hbm4b:s23+s3], $0x80, v5, vm0, $0xb8;
	[tilespmem:$0x19800] =	vst v63  }
0x6a3: {  	s29 =	simm.s32 $0x15000  }
0x6a4: {  	[tilespmem:s29], [sflag:$0x4] =	stream.indirect_vreg.gather [hbm4b:s1+s3], $0x80, v4, vm0, $0xb8;
	[tilespmem:$0x19800] =	vst v63  }
0x6a5: {  	s8 =	simm.s32 $0x15800  }
0x6a6: {  	[tilespmem:s8], [sflag:$0x4] =	stream.indirect_vreg.gather [hbm4b:s22+s3], $0x80, v4, vm0, $0xb8;
	[tilespmem:$0x19800] =	vst v63  }
0x6a7: {  	s16 =	simm.s32 $0x16000  }
0x6a8: {  	[tilespmem:s16], [sflag:$0x4] =	stream.indirect_vreg.gather [hbm4b:s23+s3], $0x80, v4, vm0, $0xb8;
	[tilespmem:$0x19800] =	vst v63  }
0x6a9: {  	v4 =	vld [tilespmem:$0x1470];
	_ =	sdelay $0x4  }
0x6aa: {  	v5 =	vshrl.u32 v4, $0x3  }
0x6ab: {  	v5 =	vmul.u32 $0x30, v5  }
0x6ac: {  	v4 =	vand.u32 $0x7, v4  }
0x6ad: {  	v4 =	vor.u32 v4, v5  }
0x6ae: {  	v5 =	vperm.xlane v4, v1;
	_ =	sdelay $0x1  }
0x6af: {  	v5 =	vadd.s32 v2, v5;
	_ =	sdelay $0x3  }
0x6b0: {  	s13 =	simm.s32 $0x16800;
	v4 =	vperm.xlane v4, v3  }
0x6b1: {  	[tilespmem:s13], [sflag:$0x4] =	stream.indirect_vreg.gather [hbm4b:s1+s3], $0x80, v5, vm0, $0xb8;
	[tilespmem:$0x19800] =	vst v63  }
0x6b2: {  	s5 =	simm.s32 $0x17000;
	v4 =	vadd.s32 v2, v4  }
0x6b3: {  	[tilespmem:s5], [sflag:$0x4] =	stream.indirect_vreg.gather [hbm4b:s22+s3], $0x80, v5, vm0, $0xb8;
	[tilespmem:$0x19800] =	vst v63  }
0x6b4: {  	s14 =	simm.s32 $0x17800  }
0x6b5: {  	[tilespmem:s14], [sflag:$0x4] =	stream.indirect_vreg.gather [hbm4b:s23+s3], $0x80, v5, vm0, $0xb8;
	[tilespmem:$0x19800] =	vst v63  }
0x6b6: {  	s10 =	simm.s32 $0x18000  }
0x6b7: {  	[tilespmem:s10], [sflag:$0x4] =	stream.indirect_vreg.gather [hbm4b:s1+s3], $0x80, v4, vm0, $0xb8;
	[tilespmem:$0x19800] =	vst v63  }
0x6b8: {  	s9 =	simm.s32 $0x18800  }
0x6b9: {  	[tilespmem:s9], [sflag:$0x4] =	stream.indirect_vreg.gather [hbm4b:s22+s3], $0x80, v4, vm0, $0xb8;
	[tilespmem:$0x19800] =	vst v63  }
0x6ba: {  	s7 =	simm.s32 $0x19000  }
0x6bb: {  	[tilespmem:s7], [sflag:$0x4] =	stream.indirect_vreg.gather [hbm4b:s23+s3], $0x80, v4, vm0, $0xb8;
	[tilespmem:$0x19800] =	vst v63  }
0x6bc: {  	_ =	swait.ge [sflag:s19], $0x6000  }
0x6bd: {  	[sflag:s19] =	ssyncset.done $0x0  }
0x6be: {  	s29 =	rddreg [dreg:$0x12];
	[sflag:s19] =	ssyncadd.s32 $0xFFFFA000  }
0x6bf: {  	[hbm4b:s29+s3] =	stream.linear.scatter [tilespmem:s17], [sflag:$0x7], $0x6000, $0x38;
	[tilespmem:$0x19800] =	vst v63  }
0x6c0: {  	_ =	swait.ge [sflag:s20], $0x6000  }
0x6c1: {  	[sflag:s20] =	ssyncset.done $0x0  }
0x6c2: {  	[sflag:s20] =	ssyncadd.s32 $0xFFFFA000  }
0x6c3: {  	v4 =	vld [tilespmem:$0x1480];
	_ =	sdelay $0x4  }
0x6c4: {  	v5 =	vshrl.u32 v4, $0x3  }
0x6c5: {  	v5 =	vmul.u32 $0x30, v5  }
0x6c6: {  	v4 =	vand.u32 $0x7, v4  }
0x6c7: {  	v4 =	vor.u32 v4, v5  }
0x6c8: {  	v5 =	vperm.xlane v4, v1;
	_ =	sdelay $0x1  }
0x6c9: {  	v5 =	vadd.s32 v2, v5;
	_ =	sdelay $0x3  }
0x6ca: {  	v4 =	vperm.xlane v4, v3  }
0x6cb: {  	[tilespmem:s18], [sflag:$0x1] =	stream.indirect_vreg.gather [hbm4b:s1+s3], $0x80, v5, vm0, $0xb8;
	[tilespmem:$0x19800] =	vst v63  }
0x6cc: {  	s29 =	simm.s32 $0x2000;
	v4 =	vadd.s32 v2, v4  }
0x6cd: {  	[tilespmem:s29], [sflag:$0x1] =	stream.indirect_vreg.gather [hbm4b:s22+s3], $0x80, v5, vm0, $0xb8;
	[tilespmem:$0x19800] =	vst v63  }
0x6ce: {  	s29 =	simm.s32 $0x2800  }
0x6cf: {  	[tilespmem:s29], [sflag:$0x1] =	stream.indirect_vreg.gather [hbm4b:s23+s3], $0x80, v5, vm0, $0xb8;
	[tilespmem:$0x19800] =	vst v63  }
0x6d0: {  	s29 =	simm.s32 $0x3000  }
0x6d1: {  	[tilespmem:s29], [sflag:$0x1] =	stream.indirect_vreg.gather [hbm4b:s1+s3], $0x80, v4, vm0, $0xb8;
	[tilespmem:$0x19800] =	vst v63  }
0x6d2: {  	s29 =	simm.s32 $0x3800  }
0x6d3: {  	[tilespmem:s29], [sflag:$0x1] =	stream.indirect_vreg.gather [hbm4b:s22+s3], $0x80, v4, vm0, $0xb8;
	[tilespmem:$0x19800] =	vst v63  }
0x6d4: {  	s29 =	simm.s32 $0x4000  }
0x6d5: {  	[tilespmem:s29], [sflag:$0x1] =	stream.indirect_vreg.gather [hbm4b:s23+s3], $0x80, v4, vm0, $0xb8;
	[tilespmem:$0x19800] =	vst v63  }
0x6d6: {  	v4 =	vld [tilespmem:$0x1490];
	_ =	sdelay $0x4  }
0x6d7: {  	v5 =	vshrl.u32 v4, $0x3  }
0x6d8: {  	v5 =	vmul.u32 $0x30, v5  }
0x6d9: {  	v4 =	vand.u32 $0x7, v4  }
0x6da: {  	v4 =	vor.u32 v4, v5  }
0x6db: {  	v5 =	vperm.xlane v4, v1;
	_ =	sdelay $0x1  }
0x6dc: {  	v5 =	vadd.s32 v2, v5;
	_ =	sdelay $0x3  }
0x6dd: {  	s29 =	simm.s32 $0x4800;
	v4 =	vperm.xlane v4, v3  }
0x6de: {  	[tilespmem:s29], [sflag:$0x1] =	stream.indirect_vreg.gather [hbm4b:s1+s3], $0x80, v5, vm0, $0xb8;
	[tilespmem:$0x19800] =	vst v63  }
0x6df: {  	v4 =	vadd.s32 v2, v4;
	s29 =	simm.s32 $0x5000  }
0x6e0: {  	[tilespmem:s29], [sflag:$0x1] =	stream.indirect_vreg.gather [hbm4b:s22+s3], $0x80, v5, vm0, $0xb8;
	[tilespmem:$0x19800] =	vst v63  }
0x6e1: {  	s29 =	simm.s32 $0x5800  }
0x6e2: {  	[tilespmem:s29], [sflag:$0x1] =	stream.indirect_vreg.gather [hbm4b:s23+s3], $0x80, v5, vm0, $0xb8;
	[tilespmem:$0x19800] =	vst v63  }
0x6e3: {  	s29 =	simm.s32 $0x6000  }
0x6e4: {  	[tilespmem:s29], [sflag:$0x1] =	stream.indirect_vreg.gather [hbm4b:s1+s3], $0x80, v4, vm0, $0xb8;
	[tilespmem:$0x19800] =	vst v63  }
0x6e5: {  	s29 =	simm.s32 $0x6800  }
0x6e6: {  	[tilespmem:s29], [sflag:$0x1] =	stream.indirect_vreg.gather [hbm4b:s22+s3], $0x80, v4, vm0, $0xb8;
	[tilespmem:$0x19800] =	vst v63  }
0x6e7: {  	s29 =	simm.s32 $0x7000  }
0x6e8: {  	[tilespmem:s29], [sflag:$0x1] =	stream.indirect_vreg.gather [hbm4b:s23+s3], $0x80, v4, vm0, $0xb8;
	[tilespmem:$0x19800] =	vst v63  }
0x6e9: {  	_ =	swait.ge [sflag:s24], $0x6000  }
0x6ea: {  	[sflag:s24] =	ssyncset.done $0x0  }
0x6eb: {  	s29 =	rddreg [dreg:$0x13];
	[sflag:s24] =	ssyncadd.s32 $0xFFFFA000  }
0x6ec: {  	[hbm4b:s29+s3] =	stream.linear.scatter [tilespmem:s6], [sflag:$0x8], $0x6000, $0x38;
	[tilespmem:$0x19800] =	vst v63  }
0x6ed: {  	_ =	swait.ge [sflag:s25], $0x6000  }
0x6ee: {  	[sflag:s25] =	ssyncset.done $0x0  }
0x6ef: {  	[sflag:s25] =	ssyncadd.s32 $0xFFFFA000  }
0x6f0: {  	v4 =	vld [tilespmem:$0x14A0];
	_ =	sdelay $0x4  }
0x6f1: {  	v5 =	vshrl.u32 v4, $0x3  }
0x6f2: {  	v5 =	vmul.u32 $0x30, v5  }
0x6f3: {  	v4 =	vand.u32 $0x7, v4  }
0x6f4: {  	v4 =	vor.u32 v4, v5  }
0x6f5: {  	v5 =	vperm.xlane v4, v1;
	_ =	sdelay $0x1  }
0x6f6: {  	v5 =	vadd.s32 v2, v5;
	_ =	sdelay $0x3  }
0x6f7: {  	v4 =	vperm.xlane v4, v3  }
0x6f8: {  	[tilespmem:s4], [sflag:$0x2] =	stream.indirect_vreg.gather [hbm4b:s1+s3], $0x80, v5, vm0, $0xb8;
	[tilespmem:$0x19800] =	vst v63  }
0x6f9: {  	s29 =	simm.s32 $0x8000;
	v4 =	vadd.s32 v2, v4  }
0x6fa: {  	[tilespmem:s29], [sflag:$0x2] =	stream.indirect_vreg.gather [hbm4b:s22+s3], $0x80, v5, vm0, $0xb8;
	[tilespmem:$0x19800] =	vst v63  }
0x6fb: {  	s29 =	simm.s32 $0x8800  }
0x6fc: {  	[tilespmem:s29], [sflag:$0x2] =	stream.indirect_vreg.gather [hbm4b:s23+s3], $0x80, v5, vm0, $0xb8;
	[tilespmem:$0x19800] =	vst v63  }
0x6fd: {  	s29 =	simm.s32 $0x9000  }
0x6fe: {  	[tilespmem:s29], [sflag:$0x2] =	stream.indirect_vreg.gather [hbm4b:s1+s3], $0x80, v4, vm0, $0xb8;
	[tilespmem:$0x19800] =	vst v63  }
0x6ff: {  	s29 =	simm.s32 $0x9800  }
0x700: {  	[tilespmem:s29], [sflag:$0x2] =	stream.indirect_vreg.gather [hbm4b:s22+s3], $0x80, v4, vm0, $0xb8;
	[tilespmem:$0x19800] =	vst v63  }
0x701: {  	s29 =	simm.s32 $0xA000  }
0x702: {  	[tilespmem:s29], [sflag:$0x2] =	stream.indirect_vreg.gather [hbm4b:s23+s3], $0x80, v4, vm0, $0xb8;
	[tilespmem:$0x19800] =	vst v63  }
0x703: {  	v4 =	vld [tilespmem:$0x14B0];
	_ =	sdelay $0x4  }
0x704: {  	v5 =	vshrl.u32 v4, $0x3  }
0x705: {  	v5 =	vmul.u32 $0x30, v5  }
0x706: {  	v4 =	vand.u32 $0x7, v4  }
0x707: {  	v4 =	vor.u32 v4, v5  }
0x708: {  	v5 =	vperm.xlane v4, v1;
	_ =	sdelay $0x1  }
0x709: {  	v5 =	vadd.s32 v2, v5;
	_ =	sdelay $0x3  }
0x70a: {  	s29 =	simm.s32 $0xA800;
	v4 =	vperm.xlane v4, v3  }
0x70b: {  	[tilespmem:s29], [sflag:$0x2] =	stream.indirect_vreg.gather [hbm4b:s1+s3], $0x80, v5, vm0, $0xb8;
	[tilespmem:$0x19800] =	vst v63  }
0x70c: {  	v4 =	vadd.s32 v2, v4;
	s29 =	simm.s32 $0xB000  }
0x70d: {  	[tilespmem:s29], [sflag:$0x2] =	stream.indirect_vreg.gather [hbm4b:s22+s3], $0x80, v5, vm0, $0xb8;
	[tilespmem:$0x19800] =	vst v63  }
0x70e: {  	s29 =	simm.s32 $0xB800  }
0x70f: {  	[tilespmem:s29], [sflag:$0x2] =	stream.indirect_vreg.gather [hbm4b:s23+s3], $0x80, v5, vm0, $0xb8;
	[tilespmem:$0x19800] =	vst v63  }
0x710: {  	s29 =	simm.s32 $0xC000  }
0x711: {  	[tilespmem:s29], [sflag:$0x2] =	stream.indirect_vreg.gather [hbm4b:s1+s3], $0x80, v4, vm0, $0xb8;
	[tilespmem:$0x19800] =	vst v63  }
0x712: {  	s29 =	simm.s32 $0xC800  }
0x713: {  	[tilespmem:s29], [sflag:$0x2] =	stream.indirect_vreg.gather [hbm4b:s22+s3], $0x80, v4, vm0, $0xb8;
	[tilespmem:$0x19800] =	vst v63  }
0x714: {  	s29 =	simm.s32 $0xD000  }
0x715: {  	[tilespmem:s29], [sflag:$0x2] =	stream.indirect_vreg.gather [hbm4b:s23+s3], $0x80, v4, vm0, $0xb8;
	[tilespmem:$0x19800] =	vst v63  }
0x716: {  	_ =	swait.ge [sflag:s21], $0x6000  }
0x717: {  	[sflag:s21] =	ssyncset.done $0x0  }
0x718: {  	s29 =	rddreg [dreg:$0x14];
	[sflag:s21] =	ssyncadd.s32 $0xFFFFA000  }
0x719: {  	[hbm4b:s29+s3] =	stream.linear.scatter [tilespmem:s18], [sflag:$0x5], $0x6000, $0x38;
	[tilespmem:$0x19800] =	vst v63  }
0x71a: {  	_ =	swait.ge [sflag:s26], $0x6000  }
0x71b: {  	[sflag:s26] =	ssyncset.done $0x0  }
0x71c: {  	[sflag:s26] =	ssyncadd.s32 $0xFFFFA000  }
0x71d: {  	v4 =	vld [tilespmem:$0x14C0];
	_ =	sdelay $0x4  }
0x71e: {  	v5 =	vshrl.u32 v4, $0x3  }
0x71f: {  	v5 =	vmul.u32 $0x30, v5  }
0x720: {  	v4 =	vand.u32 $0x7, v4  }
0x721: {  	v4 =	vor.u32 v4, v5  }
0x722: {  	v5 =	vperm.xlane v4, v1;
	_ =	sdelay $0x1  }
0x723: {  	v5 =	vadd.s32 v2, v5;
	_ =	sdelay $0x3  }
0x724: {  	v4 =	vperm.xlane v4, v3  }
0x725: {  	[tilespmem:s17], [sflag:$0x3] =	stream.indirect_vreg.gather [hbm4b:s1+s3], $0x80, v5, vm0, $0xb8;
	[tilespmem:$0x19800] =	vst v63  }
0x726: {  	s31 =	simm.s32 $0xE000;
	v4 =	vadd.s32 v2, v4  }
0x727: {  	[tilespmem:s31], [sflag:$0x3] =	stream.indirect_vreg.gather [hbm4b:s22+s3], $0x80, v5, vm0, $0xb8;
	[tilespmem:$0x19800] =	vst v63  }
0x728: {  	s30 =	simm.s32 $0xE800  }
0x729: {  	[tilespmem:s30], [sflag:$0x3] =	stream.indirect_vreg.gather [hbm4b:s23+s3], $0x80, v5, vm0, $0xb8;
	[tilespmem:$0x19800] =	vst v63  }
0x72a: {  	s11 =	simm.s32 $0xF000  }
0x72b: {  	[tilespmem:s11], [sflag:$0x3] =	stream.indirect_vreg.gather [hbm4b:s1+s3], $0x80, v4, vm0, $0xb8;
	[tilespmem:$0x19800] =	vst v63  }
0x72c: {  	s12 =	simm.s32 $0xF800  }
0x72d: {  	[tilespmem:s12], [sflag:$0x3] =	stream.indirect_vreg.gather [hbm4b:s22+s3], $0x80, v4, vm0, $0xb8;
	[tilespmem:$0x19800] =	vst v63  }
0x72e: {  	s31 =	simm.s32 $0x10000  }
0x72f: {  	[tilespmem:s31], [sflag:$0x3] =	stream.indirect_vreg.gather [hbm4b:s23+s3], $0x80, v4, vm0, $0xb8;
	[tilespmem:$0x19800] =	vst v63  }
0x730: {  	v4 =	vld [tilespmem:$0x14D0];
	_ =	sdelay $0x4  }
0x731: {  	v5 =	vshrl.u32 v4, $0x3  }
0x732: {  	v5 =	vmul.u32 $0x30, v5  }
0x733: {  	v4 =	vand.u32 $0x7, v4  }
0x734: {  	v4 =	vor.u32 v4, v5  }
0x735: {  	v5 =	vperm.xlane v4, v1;
	_ =	sdelay $0x1  }
0x736: {  	v5 =	vadd.s32 v2, v5;
	_ =	sdelay $0x3  }
0x737: {  	s12 =	simm.s32 $0x10800;
	v4 =	vperm.xlane v4, v3  }
0x738: {  	[tilespmem:s12], [sflag:$0x3] =	stream.indirect_vreg.gather [hbm4b:s1+s3], $0x80, v5, vm0, $0xb8;
	[tilespmem:$0x19800] =	vst v63  }
0x739: {  	s31 =	simm.s32 $0x11000;
	v4 =	vadd.s32 v2, v4  }
0x73a: {  	[tilespmem:s31], [sflag:$0x3] =	stream.indirect_vreg.gather [hbm4b:s22+s3], $0x80, v5, vm0, $0xb8;
	[tilespmem:$0x19800] =	vst v63  }
0x73b: {  	s12 =	simm.s32 $0x11800  }
0x73c: {  	[tilespmem:s12], [sflag:$0x3] =	stream.indirect_vreg.gather [hbm4b:s23+s3], $0x80, v5, vm0, $0xb8;
	[tilespmem:$0x19800] =	vst v63  }
0x73d: {  	s31 =	simm.s32 $0x12000  }
0x73e: {  	[tilespmem:s31], [sflag:$0x3] =	stream.indirect_vreg.gather [hbm4b:s1+s3], $0x80, v4, vm0, $0xb8;
	[tilespmem:$0x19800] =	vst v63  }
0x73f: {  	s12 =	simm.s32 $0x12800  }
0x740: {  	[tilespmem:s12], [sflag:$0x3] =	stream.indirect_vreg.gather [hbm4b:s22+s3], $0x80, v4, vm0, $0xb8;
	[tilespmem:$0x19800] =	vst v63  }
0x741: {  	s31 =	simm.s32 $0x13000  }
0x742: {  	[tilespmem:s31], [sflag:$0x3] =	stream.indirect_vreg.gather [hbm4b:s23+s3], $0x80, v4, vm0, $0xb8;
	[tilespmem:$0x19800] =	vst v63  }
0x743: {  	_ =	swait.ge [sflag:s0], $0x6000  }
0x744: {  	[sflag:s0] =	ssyncset.done $0x0  }
0x745: {  	s12 =	rddreg [dreg:$0x15];
	[sflag:s0] =	ssyncadd.s32 $0xFFFFA000  }
0x746: {  	[hbm4b:s12+s3] =	stream.linear.scatter [tilespmem:s4], [sflag:$0x6], $0x6000, $0x38;
	[tilespmem:$0x19800] =	vst v63  }
0x747: {  	_ =	swait.ge [sflag:s28], $0x6000  }
0x748: {  	[sflag:s28] =	ssyncset.done $0x0  }
0x749: {  	[sflag:s28] =	ssyncadd.s32 $0xFFFFA000  }
0x74a: {  	v4 =	vld [tilespmem:$0x14E0];
	_ =	sdelay $0x4  }
0x74b: {  	v5 =	vshrl.u32 v4, $0x3  }
0x74c: {  	v5 =	vmul.u32 $0x30, v5  }
0x74d: {  	v4 =	vand.u32 $0x7, v4  }
0x74e: {  	v4 =	vor.u32 v4, v5  }
0x74f: {  	v5 =	vperm.xlane v4, v1;
	_ =	sdelay $0x1  }
0x750: {  	v5 =	vadd.s32 v2, v5;
	_ =	sdelay $0x3  }
0x751: {  	v4 =	vperm.xlane v4, v3  }
0x752: {  	[tilespmem:s6], [sflag:$0x4] =	stream.indirect_vreg.gather [hbm4b:s1+s3], $0x80, v5, vm0, $0xb8;
	[tilespmem:$0x19800] =	vst v63  }
0x753: {  	s31 =	simm.s32 $0x14000;
	v4 =	vadd.s32 v2, v4  }
0x754: {  	[tilespmem:s31], [sflag:$0x4] =	stream.indirect_vreg.gather [hbm4b:s22+s3], $0x80, v5, vm0, $0xb8;
	[tilespmem:$0x19800] =	vst v63  }
0x755: {  	s12 =	simm.s32 $0x14800  }
0x756: {  	[tilespmem:s12], [sflag:$0x4] =	stream.indirect_vreg.gather [hbm4b:s23+s3], $0x80, v5, vm0, $0xb8;
	[tilespmem:$0x19800] =	vst v63  }
0x757: {  	s15 =	simm.s32 $0x15000  }
0x758: {  	[tilespmem:s15], [sflag:$0x4] =	stream.indirect_vreg.gather [hbm4b:s1+s3], $0x80, v4, vm0, $0xb8;
	[tilespmem:$0x19800] =	vst v63  }
0x759: {  	s8 =	simm.s32 $0x15800  }
0x75a: {  	[tilespmem:s8], [sflag:$0x4] =	stream.indirect_vreg.gather [hbm4b:s22+s3], $0x80, v4, vm0, $0xb8;
	[tilespmem:$0x19800] =	vst v63  }
0x75b: {  	s16 =	simm.s32 $0x16000  }
0x75c: {  	[tilespmem:s16], [sflag:$0x4] =	stream.indirect_vreg.gather [hbm4b:s23+s3], $0x80, v4, vm0, $0xb8;
	[tilespmem:$0x19800] =	vst v63  }
0x75d: {  	v4 =	vld [tilespmem:$0x14F0];
	_ =	sdelay $0x4  }
0x75e: {  	v5 =	vshrl.u32 v4, $0x3  }
0x75f: {  	v5 =	vmul.u32 $0x30, v5  }
0x760: {  	v4 =	vand.u32 $0x7, v4  }
0x761: {  	v4 =	vor.u32 v4, v5  }
0x762: {  	v5 =	vperm.xlane v4, v1;
	_ =	sdelay $0x1  }
0x763: {  	v5 =	vadd.s32 v2, v5;
	_ =	sdelay $0x3  }
0x764: {  	s13 =	simm.s32 $0x16800;
	v4 =	vperm.xlane v4, v3  }
0x765: {  	[tilespmem:s13], [sflag:$0x4] =	stream.indirect_vreg.gather [hbm4b:s1+s3], $0x80, v5, vm0, $0xb8;
	[tilespmem:$0x19800] =	vst v63  }
0x766: {  	s5 =	simm.s32 $0x17000;
	v4 =	vadd.s32 v2, v4  }
0x767: {  	[tilespmem:s5], [sflag:$0x4] =	stream.indirect_vreg.gather [hbm4b:s22+s3], $0x80, v5, vm0, $0xb8;
	[tilespmem:$0x19800] =	vst v63  }
0x768: {  	s14 =	simm.s32 $0x17800  }
0x769: {  	[tilespmem:s14], [sflag:$0x4] =	stream.indirect_vreg.gather [hbm4b:s23+s3], $0x80, v5, vm0, $0xb8;
	[tilespmem:$0x19800] =	vst v63  }
0x76a: {  	s10 =	simm.s32 $0x18000  }
0x76b: {  	[tilespmem:s10], [sflag:$0x4] =	stream.indirect_vreg.gather [hbm4b:s1+s3], $0x80, v4, vm0, $0xb8;
	[tilespmem:$0x19800] =	vst v63  }
0x76c: {  	s9 =	simm.s32 $0x18800  }
0x76d: {  	[tilespmem:s9], [sflag:$0x4] =	stream.indirect_vreg.gather [hbm4b:s22+s3], $0x80, v4, vm0, $0xb8;
	[tilespmem:$0x19800] =	vst v63  }
0x76e: {  	s7 =	simm.s32 $0x19000  }
0x76f: {  	[tilespmem:s7], [sflag:$0x4] =	stream.indirect_vreg.gather [hbm4b:s23+s3], $0x80, v4, vm0, $0xb8;
	[tilespmem:$0x19800] =	vst v63  }
0x770: {  	_ =	swait.ge [sflag:s19], $0x6000  }
0x771: {  	[sflag:s19] =	ssyncset.done $0x0  }
0x772: {  	s14 =	rddreg [dreg:$0x16];
	[sflag:s19] =	ssyncadd.s32 $0xFFFFA000  }
0x773: {  	[hbm4b:s14+s3] =	stream.linear.scatter [tilespmem:s17], [sflag:$0x7], $0x6000, $0x38;
	[tilespmem:$0x19800] =	vst v63  }
0x774: {  	_ =	swait.ge [sflag:s20], $0x6000  }
0x775: {  	[sflag:s20] =	ssyncset.done $0x0  }
0x776: {  	[sflag:s20] =	ssyncadd.s32 $0xFFFFA000  }
0x777: {  	v4 =	vld [tilespmem:$0x1500];
	_ =	sdelay $0x4  }
0x778: {  	v5 =	vshrl.u32 v4, $0x3  }
0x779: {  	v5 =	vmul.u32 $0x30, v5  }
0x77a: {  	v4 =	vand.u32 $0x7, v4  }
0x77b: {  	v4 =	vor.u32 v4, v5  }
0x77c: {  	v5 =	vperm.xlane v4, v1;
	_ =	sdelay $0x1  }
0x77d: {  	v5 =	vadd.s32 v2, v5;
	_ =	sdelay $0x3  }
0x77e: {  	v4 =	vperm.xlane v4, v3  }
0x77f: {  	[tilespmem:s18], [sflag:$0x1] =	stream.indirect_vreg.gather [hbm4b:s1+s3], $0x80, v5, vm0, $0xb8;
	[tilespmem:$0x19800] =	vst v63  }
0x780: {  	s10 =	simm.s32 $0x2000;
	v4 =	vadd.s32 v2, v4  }
0x781: {  	[tilespmem:s10], [sflag:$0x1] =	stream.indirect_vreg.gather [hbm4b:s22+s3], $0x80, v5, vm0, $0xb8;
	[tilespmem:$0x19800] =	vst v63  }
0x782: {  	s14 =	simm.s32 $0x2800  }
0x783: {  	[tilespmem:s14], [sflag:$0x1] =	stream.indirect_vreg.gather [hbm4b:s23+s3], $0x80, v5, vm0, $0xb8;
	[tilespmem:$0x19800] =	vst v63  }
0x784: {  	s10 =	simm.s32 $0x3000  }
0x785: {  	[tilespmem:s10], [sflag:$0x1] =	stream.indirect_vreg.gather [hbm4b:s1+s3], $0x80, v4, vm0, $0xb8;
	[tilespmem:$0x19800] =	vst v63  }
0x786: {  	s14 =	simm.s32 $0x3800  }
0x787: {  	[tilespmem:s14], [sflag:$0x1] =	stream.indirect_vreg.gather [hbm4b:s22+s3], $0x80, v4, vm0, $0xb8;
	[tilespmem:$0x19800] =	vst v63  }
0x788: {  	s10 =	simm.s32 $0x4000  }
0x789: {  	[tilespmem:s10], [sflag:$0x1] =	stream.indirect_vreg.gather [hbm4b:s23+s3], $0x80, v4, vm0, $0xb8;
	[tilespmem:$0x19800] =	vst v63  }
0x78a: {  	v4 =	vld [tilespmem:$0x1510];
	_ =	sdelay $0x4  }
0x78b: {  	v5 =	vshrl.u32 v4, $0x3  }
0x78c: {  	v5 =	vmul.u32 $0x30, v5  }
0x78d: {  	v4 =	vand.u32 $0x7, v4  }
0x78e: {  	v4 =	vor.u32 v4, v5  }
0x78f: {  	v5 =	vperm.xlane v4, v1;
	_ =	sdelay $0x1  }
0x790: {  	v5 =	vadd.s32 v2, v5;
	_ =	sdelay $0x3  }
0x791: {  	s14 =	simm.s32 $0x4800;
	v4 =	vperm.xlane v4, v3  }
0x792: {  	[tilespmem:s14], [sflag:$0x1] =	stream.indirect_vreg.gather [hbm4b:s1+s3], $0x80, v5, vm0, $0xb8;
	[tilespmem:$0x19800] =	vst v63  }
0x793: {  	s10 =	simm.s32 $0x5000;
	v4 =	vadd.s32 v2, v4  }
0x794: {  	[tilespmem:s10], [sflag:$0x1] =	stream.indirect_vreg.gather [hbm4b:s22+s3], $0x80, v5, vm0, $0xb8;
	[tilespmem:$0x19800] =	vst v63  }
0x795: {  	s14 =	simm.s32 $0x5800  }
0x796: {  	[tilespmem:s14], [sflag:$0x1] =	stream.indirect_vreg.gather [hbm4b:s23+s3], $0x80, v5, vm0, $0xb8;
	[tilespmem:$0x19800] =	vst v63  }
0x797: {  	s10 =	simm.s32 $0x6000  }
0x798: {  	[tilespmem:s10], [sflag:$0x1] =	stream.indirect_vreg.gather [hbm4b:s1+s3], $0x80, v4, vm0, $0xb8;
	[tilespmem:$0x19800] =	vst v63  }
0x799: {  	s14 =	simm.s32 $0x6800  }
0x79a: {  	[tilespmem:s14], [sflag:$0x1] =	stream.indirect_vreg.gather [hbm4b:s22+s3], $0x80, v4, vm0, $0xb8;
	[tilespmem:$0x19800] =	vst v63  }
0x79b: {  	s10 =	simm.s32 $0x7000  }
0x79c: {  	[tilespmem:s10], [sflag:$0x1] =	stream.indirect_vreg.gather [hbm4b:s23+s3], $0x80, v4, vm0, $0xb8;
	[tilespmem:$0x19800] =	vst v63  }
0x79d: {  	_ =	swait.ge [sflag:s24], $0x6000  }
0x79e: {  	[sflag:s24] =	ssyncset.done $0x0  }
0x79f: {  	s14 =	rddreg [dreg:$0x17];
	[sflag:s24] =	ssyncadd.s32 $0xFFFFA000  }
0x7a0: {  	[hbm4b:s14+s3] =	stream.linear.scatter [tilespmem:s6], [sflag:$0x8], $0x6000, $0x38;
	[tilespmem:$0x19800] =	vst v63  }
0x7a1: {  	_ =	swait.ge [sflag:s25], $0x6000  }
0x7a2: {  	[sflag:s25] =	ssyncset.done $0x0  }
0x7a3: {  	[sflag:s25] =	ssyncadd.s32 $0xFFFFA000  }
0x7a4: {  	v4 =	vld [tilespmem:$0x1520];
	_ =	sdelay $0x4  }
0x7a5: {  	v5 =	vshrl.u32 v4, $0x3  }
0x7a6: {  	v5 =	vmul.u32 $0x30, v5  }
0x7a7: {  	v4 =	vand.u32 $0x7, v4  }
0x7a8: {  	v4 =	vor.u32 v4, v5  }
0x7a9: {  	v5 =	vperm.xlane v4, v1;
	_ =	sdelay $0x1  }
0x7aa: {  	v5 =	vadd.s32 v2, v5;
	_ =	sdelay $0x3  }
0x7ab: {  	v4 =	vperm.xlane v4, v3  }
0x7ac: {  	[tilespmem:s4], [sflag:$0x2] =	stream.indirect_vreg.gather [hbm4b:s1+s3], $0x80, v5, vm0, $0xb8;
	[tilespmem:$0x19800] =	vst v63  }
0x7ad: {  	s10 =	simm.s32 $0x8000;
	v4 =	vadd.s32 v2, v4  }
0x7ae: {  	[tilespmem:s10], [sflag:$0x2] =	stream.indirect_vreg.gather [hbm4b:s22+s3], $0x80, v5, vm0, $0xb8;
	[tilespmem:$0x19800] =	vst v63  }
0x7af: {  	s14 =	simm.s32 $0x8800  }
0x7b0: {  	[tilespmem:s14], [sflag:$0x2] =	stream.indirect_vreg.gather [hbm4b:s23+s3], $0x80, v5, vm0, $0xb8;
	[tilespmem:$0x19800] =	vst v63  }
0x7b1: {  	s10 =	simm.s32 $0x9000  }
0x7b2: {  	[tilespmem:s10], [sflag:$0x2] =	stream.indirect_vreg.gather [hbm4b:s1+s3], $0x80, v4, vm0, $0xb8;
	[tilespmem:$0x19800] =	vst v63  }
0x7b3: {  	s14 =	simm.s32 $0x9800  }
0x7b4: {  	[tilespmem:s14], [sflag:$0x2] =	stream.indirect_vreg.gather [hbm4b:s22+s3], $0x80, v4, vm0, $0xb8;
	[tilespmem:$0x19800] =	vst v63  }
0x7b5: {  	s10 =	simm.s32 $0xA000  }
0x7b6: {  	[tilespmem:s10], [sflag:$0x2] =	stream.indirect_vreg.gather [hbm4b:s23+s3], $0x80, v4, vm0, $0xb8;
	[tilespmem:$0x19800] =	vst v63  }
0x7b7: {  	v4 =	vld [tilespmem:$0x1530];
	_ =	sdelay $0x4  }
0x7b8: {  	v5 =	vshrl.u32 v4, $0x3  }
0x7b9: {  	v5 =	vmul.u32 $0x30, v5  }
0x7ba: {  	v4 =	vand.u32 $0x7, v4  }
0x7bb: {  	v4 =	vor.u32 v4, v5  }
0x7bc: {  	v5 =	vperm.xlane v4, v1;
	_ =	sdelay $0x1  }
0x7bd: {  	v5 =	vadd.s32 v2, v5;
	_ =	sdelay $0x3  }
0x7be: {  	s14 =	simm.s32 $0xA800;
	v4 =	vperm.xlane v4, v3  }
0x7bf: {  	[tilespmem:s14], [sflag:$0x2] =	stream.indirect_vreg.gather [hbm4b:s1+s3], $0x80, v5, vm0, $0xb8;
	[tilespmem:$0x19800] =	vst v63  }
0x7c0: {  	s10 =	simm.s32 $0xB000;
	v4 =	vadd.s32 v2, v4  }
0x7c1: {  	[tilespmem:s10], [sflag:$0x2] =	stream.indirect_vreg.gather [hbm4b:s22+s3], $0x80, v5, vm0, $0xb8;
	[tilespmem:$0x19800] =	vst v63  }
0x7c2: {  	s14 =	simm.s32 $0xB800  }
0x7c3: {  	[tilespmem:s14], [sflag:$0x2] =	stream.indirect_vreg.gather [hbm4b:s23+s3], $0x80, v5, vm0, $0xb8;
	[tilespmem:$0x19800] =	vst v63  }
0x7c4: {  	s10 =	simm.s32 $0xC000  }
0x7c5: {  	[tilespmem:s10], [sflag:$0x2] =	stream.indirect_vreg.gather [hbm4b:s1+s3], $0x80, v4, vm0, $0xb8;
	[tilespmem:$0x19800] =	vst v63  }
0x7c6: {  	s14 =	simm.s32 $0xC800  }
0x7c7: {  	[tilespmem:s14], [sflag:$0x2] =	stream.indirect_vreg.gather [hbm4b:s22+s3], $0x80, v4, vm0, $0xb8;
	[tilespmem:$0x19800] =	vst v63  }
0x7c8: {  	s10 =	simm.s32 $0xD000  }
0x7c9: {  	[tilespmem:s10], [sflag:$0x2] =	stream.indirect_vreg.gather [hbm4b:s23+s3], $0x80, v4, vm0, $0xb8;
	[tilespmem:$0x19800] =	vst v63  }
0x7ca: {  	_ =	swait.ge [sflag:s21], $0x6000  }
0x7cb: {  	[sflag:s21] =	ssyncset.done $0x0  }
0x7cc: {  	s14 =	rddreg [dreg:$0x18];
	[sflag:s21] =	ssyncadd.s32 $0xFFFFA000  }
0x7cd: {  	[hbm4b:s14+s3] =	stream.linear.scatter [tilespmem:s18], [sflag:$0x5], $0x6000, $0x38;
	[tilespmem:$0x19800] =	vst v63  }
0x7ce: {  	_ =	swait.ge [sflag:s26], $0x6000  }
0x7cf: {  	[sflag:s26] =	ssyncset.done $0x0  }
0x7d0: {  	[sflag:s26] =	ssyncadd.s32 $0xFFFFA000  }
0x7d1: {  	v4 =	vld [tilespmem:$0x1540];
	_ =	sdelay $0x4  }
0x7d2: {  	v5 =	vshrl.u32 v4, $0x3  }
0x7d3: {  	v5 =	vmul.u32 $0x30, v5  }
0x7d4: {  	v4 =	vand.u32 $0x7, v4  }
0x7d5: {  	v4 =	vor.u32 v4, v5  }
0x7d6: {  	v5 =	vperm.xlane v4, v1;
	_ =	sdelay $0x1  }
0x7d7: {  	v5 =	vadd.s32 v2, v5;
	_ =	sdelay $0x3  }
0x7d8: {  	v4 =	vperm.xlane v4, v3  }
0x7d9: {  	[tilespmem:s17], [sflag:$0x3] =	stream.indirect_vreg.gather [hbm4b:s1+s3], $0x80, v5, vm0, $0xb8;
	[tilespmem:$0x19800] =	vst v63  }
0x7da: {  	s29 =	simm.s32 $0xE000;
	v4 =	vadd.s32 v2, v4  }
0x7db: {  	[tilespmem:s29], [sflag:$0x3] =	stream.indirect_vreg.gather [hbm4b:s22+s3], $0x80, v5, vm0, $0xb8;
	[tilespmem:$0x19800] =	vst v63  }
0x7dc: {  	s10 =	simm.s32 $0xE800  }
0x7dd: {  	[tilespmem:s10], [sflag:$0x3] =	stream.indirect_vreg.gather [hbm4b:s23+s3], $0x80, v5, vm0, $0xb8;
	[tilespmem:$0x19800] =	vst v63  }
0x7de: {  	s30 =	simm.s32 $0xF000  }
0x7df: {  	[tilespmem:s30], [sflag:$0x3] =	stream.indirect_vreg.gather [hbm4b:s1+s3], $0x80, v4, vm0, $0xb8;
	[tilespmem:$0x19800] =	vst v63  }
0x7e0: {  	s11 =	simm.s32 $0xF800  }
0x7e1: {  	[tilespmem:s11], [sflag:$0x3] =	stream.indirect_vreg.gather [hbm4b:s22+s3], $0x80, v4, vm0, $0xb8;
	[tilespmem:$0x19800] =	vst v63  }
0x7e2: {  	s11 =	simm.s32 $0x10000  }
0x7e3: {  	[tilespmem:s11], [sflag:$0x3] =	stream.indirect_vreg.gather [hbm4b:s23+s3], $0x80, v4, vm0, $0xb8;
	[tilespmem:$0x19800] =	vst v63  }
0x7e4: {  	v4 =	vld [tilespmem:$0x1550];
	_ =	sdelay $0x4  }
0x7e5: {  	v5 =	vshrl.u32 v4, $0x3  }
0x7e6: {  	v5 =	vmul.u32 $0x30, v5  }
0x7e7: {  	v4 =	vand.u32 $0x7, v4  }
0x7e8: {  	v4 =	vor.u32 v4, v5  }
0x7e9: {  	v5 =	vperm.xlane v4, v1;
	_ =	sdelay $0x1  }
0x7ea: {  	v5 =	vadd.s32 v2, v5;
	_ =	sdelay $0x3  }
0x7eb: {  	s11 =	simm.s32 $0x10800;
	v4 =	vperm.xlane v4, v3  }
0x7ec: {  	[tilespmem:s11], [sflag:$0x3] =	stream.indirect_vreg.gather [hbm4b:s1+s3], $0x80, v5, vm0, $0xb8;
	[tilespmem:$0x19800] =	vst v63  }
0x7ed: {  	v4 =	vadd.s32 v2, v4;
	s11 =	simm.s32 $0x11000  }
0x7ee: {  	[tilespmem:s11], [sflag:$0x3] =	stream.indirect_vreg.gather [hbm4b:s22+s3], $0x80, v5, vm0, $0xb8;
	[tilespmem:$0x19800] =	vst v63  }
0x7ef: {  	s11 =	simm.s32 $0x11800  }
0x7f0: {  	[tilespmem:s11], [sflag:$0x3] =	stream.indirect_vreg.gather [hbm4b:s23+s3], $0x80, v5, vm0, $0xb8;
	[tilespmem:$0x19800] =	vst v63  }
0x7f1: {  	s11 =	simm.s32 $0x12000  }
0x7f2: {  	[tilespmem:s11], [sflag:$0x3] =	stream.indirect_vreg.gather [hbm4b:s1+s3], $0x80, v4, vm0, $0xb8;
	[tilespmem:$0x19800] =	vst v63  }
0x7f3: {  	s11 =	simm.s32 $0x12800  }
0x7f4: {  	[tilespmem:s11], [sflag:$0x3] =	stream.indirect_vreg.gather [hbm4b:s22+s3], $0x80, v4, vm0, $0xb8;
	[tilespmem:$0x19800] =	vst v63  }
0x7f5: {  	s11 =	simm.s32 $0x13000  }
0x7f6: {  	[tilespmem:s11], [sflag:$0x3] =	stream.indirect_vreg.gather [hbm4b:s23+s3], $0x80, v4, vm0, $0xb8;
	[tilespmem:$0x19800] =	vst v63  }
0x7f7: {  	_ =	swait.ge [sflag:s0], $0x6000  }
0x7f8: {  	[sflag:s0] =	ssyncset.done $0x0  }
0x7f9: {  	s11 =	rddreg [dreg:$0x19];
	[sflag:s0] =	ssyncadd.s32 $0xFFFFA000  }
0x7fa: {  	[hbm4b:s11+s3] =	stream.linear.scatter [tilespmem:s4], [sflag:$0x6], $0x6000, $0x38;
	[tilespmem:$0x19800] =	vst v63  }
0x7fb: {  	_ =	swait.ge [sflag:s28], $0x6000  }
0x7fc: {  	[sflag:s28] =	ssyncset.done $0x0  }
0x7fd: {  	[sflag:s28] =	ssyncadd.s32 $0xFFFFA000  }
0x7fe: {  	v4 =	vld [tilespmem:$0x1560];
	_ =	sdelay $0x4  }
0x7ff: {  	v5 =	vshrl.u32 v4, $0x3  }
0x800: {  	v5 =	vmul.u32 $0x30, v5  }
0x801: {  	v4 =	vand.u32 $0x7, v4  }
0x802: {  	v4 =	vor.u32 v4, v5  }
0x803: {  	v5 =	vperm.xlane v4, v1;
	_ =	sdelay $0x1  }
0x804: {  	v5 =	vadd.s32 v2, v5;
	_ =	sdelay $0x3  }
0x805: {  	v4 =	vperm.xlane v4, v3  }
0x806: {  	[tilespmem:s6], [sflag:$0x4] =	stream.indirect_vreg.gather [hbm4b:s1+s3], $0x80, v5, vm0, $0xb8;
	[tilespmem:$0x19800] =	vst v63  }
0x807: {  	s11 =	simm.s32 $0x14000;
	v4 =	vadd.s32 v2, v4  }
0x808: {  	[tilespmem:s11], [sflag:$0x4] =	stream.indirect_vreg.gather [hbm4b:s22+s3], $0x80, v5, vm0, $0xb8;
	[tilespmem:$0x19800] =	vst v63  }
0x809: {  	s2 =	simm.s32 $0x14800  }
0x80a: {  	[tilespmem:s2], [sflag:$0x4] =	stream.indirect_vreg.gather [hbm4b:s23+s3], $0x80, v5, vm0, $0xb8;
	[tilespmem:$0x19800] =	vst v63  }
0x80b: {  	s12 =	simm.s32 $0x15000  }
0x80c: {  	[tilespmem:s12], [sflag:$0x4] =	stream.indirect_vreg.gather [hbm4b:s1+s3], $0x80, v4, vm0, $0xb8;
	[tilespmem:$0x19800] =	vst v63  }
0x80d: {  	s8 =	simm.s32 $0x15800  }
0x80e: {  	[tilespmem:s8], [sflag:$0x4] =	stream.indirect_vreg.gather [hbm4b:s22+s3], $0x80, v4, vm0, $0xb8;
	[tilespmem:$0x19800] =	vst v63  }
0x80f: {  	s16 =	simm.s32 $0x16000  }
0x810: {  	[tilespmem:s16], [sflag:$0x4] =	stream.indirect_vreg.gather [hbm4b:s23+s3], $0x80, v4, vm0, $0xb8;
	[tilespmem:$0x19800] =	vst v63  }
0x811: {  	v4 =	vld [tilespmem:$0x1570];
	_ =	sdelay $0x4  }
0x812: {  	v5 =	vshrl.u32 v4, $0x3  }
0x813: {  	v5 =	vmul.u32 $0x30, v5  }
0x814: {  	v4 =	vand.u32 $0x7, v4  }
0x815: {  	v4 =	vor.u32 v4, v5  }
0x816: {  	v5 =	vperm.xlane v4, v1;
	_ =	sdelay $0x1  }
0x817: {  	v5 =	vadd.s32 v2, v5;
	_ =	sdelay $0x3  }
0x818: {  	s31 =	simm.s32 $0x16800;
	v4 =	vperm.xlane v4, v3  }
0x819: {  	[tilespmem:s31], [sflag:$0x4] =	stream.indirect_vreg.gather [hbm4b:s1+s3], $0x80, v5, vm0, $0xb8;
	[tilespmem:$0x19800] =	vst v63  }
0x81a: {  	s13 =	simm.s32 $0x17000;
	v4 =	vadd.s32 v2, v4  }
0x81b: {  	[tilespmem:s13], [sflag:$0x4] =	stream.indirect_vreg.gather [hbm4b:s22+s3], $0x80, v5, vm0, $0xb8;
	[tilespmem:$0x19800] =	vst v63  }
0x81c: {  	s5 =	simm.s32 $0x17800  }
0x81d: {  	[tilespmem:s5], [sflag:$0x4] =	stream.indirect_vreg.gather [hbm4b:s23+s3], $0x80, v5, vm0, $0xb8;
	[tilespmem:$0x19800] =	vst v63  }
0x81e: {  	s15 =	simm.s32 $0x18000  }
0x81f: {  	[tilespmem:s15], [sflag:$0x4] =	stream.indirect_vreg.gather [hbm4b:s1+s3], $0x80, v4, vm0, $0xb8;
	[tilespmem:$0x19800] =	vst v63  }
0x820: {  	s9 =	simm.s32 $0x18800  }
0x821: {  	[tilespmem:s9], [sflag:$0x4] =	stream.indirect_vreg.gather [hbm4b:s22+s3], $0x80, v4, vm0, $0xb8;
	[tilespmem:$0x19800] =	vst v63  }
0x822: {  	s7 =	simm.s32 $0x19000  }
0x823: {  	[tilespmem:s7], [sflag:$0x4] =	stream.indirect_vreg.gather [hbm4b:s23+s3], $0x80, v4, vm0, $0xb8;
	[tilespmem:$0x19800] =	vst v63  }
0x824: {  	_ =	swait.ge [sflag:s19], $0x6000  }
0x825: {  	[sflag:s19] =	ssyncset.done $0x0  }
0x826: {  	s15 =	rddreg [dreg:$0x1a];
	[sflag:s19] =	ssyncadd.s32 $0xFFFFA000  }
0x827: {  	[hbm4b:s15+s3] =	stream.linear.scatter [tilespmem:s17], [sflag:$0x7], $0x6000, $0x38;
	[tilespmem:$0x19800] =	vst v63  }
0x828: {  	_ =	swait.ge [sflag:s20], $0x6000  }
0x829: {  	[sflag:s20] =	ssyncset.done $0x0  }
0x82a: {  	[sflag:s20] =	ssyncadd.s32 $0xFFFFA000  }
0x82b: {  	v4 =	vld [tilespmem:$0x1580];
	_ =	sdelay $0x4  }
0x82c: {  	v5 =	vshrl.u32 v4, $0x3  }
0x82d: {  	v5 =	vmul.u32 $0x30, v5  }
0x82e: {  	v4 =	vand.u32 $0x7, v4  }
0x82f: {  	v4 =	vor.u32 v4, v5  }
0x830: {  	v5 =	vperm.xlane v4, v1;
	_ =	sdelay $0x1  }
0x831: {  	v5 =	vadd.s32 v2, v5;
	_ =	sdelay $0x3  }
0x832: {  	v4 =	vperm.xlane v4, v3  }
0x833: {  	[tilespmem:s18], [sflag:$0x1] =	stream.indirect_vreg.gather [hbm4b:s1+s3], $0x80, v5, vm0, $0xb8;
	[tilespmem:$0x19800] =	vst v63  }
0x834: {  	s15 =	simm.s32 $0x2000;
	v4 =	vadd.s32 v2, v4  }
0x835: {  	[tilespmem:s15], [sflag:$0x1] =	stream.indirect_vreg.gather [hbm4b:s22+s3], $0x80, v5, vm0, $0xb8;
	[tilespmem:$0x19800] =	vst v63  }
0x836: {  	s15 =	simm.s32 $0x2800  }
0x837: {  	[tilespmem:s15], [sflag:$0x1] =	stream.indirect_vreg.gather [hbm4b:s23+s3], $0x80, v5, vm0, $0xb8;
	[tilespmem:$0x19800] =	vst v63  }
0x838: {  	s15 =	simm.s32 $0x3000  }
0x839: {  	[tilespmem:s15], [sflag:$0x1] =	stream.indirect_vreg.gather [hbm4b:s1+s3], $0x80, v4, vm0, $0xb8;
	[tilespmem:$0x19800] =	vst v63  }
0x83a: {  	s15 =	simm.s32 $0x3800  }
0x83b: {  	[tilespmem:s15], [sflag:$0x1] =	stream.indirect_vreg.gather [hbm4b:s22+s3], $0x80, v4, vm0, $0xb8;
	[tilespmem:$0x19800] =	vst v63  }
0x83c: {  	s15 =	simm.s32 $0x4000  }
0x83d: {  	[tilespmem:s15], [sflag:$0x1] =	stream.indirect_vreg.gather [hbm4b:s23+s3], $0x80, v4, vm0, $0xb8;
	[tilespmem:$0x19800] =	vst v63  }
0x83e: {  	v4 =	vld [tilespmem:$0x1590];
	_ =	sdelay $0x4  }
0x83f: {  	v5 =	vshrl.u32 v4, $0x3  }
0x840: {  	v5 =	vmul.u32 $0x30, v5  }
0x841: {  	v4 =	vand.u32 $0x7, v4  }
0x842: {  	v4 =	vor.u32 v4, v5  }
0x843: {  	v5 =	vperm.xlane v4, v1;
	_ =	sdelay $0x1  }
0x844: {  	v5 =	vadd.s32 v2, v5;
	_ =	sdelay $0x3  }
0x845: {  	s15 =	simm.s32 $0x4800;
	v4 =	vperm.xlane v4, v3  }
0x846: {  	[tilespmem:s15], [sflag:$0x1] =	stream.indirect_vreg.gather [hbm4b:s1+s3], $0x80, v5, vm0, $0xb8;
	[tilespmem:$0x19800] =	vst v63  }
0x847: {  	v4 =	vadd.s32 v2, v4;
	s15 =	simm.s32 $0x5000  }
0x848: {  	[tilespmem:s15], [sflag:$0x1] =	stream.indirect_vreg.gather [hbm4b:s22+s3], $0x80, v5, vm0, $0xb8;
	[tilespmem:$0x19800] =	vst v63  }
0x849: {  	s15 =	simm.s32 $0x5800  }
0x84a: {  	[tilespmem:s15], [sflag:$0x1] =	stream.indirect_vreg.gather [hbm4b:s23+s3], $0x80, v5, vm0, $0xb8;
	[tilespmem:$0x19800] =	vst v63  }
0x84b: {  	s15 =	simm.s32 $0x6000  }
0x84c: {  	[tilespmem:s15], [sflag:$0x1] =	stream.indirect_vreg.gather [hbm4b:s1+s3], $0x80, v4, vm0, $0xb8;
	[tilespmem:$0x19800] =	vst v63  }
0x84d: {  	s15 =	simm.s32 $0x6800  }
0x84e: {  	[tilespmem:s15], [sflag:$0x1] =	stream.indirect_vreg.gather [hbm4b:s22+s3], $0x80, v4, vm0, $0xb8;
	[tilespmem:$0x19800] =	vst v63  }
0x84f: {  	s15 =	simm.s32 $0x7000  }
0x850: {  	[tilespmem:s15], [sflag:$0x1] =	stream.indirect_vreg.gather [hbm4b:s23+s3], $0x80, v4, vm0, $0xb8;
	[tilespmem:$0x19800] =	vst v63  }
0x851: {  	_ =	swait.ge [sflag:s24], $0x6000  }
0x852: {  	[sflag:s24] =	ssyncset.done $0x0  }
0x853: {  	s15 =	rddreg [dreg:$0x1b];
	[sflag:s24] =	ssyncadd.s32 $0xFFFFA000  }
0x854: {  	[hbm4b:s15+s3] =	stream.linear.scatter [tilespmem:s6], [sflag:$0x8], $0x6000, $0x38;
	[tilespmem:$0x19800] =	vst v63  }
0x855: {  	_ =	swait.ge [sflag:s25], $0x6000  }
0x856: {  	[sflag:s25] =	ssyncset.done $0x0  }
0x857: {  	[sflag:s25] =	ssyncadd.s32 $0xFFFFA000  }
0x858: {  	v4 =	vld [tilespmem:$0x15A0];
	_ =	sdelay $0x4  }
0x859: {  	v5 =	vshrl.u32 v4, $0x3  }
0x85a: {  	v5 =	vmul.u32 $0x30, v5  }
0x85b: {  	v4 =	vand.u32 $0x7, v4  }
0x85c: {  	v4 =	vor.u32 v4, v5  }
0x85d: {  	v5 =	vperm.xlane v4, v1;
	_ =	sdelay $0x1  }
0x85e: {  	v5 =	vadd.s32 v2, v5;
	_ =	sdelay $0x3  }
0x85f: {  	v4 =	vperm.xlane v4, v3  }
0x860: {  	[tilespmem:s4], [sflag:$0x2] =	stream.indirect_vreg.gather [hbm4b:s1+s3], $0x80, v5, vm0, $0xb8;
	[tilespmem:$0x19800] =	vst v63  }
0x861: {  	s15 =	simm.s32 $0x8000;
	v4 =	vadd.s32 v2, v4  }
0x862: {  	[tilespmem:s15], [sflag:$0x2] =	stream.indirect_vreg.gather [hbm4b:s22+s3], $0x80, v5, vm0, $0xb8;
	[tilespmem:$0x19800] =	vst v63  }
0x863: {  	s15 =	simm.s32 $0x8800  }
0x864: {  	[tilespmem:s15], [sflag:$0x2] =	stream.indirect_vreg.gather [hbm4b:s23+s3], $0x80, v5, vm0, $0xb8;
	[tilespmem:$0x19800] =	vst v63  }
0x865: {  	s15 =	simm.s32 $0x9000  }
0x866: {  	[tilespmem:s15], [sflag:$0x2] =	stream.indirect_vreg.gather [hbm4b:s1+s3], $0x80, v4, vm0, $0xb8;
	[tilespmem:$0x19800] =	vst v63  }
0x867: {  	s15 =	simm.s32 $0x9800  }
0x868: {  	[tilespmem:s15], [sflag:$0x2] =	stream.indirect_vreg.gather [hbm4b:s22+s3], $0x80, v4, vm0, $0xb8;
	[tilespmem:$0x19800] =	vst v63  }
0x869: {  	s15 =	simm.s32 $0xA000  }
0x86a: {  	[tilespmem:s15], [sflag:$0x2] =	stream.indirect_vreg.gather [hbm4b:s23+s3], $0x80, v4, vm0, $0xb8;
	[tilespmem:$0x19800] =	vst v63  }
0x86b: {  	v4 =	vld [tilespmem:$0x15B0];
	_ =	sdelay $0x4  }
0x86c: {  	v5 =	vshrl.u32 v4, $0x3  }
0x86d: {  	v5 =	vmul.u32 $0x30, v5  }
0x86e: {  	v4 =	vand.u32 $0x7, v4  }
0x86f: {  	v4 =	vor.u32 v4, v5  }
0x870: {  	v5 =	vperm.xlane v4, v1;
	_ =	sdelay $0x1  }
0x871: {  	v5 =	vadd.s32 v2, v5;
	_ =	sdelay $0x3  }
0x872: {  	s15 =	simm.s32 $0xA800;
	v4 =	vperm.xlane v4, v3  }
0x873: {  	[tilespmem:s15], [sflag:$0x2] =	stream.indirect_vreg.gather [hbm4b:s1+s3], $0x80, v5, vm0, $0xb8;
	[tilespmem:$0x19800] =	vst v63  }
0x874: {  	v4 =	vadd.s32 v2, v4;
	s15 =	simm.s32 $0xB000  }
0x875: {  	[tilespmem:s15], [sflag:$0x2] =	stream.indirect_vreg.gather [hbm4b:s22+s3], $0x80, v5, vm0, $0xb8;
	[tilespmem:$0x19800] =	vst v63  }
0x876: {  	s15 =	simm.s32 $0xB800  }
0x877: {  	[tilespmem:s15], [sflag:$0x2] =	stream.indirect_vreg.gather [hbm4b:s23+s3], $0x80, v5, vm0, $0xb8;
	[tilespmem:$0x19800] =	vst v63  }
0x878: {  	s15 =	simm.s32 $0xC000  }
0x879: {  	[tilespmem:s15], [sflag:$0x2] =	stream.indirect_vreg.gather [hbm4b:s1+s3], $0x80, v4, vm0, $0xb8;
	[tilespmem:$0x19800] =	vst v63  }
0x87a: {  	s15 =	simm.s32 $0xC800  }
0x87b: {  	[tilespmem:s15], [sflag:$0x2] =	stream.indirect_vreg.gather [hbm4b:s22+s3], $0x80, v4, vm0, $0xb8;
	[tilespmem:$0x19800] =	vst v63  }
0x87c: {  	s15 =	simm.s32 $0xD000  }
0x87d: {  	[tilespmem:s15], [sflag:$0x2] =	stream.indirect_vreg.gather [hbm4b:s23+s3], $0x80, v4, vm0, $0xb8;
	[tilespmem:$0x19800] =	vst v63  }
0x87e: {  	_ =	swait.ge [sflag:s21], $0x6000  }
0x87f: {  	[sflag:s21] =	ssyncset.done $0x0  }
0x880: {  	s15 =	rddreg [dreg:$0x1c];
	[sflag:s21] =	ssyncadd.s32 $0xFFFFA000  }
0x881: {  	[hbm4b:s15+s3] =	stream.linear.scatter [tilespmem:s18], [sflag:$0x5], $0x6000, $0x38;
	[tilespmem:$0x19800] =	vst v63  }
0x882: {  	_ =	swait.ge [sflag:s26], $0x6000  }
0x883: {  	[sflag:s26] =	ssyncset.done $0x0  }
0x884: {  	[sflag:s26] =	ssyncadd.s32 $0xFFFFA000  }
0x885: {  	v4 =	vld [tilespmem:$0x15C0];
	_ =	sdelay $0x4  }
0x886: {  	v5 =	vshrl.u32 v4, $0x3  }
0x887: {  	v5 =	vmul.u32 $0x30, v5  }
0x888: {  	v4 =	vand.u32 $0x7, v4  }
0x889: {  	v4 =	vor.u32 v4, v5  }
0x88a: {  	v5 =	vperm.xlane v4, v1;
	_ =	sdelay $0x1  }
0x88b: {  	v5 =	vadd.s32 v2, v5;
	_ =	sdelay $0x3  }
0x88c: {  	v4 =	vperm.xlane v4, v3  }
0x88d: {  	[tilespmem:s17], [sflag:$0x3] =	stream.indirect_vreg.gather [hbm4b:s1+s3], $0x80, v5, vm0, $0xb8;
	[tilespmem:$0x19800] =	vst v63  }
0x88e: {  	s29 =	simm.s32 $0xE000;
	v4 =	vadd.s32 v2, v4  }
0x88f: {  	[tilespmem:s29], [sflag:$0x3] =	stream.indirect_vreg.gather [hbm4b:s22+s3], $0x80, v5, vm0, $0xb8;
	[tilespmem:$0x19800] =	vst v63  }
0x890: {  	s10 =	simm.s32 $0xE800  }
0x891: {  	[tilespmem:s10], [sflag:$0x3] =	stream.indirect_vreg.gather [hbm4b:s23+s3], $0x80, v5, vm0, $0xb8;
	[tilespmem:$0x19800] =	vst v63  }
0x892: {  	s30 =	simm.s32 $0xF000  }
0x893: {  	[tilespmem:s30], [sflag:$0x3] =	stream.indirect_vreg.gather [hbm4b:s1+s3], $0x80, v4, vm0, $0xb8;
	[tilespmem:$0x19800] =	vst v63  }
0x894: {  	s14 =	simm.s32 $0xF800  }
0x895: {  	[tilespmem:s14], [sflag:$0x3] =	stream.indirect_vreg.gather [hbm4b:s22+s3], $0x80, v4, vm0, $0xb8;
	[tilespmem:$0x19800] =	vst v63  }
0x896: {  	s10 =	simm.s32 $0x10000  }
0x897: {  	[tilespmem:s10], [sflag:$0x3] =	stream.indirect_vreg.gather [hbm4b:s23+s3], $0x80, v4, vm0, $0xb8;
	[tilespmem:$0x19800] =	vst v63  }
0x898: {  	v4 =	vld [tilespmem:$0x15D0];
	_ =	sdelay $0x4  }
0x899: {  	v5 =	vshrl.u32 v4, $0x3  }
0x89a: {  	v5 =	vmul.u32 $0x30, v5  }
0x89b: {  	v4 =	vand.u32 $0x7, v4  }
0x89c: {  	v4 =	vor.u32 v4, v5  }
0x89d: {  	v5 =	vperm.xlane v4, v1;
	_ =	sdelay $0x1  }
0x89e: {  	v5 =	vadd.s32 v2, v5;
	_ =	sdelay $0x3  }
0x89f: {  	s10 =	simm.s32 $0x10800;
	v4 =	vperm.xlane v4, v3  }
0x8a0: {  	[tilespmem:s10], [sflag:$0x3] =	stream.indirect_vreg.gather [hbm4b:s1+s3], $0x80, v5, vm0, $0xb8;
	[tilespmem:$0x19800] =	vst v63  }
0x8a1: {  	v4 =	vadd.s32 v2, v4;
	s10 =	simm.s32 $0x11000  }
0x8a2: {  	[tilespmem:s10], [sflag:$0x3] =	stream.indirect_vreg.gather [hbm4b:s22+s3], $0x80, v5, vm0, $0xb8;
	[tilespmem:$0x19800] =	vst v63  }
0x8a3: {  	s10 =	simm.s32 $0x11800  }
0x8a4: {  	[tilespmem:s10], [sflag:$0x3] =	stream.indirect_vreg.gather [hbm4b:s23+s3], $0x80, v5, vm0, $0xb8;
	[tilespmem:$0x19800] =	vst v63  }
0x8a5: {  	s10 =	simm.s32 $0x12000  }
0x8a6: {  	[tilespmem:s10], [sflag:$0x3] =	stream.indirect_vreg.gather [hbm4b:s1+s3], $0x80, v4, vm0, $0xb8;
	[tilespmem:$0x19800] =	vst v63  }
0x8a7: {  	s10 =	simm.s32 $0x12800  }
0x8a8: {  	[tilespmem:s10], [sflag:$0x3] =	stream.indirect_vreg.gather [hbm4b:s22+s3], $0x80, v4, vm0, $0xb8;
	[tilespmem:$0x19800] =	vst v63  }
0x8a9: {  	s10 =	simm.s32 $0x13000  }
0x8aa: {  	[tilespmem:s10], [sflag:$0x3] =	stream.indirect_vreg.gather [hbm4b:s23+s3], $0x80, v4, vm0, $0xb8;
	[tilespmem:$0x19800] =	vst v63  }
0x8ab: {  	_ =	swait.ge [sflag:s0], $0x6000  }
0x8ac: {  	[sflag:s0] =	ssyncset.done $0x0  }
0x8ad: {  	s10 =	rddreg [dreg:$0x1d];
	[sflag:s0] =	ssyncadd.s32 $0xFFFFA000  }
0x8ae: {  	[hbm4b:s10+s3] =	stream.linear.scatter [tilespmem:s4], [sflag:$0x6], $0x6000, $0x38;
	[tilespmem:$0x19800] =	vst v63  }
0x8af: {  	_ =	swait.ge [sflag:s28], $0x6000  }
0x8b0: {  	[sflag:s28] =	ssyncset.done $0x0  }
0x8b1: {  	[sflag:s28] =	ssyncadd.s32 $0xFFFFA000  }
0x8b2: {  	v4 =	vld [tilespmem:$0x15E0];
	_ =	sdelay $0x4  }
0x8b3: {  	v5 =	vshrl.u32 v4, $0x3  }
0x8b4: {  	v5 =	vmul.u32 $0x30, v5  }
0x8b5: {  	v4 =	vand.u32 $0x7, v4  }
0x8b6: {  	v4 =	vor.u32 v4, v5  }
0x8b7: {  	v5 =	vperm.xlane v4, v1;
	_ =	sdelay $0x1  }
0x8b8: {  	v5 =	vadd.s32 v2, v5;
	_ =	sdelay $0x3  }
0x8b9: {  	v4 =	vperm.xlane v4, v3  }
0x8ba: {  	[tilespmem:s6], [sflag:$0x4] =	stream.indirect_vreg.gather [hbm4b:s1+s3], $0x80, v5, vm0, $0xb8;
	[tilespmem:$0x19800] =	vst v63  }
0x8bb: {  	s11 =	simm.s32 $0x14000;
	v4 =	vadd.s32 v2, v4  }
0x8bc: {  	[tilespmem:s11], [sflag:$0x4] =	stream.indirect_vreg.gather [hbm4b:s22+s3], $0x80, v5, vm0, $0xb8;
	[tilespmem:$0x19800] =	vst v63  }
0x8bd: {  	s10 =	simm.s32 $0x14800  }
0x8be: {  	[tilespmem:s10], [sflag:$0x4] =	stream.indirect_vreg.gather [hbm4b:s23+s3], $0x80, v5, vm0, $0xb8;
	[tilespmem:$0x19800] =	vst v63  }
0x8bf: {  	s12 =	simm.s32 $0x15000  }
0x8c0: {  	[tilespmem:s12], [sflag:$0x4] =	stream.indirect_vreg.gather [hbm4b:s1+s3], $0x80, v4, vm0, $0xb8;
	[tilespmem:$0x19800] =	vst v63  }
0x8c1: {  	s8 =	simm.s32 $0x15800  }
0x8c2: {  	[tilespmem:s8], [sflag:$0x4] =	stream.indirect_vreg.gather [hbm4b:s22+s3], $0x80, v4, vm0, $0xb8;
	[tilespmem:$0x19800] =	vst v63  }
0x8c3: {  	s16 =	simm.s32 $0x16000  }
0x8c4: {  	[tilespmem:s16], [sflag:$0x4] =	stream.indirect_vreg.gather [hbm4b:s23+s3], $0x80, v4, vm0, $0xb8;
	[tilespmem:$0x19800] =	vst v63  }
0x8c5: {  	v4 =	vld [tilespmem:$0x15F0];
	_ =	sdelay $0x4  }
0x8c6: {  	v5 =	vshrl.u32 v4, $0x3  }
0x8c7: {  	v5 =	vmul.u32 $0x30, v5  }
0x8c8: {  	v4 =	vand.u32 $0x7, v4  }
0x8c9: {  	v4 =	vor.u32 v4, v5  }
0x8ca: {  	v5 =	vperm.xlane v4, v1;
	_ =	sdelay $0x1  }
0x8cb: {  	v5 =	vadd.s32 v2, v5;
	_ =	sdelay $0x3  }
0x8cc: {  	s16 =	simm.s32 $0x16800;
	v4 =	vperm.xlane v4, v3  }
0x8cd: {  	[tilespmem:s16], [sflag:$0x4] =	stream.indirect_vreg.gather [hbm4b:s1+s3], $0x80, v5, vm0, $0xb8;
	[tilespmem:$0x19800] =	vst v63  }
0x8ce: {  	s13 =	simm.s32 $0x17000;
	v4 =	vadd.s32 v2, v4  }
0x8cf: {  	[tilespmem:s13], [sflag:$0x4] =	stream.indirect_vreg.gather [hbm4b:s22+s3], $0x80, v5, vm0, $0xb8;
	[tilespmem:$0x19800] =	vst v63  }
0x8d0: {  	s5 =	simm.s32 $0x17800  }
0x8d1: {  	[tilespmem:s5], [sflag:$0x4] =	stream.indirect_vreg.gather [hbm4b:s23+s3], $0x80, v5, vm0, $0xb8;
	[tilespmem:$0x19800] =	vst v63  }
0x8d2: {  	s31 =	simm.s32 $0x18000  }
0x8d3: {  	[tilespmem:s31], [sflag:$0x4] =	stream.indirect_vreg.gather [hbm4b:s1+s3], $0x80, v4, vm0, $0xb8;
	[tilespmem:$0x19800] =	vst v63  }
0x8d4: {  	s9 =	simm.s32 $0x18800  }
0x8d5: {  	[tilespmem:s9], [sflag:$0x4] =	stream.indirect_vreg.gather [hbm4b:s22+s3], $0x80, v4, vm0, $0xb8;
	[tilespmem:$0x19800] =	vst v63  }
0x8d6: {  	s7 =	simm.s32 $0x19000  }
0x8d7: {  	[tilespmem:s7], [sflag:$0x4] =	stream.indirect_vreg.gather [hbm4b:s23+s3], $0x80, v4, vm0, $0xb8;
	[tilespmem:$0x19800] =	vst v63  }
0x8d8: {  	_ =	swait.ge [sflag:s19], $0x6000  }
0x8d9: {  	[sflag:s19] =	ssyncset.done $0x0  }
0x8da: {  	s31 =	rddreg [dreg:$0x1e];
	[sflag:s19] =	ssyncadd.s32 $0xFFFFA000  }
0x8db: {  	[hbm4b:s31+s3] =	stream.linear.scatter [tilespmem:s17], [sflag:$0x7], $0x6000, $0x38;
	[tilespmem:$0x19800] =	vst v63  }
0x8dc: {  	_ =	swait.ge [sflag:s20], $0x6000  }
0x8dd: {  	[sflag:s20] =	ssyncset.done $0x0  }
0x8de: {  	[sflag:s20] =	ssyncadd.s32 $0xFFFFA000  }
0x8df: {  	v4 =	vld [tilespmem:$0x1600];
	_ =	sdelay $0x4  }
0x8e0: {  	v5 =	vshrl.u32 v4, $0x3  }
0x8e1: {  	v5 =	vmul.u32 $0x30, v5  }
0x8e2: {  	v4 =	vand.u32 $0x7, v4  }
0x8e3: {  	v4 =	vor.u32 v4, v5  }
0x8e4: {  	v5 =	vperm.xlane v4, v1;
	_ =	sdelay $0x1  }
0x8e5: {  	v5 =	vadd.s32 v2, v5;
	_ =	sdelay $0x3  }
0x8e6: {  	v4 =	vperm.xlane v4, v3  }
0x8e7: {  	[tilespmem:s18], [sflag:$0x1] =	stream.indirect_vreg.gather [hbm4b:s1+s3], $0x80, v5, vm0, $0xb8;
	[tilespmem:$0x19800] =	vst v63  }
0x8e8: {  	s31 =	simm.s32 $0x2000;
	v4 =	vadd.s32 v2, v4  }
0x8e9: {  	[tilespmem:s31], [sflag:$0x1] =	stream.indirect_vreg.gather [hbm4b:s22+s3], $0x80, v5, vm0, $0xb8;
	[tilespmem:$0x19800] =	vst v63  }
0x8ea: {  	s31 =	simm.s32 $0x2800  }
0x8eb: {  	[tilespmem:s31], [sflag:$0x1] =	stream.indirect_vreg.gather [hbm4b:s23+s3], $0x80, v5, vm0, $0xb8;
	[tilespmem:$0x19800] =	vst v63  }
0x8ec: {  	s31 =	simm.s32 $0x3000  }
0x8ed: {  	[tilespmem:s31], [sflag:$0x1] =	stream.indirect_vreg.gather [hbm4b:s1+s3], $0x80, v4, vm0, $0xb8;
	[tilespmem:$0x19800] =	vst v63  }
0x8ee: {  	s31 =	simm.s32 $0x3800  }
0x8ef: {  	[tilespmem:s31], [sflag:$0x1] =	stream.indirect_vreg.gather [hbm4b:s22+s3], $0x80, v4, vm0, $0xb8;
	[tilespmem:$0x19800] =	vst v63  }
0x8f0: {  	s31 =	simm.s32 $0x4000  }
0x8f1: {  	[tilespmem:s31], [sflag:$0x1] =	stream.indirect_vreg.gather [hbm4b:s23+s3], $0x80, v4, vm0, $0xb8;
	[tilespmem:$0x19800] =	vst v63  }
0x8f2: {  	v4 =	vld [tilespmem:$0x1610];
	_ =	sdelay $0x4  }
0x8f3: {  	v5 =	vshrl.u32 v4, $0x3  }
0x8f4: {  	v5 =	vmul.u32 $0x30, v5  }
0x8f5: {  	v4 =	vand.u32 $0x7, v4  }
0x8f6: {  	v4 =	vor.u32 v4, v5  }
0x8f7: {  	v5 =	vperm.xlane v4, v1;
	_ =	sdelay $0x1  }
0x8f8: {  	v5 =	vadd.s32 v2, v5;
	_ =	sdelay $0x3  }
0x8f9: {  	s31 =	simm.s32 $0x4800;
	v4 =	vperm.xlane v4, v3  }
0x8fa: {  	[tilespmem:s31], [sflag:$0x1] =	stream.indirect_vreg.gather [hbm4b:s1+s3], $0x80, v5, vm0, $0xb8;
	[tilespmem:$0x19800] =	vst v63  }
0x8fb: {  	v4 =	vadd.s32 v2, v4;
	s31 =	simm.s32 $0x5000  }
0x8fc: {  	[tilespmem:s31], [sflag:$0x1] =	stream.indirect_vreg.gather [hbm4b:s22+s3], $0x80, v5, vm0, $0xb8;
	[tilespmem:$0x19800] =	vst v63  }
0x8fd: {  	s31 =	simm.s32 $0x5800  }
0x8fe: {  	[tilespmem:s31], [sflag:$0x1] =	stream.indirect_vreg.gather [hbm4b:s23+s3], $0x80, v5, vm0, $0xb8;
	[tilespmem:$0x19800] =	vst v63  }
0x8ff: {  	s31 =	simm.s32 $0x6000  }
0x900: {  	[tilespmem:s31], [sflag:$0x1] =	stream.indirect_vreg.gather [hbm4b:s1+s3], $0x80, v4, vm0, $0xb8;
	[tilespmem:$0x19800] =	vst v63  }
0x901: {  	s31 =	simm.s32 $0x6800  }
0x902: {  	[tilespmem:s31], [sflag:$0x1] =	stream.indirect_vreg.gather [hbm4b:s22+s3], $0x80, v4, vm0, $0xb8;
	[tilespmem:$0x19800] =	vst v63  }
0x903: {  	s31 =	simm.s32 $0x7000  }
0x904: {  	[tilespmem:s31], [sflag:$0x1] =	stream.indirect_vreg.gather [hbm4b:s23+s3], $0x80, v4, vm0, $0xb8;
	[tilespmem:$0x19800] =	vst v63  }
0x905: {  	_ =	swait.ge [sflag:s24], $0x6000  }
0x906: {  	[sflag:s24] =	ssyncset.done $0x0  }
0x907: {  	s31 =	rddreg [dreg:$0x1f];
	[sflag:s24] =	ssyncadd.s32 $0xFFFFA000  }
0x908: {  	[hbm4b:s31+s3] =	stream.linear.scatter [tilespmem:s6], [sflag:$0x8], $0x6000, $0x38;
	[tilespmem:$0x19800] =	vst v63  }
0x909: {  	_ =	swait.ge [sflag:s25], $0x6000  }
0x90a: {  	[sflag:s25] =	ssyncset.done $0x0  }
0x90b: {  	[sflag:s25] =	ssyncadd.s32 $0xFFFFA000  }
0x90c: {  	v4 =	vld [tilespmem:$0x1620];
	_ =	sdelay $0x4  }
0x90d: {  	v5 =	vshrl.u32 v4, $0x3  }
0x90e: {  	v5 =	vmul.u32 $0x30, v5  }
0x90f: {  	v4 =	vand.u32 $0x7, v4  }
0x910: {  	v4 =	vor.u32 v4, v5  }
0x911: {  	v5 =	vperm.xlane v4, v1;
	_ =	sdelay $0x1  }
0x912: {  	v5 =	vadd.s32 v2, v5;
	_ =	sdelay $0x3  }
0x913: {  	v4 =	vperm.xlane v4, v3  }
0x914: {  	[tilespmem:s4], [sflag:$0x2] =	stream.indirect_vreg.gather [hbm4b:s1+s3], $0x80, v5, vm0, $0xb8;
	[tilespmem:$0x19800] =	vst v63  }
0x915: {  	s31 =	simm.s32 $0x8000;
	v4 =	vadd.s32 v2, v4  }
0x916: {  	[tilespmem:s31], [sflag:$0x2] =	stream.indirect_vreg.gather [hbm4b:s22+s3], $0x80, v5, vm0, $0xb8;
	[tilespmem:$0x19800] =	vst v63  }
0x917: {  	s31 =	simm.s32 $0x8800  }
0x918: {  	[tilespmem:s31], [sflag:$0x2] =	stream.indirect_vreg.gather [hbm4b:s23+s3], $0x80, v5, vm0, $0xb8;
	[tilespmem:$0x19800] =	vst v63  }
0x919: {  	s31 =	simm.s32 $0x9000  }
0x91a: {  	[tilespmem:s31], [sflag:$0x2] =	stream.indirect_vreg.gather [hbm4b:s1+s3], $0x80, v4, vm0, $0xb8;
	[tilespmem:$0x19800] =	vst v63  }
0x91b: {  	s31 =	simm.s32 $0x9800  }
0x91c: {  	[tilespmem:s31], [sflag:$0x2] =	stream.indirect_vreg.gather [hbm4b:s22+s3], $0x80, v4, vm0, $0xb8;
	[tilespmem:$0x19800] =	vst v63  }
0x91d: {  	s31 =	simm.s32 $0xA000  }
0x91e: {  	[tilespmem:s31], [sflag:$0x2] =	stream.indirect_vreg.gather [hbm4b:s23+s3], $0x80, v4, vm0, $0xb8;
	[tilespmem:$0x19800] =	vst v63  }
0x91f: {  	v4 =	vld [tilespmem:$0x1630];
	_ =	sdelay $0x4  }
0x920: {  	v5 =	vshrl.u32 v4, $0x3  }
0x921: {  	v5 =	vmul.u32 $0x30, v5  }
0x922: {  	v4 =	vand.u32 $0x7, v4  }
0x923: {  	v4 =	vor.u32 v4, v5  }
0x924: {  	v5 =	vperm.xlane v4, v1;
	_ =	sdelay $0x1  }
0x925: {  	v5 =	vadd.s32 v2, v5;
	_ =	sdelay $0x3  }
0x926: {  	s31 =	simm.s32 $0xA800;
	v4 =	vperm.xlane v4, v3  }
0x927: {  	[tilespmem:s31], [sflag:$0x2] =	stream.indirect_vreg.gather [hbm4b:s1+s3], $0x80, v5, vm0, $0xb8;
	[tilespmem:$0x19800] =	vst v63  }
0x928: {  	v4 =	vadd.s32 v2, v4;
	s31 =	simm.s32 $0xB000  }
0x929: {  	[tilespmem:s31], [sflag:$0x2] =	stream.indirect_vreg.gather [hbm4b:s22+s3], $0x80, v5, vm0, $0xb8;
	[tilespmem:$0x19800] =	vst v63  }
0x92a: {  	s31 =	simm.s32 $0xB800  }
0x92b: {  	[tilespmem:s31], [sflag:$0x2] =	stream.indirect_vreg.gather [hbm4b:s23+s3], $0x80, v5, vm0, $0xb8;
	[tilespmem:$0x19800] =	vst v63  }
0x92c: {  	s31 =	simm.s32 $0xC000  }
0x92d: {  	[tilespmem:s31], [sflag:$0x2] =	stream.indirect_vreg.gather [hbm4b:s1+s3], $0x80, v4, vm0, $0xb8;
	[tilespmem:$0x19800] =	vst v63  }
0x92e: {  	s31 =	simm.s32 $0xC800  }
0x92f: {  	[tilespmem:s31], [sflag:$0x2] =	stream.indirect_vreg.gather [hbm4b:s22+s3], $0x80, v4, vm0, $0xb8;
	[tilespmem:$0x19800] =	vst v63  }
0x930: {  	s31 =	simm.s32 $0xD000  }
0x931: {  	[tilespmem:s31], [sflag:$0x2] =	stream.indirect_vreg.gather [hbm4b:s23+s3], $0x80, v4, vm0, $0xb8;
	[tilespmem:$0x19800] =	vst v63  }
0x932: {  	_ =	swait.ge [sflag:s21], $0x6000  }
0x933: {  	s31 =	sld [smem:$0x7D8]  }
0x934: {  	[sflag:s21] =	ssyncset.done $0x0  }
0x935: {  	[sflag:s21] =	ssyncadd.s32 $0xFFFFA000  }
0x936: {  	[hbm4b:s31+s3] =	stream.linear.scatter [tilespmem:s18], [sflag:$0x5], $0x6000, $0x38;
	[tilespmem:$0x19800] =	vst v63  }
0x937: {  	_ =	swait.ge [sflag:s26], $0x6000  }
0x938: {  	[sflag:s26] =	ssyncset.done $0x0  }
0x939: {  	[sflag:s26] =	ssyncadd.s32 $0xFFFFA000  }
0x93a: {  	v4 =	vld [tilespmem:$0x1640];
	_ =	sdelay $0x4  }
0x93b: {  	v5 =	vshrl.u32 v4, $0x3  }
0x93c: {  	v5 =	vmul.u32 $0x30, v5  }
0x93d: {  	v4 =	vand.u32 $0x7, v4  }
0x93e: {  	v4 =	vor.u32 v4, v5  }
0x93f: {  	v5 =	vperm.xlane v4, v1;
	_ =	sdelay $0x1  }
0x940: {  	v5 =	vadd.s32 v2, v5;
	_ =	sdelay $0x3  }
0x941: {  	v4 =	vperm.xlane v4, v3  }
0x942: {  	[tilespmem:s17], [sflag:$0x3] =	stream.indirect_vreg.gather [hbm4b:s1+s3], $0x80, v5, vm0, $0xb8;
	[tilespmem:$0x19800] =	vst v63  }
0x943: {  	s29 =	simm.s32 $0xE000;
	v4 =	vadd.s32 v2, v4  }
0x944: {  	[tilespmem:s29], [sflag:$0x3] =	stream.indirect_vreg.gather [hbm4b:s22+s3], $0x80, v5, vm0, $0xb8;
	[tilespmem:$0x19800] =	vst v63  }
0x945: {  	s15 =	simm.s32 $0xE800  }
0x946: {  	[tilespmem:s15], [sflag:$0x3] =	stream.indirect_vreg.gather [hbm4b:s23+s3], $0x80, v5, vm0, $0xb8;
	[tilespmem:$0x19800] =	vst v63  }
0x947: {  	s30 =	simm.s32 $0xF000  }
0x948: {  	[tilespmem:s30], [sflag:$0x3] =	stream.indirect_vreg.gather [hbm4b:s1+s3], $0x80, v4, vm0, $0xb8;
	[tilespmem:$0x19800] =	vst v63  }
0x949: {  	s14 =	simm.s32 $0xF800  }
0x94a: {  	[tilespmem:s14], [sflag:$0x3] =	stream.indirect_vreg.gather [hbm4b:s22+s3], $0x80, v4, vm0, $0xb8;
	[tilespmem:$0x19800] =	vst v63  }
0x94b: {  	s14 =	simm.s32 $0x10000  }
0x94c: {  	[tilespmem:s14], [sflag:$0x3] =	stream.indirect_vreg.gather [hbm4b:s23+s3], $0x80, v4, vm0, $0xb8;
	[tilespmem:$0x19800] =	vst v63  }
0x94d: {  	v4 =	vld [tilespmem:$0x1650];
	_ =	sdelay $0x4  }
0x94e: {  	v5 =	vshrl.u32 v4, $0x3  }
0x94f: {  	v5 =	vmul.u32 $0x30, v5  }
0x950: {  	v4 =	vand.u32 $0x7, v4  }
0x951: {  	v4 =	vor.u32 v4, v5  }
0x952: {  	v5 =	vperm.xlane v4, v1;
	_ =	sdelay $0x1  }
0x953: {  	v5 =	vadd.s32 v2, v5;
	_ =	sdelay $0x3  }
0x954: {  	s30 =	simm.s32 $0x10800;
	v4 =	vperm.xlane v4, v3  }
0x955: {  	[tilespmem:s30], [sflag:$0x3] =	stream.indirect_vreg.gather [hbm4b:s1+s3], $0x80, v5, vm0, $0xb8;
	[tilespmem:$0x19800] =	vst v63  }
0x956: {  	s14 =	simm.s32 $0x11000;
	v4 =	vadd.s32 v2, v4  }
0x957: {  	[tilespmem:s14], [sflag:$0x3] =	stream.indirect_vreg.gather [hbm4b:s22+s3], $0x80, v5, vm0, $0xb8;
	[tilespmem:$0x19800] =	vst v63  }
0x958: {  	s30 =	simm.s32 $0x11800  }
0x959: {  	[tilespmem:s30], [sflag:$0x3] =	stream.indirect_vreg.gather [hbm4b:s23+s3], $0x80, v5, vm0, $0xb8;
	[tilespmem:$0x19800] =	vst v63  }
0x95a: {  	s14 =	simm.s32 $0x12000  }
0x95b: {  	[tilespmem:s14], [sflag:$0x3] =	stream.indirect_vreg.gather [hbm4b:s1+s3], $0x80, v4, vm0, $0xb8;
	[tilespmem:$0x19800] =	vst v63  }
0x95c: {  	s30 =	simm.s32 $0x12800  }
0x95d: {  	[tilespmem:s30], [sflag:$0x3] =	stream.indirect_vreg.gather [hbm4b:s22+s3], $0x80, v4, vm0, $0xb8;
	[tilespmem:$0x19800] =	vst v63  }
0x95e: {  	s14 =	simm.s32 $0x13000  }
0x95f: {  	[tilespmem:s14], [sflag:$0x3] =	stream.indirect_vreg.gather [hbm4b:s23+s3], $0x80, v4, vm0, $0xb8;
	[tilespmem:$0x19800] =	vst v63  }
0x960: {  	_ =	swait.ge [sflag:s0], $0x6000  }
0x961: {  	s30 =	sld [smem:$0x7D9]  }
0x962: {  	[sflag:s0] =	ssyncset.done $0x0  }
0x963: {  	[sflag:s0] =	ssyncadd.s32 $0xFFFFA000  }
0x964: {  	[hbm4b:s30+s3] =	stream.linear.scatter [tilespmem:s4], [sflag:$0x6], $0x6000, $0x38;
	[tilespmem:$0x19800] =	vst v63  }
0x965: {  	_ =	swait.ge [sflag:s28], $0x6000  }
0x966: {  	[sflag:s28] =	ssyncset.done $0x0  }
0x967: {  	[sflag:s28] =	ssyncadd.s32 $0xFFFFA000  }
0x968: {  	v4 =	vld [tilespmem:$0x1660];
	_ =	sdelay $0x4  }
0x969: {  	v5 =	vshrl.u32 v4, $0x3  }
0x96a: {  	v5 =	vmul.u32 $0x30, v5  }
0x96b: {  	v4 =	vand.u32 $0x7, v4  }
0x96c: {  	v4 =	vor.u32 v4, v5  }
0x96d: {  	v5 =	vperm.xlane v4, v1;
	_ =	sdelay $0x1  }
0x96e: {  	v5 =	vadd.s32 v2, v5;
	_ =	sdelay $0x3  }
0x96f: {  	v4 =	vperm.xlane v4, v3  }
0x970: {  	[tilespmem:s6], [sflag:$0x4] =	stream.indirect_vreg.gather [hbm4b:s1+s3], $0x80, v5, vm0, $0xb8;
	[tilespmem:$0x19800] =	vst v63  }
0x971: {  	s11 =	simm.s32 $0x14000;
	v4 =	vadd.s32 v2, v4  }
0x972: {  	[tilespmem:s11], [sflag:$0x4] =	stream.indirect_vreg.gather [hbm4b:s22+s3], $0x80, v5, vm0, $0xb8;
	[tilespmem:$0x19800] =	vst v63  }
0x973: {  	s11 =	simm.s32 $0x14800  }
0x974: {  	[tilespmem:s11], [sflag:$0x4] =	stream.indirect_vreg.gather [hbm4b:s23+s3], $0x80, v5, vm0, $0xb8;
	[tilespmem:$0x19800] =	vst v63  }
0x975: {  	s12 =	simm.s32 $0x15000  }
0x976: {  	[tilespmem:s12], [sflag:$0x4] =	stream.indirect_vreg.gather [hbm4b:s1+s3], $0x80, v4, vm0, $0xb8;
	[tilespmem:$0x19800] =	vst v63  }
0x977: {  	s8 =	simm.s32 $0x15800  }
0x978: {  	[tilespmem:s8], [sflag:$0x4] =	stream.indirect_vreg.gather [hbm4b:s22+s3], $0x80, v4, vm0, $0xb8;
	[tilespmem:$0x19800] =	vst v63  }
0x979: {  	s10 =	simm.s32 $0x16000  }
0x97a: {  	[tilespmem:s10], [sflag:$0x4] =	stream.indirect_vreg.gather [hbm4b:s23+s3], $0x80, v4, vm0, $0xb8;
	[tilespmem:$0x19800] =	vst v63  }
0x97b: {  	v4 =	vld [tilespmem:$0x1670];
	_ =	sdelay $0x4  }
0x97c: {  	v5 =	vshrl.u32 v4, $0x3  }
0x97d: {  	v5 =	vmul.u32 $0x30, v5  }
0x97e: {  	v4 =	vand.u32 $0x7, v4  }
0x97f: {  	v4 =	vor.u32 v4, v5  }
0x980: {  	v5 =	vperm.xlane v4, v1;
	_ =	sdelay $0x1  }
0x981: {  	v5 =	vadd.s32 v2, v5;
	_ =	sdelay $0x3  }
0x982: {  	s14 =	simm.s32 $0x16800;
	v4 =	vperm.xlane v4, v3  }
0x983: {  	[tilespmem:s14], [sflag:$0x4] =	stream.indirect_vreg.gather [hbm4b:s1+s3], $0x80, v5, vm0, $0xb8;
	[tilespmem:$0x19800] =	vst v63  }
0x984: {  	s13 =	simm.s32 $0x17000;
	v4 =	vadd.s32 v2, v4  }
0x985: {  	[tilespmem:s13], [sflag:$0x4] =	stream.indirect_vreg.gather [hbm4b:s22+s3], $0x80, v5, vm0, $0xb8;
	[tilespmem:$0x19800] =	vst v63  }
0x986: {  	s5 =	simm.s32 $0x17800  }
0x987: {  	[tilespmem:s5], [sflag:$0x4] =	stream.indirect_vreg.gather [hbm4b:s23+s3], $0x80, v5, vm0, $0xb8;
	[tilespmem:$0x19800] =	vst v63  }
0x988: {  	s16 =	simm.s32 $0x18000  }
0x989: {  	[tilespmem:s16], [sflag:$0x4] =	stream.indirect_vreg.gather [hbm4b:s1+s3], $0x80, v4, vm0, $0xb8;
	[tilespmem:$0x19800] =	vst v63  }
0x98a: {  	s9 =	simm.s32 $0x18800  }
0x98b: {  	[tilespmem:s9], [sflag:$0x4] =	stream.indirect_vreg.gather [hbm4b:s22+s3], $0x80, v4, vm0, $0xb8;
	[tilespmem:$0x19800] =	vst v63  }
0x98c: {  	s7 =	simm.s32 $0x19000  }
0x98d: {  	[tilespmem:s7], [sflag:$0x4] =	stream.indirect_vreg.gather [hbm4b:s23+s3], $0x80, v4, vm0, $0xb8;
	[tilespmem:$0x19800] =	vst v63  }
0x98e: {  	_ =	swait.ge [sflag:s19], $0x6000  }
0x98f: {  	s16 =	sld [smem:$0x7DA]  }
0x990: {  	[sflag:s19] =	ssyncset.done $0x0  }
0x991: {  	[sflag:s19] =	ssyncadd.s32 $0xFFFFA000  }
0x992: {  	[hbm4b:s16+s3] =	stream.linear.scatter [tilespmem:s17], [sflag:$0x7], $0x6000, $0x38;
	[tilespmem:$0x19800] =	vst v63  }
0x993: {  	_ =	swait.ge [sflag:s20], $0x6000  }
0x994: {  	[sflag:s20] =	ssyncset.done $0x0  }
0x995: {  	[sflag:s20] =	ssyncadd.s32 $0xFFFFA000  }
0x996: {  	v4 =	vld [tilespmem:$0x1680];
	_ =	sdelay $0x4  }
0x997: {  	v5 =	vshrl.u32 v4, $0x3  }
0x998: {  	v5 =	vmul.u32 $0x30, v5  }
0x999: {  	v4 =	vand.u32 $0x7, v4  }
0x99a: {  	v4 =	vor.u32 v4, v5  }
0x99b: {  	v5 =	vperm.xlane v4, v1;
	_ =	sdelay $0x1  }
0x99c: {  	v5 =	vadd.s32 v2, v5;
	_ =	sdelay $0x3  }
0x99d: {  	v4 =	vperm.xlane v4, v3  }
0x99e: {  	[tilespmem:s18], [sflag:$0x1] =	stream.indirect_vreg.gather [hbm4b:s1+s3], $0x80, v5, vm0, $0xb8;
	[tilespmem:$0x19800] =	vst v63  }
0x99f: {  	s16 =	simm.s32 $0x2000;
	v4 =	vadd.s32 v2, v4  }
0x9a0: {  	[tilespmem:s16], [sflag:$0x1] =	stream.indirect_vreg.gather [hbm4b:s22+s3], $0x80, v5, vm0, $0xb8;
	[tilespmem:$0x19800] =	vst v63  }
0x9a1: {  	s16 =	simm.s32 $0x2800  }
0x9a2: {  	[tilespmem:s16], [sflag:$0x1] =	stream.indirect_vreg.gather [hbm4b:s23+s3], $0x80, v5, vm0, $0xb8;
	[tilespmem:$0x19800] =	vst v63  }
0x9a3: {  	s16 =	simm.s32 $0x3000  }
0x9a4: {  	[tilespmem:s16], [sflag:$0x1] =	stream.indirect_vreg.gather [hbm4b:s1+s3], $0x80, v4, vm0, $0xb8;
	[tilespmem:$0x19800] =	vst v63  }
0x9a5: {  	s16 =	simm.s32 $0x3800  }
0x9a6: {  	[tilespmem:s16], [sflag:$0x1] =	stream.indirect_vreg.gather [hbm4b:s22+s3], $0x80, v4, vm0, $0xb8;
	[tilespmem:$0x19800] =	vst v63  }
0x9a7: {  	s16 =	simm.s32 $0x4000  }
0x9a8: {  	[tilespmem:s16], [sflag:$0x1] =	stream.indirect_vreg.gather [hbm4b:s23+s3], $0x80, v4, vm0, $0xb8;
	[tilespmem:$0x19800] =	vst v63  }
0x9a9: {  	v4 =	vld [tilespmem:$0x1690];
	_ =	sdelay $0x4  }
0x9aa: {  	v5 =	vshrl.u32 v4, $0x3  }
0x9ab: {  	v5 =	vmul.u32 $0x30, v5  }
0x9ac: {  	v4 =	vand.u32 $0x7, v4  }
0x9ad: {  	v4 =	vor.u32 v4, v5  }
0x9ae: {  	v5 =	vperm.xlane v4, v1;
	_ =	sdelay $0x1  }
0x9af: {  	v5 =	vadd.s32 v2, v5;
	_ =	sdelay $0x3  }
0x9b0: {  	s16 =	simm.s32 $0x4800;
	v4 =	vperm.xlane v4, v3  }
0x9b1: {  	[tilespmem:s16], [sflag:$0x1] =	stream.indirect_vreg.gather [hbm4b:s1+s3], $0x80, v5, vm0, $0xb8;
	[tilespmem:$0x19800] =	vst v63  }
0x9b2: {  	v4 =	vadd.s32 v2, v4;
	s16 =	simm.s32 $0x5000  }
0x9b3: {  	[tilespmem:s16], [sflag:$0x1] =	stream.indirect_vreg.gather [hbm4b:s22+s3], $0x80, v5, vm0, $0xb8;
	[tilespmem:$0x19800] =	vst v63  }
0x9b4: {  	s16 =	simm.s32 $0x5800  }
0x9b5: {  	[tilespmem:s16], [sflag:$0x1] =	stream.indirect_vreg.gather [hbm4b:s23+s3], $0x80, v5, vm0, $0xb8;
	[tilespmem:$0x19800] =	vst v63  }
0x9b6: {  	s16 =	simm.s32 $0x6000  }
0x9b7: {  	[tilespmem:s16], [sflag:$0x1] =	stream.indirect_vreg.gather [hbm4b:s1+s3], $0x80, v4, vm0, $0xb8;
	[tilespmem:$0x19800] =	vst v63  }
0x9b8: {  	s16 =	simm.s32 $0x6800  }
0x9b9: {  	[tilespmem:s16], [sflag:$0x1] =	stream.indirect_vreg.gather [hbm4b:s22+s3], $0x80, v4, vm0, $0xb8;
	[tilespmem:$0x19800] =	vst v63  }
0x9ba: {  	s16 =	simm.s32 $0x7000  }
0x9bb: {  	[tilespmem:s16], [sflag:$0x1] =	stream.indirect_vreg.gather [hbm4b:s23+s3], $0x80, v4, vm0, $0xb8;
	[tilespmem:$0x19800] =	vst v63  }
0x9bc: {  	_ =	swait.ge [sflag:s24], $0x6000  }
0x9bd: {  	s16 =	sld [smem:$0x7DB]  }
0x9be: {  	[sflag:s24] =	ssyncset.done $0x0  }
0x9bf: {  	[sflag:s24] =	ssyncadd.s32 $0xFFFFA000  }
0x9c0: {  	[hbm4b:s16+s3] =	stream.linear.scatter [tilespmem:s6], [sflag:$0x8], $0x6000, $0x38;
	[tilespmem:$0x19800] =	vst v63  }
0x9c1: {  	_ =	swait.ge [sflag:s25], $0x6000  }
0x9c2: {  	[sflag:s25] =	ssyncset.done $0x0  }
0x9c3: {  	[sflag:s25] =	ssyncadd.s32 $0xFFFFA000  }
0x9c4: {  	v4 =	vld [tilespmem:$0x16A0];
	_ =	sdelay $0x4  }
0x9c5: {  	v5 =	vshrl.u32 v4, $0x3  }
0x9c6: {  	v5 =	vmul.u32 $0x30, v5  }
0x9c7: {  	v4 =	vand.u32 $0x7, v4  }
0x9c8: {  	v4 =	vor.u32 v4, v5  }
0x9c9: {  	v5 =	vperm.xlane v4, v1;
	_ =	sdelay $0x1  }
0x9ca: {  	v5 =	vadd.s32 v2, v5;
	_ =	sdelay $0x3  }
0x9cb: {  	v4 =	vperm.xlane v4, v3  }
0x9cc: {  	[tilespmem:s4], [sflag:$0x2] =	stream.indirect_vreg.gather [hbm4b:s1+s3], $0x80, v5, vm0, $0xb8;
	[tilespmem:$0x19800] =	vst v63  }
0x9cd: {  	s16 =	simm.s32 $0x8000;
	v4 =	vadd.s32 v2, v4  }
0x9ce: {  	[tilespmem:s16], [sflag:$0x2] =	stream.indirect_vreg.gather [hbm4b:s22+s3], $0x80, v5, vm0, $0xb8;
	[tilespmem:$0x19800] =	vst v63  }
0x9cf: {  	s16 =	simm.s32 $0x8800  }
0x9d0: {  	[tilespmem:s16], [sflag:$0x2] =	stream.indirect_vreg.gather [hbm4b:s23+s3], $0x80, v5, vm0, $0xb8;
	[tilespmem:$0x19800] =	vst v63  }
0x9d1: {  	s16 =	simm.s32 $0x9000  }
0x9d2: {  	[tilespmem:s16], [sflag:$0x2] =	stream.indirect_vreg.gather [hbm4b:s1+s3], $0x80, v4, vm0, $0xb8;
	[tilespmem:$0x19800] =	vst v63  }
0x9d3: {  	s16 =	simm.s32 $0x9800  }
0x9d4: {  	[tilespmem:s16], [sflag:$0x2] =	stream.indirect_vreg.gather [hbm4b:s22+s3], $0x80, v4, vm0, $0xb8;
	[tilespmem:$0x19800] =	vst v63  }
0x9d5: {  	s16 =	simm.s32 $0xA000  }
0x9d6: {  	[tilespmem:s16], [sflag:$0x2] =	stream.indirect_vreg.gather [hbm4b:s23+s3], $0x80, v4, vm0, $0xb8;
	[tilespmem:$0x19800] =	vst v63  }
0x9d7: {  	v4 =	vld [tilespmem:$0x16B0];
	_ =	sdelay $0x4  }
0x9d8: {  	v5 =	vshrl.u32 v4, $0x3  }
0x9d9: {  	v5 =	vmul.u32 $0x30, v5  }
0x9da: {  	v4 =	vand.u32 $0x7, v4  }
0x9db: {  	v4 =	vor.u32 v4, v5  }
0x9dc: {  	v5 =	vperm.xlane v4, v1;
	_ =	sdelay $0x1  }
0x9dd: {  	v5 =	vadd.s32 v2, v5;
	_ =	sdelay $0x3  }
0x9de: {  	s16 =	simm.s32 $0xA800;
	v4 =	vperm.xlane v4, v3  }
0x9df: {  	[tilespmem:s16], [sflag:$0x2] =	stream.indirect_vreg.gather [hbm4b:s1+s3], $0x80, v5, vm0, $0xb8;
	[tilespmem:$0x19800] =	vst v63  }
0x9e0: {  	v4 =	vadd.s32 v2, v4;
	s16 =	simm.s32 $0xB000  }
0x9e1: {  	[tilespmem:s16], [sflag:$0x2] =	stream.indirect_vreg.gather [hbm4b:s22+s3], $0x80, v5, vm0, $0xb8;
	[tilespmem:$0x19800] =	vst v63  }
0x9e2: {  	s16 =	simm.s32 $0xB800  }
0x9e3: {  	[tilespmem:s16], [sflag:$0x2] =	stream.indirect_vreg.gather [hbm4b:s23+s3], $0x80, v5, vm0, $0xb8;
	[tilespmem:$0x19800] =	vst v63  }
0x9e4: {  	s16 =	simm.s32 $0xC000  }
0x9e5: {  	[tilespmem:s16], [sflag:$0x2] =	stream.indirect_vreg.gather [hbm4b:s1+s3], $0x80, v4, vm0, $0xb8;
	[tilespmem:$0x19800] =	vst v63  }
0x9e6: {  	s16 =	simm.s32 $0xC800  }
0x9e7: {  	[tilespmem:s16], [sflag:$0x2] =	stream.indirect_vreg.gather [hbm4b:s22+s3], $0x80, v4, vm0, $0xb8;
	[tilespmem:$0x19800] =	vst v63  }
0x9e8: {  	s16 =	simm.s32 $0xD000  }
0x9e9: {  	[tilespmem:s16], [sflag:$0x2] =	stream.indirect_vreg.gather [hbm4b:s23+s3], $0x80, v4, vm0, $0xb8;
	[tilespmem:$0x19800] =	vst v63  }
0x9ea: {  	_ =	swait.ge [sflag:s21], $0x6000  }
0x9eb: {  	s16 =	sld [smem:$0x7DC]  }
0x9ec: {  	[sflag:s21] =	ssyncset.done $0x0  }
0x9ed: {  	[sflag:s21] =	ssyncadd.s32 $0xFFFFA000  }
0x9ee: {  	[hbm4b:s16+s3] =	stream.linear.scatter [tilespmem:s18], [sflag:$0x5], $0x6000, $0x38;
	[tilespmem:$0x19800] =	vst v63  }
0x9ef: {  	_ =	swait.ge [sflag:s26], $0x6000  }
0x9f0: {  	[sflag:s26] =	ssyncset.done $0x0  }
0x9f1: {  	[sflag:s26] =	ssyncadd.s32 $0xFFFFA000  }
0x9f2: {  	v4 =	vld [tilespmem:$0x16C0];
	_ =	sdelay $0x4  }
0x9f3: {  	v5 =	vshrl.u32 v4, $0x3  }
0x9f4: {  	v5 =	vmul.u32 $0x30, v5  }
0x9f5: {  	v4 =	vand.u32 $0x7, v4  }
0x9f6: {  	v4 =	vor.u32 v4, v5  }
0x9f7: {  	v5 =	vperm.xlane v4, v1;
	_ =	sdelay $0x1  }
0x9f8: {  	v5 =	vadd.s32 v2, v5;
	_ =	sdelay $0x3  }
0x9f9: {  	v4 =	vperm.xlane v4, v3  }
0x9fa: {  	[tilespmem:s17], [sflag:$0x3] =	stream.indirect_vreg.gather [hbm4b:s1+s3], $0x80, v5, vm0, $0xb8;
	[tilespmem:$0x19800] =	vst v63  }
0x9fb: {  	s29 =	simm.s32 $0xE000;
	v4 =	vadd.s32 v2, v4  }
0x9fc: {  	[tilespmem:s29], [sflag:$0x3] =	stream.indirect_vreg.gather [hbm4b:s22+s3], $0x80, v5, vm0, $0xb8;
	[tilespmem:$0x19800] =	vst v63  }
0x9fd: {  	s16 =	simm.s32 $0xE800  }
0x9fe: {  	[tilespmem:s16], [sflag:$0x3] =	stream.indirect_vreg.gather [hbm4b:s23+s3], $0x80, v5, vm0, $0xb8;
	[tilespmem:$0x19800] =	vst v63  }
0x9ff: {  	s15 =	simm.s32 $0xF000  }
0xa00: {  	[tilespmem:s15], [sflag:$0x3] =	stream.indirect_vreg.gather [hbm4b:s1+s3], $0x80, v4, vm0, $0xb8;
	[tilespmem:$0x19800] =	vst v63  }
0xa01: {  	s31 =	simm.s32 $0xF800  }
0xa02: {  	[tilespmem:s31], [sflag:$0x3] =	stream.indirect_vreg.gather [hbm4b:s22+s3], $0x80, v4, vm0, $0xb8;
	[tilespmem:$0x19800] =	vst v63  }
0xa03: {  	s31 =	simm.s32 $0x10000  }
0xa04: {  	[tilespmem:s31], [sflag:$0x3] =	stream.indirect_vreg.gather [hbm4b:s23+s3], $0x80, v4, vm0, $0xb8;
	[tilespmem:$0x19800] =	vst v63  }
0xa05: {  	v4 =	vld [tilespmem:$0x16D0];
	_ =	sdelay $0x4  }
0xa06: {  	v5 =	vshrl.u32 v4, $0x3  }
0xa07: {  	v5 =	vmul.u32 $0x30, v5  }
0xa08: {  	v4 =	vand.u32 $0x7, v4  }
0xa09: {  	v4 =	vor.u32 v4, v5  }
0xa0a: {  	v5 =	vperm.xlane v4, v1;
	_ =	sdelay $0x1  }
0xa0b: {  	v5 =	vadd.s32 v2, v5;
	_ =	sdelay $0x3  }
0xa0c: {  	s31 =	simm.s32 $0x10800;
	v4 =	vperm.xlane v4, v3  }
0xa0d: {  	[tilespmem:s31], [sflag:$0x3] =	stream.indirect_vreg.gather [hbm4b:s1+s3], $0x80, v5, vm0, $0xb8;
	[tilespmem:$0x19800] =	vst v63  }
0xa0e: {  	v4 =	vadd.s32 v2, v4;
	s31 =	simm.s32 $0x11000  }
0xa0f: {  	[tilespmem:s31], [sflag:$0x3] =	stream.indirect_vreg.gather [hbm4b:s22+s3], $0x80, v5, vm0, $0xb8;
	[tilespmem:$0x19800] =	vst v63  }
0xa10: {  	s31 =	simm.s32 $0x11800  }
0xa11: {  	[tilespmem:s31], [sflag:$0x3] =	stream.indirect_vreg.gather [hbm4b:s23+s3], $0x80, v5, vm0, $0xb8;
	[tilespmem:$0x19800] =	vst v63  }
0xa12: {  	s31 =	simm.s32 $0x12000  }
0xa13: {  	[tilespmem:s31], [sflag:$0x3] =	stream.indirect_vreg.gather [hbm4b:s1+s3], $0x80, v4, vm0, $0xb8;
	[tilespmem:$0x19800] =	vst v63  }
0xa14: {  	s31 =	simm.s32 $0x12800  }
0xa15: {  	[tilespmem:s31], [sflag:$0x3] =	stream.indirect_vreg.gather [hbm4b:s22+s3], $0x80, v4, vm0, $0xb8;
	[tilespmem:$0x19800] =	vst v63  }
0xa16: {  	s31 =	simm.s32 $0x13000  }
0xa17: {  	[tilespmem:s31], [sflag:$0x3] =	stream.indirect_vreg.gather [hbm4b:s23+s3], $0x80, v4, vm0, $0xb8;
	[tilespmem:$0x19800] =	vst v63  }
0xa18: {  	_ =	swait.ge [sflag:s0], $0x6000  }
0xa19: {  	s31 =	sld [smem:$0x7DD]  }
0xa1a: {  	[sflag:s0] =	ssyncset.done $0x0  }
0xa1b: {  	[sflag:s0] =	ssyncadd.s32 $0xFFFFA000  }
0xa1c: {  	[hbm4b:s31+s3] =	stream.linear.scatter [tilespmem:s4], [sflag:$0x6], $0x6000, $0x38;
	[tilespmem:$0x19800] =	vst v63  }
0xa1d: {  	_ =	swait.ge [sflag:s28], $0x6000  }
0xa1e: {  	[sflag:s28] =	ssyncset.done $0x0  }
0xa1f: {  	[sflag:s28] =	ssyncadd.s32 $0xFFFFA000  }
0xa20: {  	v4 =	vld [tilespmem:$0x16E0];
	_ =	sdelay $0x4  }
0xa21: {  	v5 =	vshrl.u32 v4, $0x3  }
0xa22: {  	v5 =	vmul.u32 $0x30, v5  }
0xa23: {  	v4 =	vand.u32 $0x7, v4  }
0xa24: {  	v4 =	vor.u32 v4, v5  }
0xa25: {  	v5 =	vperm.xlane v4, v1;
	_ =	sdelay $0x1  }
0xa26: {  	v5 =	vadd.s32 v2, v5;
	_ =	sdelay $0x3  }
0xa27: {  	v4 =	vperm.xlane v4, v3  }
0xa28: {  	[tilespmem:s6], [sflag:$0x4] =	stream.indirect_vreg.gather [hbm4b:s1+s3], $0x80, v5, vm0, $0xb8;
	[tilespmem:$0x19800] =	vst v63  }
0xa29: {  	s30 =	simm.s32 $0x14000;
	v4 =	vadd.s32 v2, v4  }
0xa2a: {  	[tilespmem:s30], [sflag:$0x4] =	stream.indirect_vreg.gather [hbm4b:s22+s3], $0x80, v5, vm0, $0xb8;
	[tilespmem:$0x19800] =	vst v63  }
0xa2b: {  	s31 =	simm.s32 $0x14800  }
0xa2c: {  	[tilespmem:s31], [sflag:$0x4] =	stream.indirect_vreg.gather [hbm4b:s23+s3], $0x80, v5, vm0, $0xb8;
	[tilespmem:$0x19800] =	vst v63  }
0xa2d: {  	s12 =	simm.s32 $0x15000  }
0xa2e: {  	[tilespmem:s12], [sflag:$0x4] =	stream.indirect_vreg.gather [hbm4b:s1+s3], $0x80, v4, vm0, $0xb8;
	[tilespmem:$0x19800] =	vst v63  }
0xa2f: {  	s11 =	simm.s32 $0x15800  }
0xa30: {  	[tilespmem:s11], [sflag:$0x4] =	stream.indirect_vreg.gather [hbm4b:s22+s3], $0x80, v4, vm0, $0xb8;
	[tilespmem:$0x19800] =	vst v63  }
0xa31: {  	s8 =	simm.s32 $0x16000  }
0xa32: {  	[tilespmem:s8], [sflag:$0x4] =	stream.indirect_vreg.gather [hbm4b:s23+s3], $0x80, v4, vm0, $0xb8;
	[tilespmem:$0x19800] =	vst v63  }
0xa33: {  	v4 =	vld [tilespmem:$0x16F0];
	_ =	sdelay $0x4  }
0xa34: {  	v5 =	vshrl.u32 v4, $0x3  }
0xa35: {  	v5 =	vmul.u32 $0x30, v5  }
0xa36: {  	v4 =	vand.u32 $0x7, v4  }
0xa37: {  	v4 =	vor.u32 v4, v5  }
0xa38: {  	v5 =	vperm.xlane v4, v1;
	_ =	sdelay $0x1  }
0xa39: {  	v5 =	vadd.s32 v2, v5;
	_ =	sdelay $0x3  }
0xa3a: {  	s10 =	simm.s32 $0x16800;
	v4 =	vperm.xlane v4, v3  }
0xa3b: {  	[tilespmem:s10], [sflag:$0x4] =	stream.indirect_vreg.gather [hbm4b:s1+s3], $0x80, v5, vm0, $0xb8;
	[tilespmem:$0x19800] =	vst v63  }
0xa3c: {  	s13 =	simm.s32 $0x17000;
	v4 =	vadd.s32 v2, v4  }
0xa3d: {  	[tilespmem:s13], [sflag:$0x4] =	stream.indirect_vreg.gather [hbm4b:s22+s3], $0x80, v5, vm0, $0xb8;
	[tilespmem:$0x19800] =	vst v63  }
0xa3e: {  	s5 =	simm.s32 $0x17800  }
0xa3f: {  	[tilespmem:s5], [sflag:$0x4] =	stream.indirect_vreg.gather [hbm4b:s23+s3], $0x80, v5, vm0, $0xb8;
	[tilespmem:$0x19800] =	vst v63  }
0xa40: {  	s14 =	simm.s32 $0x18000  }
0xa41: {  	[tilespmem:s14], [sflag:$0x4] =	stream.indirect_vreg.gather [hbm4b:s1+s3], $0x80, v4, vm0, $0xb8;
	[tilespmem:$0x19800] =	vst v63  }
0xa42: {  	s9 =	simm.s32 $0x18800  }
0xa43: {  	[tilespmem:s9], [sflag:$0x4] =	stream.indirect_vreg.gather [hbm4b:s22+s3], $0x80, v4, vm0, $0xb8;
	[tilespmem:$0x19800] =	vst v63  }
0xa44: {  	s7 =	simm.s32 $0x19000  }
0xa45: {  	[tilespmem:s7], [sflag:$0x4] =	stream.indirect_vreg.gather [hbm4b:s23+s3], $0x80, v4, vm0, $0xb8;
	[tilespmem:$0x19800] =	vst v63  }
0xa46: {  	_ =	swait.ge [sflag:s19], $0x6000  }
0xa47: {  	s10 =	sld [smem:$0x7DE]  }
0xa48: {  	[sflag:s19] =	ssyncset.done $0x0  }
0xa49: {  	[sflag:s19] =	ssyncadd.s32 $0xFFFFA000  }
0xa4a: {  	[hbm4b:s10+s3] =	stream.linear.scatter [tilespmem:s17], [sflag:$0x7], $0x6000, $0x38;
	[tilespmem:$0x19800] =	vst v63  }
0xa4b: {  	_ =	swait.ge [sflag:s20], $0x6000  }
0xa4c: {  	[sflag:s20] =	ssyncset.done $0x0  }
0xa4d: {  	[sflag:s20] =	ssyncadd.s32 $0xFFFFA000  }
0xa4e: {  	v4 =	vld [tilespmem:$0x1700];
	_ =	sdelay $0x4  }
0xa4f: {  	v5 =	vshrl.u32 v4, $0x3  }
0xa50: {  	v5 =	vmul.u32 $0x30, v5  }
0xa51: {  	v4 =	vand.u32 $0x7, v4  }
0xa52: {  	v4 =	vor.u32 v4, v5  }
0xa53: {  	v5 =	vperm.xlane v4, v1;
	_ =	sdelay $0x1  }
0xa54: {  	v5 =	vadd.s32 v2, v5;
	_ =	sdelay $0x3  }
0xa55: {  	v4 =	vperm.xlane v4, v3  }
0xa56: {  	[tilespmem:s18], [sflag:$0x1] =	stream.indirect_vreg.gather [hbm4b:s1+s3], $0x80, v5, vm0, $0xb8;
	[tilespmem:$0x19800] =	vst v63  }
0xa57: {  	s5 =	simm.s32 $0x2000;
	v4 =	vadd.s32 v2, v4  }
0xa58: {  	[tilespmem:s5], [sflag:$0x1] =	stream.indirect_vreg.gather [hbm4b:s22+s3], $0x80, v5, vm0, $0xb8;
	[tilespmem:$0x19800] =	vst v63  }
0xa59: {  	s7 =	simm.s32 $0x2800  }
0xa5a: {  	[tilespmem:s7], [sflag:$0x1] =	stream.indirect_vreg.gather [hbm4b:s23+s3], $0x80, v5, vm0, $0xb8;
	[tilespmem:$0x19800] =	vst v63  }
0xa5b: {  	s10 =	simm.s32 $0x3000  }
0xa5c: {  	[tilespmem:s10], [sflag:$0x1] =	stream.indirect_vreg.gather [hbm4b:s1+s3], $0x80, v4, vm0, $0xb8;
	[tilespmem:$0x19800] =	vst v63  }
0xa5d: {  	s5 =	simm.s32 $0x3800  }
0xa5e: {  	[tilespmem:s5], [sflag:$0x1] =	stream.indirect_vreg.gather [hbm4b:s22+s3], $0x80, v4, vm0, $0xb8;
	[tilespmem:$0x19800] =	vst v63  }
0xa5f: {  	s7 =	simm.s32 $0x4000  }
0xa60: {  	[tilespmem:s7], [sflag:$0x1] =	stream.indirect_vreg.gather [hbm4b:s23+s3], $0x80, v4, vm0, $0xb8;
	[tilespmem:$0x19800] =	vst v63  }
0xa61: {  	v4 =	vld [tilespmem:$0x1710];
	_ =	sdelay $0x4  }
0xa62: {  	v5 =	vshrl.u32 v4, $0x3  }
0xa63: {  	v5 =	vmul.u32 $0x30, v5  }
0xa64: {  	v4 =	vand.u32 $0x7, v4  }
0xa65: {  	v4 =	vor.u32 v4, v5  }
0xa66: {  	v5 =	vperm.xlane v4, v1;
	_ =	sdelay $0x1  }
0xa67: {  	v5 =	vadd.s32 v2, v5;
	_ =	sdelay $0x3  }
0xa68: {  	s10 =	simm.s32 $0x4800;
	v4 =	vperm.xlane v4, v3  }
0xa69: {  	[tilespmem:s10], [sflag:$0x1] =	stream.indirect_vreg.gather [hbm4b:s1+s3], $0x80, v5, vm0, $0xb8;
	[tilespmem:$0x19800] =	vst v63  }
0xa6a: {  	s5 =	simm.s32 $0x5000;
	v4 =	vadd.s32 v2, v4  }
0xa6b: {  	[tilespmem:s5], [sflag:$0x1] =	stream.indirect_vreg.gather [hbm4b:s22+s3], $0x80, v5, vm0, $0xb8;
	[tilespmem:$0x19800] =	vst v63  }
0xa6c: {  	s7 =	simm.s32 $0x5800  }
0xa6d: {  	[tilespmem:s7], [sflag:$0x1] =	stream.indirect_vreg.gather [hbm4b:s23+s3], $0x80, v5, vm0, $0xb8;
	[tilespmem:$0x19800] =	vst v63  }
0xa6e: {  	s10 =	simm.s32 $0x6000  }
0xa6f: {  	[tilespmem:s10], [sflag:$0x1] =	stream.indirect_vreg.gather [hbm4b:s1+s3], $0x80, v4, vm0, $0xb8;
	[tilespmem:$0x19800] =	vst v63  }
0xa70: {  	s5 =	simm.s32 $0x6800  }
0xa71: {  	[tilespmem:s5], [sflag:$0x1] =	stream.indirect_vreg.gather [hbm4b:s22+s3], $0x80, v4, vm0, $0xb8;
	[tilespmem:$0x19800] =	vst v63  }
0xa72: {  	s7 =	simm.s32 $0x7000  }
0xa73: {  	[tilespmem:s7], [sflag:$0x1] =	stream.indirect_vreg.gather [hbm4b:s23+s3], $0x80, v4, vm0, $0xb8;
	[tilespmem:$0x19800] =	vst v63  }
0xa74: {  	_ =	swait.ge [sflag:s24], $0x6000  }
0xa75: {  	s10 =	sld [smem:$0x7DF]  }
0xa76: {  	[sflag:s24] =	ssyncset.done $0x0  }
0xa77: {  	[sflag:s24] =	ssyncadd.s32 $0xFFFFA000  }
0xa78: {  	[hbm4b:s10+s3] =	stream.linear.scatter [tilespmem:s6], [sflag:$0x8], $0x6000, $0x38;
	[tilespmem:$0x19800] =	vst v63  }
0xa79: {  	_ =	swait.ge [sflag:s25], $0x6000  }
0xa7a: {  	[sflag:s25] =	ssyncset.done $0x0  }
0xa7b: {  	[sflag:s25] =	ssyncadd.s32 $0xFFFFA000  }
0xa7c: {  	v4 =	vld [tilespmem:$0x1720];
	_ =	sdelay $0x4  }
0xa7d: {  	v5 =	vshrl.u32 v4, $0x3  }
0xa7e: {  	v5 =	vmul.u32 $0x30, v5  }
0xa7f: {  	v4 =	vand.u32 $0x7, v4  }
0xa80: {  	v4 =	vor.u32 v4, v5  }
0xa81: {  	v5 =	vperm.xlane v4, v1;
	_ =	sdelay $0x1  }
0xa82: {  	v5 =	vadd.s32 v2, v5;
	_ =	sdelay $0x3  }
0xa83: {  	v4 =	vperm.xlane v4, v3  }
0xa84: {  	[tilespmem:s4], [sflag:$0x2] =	stream.indirect_vreg.gather [hbm4b:s1+s3], $0x80, v5, vm0, $0xb8;
	[tilespmem:$0x19800] =	vst v63  }
0xa85: {  	s5 =	simm.s32 $0x8000;
	v4 =	vadd.s32 v2, v4  }
0xa86: {  	[tilespmem:s5], [sflag:$0x2] =	stream.indirect_vreg.gather [hbm4b:s22+s3], $0x80, v5, vm0, $0xb8;
	[tilespmem:$0x19800] =	vst v63  }
0xa87: {  	s7 =	simm.s32 $0x8800  }
0xa88: {  	[tilespmem:s7], [sflag:$0x2] =	stream.indirect_vreg.gather [hbm4b:s23+s3], $0x80, v5, vm0, $0xb8;
	[tilespmem:$0x19800] =	vst v63  }
0xa89: {  	s10 =	simm.s32 $0x9000  }
0xa8a: {  	[tilespmem:s10], [sflag:$0x2] =	stream.indirect_vreg.gather [hbm4b:s1+s3], $0x80, v4, vm0, $0xb8;
	[tilespmem:$0x19800] =	vst v63  }
0xa8b: {  	s5 =	simm.s32 $0x9800  }
0xa8c: {  	[tilespmem:s5], [sflag:$0x2] =	stream.indirect_vreg.gather [hbm4b:s22+s3], $0x80, v4, vm0, $0xb8;
	[tilespmem:$0x19800] =	vst v63  }
0xa8d: {  	s7 =	simm.s32 $0xA000  }
0xa8e: {  	[tilespmem:s7], [sflag:$0x2] =	stream.indirect_vreg.gather [hbm4b:s23+s3], $0x80, v4, vm0, $0xb8;
	[tilespmem:$0x19800] =	vst v63  }
0xa8f: {  	v4 =	vld [tilespmem:$0x1730];
	_ =	sdelay $0x4  }
0xa90: {  	v5 =	vshrl.u32 v4, $0x3  }
0xa91: {  	v5 =	vmul.u32 $0x30, v5  }
0xa92: {  	v4 =	vand.u32 $0x7, v4  }
0xa93: {  	v4 =	vor.u32 v4, v5  }
0xa94: {  	v5 =	vperm.xlane v4, v1;
	_ =	sdelay $0x1  }
0xa95: {  	v5 =	vadd.s32 v2, v5;
	_ =	sdelay $0x3  }
0xa96: {  	s10 =	simm.s32 $0xA800;
	v4 =	vperm.xlane v4, v3  }
0xa97: {  	[tilespmem:s10], [sflag:$0x2] =	stream.indirect_vreg.gather [hbm4b:s1+s3], $0x80, v5, vm0, $0xb8;
	[tilespmem:$0x19800] =	vst v63  }
0xa98: {  	s5 =	simm.s32 $0xB000;
	v4 =	vadd.s32 v2, v4  }
0xa99: {  	[tilespmem:s5], [sflag:$0x2] =	stream.indirect_vreg.gather [hbm4b:s22+s3], $0x80, v5, vm0, $0xb8;
	[tilespmem:$0x19800] =	vst v63  }
0xa9a: {  	s7 =	simm.s32 $0xB800  }
0xa9b: {  	[tilespmem:s7], [sflag:$0x2] =	stream.indirect_vreg.gather [hbm4b:s23+s3], $0x80, v5, vm0, $0xb8;
	[tilespmem:$0x19800] =	vst v63  }
0xa9c: {  	s10 =	simm.s32 $0xC000  }
0xa9d: {  	[tilespmem:s10], [sflag:$0x2] =	stream.indirect_vreg.gather [hbm4b:s1+s3], $0x80, v4, vm0, $0xb8;
	[tilespmem:$0x19800] =	vst v63  }
0xa9e: {  	s5 =	simm.s32 $0xC800  }
0xa9f: {  	[tilespmem:s5], [sflag:$0x2] =	stream.indirect_vreg.gather [hbm4b:s22+s3], $0x80, v4, vm0, $0xb8;
	[tilespmem:$0x19800] =	vst v63  }
0xaa0: {  	s7 =	simm.s32 $0xD000  }
0xaa1: {  	[tilespmem:s7], [sflag:$0x2] =	stream.indirect_vreg.gather [hbm4b:s23+s3], $0x80, v4, vm0, $0xb8;
	[tilespmem:$0x19800] =	vst v63  }
0xaa2: {  	_ =	swait.ge [sflag:s21], $0x6000  }
0xaa3: {  	s10 =	sld [smem:$0x7E0]  }
0xaa4: {  	[sflag:s21] =	ssyncset.done $0x0  }
0xaa5: {  	[sflag:s21] =	ssyncadd.s32 $0xFFFFA000  }
0xaa6: {  	[hbm4b:s10+s3] =	stream.linear.scatter [tilespmem:s18], [sflag:$0x5], $0x6000, $0x38;
	[tilespmem:$0x19800] =	vst v63  }
0xaa7: {  	_ =	swait.ge [sflag:s26], $0x6000  }
0xaa8: {  	[sflag:s26] =	ssyncset.done $0x0  }
0xaa9: {  	[sflag:s26] =	ssyncadd.s32 $0xFFFFA000  }
0xaaa: {  	v4 =	vld [tilespmem:$0x1740];
	_ =	sdelay $0x4  }
0xaab: {  	v5 =	vshrl.u32 v4, $0x3  }
0xaac: {  	v5 =	vmul.u32 $0x30, v5  }
0xaad: {  	v4 =	vand.u32 $0x7, v4  }
0xaae: {  	v4 =	vor.u32 v4, v5  }
0xaaf: {  	v5 =	vperm.xlane v4, v1;
	_ =	sdelay $0x1  }
0xab0: {  	v5 =	vadd.s32 v2, v5;
	_ =	sdelay $0x3  }
0xab1: {  	v4 =	vperm.xlane v4, v3  }
0xab2: {  	[tilespmem:s17], [sflag:$0x3] =	stream.indirect_vreg.gather [hbm4b:s1+s3], $0x80, v5, vm0, $0xb8;
	[tilespmem:$0x19800] =	vst v63  }
0xab3: {  	s29 =	simm.s32 $0xE000;
	v4 =	vadd.s32 v2, v4  }
0xab4: {  	[tilespmem:s29], [sflag:$0x3] =	stream.indirect_vreg.gather [hbm4b:s22+s3], $0x80, v5, vm0, $0xb8;
	[tilespmem:$0x19800] =	vst v63  }
0xab5: {  	s16 =	simm.s32 $0xE800  }
0xab6: {  	[tilespmem:s16], [sflag:$0x3] =	stream.indirect_vreg.gather [hbm4b:s23+s3], $0x80, v5, vm0, $0xb8;
	[tilespmem:$0x19800] =	vst v63  }
0xab7: {  	s15 =	simm.s32 $0xF000  }
0xab8: {  	[tilespmem:s15], [sflag:$0x3] =	stream.indirect_vreg.gather [hbm4b:s1+s3], $0x80, v4, vm0, $0xb8;
	[tilespmem:$0x19800] =	vst v63  }
0xab9: {  	s29 =	simm.s32 $0xF800  }
0xaba: {  	[tilespmem:s29], [sflag:$0x3] =	stream.indirect_vreg.gather [hbm4b:s22+s3], $0x80, v4, vm0, $0xb8;
	[tilespmem:$0x19800] =	vst v63  }
0xabb: {  	s7 =	simm.s32 $0x10000  }
0xabc: {  	[tilespmem:s7], [sflag:$0x3] =	stream.indirect_vreg.gather [hbm4b:s23+s3], $0x80, v4, vm0, $0xb8;
	[tilespmem:$0x19800] =	vst v63  }
0xabd: {  	v4 =	vld [tilespmem:$0x1750];
	_ =	sdelay $0x4  }
0xabe: {  	v5 =	vshrl.u32 v4, $0x3  }
0xabf: {  	v5 =	vmul.u32 $0x30, v5  }
0xac0: {  	v4 =	vand.u32 $0x7, v4  }
0xac1: {  	v4 =	vor.u32 v4, v5  }
0xac2: {  	v5 =	vperm.xlane v4, v1;
	_ =	sdelay $0x1  }
0xac3: {  	v5 =	vadd.s32 v2, v5;
	_ =	sdelay $0x3  }
0xac4: {  	s15 =	simm.s32 $0x10800;
	v4 =	vperm.xlane v4, v3  }
0xac5: {  	[tilespmem:s15], [sflag:$0x3] =	stream.indirect_vreg.gather [hbm4b:s1+s3], $0x80, v5, vm0, $0xb8;
	[tilespmem:$0x19800] =	vst v63  }
0xac6: {  	s29 =	simm.s32 $0x11000;
	v4 =	vadd.s32 v2, v4  }
0xac7: {  	[tilespmem:s29], [sflag:$0x3] =	stream.indirect_vreg.gather [hbm4b:s22+s3], $0x80, v5, vm0, $0xb8;
	[tilespmem:$0x19800] =	vst v63  }
0xac8: {  	s7 =	simm.s32 $0x11800  }
0xac9: {  	[tilespmem:s7], [sflag:$0x3] =	stream.indirect_vreg.gather [hbm4b:s23+s3], $0x80, v5, vm0, $0xb8;
	[tilespmem:$0x19800] =	vst v63  }
0xaca: {  	s15 =	simm.s32 $0x12000  }
0xacb: {  	[tilespmem:s15], [sflag:$0x3] =	stream.indirect_vreg.gather [hbm4b:s1+s3], $0x80, v4, vm0, $0xb8;
	[tilespmem:$0x19800] =	vst v63  }
0xacc: {  	s29 =	simm.s32 $0x12800  }
0xacd: {  	[tilespmem:s29], [sflag:$0x3] =	stream.indirect_vreg.gather [hbm4b:s22+s3], $0x80, v4, vm0, $0xb8;
	[tilespmem:$0x19800] =	vst v63  }
0xace: {  	s7 =	simm.s32 $0x13000  }
0xacf: {  	[tilespmem:s7], [sflag:$0x3] =	stream.indirect_vreg.gather [hbm4b:s23+s3], $0x80, v4, vm0, $0xb8;
	[tilespmem:$0x19800] =	vst v63  }
0xad0: {  	_ =	swait.ge [sflag:s0], $0x6000  }
0xad1: {  	s15 =	sld [smem:$0x7E1]  }
0xad2: {  	[sflag:s0] =	ssyncset.done $0x0  }
0xad3: {  	[sflag:s0] =	ssyncadd.s32 $0xFFFFA000  }
0xad4: {  	[hbm4b:s15+s3] =	stream.linear.scatter [tilespmem:s4], [sflag:$0x6], $0x6000, $0x38;
	[tilespmem:$0x19800] =	vst v63  }
0xad5: {  	_ =	swait.ge [sflag:s28], $0x6000  }
0xad6: {  	[sflag:s28] =	ssyncset.done $0x0  }
0xad7: {  	[sflag:s28] =	ssyncadd.s32 $0xFFFFA000  }
0xad8: {  	v4 =	vld [tilespmem:$0x1760];
	_ =	sdelay $0x4  }
0xad9: {  	v5 =	vshrl.u32 v4, $0x3  }
0xada: {  	v5 =	vmul.u32 $0x30, v5  }
0xadb: {  	v4 =	vand.u32 $0x7, v4  }
0xadc: {  	v4 =	vor.u32 v4, v5  }
0xadd: {  	v5 =	vperm.xlane v4, v1;
	_ =	sdelay $0x1  }
0xade: {  	v5 =	vadd.s32 v2, v5;
	_ =	sdelay $0x3  }
0xadf: {  	v4 =	vperm.xlane v4, v3  }
0xae0: {  	[tilespmem:s6], [sflag:$0x4] =	stream.indirect_vreg.gather [hbm4b:s1+s3], $0x80, v5, vm0, $0xb8;
	[tilespmem:$0x19800] =	vst v63  }
0xae1: {  	s29 =	simm.s32 $0x14000;
	v4 =	vadd.s32 v2, v4  }
0xae2: {  	[tilespmem:s29], [sflag:$0x4] =	stream.indirect_vreg.gather [hbm4b:s22+s3], $0x80, v5, vm0, $0xb8;
	[tilespmem:$0x19800] =	vst v63  }
0xae3: {  	s7 =	simm.s32 $0x14800  }
0xae4: {  	[tilespmem:s7], [sflag:$0x4] =	stream.indirect_vreg.gather [hbm4b:s23+s3], $0x80, v5, vm0, $0xb8;
	[tilespmem:$0x19800] =	vst v63  }
0xae5: {  	s12 =	simm.s32 $0x15000  }
0xae6: {  	[tilespmem:s12], [sflag:$0x4] =	stream.indirect_vreg.gather [hbm4b:s1+s3], $0x80, v4, vm0, $0xb8;
	[tilespmem:$0x19800] =	vst v63  }
0xae7: {  	s11 =	simm.s32 $0x15800  }
0xae8: {  	[tilespmem:s11], [sflag:$0x4] =	stream.indirect_vreg.gather [hbm4b:s22+s3], $0x80, v4, vm0, $0xb8;
	[tilespmem:$0x19800] =	vst v63  }
0xae9: {  	s8 =	simm.s32 $0x16000  }
0xaea: {  	[tilespmem:s8], [sflag:$0x4] =	stream.indirect_vreg.gather [hbm4b:s23+s3], $0x80, v4, vm0, $0xb8;
	[tilespmem:$0x19800] =	vst v63  }
0xaeb: {  	v4 =	vld [tilespmem:$0x1770];
	_ =	sdelay $0x4  }
0xaec: {  	v5 =	vshrl.u32 v4, $0x3  }
0xaed: {  	v5 =	vmul.u32 $0x30, v5  }
0xaee: {  	v4 =	vand.u32 $0x7, v4  }
0xaef: {  	v4 =	vor.u32 v4, v5  }
0xaf0: {  	v5 =	vperm.xlane v4, v1;
	_ =	sdelay $0x1  }
0xaf1: {  	v5 =	vadd.s32 v2, v5;
	_ =	sdelay $0x3  }
0xaf2: {  	s8 =	simm.s32 $0x16800;
	v4 =	vperm.xlane v4, v3  }
0xaf3: {  	[tilespmem:s8], [sflag:$0x4] =	stream.indirect_vreg.gather [hbm4b:s1+s3], $0x80, v5, vm0, $0xb8;
	[tilespmem:$0x19800] =	vst v63  }
0xaf4: {  	s30 =	simm.s32 $0x17000;
	v4 =	vadd.s32 v2, v4  }
0xaf5: {  	[tilespmem:s30], [sflag:$0x4] =	stream.indirect_vreg.gather [hbm4b:s22+s3], $0x80, v5, vm0, $0xb8;
	[tilespmem:$0x19800] =	vst v63  }
0xaf6: {  	s13 =	simm.s32 $0x17800  }
0xaf7: {  	[tilespmem:s13], [sflag:$0x4] =	stream.indirect_vreg.gather [hbm4b:s23+s3], $0x80, v5, vm0, $0xb8;
	[tilespmem:$0x19800] =	vst v63  }
0xaf8: {  	s31 =	simm.s32 $0x18000  }
0xaf9: {  	[tilespmem:s31], [sflag:$0x4] =	stream.indirect_vreg.gather [hbm4b:s1+s3], $0x80, v4, vm0, $0xb8;
	[tilespmem:$0x19800] =	vst v63  }
0xafa: {  	s14 =	simm.s32 $0x18800  }
0xafb: {  	[tilespmem:s14], [sflag:$0x4] =	stream.indirect_vreg.gather [hbm4b:s22+s3], $0x80, v4, vm0, $0xb8;
	[tilespmem:$0x19800] =	vst v63  }
0xafc: {  	s9 =	simm.s32 $0x19000  }
0xafd: {  	[tilespmem:s9], [sflag:$0x4] =	stream.indirect_vreg.gather [hbm4b:s23+s3], $0x80, v4, vm0, $0xb8;
	[tilespmem:$0x19800] =	vst v63  }
0xafe: {  	_ =	swait.ge [sflag:s19], $0x6000  }
0xaff: {  	s14 =	sld [smem:$0x7E2]  }
0xb00: {  	[sflag:s19] =	ssyncset.done $0x0  }
0xb01: {  	[sflag:s19] =	ssyncadd.s32 $0xFFFFA000  }
0xb02: {  	[hbm4b:s14+s3] =	stream.linear.scatter [tilespmem:s17], [sflag:$0x7], $0x6000, $0x38;
	[tilespmem:$0x19800] =	vst v63  }
0xb03: {  	_ =	swait.ge [sflag:s20], $0x6000  }
0xb04: {  	[sflag:s20] =	ssyncset.done $0x0  }
0xb05: {  	[sflag:s20] =	ssyncadd.s32 $0xFFFFA000  }
0xb06: {  	v4 =	vld [tilespmem:$0x1780];
	_ =	sdelay $0x4  }
0xb07: {  	v5 =	vshrl.u32 v4, $0x3  }
0xb08: {  	v5 =	vmul.u32 $0x30, v5  }
0xb09: {  	v4 =	vand.u32 $0x7, v4  }
0xb0a: {  	v4 =	vor.u32 v4, v5  }
0xb0b: {  	v5 =	vperm.xlane v4, v1;
	_ =	sdelay $0x1  }
0xb0c: {  	v5 =	vadd.s32 v2, v5;
	_ =	sdelay $0x3  }
0xb0d: {  	v4 =	vperm.xlane v4, v3  }
0xb0e: {  	[tilespmem:s18], [sflag:$0x1] =	stream.indirect_vreg.gather [hbm4b:s1+s3], $0x80, v5, vm0, $0xb8;
	[tilespmem:$0x19800] =	vst v63  }
0xb0f: {  	s31 =	simm.s32 $0x2000;
	v4 =	vadd.s32 v2, v4  }
0xb10: {  	[tilespmem:s31], [sflag:$0x1] =	stream.indirect_vreg.gather [hbm4b:s22+s3], $0x80, v5, vm0, $0xb8;
	[tilespmem:$0x19800] =	vst v63  }
0xb11: {  	s9 =	simm.s32 $0x2800  }
0xb12: {  	[tilespmem:s9], [sflag:$0x1] =	stream.indirect_vreg.gather [hbm4b:s23+s3], $0x80, v5, vm0, $0xb8;
	[tilespmem:$0x19800] =	vst v63  }
0xb13: {  	s14 =	simm.s32 $0x3000  }
0xb14: {  	[tilespmem:s14], [sflag:$0x1] =	stream.indirect_vreg.gather [hbm4b:s1+s3], $0x80, v4, vm0, $0xb8;
	[tilespmem:$0x19800] =	vst v63  }
0xb15: {  	s31 =	simm.s32 $0x3800  }
0xb16: {  	[tilespmem:s31], [sflag:$0x1] =	stream.indirect_vreg.gather [hbm4b:s22+s3], $0x80, v4, vm0, $0xb8;
	[tilespmem:$0x19800] =	vst v63  }
0xb17: {  	s9 =	simm.s32 $0x4000  }
0xb18: {  	[tilespmem:s9], [sflag:$0x1] =	stream.indirect_vreg.gather [hbm4b:s23+s3], $0x80, v4, vm0, $0xb8;
	[tilespmem:$0x19800] =	vst v63  }
0xb19: {  	v4 =	vld [tilespmem:$0x1790];
	_ =	sdelay $0x4  }
0xb1a: {  	v5 =	vshrl.u32 v4, $0x3  }
0xb1b: {  	v5 =	vmul.u32 $0x30, v5  }
0xb1c: {  	v4 =	vand.u32 $0x7, v4  }
0xb1d: {  	v4 =	vor.u32 v4, v5  }
0xb1e: {  	v5 =	vperm.xlane v4, v1;
	_ =	sdelay $0x1  }
0xb1f: {  	v5 =	vadd.s32 v2, v5;
	_ =	sdelay $0x3  }
0xb20: {  	s14 =	simm.s32 $0x4800;
	v4 =	vperm.xlane v4, v3  }
0xb21: {  	[tilespmem:s14], [sflag:$0x1] =	stream.indirect_vreg.gather [hbm4b:s1+s3], $0x80, v5, vm0, $0xb8;
	[tilespmem:$0x19800] =	vst v63  }
0xb22: {  	s31 =	simm.s32 $0x5000;
	v4 =	vadd.s32 v2, v4  }
0xb23: {  	[tilespmem:s31], [sflag:$0x1] =	stream.indirect_vreg.gather [hbm4b:s22+s3], $0x80, v5, vm0, $0xb8;
	[tilespmem:$0x19800] =	vst v63  }
0xb24: {  	s9 =	simm.s32 $0x5800  }
0xb25: {  	[tilespmem:s9], [sflag:$0x1] =	stream.indirect_vreg.gather [hbm4b:s23+s3], $0x80, v5, vm0, $0xb8;
	[tilespmem:$0x19800] =	vst v63  }
0xb26: {  	s14 =	simm.s32 $0x6000  }
0xb27: {  	[tilespmem:s14], [sflag:$0x1] =	stream.indirect_vreg.gather [hbm4b:s1+s3], $0x80, v4, vm0, $0xb8;
	[tilespmem:$0x19800] =	vst v63  }
0xb28: {  	s31 =	simm.s32 $0x6800  }
0xb29: {  	[tilespmem:s31], [sflag:$0x1] =	stream.indirect_vreg.gather [hbm4b:s22+s3], $0x80, v4, vm0, $0xb8;
	[tilespmem:$0x19800] =	vst v63  }
0xb2a: {  	s9 =	simm.s32 $0x7000  }
0xb2b: {  	[tilespmem:s9], [sflag:$0x1] =	stream.indirect_vreg.gather [hbm4b:s23+s3], $0x80, v4, vm0, $0xb8;
	[tilespmem:$0x19800] =	vst v63  }
0xb2c: {  	_ =	swait.ge [sflag:s24], $0x6000  }
0xb2d: {  	s14 =	sld [smem:$0x7E3]  }
0xb2e: {  	[sflag:s24] =	ssyncset.done $0x0  }
0xb2f: {  	[sflag:s24] =	ssyncadd.s32 $0xFFFFA000  }
0xb30: {  	[hbm4b:s14+s3] =	stream.linear.scatter [tilespmem:s6], [sflag:$0x8], $0x6000, $0x38;
	[tilespmem:$0x19800] =	vst v63  }
0xb31: {  	_ =	swait.ge [sflag:s25], $0x6000  }
0xb32: {  	[sflag:s25] =	ssyncset.done $0x0  }
0xb33: {  	[sflag:s25] =	ssyncadd.s32 $0xFFFFA000  }
0xb34: {  	v4 =	vld [tilespmem:$0x17A0];
	_ =	sdelay $0x4  }
0xb35: {  	v5 =	vshrl.u32 v4, $0x3  }
0xb36: {  	v5 =	vmul.u32 $0x30, v5  }
0xb37: {  	v4 =	vand.u32 $0x7, v4  }
0xb38: {  	v4 =	vor.u32 v4, v5  }
0xb39: {  	v5 =	vperm.xlane v4, v1;
	_ =	sdelay $0x1  }
0xb3a: {  	v5 =	vadd.s32 v2, v5;
	_ =	sdelay $0x3  }
0xb3b: {  	v4 =	vperm.xlane v4, v3  }
0xb3c: {  	[tilespmem:s4], [sflag:$0x2] =	stream.indirect_vreg.gather [hbm4b:s1+s3], $0x80, v5, vm0, $0xb8;
	[tilespmem:$0x19800] =	vst v63  }
0xb3d: {  	s31 =	simm.s32 $0x8000;
	v4 =	vadd.s32 v2, v4  }
0xb3e: {  	[tilespmem:s31], [sflag:$0x2] =	stream.indirect_vreg.gather [hbm4b:s22+s3], $0x80, v5, vm0, $0xb8;
	[tilespmem:$0x19800] =	vst v63  }
0xb3f: {  	s9 =	simm.s32 $0x8800  }
0xb40: {  	[tilespmem:s9], [sflag:$0x2] =	stream.indirect_vreg.gather [hbm4b:s23+s3], $0x80, v5, vm0, $0xb8;
	[tilespmem:$0x19800] =	vst v63  }
0xb41: {  	s14 =	simm.s32 $0x9000  }
0xb42: {  	[tilespmem:s14], [sflag:$0x2] =	stream.indirect_vreg.gather [hbm4b:s1+s3], $0x80, v4, vm0, $0xb8;
	[tilespmem:$0x19800] =	vst v63  }
0xb43: {  	s31 =	simm.s32 $0x9800  }
0xb44: {  	[tilespmem:s31], [sflag:$0x2] =	stream.indirect_vreg.gather [hbm4b:s22+s3], $0x80, v4, vm0, $0xb8;
	[tilespmem:$0x19800] =	vst v63  }
0xb45: {  	s9 =	simm.s32 $0xA000  }
0xb46: {  	[tilespmem:s9], [sflag:$0x2] =	stream.indirect_vreg.gather [hbm4b:s23+s3], $0x80, v4, vm0, $0xb8;
	[tilespmem:$0x19800] =	vst v63  }
0xb47: {  	v4 =	vld [tilespmem:$0x17B0];
	_ =	sdelay $0x4  }
0xb48: {  	v5 =	vshrl.u32 v4, $0x3  }
0xb49: {  	v5 =	vmul.u32 $0x30, v5  }
0xb4a: {  	v4 =	vand.u32 $0x7, v4  }
0xb4b: {  	v4 =	vor.u32 v4, v5  }
0xb4c: {  	v5 =	vperm.xlane v4, v1;
	_ =	sdelay $0x1  }
0xb4d: {  	v5 =	vadd.s32 v2, v5;
	_ =	sdelay $0x3  }
0xb4e: {  	s14 =	simm.s32 $0xA800;
	v4 =	vperm.xlane v4, v3  }
0xb4f: {  	[tilespmem:s14], [sflag:$0x2] =	stream.indirect_vreg.gather [hbm4b:s1+s3], $0x80, v5, vm0, $0xb8;
	[tilespmem:$0x19800] =	vst v63  }
0xb50: {  	s31 =	simm.s32 $0xB000;
	v4 =	vadd.s32 v2, v4  }
0xb51: {  	[tilespmem:s31], [sflag:$0x2] =	stream.indirect_vreg.gather [hbm4b:s22+s3], $0x80, v5, vm0, $0xb8;
	[tilespmem:$0x19800] =	vst v63  }
0xb52: {  	s9 =	simm.s32 $0xB800  }
0xb53: {  	[tilespmem:s9], [sflag:$0x2] =	stream.indirect_vreg.gather [hbm4b:s23+s3], $0x80, v5, vm0, $0xb8;
	[tilespmem:$0x19800] =	vst v63  }
0xb54: {  	s14 =	simm.s32 $0xC000  }
0xb55: {  	[tilespmem:s14], [sflag:$0x2] =	stream.indirect_vreg.gather [hbm4b:s1+s3], $0x80, v4, vm0, $0xb8;
	[tilespmem:$0x19800] =	vst v63  }
0xb56: {  	s31 =	simm.s32 $0xC800  }
0xb57: {  	[tilespmem:s31], [sflag:$0x2] =	stream.indirect_vreg.gather [hbm4b:s22+s3], $0x80, v4, vm0, $0xb8;
	[tilespmem:$0x19800] =	vst v63  }
0xb58: {  	s9 =	simm.s32 $0xD000  }
0xb59: {  	[tilespmem:s9], [sflag:$0x2] =	stream.indirect_vreg.gather [hbm4b:s23+s3], $0x80, v4, vm0, $0xb8;
	[tilespmem:$0x19800] =	vst v63  }
0xb5a: {  	_ =	swait.ge [sflag:s21], $0x6000  }
0xb5b: {  	s14 =	sld [smem:$0x7E4]  }
0xb5c: {  	[sflag:s21] =	ssyncset.done $0x0  }
0xb5d: {  	[sflag:s21] =	ssyncadd.s32 $0xFFFFA000  }
0xb5e: {  	[hbm4b:s14+s3] =	stream.linear.scatter [tilespmem:s18], [sflag:$0x5], $0x6000, $0x38;
	[tilespmem:$0x19800] =	vst v63  }
0xb5f: {  	_ =	swait.ge [sflag:s26], $0x6000  }
0xb60: {  	[sflag:s26] =	ssyncset.done $0x0  }
0xb61: {  	[sflag:s26] =	ssyncadd.s32 $0xFFFFA000  }
0xb62: {  	v4 =	vld [tilespmem:$0x17C0];
	_ =	sdelay $0x4  }
0xb63: {  	v5 =	vshrl.u32 v4, $0x3  }
0xb64: {  	v5 =	vmul.u32 $0x30, v5  }
0xb65: {  	v4 =	vand.u32 $0x7, v4  }
0xb66: {  	v4 =	vor.u32 v4, v5  }
0xb67: {  	v5 =	vperm.xlane v4, v1;
	_ =	sdelay $0x1  }
0xb68: {  	v5 =	vadd.s32 v2, v5;
	_ =	sdelay $0x3  }
0xb69: {  	v4 =	vperm.xlane v4, v3  }
0xb6a: {  	[tilespmem:s17], [sflag:$0x3] =	stream.indirect_vreg.gather [hbm4b:s1+s3], $0x80, v5, vm0, $0xb8;
	[tilespmem:$0x19800] =	vst v63  }
0xb6b: {  	s5 =	simm.s32 $0xE000;
	v4 =	vadd.s32 v2, v4  }
0xb6c: {  	[tilespmem:s5], [sflag:$0x3] =	stream.indirect_vreg.gather [hbm4b:s22+s3], $0x80, v5, vm0, $0xb8;
	[tilespmem:$0x19800] =	vst v63  }
0xb6d: {  	s10 =	simm.s32 $0xE800  }
0xb6e: {  	[tilespmem:s10], [sflag:$0x3] =	stream.indirect_vreg.gather [hbm4b:s23+s3], $0x80, v5, vm0, $0xb8;
	[tilespmem:$0x19800] =	vst v63  }
0xb6f: {  	s16 =	simm.s32 $0xF000  }
0xb70: {  	[tilespmem:s16], [sflag:$0x3] =	stream.indirect_vreg.gather [hbm4b:s1+s3], $0x80, v4, vm0, $0xb8;
	[tilespmem:$0x19800] =	vst v63  }
0xb71: {  	s16 =	simm.s32 $0xF800  }
0xb72: {  	[tilespmem:s16], [sflag:$0x3] =	stream.indirect_vreg.gather [hbm4b:s22+s3], $0x80, v4, vm0, $0xb8;
	[tilespmem:$0x19800] =	vst v63  }
0xb73: {  	s31 =	simm.s32 $0x10000  }
0xb74: {  	[tilespmem:s31], [sflag:$0x3] =	stream.indirect_vreg.gather [hbm4b:s23+s3], $0x80, v4, vm0, $0xb8;
	[tilespmem:$0x19800] =	vst v63  }
0xb75: {  	v4 =	vld [tilespmem:$0x17D0];
	_ =	sdelay $0x4  }
0xb76: {  	v5 =	vshrl.u32 v4, $0x3  }
0xb77: {  	v5 =	vmul.u32 $0x30, v5  }
0xb78: {  	v4 =	vand.u32 $0x7, v4  }
0xb79: {  	v4 =	vor.u32 v4, v5  }
0xb7a: {  	v5 =	vperm.xlane v4, v1;
	_ =	sdelay $0x1  }
0xb7b: {  	v5 =	vadd.s32 v2, v5;
	_ =	sdelay $0x3  }
0xb7c: {  	s5 =	simm.s32 $0x10800;
	v4 =	vperm.xlane v4, v3  }
0xb7d: {  	[tilespmem:s5], [sflag:$0x3] =	stream.indirect_vreg.gather [hbm4b:s1+s3], $0x80, v5, vm0, $0xb8;
	[tilespmem:$0x19800] =	vst v63  }
0xb7e: {  	s9 =	simm.s32 $0x11000;
	v4 =	vadd.s32 v2, v4  }
0xb7f: {  	[tilespmem:s9], [sflag:$0x3] =	stream.indirect_vreg.gather [hbm4b:s22+s3], $0x80, v5, vm0, $0xb8;
	[tilespmem:$0x19800] =	vst v63  }
0xb80: {  	s10 =	simm.s32 $0x11800  }
0xb81: {  	[tilespmem:s10], [sflag:$0x3] =	stream.indirect_vreg.gather [hbm4b:s23+s3], $0x80, v5, vm0, $0xb8;
	[tilespmem:$0x19800] =	vst v63  }
0xb82: {  	s14 =	simm.s32 $0x12000  }
0xb83: {  	[tilespmem:s14], [sflag:$0x3] =	stream.indirect_vreg.gather [hbm4b:s1+s3], $0x80, v4, vm0, $0xb8;
	[tilespmem:$0x19800] =	vst v63  }
0xb84: {  	s16 =	simm.s32 $0x12800  }
0xb85: {  	[tilespmem:s16], [sflag:$0x3] =	stream.indirect_vreg.gather [hbm4b:s22+s3], $0x80, v4, vm0, $0xb8;
	[tilespmem:$0x19800] =	vst v63  }
0xb86: {  	s31 =	simm.s32 $0x13000  }
0xb87: {  	[tilespmem:s31], [sflag:$0x3] =	stream.indirect_vreg.gather [hbm4b:s23+s3], $0x80, v4, vm0, $0xb8;
	[tilespmem:$0x19800] =	vst v63  }
0xb88: {  	_ =	swait.ge [sflag:s0], $0x6000  }
0xb89: {  	s5 =	sld [smem:$0x7E5]  }
0xb8a: {  	[sflag:s0] =	ssyncset.done $0x0  }
0xb8b: {  	[sflag:s0] =	ssyncadd.s32 $0xFFFFA000  }
0xb8c: {  	[hbm4b:s5+s3] =	stream.linear.scatter [tilespmem:s4], [sflag:$0x6], $0x6000, $0x38;
	[tilespmem:$0x19800] =	vst v63  }
0xb8d: {  	_ =	swait.ge [sflag:s28], $0x6000  }
0xb8e: {  	[sflag:s28] =	ssyncset.done $0x0  }
0xb8f: {  	[sflag:s28] =	ssyncadd.s32 $0xFFFFA000  }
0xb90: {  	v4 =	vld [tilespmem:$0x17E0];
	_ =	sdelay $0x4  }
0xb91: {  	v5 =	vshrl.u32 v4, $0x3  }
0xb92: {  	v5 =	vmul.u32 $0x30, v5  }
0xb93: {  	v4 =	vand.u32 $0x7, v4  }
0xb94: {  	v4 =	vor.u32 v4, v5  }
0xb95: {  	v5 =	vperm.xlane v4, v1;
	_ =	sdelay $0x1  }
0xb96: {  	v5 =	vadd.s32 v2, v5;
	_ =	sdelay $0x3  }
0xb97: {  	v4 =	vperm.xlane v4, v3  }
0xb98: {  	[tilespmem:s6], [sflag:$0x4] =	stream.indirect_vreg.gather [hbm4b:s1+s3], $0x80, v5, vm0, $0xb8;
	[tilespmem:$0x19800] =	vst v63  }
0xb99: {  	s9 =	simm.s32 $0x14000;
	v4 =	vadd.s32 v2, v4  }
0xb9a: {  	[tilespmem:s9], [sflag:$0x4] =	stream.indirect_vreg.gather [hbm4b:s22+s3], $0x80, v5, vm0, $0xb8;
	[tilespmem:$0x19800] =	vst v63  }
0xb9b: {  	s10 =	simm.s32 $0x14800  }
0xb9c: {  	[tilespmem:s10], [sflag:$0x4] =	stream.indirect_vreg.gather [hbm4b:s23+s3], $0x80, v5, vm0, $0xb8;
	[tilespmem:$0x19800] =	vst v63  }
0xb9d: {  	s7 =	simm.s32 $0x15000  }
0xb9e: {  	[tilespmem:s7], [sflag:$0x4] =	stream.indirect_vreg.gather [hbm4b:s1+s3], $0x80, v4, vm0, $0xb8;
	[tilespmem:$0x19800] =	vst v63  }
0xb9f: {  	s12 =	simm.s32 $0x15800  }
0xba0: {  	[tilespmem:s12], [sflag:$0x4] =	stream.indirect_vreg.gather [hbm4b:s22+s3], $0x80, v4, vm0, $0xb8;
	[tilespmem:$0x19800] =	vst v63  }
0xba1: {  	s11 =	simm.s32 $0x16000  }
0xba2: {  	[tilespmem:s11], [sflag:$0x4] =	stream.indirect_vreg.gather [hbm4b:s23+s3], $0x80, v4, vm0, $0xb8;
	[tilespmem:$0x19800] =	vst v63  }
0xba3: {  	v4 =	vld [tilespmem:$0x17F0];
	_ =	sdelay $0x4  }
0xba4: {  	v5 =	vshrl.u32 v4, $0x3  }
0xba5: {  	v5 =	vmul.u32 $0x30, v5  }
0xba6: {  	v4 =	vand.u32 $0x7, v4  }
0xba7: {  	v4 =	vor.u32 v4, v5  }
0xba8: {  	v5 =	vperm.xlane v4, v1;
	_ =	sdelay $0x1  }
0xba9: {  	v5 =	vadd.s32 v2, v5;
	_ =	sdelay $0x3  }
0xbaa: {  	s14 =	simm.s32 $0x16800;
	v4 =	vperm.xlane v4, v3  }
0xbab: {  	[tilespmem:s14], [sflag:$0x4] =	stream.indirect_vreg.gather [hbm4b:s1+s3], $0x80, v5, vm0, $0xb8;
	[tilespmem:$0x19800] =	vst v63  }
0xbac: {  	s29 =	simm.s32 $0x17000;
	v4 =	vadd.s32 v2, v4  }
0xbad: {  	[tilespmem:s29], [sflag:$0x4] =	stream.indirect_vreg.gather [hbm4b:s22+s3], $0x80, v5, vm0, $0xb8;
	[tilespmem:$0x19800] =	vst v63  }
0xbae: {  	s8 =	simm.s32 $0x17800  }
0xbaf: {  	[tilespmem:s8], [sflag:$0x4] =	stream.indirect_vreg.gather [hbm4b:s23+s3], $0x80, v5, vm0, $0xb8;
	[tilespmem:$0x19800] =	vst v63  }
0xbb0: {  	s30 =	simm.s32 $0x18000  }
0xbb1: {  	[tilespmem:s30], [sflag:$0x4] =	stream.indirect_vreg.gather [hbm4b:s1+s3], $0x80, v4, vm0, $0xb8;
	[tilespmem:$0x19800] =	vst v63  }
0xbb2: {  	s15 =	simm.s32 $0x18800  }
0xbb3: {  	[tilespmem:s15], [sflag:$0x4] =	stream.indirect_vreg.gather [hbm4b:s22+s3], $0x80, v4, vm0, $0xb8;
	[tilespmem:$0x19800] =	vst v63  }
0xbb4: {  	s13 =	simm.s32 $0x19000  }
0xbb5: {  	[tilespmem:s13], [sflag:$0x4] =	stream.indirect_vreg.gather [hbm4b:s23+s3], $0x80, v4, vm0, $0xb8;
	[tilespmem:$0x19800] =	vst v63  }
0xbb6: {  	_ =	swait.ge [sflag:s19], $0x6000  }
0xbb7: {  	s16 =	sld [smem:$0x7E6]  }
0xbb8: {  	[sflag:s19] =	ssyncset.done $0x0  }
0xbb9: {  	[sflag:s19] =	ssyncadd.s32 $0xFFFFA000  }
0xbba: {  	[hbm4b:s16+s3] =	stream.linear.scatter [tilespmem:s17], [sflag:$0x7], $0x6000, $0x38;
	[tilespmem:$0x19800] =	vst v63  }
0xbbb: {  	_ =	swait.ge [sflag:s24], $0x6000  }
0xbbc: {  	s29 =	sld [smem:$0x7E7]  }
0xbbd: {  	[sflag:s24] =	ssyncset.done $0x0  }
0xbbe: {  	[sflag:s24] =	ssyncadd.s32 $0xFFFFA000  }
0xbbf: {  	[hbm4b:s29+s3] =	stream.linear.scatter [tilespmem:s6], [sflag:$0x8], $0x6000, $0x38;
	[tilespmem:$0x19800] =	vst v63  }
0xbc0: {  	_ =	swait.ge [sflag:s20], $0x6000  }
0xbc1: {  	[sflag:s20] =	ssyncset.done $0x0  }
0xbc2: {  	[sflag:s20] =	ssyncadd.s32 $0xFFFFA000  }
0xbc3: {  	_ =	swait.ge [sflag:s25], $0x6000  }
0xbc4: {  	[sflag:s25] =	ssyncset.done $0x0  }
0xbc5: {  	[sflag:s25] =	ssyncadd.s32 $0xFFFFA000  }
0xbc6: {  	_ =	swait.ge [sflag:s26], $0x6000  }
0xbc7: {  	[sflag:s26] =	ssyncset.done $0x0  }
0xbc8: {  	[sflag:s26] =	ssyncadd.s32 $0xFFFFA000  }
0xbc9: {  	_ =	swait.ge [sflag:s28], $0x6000  }
0xbca: {  	s30 =	sld [smem:$0x7D7]  }
0xbcb: {  	s31 =	sld [smem:$0x7E8];
	_ =	sdelay $0x1  }
0xbcc: {  	s5 =	sadd.s32 $0x1, s30  }
0xbcd: {  	p0 =	sne.s32 s5, s31  }
.Ltmp1:
0xbce: {  	_ = 	snop;
	(pc) =	sbr.rel @p0 .LBB2_1-.Ltmp1, $3  }
0xbcf: {  	_ =	sdelay $0x1  }
0xbd0: {  	[sflag:s28] =	ssyncset.done $0x0  }
0xbd1: {  	[sflag:s28] =	ssyncadd.s32 $0xFFFFA000  }
0xbd2: {  	_ =	sfence.sel $0x180000  }
0xbd3: {  	[bflag:$0x0] =	sbarrier.arrive $0xFFFF  }
0xbd4: {  	_ =	strace $0x90000047  }
0xbd5: {  	s0 =	stileid.u32;
	[bflag:$0x2] =	sbarrier.arrive $0xFFFF  }
0xbd6: {  	p0 =	sne.s32 s0, $0x0;
	s0 =	rddreg [dreg:$0x3]  }
0xbd7: {  	s0 =	sadd.s32 @!p0 $0x100000, s0  }
0xbd8: {  	[sflag:s0] =	ssyncadd.tile.s32 @!p0 $0x1;
	_ =	shalt  }
.Lfunc_end2:
_tile_overlayer_lowered:
.L_overlay_start_2:
0xbd9: {  	(tag) =	ssettag $0x2  }
0xbda: {  	s0 =	rddreg [dreg:$0x0];
	s2 =	stileid.u32  }
0xbdb: {  	s1 =	rddreg [dreg:$0x1];
	p0 =	sne.s32 s2, $0x0  }
0xbdc: {  	s3 =	rddreg [dreg:$0x2];
	[bflag:$0x3] =	sbarrier.arrive $0xFFFF;
	s2 =	simm.s32 @!p0 $0x1C09  }
0xbdd: {  	[timem:s3], [sflag:s2] =	dma.local @!p0 [hbm:s0], s1  }
0xbde: {  	s0 =	simm.s32 @!p0 $0x9  }
0xbdf: {  	_ =	swait.ge @!p0 [sflag:s0], s1  }
0xbe0: {  	s1 =	ssub.s32 @!p0 $0x0, s1;
	[sflag:s0] =	ssyncset.done @!p0 $0x0  }
0xbe1: {  	[sflag:s0] =	ssyncadd.s32 @!p0 s1  }
0xbe2: {  	[bflag:$0x3] =	sbarrier.arrive $0xFFFF  }
0xbe3: {  	_ =	shalt  }

</sc_bundles>
